<compile_context>
chip_gen: v7x
topology: tpu7x:2x2x1
jax: 0.10.2.dev20260603
libtpu: 0.0.44.dev20260713+nightly
codegen_flags: <defaults>
</compile_context>

<pallas_src>
import functools

import jax
import jax.numpy as jnp
from jax import lax
from jax.experimental import pallas as pl
from jax.experimental.pallas import tpu as pltpu
from jax.experimental.pallas import tpu_sc as plsc

_NEG = 0.2
_H = 8
_DH = 16
_D = 128
_CHUNK = 80
_NW = 32
_RB = 2000


def _leaky(v):
    return jnp.where(v >= 0, v, v * jnp.float32(_NEG))



def _prep_body(x_ref, w_ref, al_ref, ar_ref,
               z_ref, zbf_ref, el_ref, er_ref, mel_ref, mer_ref):
    i = pl.program_id(0)
    z = jnp.dot(x_ref[...], w_ref[...], preferred_element_type=jnp.float32)
    z_ref[...] = z
    zbf_ref[...] = z.astype(jnp.bfloat16)
    el = jnp.dot(z, al_ref[...], preferred_element_type=jnp.float32)
    er = jnp.dot(z, ar_ref[...], preferred_element_type=jnp.float32)
    el_ref[...] = el
    er_ref[...] = er
    mel = jnp.broadcast_to(jnp.max(el, axis=0)[None, :], mel_ref.shape)
    mer = jnp.broadcast_to(jnp.max(er, axis=0)[None, :], mer_ref.shape)

    @pl.when(i == 0)
    def _():
        mel_ref[...] = mel
        mer_ref[...] = mer

    @pl.when(i != 0)
    def _():
        mel_ref[...] = jnp.maximum(mel_ref[...], mel)
        mer_ref[...] = jnp.maximum(mer_ref[...], mer)


def _tc_prep(x, W, Al16, Ar16):
    n = x.shape[0]
    grid = (n // _RB,)
    return pl.pallas_call(
        _prep_body,
        grid=grid,
        in_specs=[
            pl.BlockSpec((_RB, _D), lambda i: (i, 0)),
            pl.BlockSpec((_D, _D), lambda i: (0, 0)),
            pl.BlockSpec((_D, 16), lambda i: (0, 0)),
            pl.BlockSpec((_D, 16), lambda i: (0, 0)),
        ],
        out_specs=[
            pl.BlockSpec((_RB, _D), lambda i: (i, 0)),
            pl.BlockSpec((_RB, _D), lambda i: (i, 0)),
            pl.BlockSpec((_RB, 16), lambda i: (i, 0)),
            pl.BlockSpec((_RB, 16), lambda i: (i, 0)),
            pl.BlockSpec((8, 16), lambda i: (0, 0)),
            pl.BlockSpec((8, 16), lambda i: (0, 0)),
        ],
        out_shape=[
            jax.ShapeDtypeStruct((n, _D), jnp.float32),
            jax.ShapeDtypeStruct((n, _D), jnp.bfloat16),
            jax.ShapeDtypeStruct((n, 16), jnp.float32),
            jax.ShapeDtypeStruct((n, 16), jnp.float32),
            jax.ShapeDtypeStruct((8, 16), jnp.float32),
            jax.ShapeDtypeStruct((8, 16), jnp.float32),
        ],
    )(x, W, Al16, Ar16)



def _sc_edge_pass(srcs, dsts, el_s, er_d, zbf_s, s2, nd, cpt):
    ept = cpt * _CHUNK
    rows_per_tile = -(-(nd + 1) // (16 * 8)) * 8
    acc_rows = 16 * rows_per_tile

    zeros_out = jnp.zeros((rows_per_tile, _D), jnp.float32)
    zeros_den = jnp.zeros((rows_per_tile, 16), jnp.float32)

    mesh = plsc.VectorSubcoreMesh(core_axis_name="c", subcore_axis_name="s")

    @functools.partial(
        pl.kernel,
        mesh=mesh,
        compiler_params=pltpu.CompilerParams(
            use_tc_tiling_on_sc=False, needs_layout_passes=False),
        out_type=[
            jax.ShapeDtypeStruct((acc_rows, _D), jnp.float32),
            jax.ShapeDtypeStruct((acc_rows, _D), jnp.float32),
            jax.ShapeDtypeStruct((acc_rows, 16), jnp.float32),
            jax.ShapeDtypeStruct((acc_rows, 16), jnp.float32),
        ],
        scratch_types=[
            [pltpu.VMEM((_CHUNK,), jnp.int32)] * 4,
            [pltpu.VMEM((_CHUNK,), jnp.int32)] * 4,
            [pltpu.VMEM((_CHUNK,), jnp.int32)] * 2,
            [pltpu.VMEM((_CHUNK, 16), jnp.float32)] * 2,
            [pltpu.VMEM((_CHUNK, 16), jnp.float32)] * 2,
            [pltpu.VMEM((_CHUNK, _D), jnp.bfloat16)] * 2,
            [pltpu.VMEM((_CHUNK, 16), jnp.float32)] * 2,
            [pltpu.VMEM((_CHUNK, _D), jnp.float32)] * 2,
            pltpu.VMEM((16,), jnp.float32),
            pltpu.VMEM_SHARED((acc_rows, _D), jnp.float32),
            pltpu.VMEM_SHARED((acc_rows, 16), jnp.float32),
            [pltpu.SemaphoreType.DMA] * 4,
            [pltpu.SemaphoreType.DMA] * 2,
            [pltpu.SemaphoreType.DMA] * 2,
        ],
    )
    def kfn(srcs_h, dsts_h, el_h, er_h, z_h, s2_h, zo_h, zd_h,
            pout0_h, pout1_h, pden0_h, pden1_h,
            sv, dv, dvs, elr, err, zr, eew, msgw, s2_v,
            acc_out, acc_den, si, sg, ss):
        c = lax.axis_index("c")
        s = lax.axis_index("s")
        wid = s * 2 + c
        ebase = wid * ept

        pltpu.sync_copy(zo_h, acc_out.at[pl.ds(s * rows_per_tile, rows_per_tile)])
        pltpu.sync_copy(zd_h, acc_den.at[pl.ds(s * rows_per_tile, rows_per_tile)])
        pltpu.sync_copy(s2_h, s2_v)
        plsc.subcore_barrier()

        def idx_start(k, ib):
            base = ebase + k * _CHUNK
            pltpu.async_copy(srcs_h.at[pl.ds(base, _CHUNK)], sv[ib], si[ib])
            pltpu.async_copy(dsts_h.at[pl.ds(base, _CHUNK)], dv[ib], si[ib])

        def idx_wait(ib):
            pltpu.make_async_copy(
                srcs_h.at[pl.ds(0, _CHUNK)], sv[ib], si[ib]).wait()
            pltpu.make_async_copy(
                dsts_h.at[pl.ds(0, _CHUNK)], dv[ib], si[ib]).wait()

        def gather_start(b, ib):
            pltpu.async_copy(el_h.at[sv[ib]], elr[b], sg[b])
            pltpu.async_copy(er_h.at[dv[ib]], err[b], sg[b])
            pltpu.async_copy(z_h.at[sv[ib]], zr[b], sg[b])

        def gather_wait(b, ib):
            pltpu.make_async_copy(el_h.at[sv[ib]], elr[b], sg[b]).wait()
            pltpu.make_async_copy(er_h.at[dv[ib]], err[b], sg[b]).wait()
            pltpu.make_async_copy(z_h.at[sv[ib]], zr[b], sg[b]).wait()

        def scatter_start(b):
            pltpu.async_copy(eew[b], acc_den.at[dvs[b]], ss[b], add=True)
            pltpu.async_copy(msgw[b], acc_out.at[dvs[b]], ss[b], add=True)

        def scatter_wait(b):
            pltpu.make_async_copy(eew[b], acc_den.at[dvs[b]], ss[b]).wait()
            pltpu.make_async_copy(msgw[b], acc_out.at[dvs[b]], ss[b]).wait()

        idx_start(0, 0)
        idx_wait(0)
        gather_start(0, 0)
        idx_start(1, 1)
        idx_start(2, 2)

        hi8 = lax.iota(jnp.int32, 16) < 8
        s2v = s2_v[...]
        hidx = [jnp.where(hi8, 2 * g2, 2 * g2 + 1) for g2 in range(4)]
        gdn = lax.GatherDimensionNumbers(
            offset_dims=(), collapsed_slice_dims=(0,), start_index_map=(0,))

        def group(g, carry):
            for q in range(4):
                ck = g * 4 + q
                b = q % 2

                @pl.when(ck + 1 < cpt)
                def _():
                    idx_wait((q + 1) % 4)
                    gather_start((q + 1) % 2, (q + 1) % 4)

                gather_wait(b, q)

                @pl.when(ck >= 2)
                def _():
                    scatter_wait(b)

                @plsc.parallel_loop(0, _CHUNK, unroll=8)
                def _(e):
                    v = elr[b][e, :] + err[b][e, :]
                    v = jnp.where(v >= 0, v, v * jnp.float32(_NEG))
                    ee = jnp.exp(v - s2v)
                    eew[b][e, :] = ee
                    for gg in range(4):
                        zz = zr[b][e, pl.ds(gg * 32, 32)]
                        za, zb = plsc.unpack(
                            zz, format=plsc.PackFormat.INTERLEAVED)
                        m = lax.gather(
                            ee, hidx[gg][:, None], gdn, (1,),
                            mode=lax.GatherScatterMode.PROMISE_IN_BOUNDS)
                        msgw[b][e, pl.ds(gg * 32, 16)] = za * m
                        msgw[b][e, pl.ds(gg * 32 + 16, 16)] = zb * m
                for j in range(_CHUNK // 16):
                    dvs[b][pl.ds(j * 16, 16)] = dv[q][pl.ds(j * 16, 16)]

                scatter_start(b)

                @pl.when(ck + 3 < cpt)
                def _():
                    idx_start(ck + 3, (q + 3) % 4)
            return carry

        lax.fori_loop(0, cpt // 4, group, 0)
        scatter_wait(0)
        scatter_wait(1)
        plsc.subcore_barrier()

        sl = pl.ds(s * rows_per_tile, rows_per_tile)

        @pl.when(c == 0)
        def _():
            pltpu.sync_copy(acc_out.at[sl], pout0_h.at[sl])
            pltpu.sync_copy(acc_den.at[sl], pden0_h.at[sl])

        @pl.when(c == 1)
        def _():
            pltpu.sync_copy(acc_out.at[sl], pout1_h.at[sl])
            pltpu.sync_copy(acc_den.at[sl], pden1_h.at[sl])

    return kfn(srcs, dsts, el_s, er_d, zbf_s, s2, zeros_out, zeros_den)



def _fin_body(p0_ref, p1_ref, d0_ref, d1_ref, el_ref, er_ref, zd_ref,
              s2_ref, bias_ref, erep_ref, qt_ref, out_ref):
    v = el_ref[...] + er_ref[...]
    v = jnp.where(v >= 0, v, v * jnp.float32(_NEG))
    es = jnp.exp(v - s2_ref[...])
    den8 = (d0_ref[...] + d1_ref[...] + es)[:, :_H]
    denr = jnp.dot(den8, erep_ref[...], preferred_element_type=jnp.float32)
    esr = jnp.dot(es[:, :_H], erep_ref[...], preferred_element_type=jnp.float32)
    nump = p0_ref[...] + p1_ref[...]
    num = jnp.dot(nump, qt_ref[...], preferred_element_type=jnp.float32)
    num = num + esr * zd_ref[...]
    out_ref[...] = num / (denr + jnp.float32(1e-30)) + bias_ref[...]


def _tc_finish(pout0, pout1, pden0, pden1, el_d, er_d, z_d,
               s2, bias, erep, qt, nd):
    nblk = nd // _RB
    return pl.pallas_call(
        _fin_body,
        grid=(nblk,),
        in_specs=[
            pl.BlockSpec((_RB, _D), lambda i: (i, 0)),
            pl.BlockSpec((_RB, _D), lambda i: (i, 0)),
            pl.BlockSpec((_RB, 16), lambda i: (i, 0)),
            pl.BlockSpec((_RB, 16), lambda i: (i, 0)),
            pl.BlockSpec((_RB, 16), lambda i: (i, 0)),
            pl.BlockSpec((_RB, 16), lambda i: (i, 0)),
            pl.BlockSpec((_RB, _D), lambda i: (i, 0)),
            pl.BlockSpec((1, 16), lambda i: (0, 0)),
            pl.BlockSpec((1, _D), lambda i: (0, 0)),
            pl.BlockSpec((8, _D), lambda i: (0, 0)),
            pl.BlockSpec((_D, _D), lambda i: (0, 0)),
        ],
        out_specs=pl.BlockSpec((_RB, _D), lambda i: (i, 0)),
        out_shape=jax.ShapeDtypeStruct((nd, _D), jnp.float32),
    )(pout0, pout1, pden0, pden1, el_d, er_d, z_d, s2, bias, erep, qt)



def kernel(feat_src, feat_dst, edge_index, layer_idx, max_hops,
           W, attn_l, attn_r, bias):
    ns = feat_src.shape[0]
    nd = feat_dst.shape[0]
    e = edge_index.shape[1]

    eye = jnp.eye(_H, dtype=jnp.float32)
    Al = (attn_l[:, :, None] * eye[:, None, :]).reshape(_H * _DH, _H)
    Ar = (attn_r[:, :, None] * eye[:, None, :]).reshape(_H * _DH, _H)
    pad8 = jnp.zeros((_H * _DH, 8), jnp.float32)
    Al16 = jnp.concatenate([Al, pad8], axis=1)
    Ar16 = jnp.concatenate([Ar, pad8], axis=1)

    z_s, zbf_s, el_s, _, mel_s, _ = _tc_prep(feat_src, W, Al16, Ar16)
    z_d, _, el_d, er_d, mel_d, mer_d = _tc_prep(feat_dst, W, Al16, Ar16)

    s2 = _leaky(jnp.maximum(mel_s[0], mel_d[0]) + mer_d[0])

    cpt = -(-e // (_NW * _CHUNK * 4)) * 4
    e_pad = _NW * cpt * _CHUNK
    pad = e_pad - e
    srcs = jnp.concatenate(
        [edge_index[0], jnp.zeros((pad,), jnp.int32)])
    dsts = jnp.concatenate(
        [edge_index[1], jnp.full((pad,), nd, jnp.int32)])

    pout0, pout1, pden0, pden1 = _sc_edge_pass(
        srcs, dsts, el_s, er_d, zbf_s, s2, nd, cpt)

    erep = jnp.kron(jnp.eye(_H, dtype=jnp.float32),
                    jnp.ones((1, _DH), jnp.float32))
    packed_cols = []
    for g in range(4):
        packed_cols += [32 * g + 2 * i for i in range(16)]
        packed_cols += [32 * g + 2 * i + 1 for i in range(16)]
    qt = jnp.zeros((_D, _D), jnp.float32).at[
        jnp.arange(_D), jnp.array(packed_cols)].set(1.0)

    h_pa = _tc_finish(pout0, pout1, pden0, pden1, el_d, er_d, z_d,
                      s2.reshape(1, 16), bias.reshape(1, _D), erep, qt, nd)

    return (feat_dst, h_pa)

# --- scband reference (transcript-rebuilt; emitter-appended) ---
"""Pipeline reference for scband-contrast-layer-25409026523341 (READ-ONLY COPY).

The authoritative reference and input builder live on the scoring server;
editing this copy changes nothing except your own understanding.
"""

import jax, jax.numpy as jnp
import numpy as np

NS = 10000   # src ('author') nodes
ND = 10000   # dst ('paper') nodes
E = 320000   # bipartite edges
D_IN = 128
H = 8        # num_heads hardcoded in BiGraphContrastLayer
DH = 128 // H  # hidden_dim // num_heads
NEG_SLOPE = 0.2  # GATConv default


def setup_inputs(seed: int = 0) -> dict:
    key = jax.random.key(seed)
    ks = jax.random.split(key, 8)
    feat_src = jax.random.normal(ks[0], (NS, D_IN), dtype=jnp.float32)
    feat_dst = jax.random.normal(ks[1], (ND, D_IN), dtype=jnp.float32)
    src = jax.random.randint(ks[2], (E,), 0, NS, dtype=jnp.int32)
    dst = jax.random.randint(ks[3], (E,), 0, ND, dtype=jnp.int32)
    edge_index = jnp.stack([src, dst], axis=0)
    # GATConv parameters: fc weight (no bias), attn_l, attn_r, output bias
    W = jax.random.normal(ks[4], (D_IN, H * DH), dtype=jnp.float32) * (1.0 / np.sqrt(D_IN))
    attn_l = jax.random.normal(ks[5], (H, DH), dtype=jnp.float32) * 0.1
    attn_r = jax.random.normal(ks[6], (H, DH), dtype=jnp.float32) * 0.1
    bias = jnp.zeros((H * DH,), dtype=jnp.float32)
    return {
        "feat_src": feat_src,
        "feat_dst": feat_dst,
        "edge_index": edge_index,
        "layer_idx": 0,
        "max_hops": 1,
        "W": W,
        "attn_l": attn_l,
        "attn_r": attn_r,
        "bias": bias,
    }


def _gat_bigraph(feat_src, feat_dst, edge_index, W, attn_l, attn_r, bias):
    # dgl.to_homogeneous: ntypes sorted -> ['author','paper']; author (src) nodes first
    N = NS + ND
    x = jnp.concatenate([feat_src, feat_dst], axis=0)
    src = edge_index[0]
    dst = edge_index[1] + NS
    # dgl.add_self_loop on all homogeneous nodes
    loops = jnp.arange(N, dtype=src.dtype)
    src_all = jnp.concatenate([src, loops], axis=0)
    dst_all = jnp.concatenate([dst, loops], axis=0)
    # GATConv (eval mode: attn_drop inactive)
    z = (x @ W).reshape(N, H, DH)
    el = jnp.sum(z * attn_l[None, :, :], axis=-1)  # [N, H]
    er = jnp.sum(z * attn_r[None, :, :], axis=-1)  # [N, H]
    e = el[src_all] + er[dst_all]                   # [E_all, H]
    e = jax.nn.leaky_relu(e, NEG_SLOPE)
    # edge softmax over incoming edges per dst node
    m = jax.ops.segment_max(e, dst_all, num_segments=N)
    m = jax.lax.stop_gradient(m)
    ee = jnp.exp(e - m[dst_all])
    denom = jax.ops.segment_sum(ee, dst_all, num_segments=N)
    a = ee / (denom[dst_all] + 1e-9)                # [E_all, H]
    msg = a[:, :, None] * z[src_all]                # [E_all, H, DH]
    out = jax.ops.segment_sum(msg, dst_all, num_segments=N)  # [N, H, DH]
    h = out.reshape(N, H * DH) + bias               # flatten(start_dim=1) + bias
    # filter predict_type ('paper') nodes = second block
    return h[NS:NS + ND]


def reference(feat_src, feat_dst, edge_index, layer_idx, max_hops, W, attn_l, attn_r, bias):
    # ContrastLayer.forward with one canonical etype ('author','pa','paper'),
    # predict_ntype='paper', layer_idx=0, max_hops=1:
    # n_feat['paper']['paper'] = feat_dst; n_feat['paper']['paper-author'] = GAT output
    h_pa = _gat_bigraph(feat_src, feat_dst, edge_index, W, attn_l, attn_r, bias)[:ND]
    return (feat_dst, h_pa)

if __name__ == "__main__":
    import jax
    _d = setup_inputs()
    print(jax.jit(kernel)(*tuple(_d.values())))

</pallas_src>

<mosaic_0001>
#map = affine_map<(d0, d1) -> (0)>
#map1 = affine_map<(d0, d1) -> (0, 0)>
module attributes {stable_mosaic.version = 14 : i64} {
  func.func @kfn(%arg0: i32, %arg1: i32, %arg2: memref<327680xi32, #tpu.memory_space<hbm>>, %arg3: memref<327680xi32, #tpu.memory_space<hbm>>, %arg4: memref<10000x16xf32, #tpu.memory_space<hbm>>, %arg5: memref<10000x16xf32, #tpu.memory_space<hbm>>, %arg6: memref<10000x128xbf16, #tpu.memory_space<hbm>>, %arg7: memref<16xf32, #tpu.memory_space<hbm>>, %arg8: memref<632x128xf32, #tpu.memory_space<hbm>>, %arg9: memref<632x16xf32, #tpu.memory_space<hbm>>, %arg10: memref<10112x128xf32, #tpu.memory_space<hbm>>, %arg11: memref<10112x128xf32, #tpu.memory_space<hbm>>, %arg12: memref<10112x16xf32, #tpu.memory_space<hbm>>, %arg13: memref<10112x16xf32, #tpu.memory_space<hbm>>, %arg14: memref<80xi32, #tpu.memory_space<vmem>>, %arg15: memref<80xi32, #tpu.memory_space<vmem>>, %arg16: memref<80xi32, #tpu.memory_space<vmem>>, %arg17: memref<80xi32, #tpu.memory_space<vmem>>, %arg18: memref<80xi32, #tpu.memory_space<vmem>>, %arg19: memref<80xi32, #tpu.memory_space<vmem>>, %arg20: memref<80xi32, #tpu.memory_space<vmem>>, %arg21: memref<80xi32, #tpu.memory_space<vmem>>, %arg22: memref<80xi32, #tpu.memory_space<vmem>>, %arg23: memref<80xi32, #tpu.memory_space<vmem>>, %arg24: memref<80x16xf32, #tpu.memory_space<vmem>>, %arg25: memref<80x16xf32, #tpu.memory_space<vmem>>, %arg26: memref<80x16xf32, #tpu.memory_space<vmem>>, %arg27: memref<80x16xf32, #tpu.memory_space<vmem>>, %arg28: memref<80x128xbf16, #tpu.memory_space<vmem>>, %arg29: memref<80x128xbf16, #tpu.memory_space<vmem>>, %arg30: memref<80x16xf32, #tpu.memory_space<vmem>>, %arg31: memref<80x16xf32, #tpu.memory_space<vmem>>, %arg32: memref<80x128xf32, #tpu.memory_space<vmem>>, %arg33: memref<80x128xf32, #tpu.memory_space<vmem>>, %arg34: memref<16xf32, #tpu.memory_space<vmem>>, %arg35: memref<10112x128xf32, #tpu.memory_space<vmem_shared>>, %arg36: memref<10112x16xf32, #tpu.memory_space<vmem_shared>>, %arg37: memref<!tpu.dma_semaphore, #tpu.memory_space<semaphore_mem>>, %arg38: memref<!tpu.dma_semaphore, #tpu.memory_space<semaphore_mem>>, %arg39: memref<!tpu.dma_semaphore, #tpu.memory_space<semaphore_mem>>, %arg40: memref<!tpu.dma_semaphore, #tpu.memory_space<semaphore_mem>>, %arg41: memref<!tpu.dma_semaphore, #tpu.memory_space<semaphore_mem>>, %arg42: memref<!tpu.dma_semaphore, #tpu.memory_space<semaphore_mem>>, %arg43: memref<!tpu.dma_semaphore, #tpu.memory_space<semaphore_mem>>, %arg44: memref<!tpu.dma_semaphore, #tpu.memory_space<semaphore_mem>>) attributes {dimension_semantics = [#tpu.dimension_semantics<core_parallel>, #tpu.dimension_semantics<subcore_parallel>], iteration_bounds = array<i64: 2, 16>, scalar_prefetch = 0 : i64, scratch_operands = 31 : i64, tpu.core_type = #tpu.core_type<sc_vector_subcore>, window_params = [{transform_indices = #map}, {transform_indices = #map}, {transform_indices = #map1}, {transform_indices = #map1}, {transform_indices = #map1}, {transform_indices = #map}, {transform_indices = #map1}, {transform_indices = #map1}, {transform_indices = #map1}, {transform_indices = #map1}, {transform_indices = #map1}, {transform_indices = #map1}]} {
    %mul3A = arith.constant 2 : i32
    %mul3A_0 = arith.muli %arg1, %mul3A : i32
    %add3A = arith.addi %mul3A_0, %arg0 : i32
    %mul3A_1 = arith.constant 10240 : i32
    %mul3A_2 = arith.muli %add3A, %mul3A_1 : i32
    %mul3A_3 = arith.constant 632 : i32
    %mul3A_4 = arith.muli %arg1, %mul3A_3 : i32
    "tpu.region"() ({
      %run_scoped3A = tpu.sem_alloc : memref<!tpu.dma_semaphore, #tpu.memory_space<semaphore_mem>>
      %dma_start3A_87 = arith.constant 0 : i32
      %dma_start3A_88 = tpu.memref_slice %arg35[%mul3A_4, %dma_start3A_87] : memref<10112x128xf32, #tpu.memory_space<vmem_shared>> -> memref<632x128xf32, #tpu.memory_space<vmem_shared>>
      tpu.enqueue_dma source(%arg8 : memref<632x128xf32, #tpu.memory_space<hbm>>) target(%dma_start3A_88 : memref<632x128xf32, #tpu.memory_space<vmem_shared>>) target_semaphore(%run_scoped3A : memref<!tpu.dma_semaphore, #tpu.memory_space<semaphore_mem>>)
      %dma_wait3A_89 = arith.constant 0 : i32
      %dma_wait3A_90 = tpu.memref_slice %arg35[%mul3A_4, %dma_wait3A_89] : memref<10112x128xf32, #tpu.memory_space<vmem_shared>> -> memref<632x128xf32, #tpu.memory_space<vmem_shared>>
      tpu.wait_dma2 semaphore(%run_scoped3A : memref<!tpu.dma_semaphore, #tpu.memory_space<semaphore_mem>>) src(%arg8 : memref<632x128xf32, #tpu.memory_space<hbm>>) dst(%dma_wait3A_90 : memref<632x128xf32, #tpu.memory_space<vmem_shared>>)
      tpu.yield
    }) : () -> ()
    %mul3A_5 = arith.constant 632 : i32
    %mul3A_6 = arith.muli %arg1, %mul3A_5 : i32
    "tpu.region"() ({
      %run_scoped3A = tpu.sem_alloc : memref<!tpu.dma_semaphore, #tpu.memory_space<semaphore_mem>>
      %dma_start3A_87 = arith.constant 0 : i32
      %dma_start3A_88 = tpu.memref_slice %arg36[%mul3A_6, %dma_start3A_87] : memref<10112x16xf32, #tpu.memory_space<vmem_shared>> -> memref<632x16xf32, #tpu.memory_space<vmem_shared>>
      tpu.enqueue_dma source(%arg9 : memref<632x16xf32, #tpu.memory_space<hbm>>) target(%dma_start3A_88 : memref<632x16xf32, #tpu.memory_space<vmem_shared>>) target_semaphore(%run_scoped3A : memref<!tpu.dma_semaphore, #tpu.memory_space<semaphore_mem>>)
      %dma_wait3A_89 = arith.constant 0 : i32
      %dma_wait3A_90 = tpu.memref_slice %arg36[%mul3A_6, %dma_wait3A_89] : memref<10112x16xf32, #tpu.memory_space<vmem_shared>> -> memref<632x16xf32, #tpu.memory_space<vmem_shared>>
      tpu.wait_dma2 semaphore(%run_scoped3A : memref<!tpu.dma_semaphore, #tpu.memory_space<semaphore_mem>>) src(%arg9 : memref<632x16xf32, #tpu.memory_space<hbm>>) dst(%dma_wait3A_90 : memref<632x16xf32, #tpu.memory_space<vmem_shared>>)
      tpu.yield
    }) : () -> ()
    "tpu.region"() ({
      %run_scoped3A = tpu.sem_alloc : memref<!tpu.dma_semaphore, #tpu.memory_space<semaphore_mem>>
      tpu.enqueue_dma source(%arg7 : memref<16xf32, #tpu.memory_space<hbm>>) target(%arg34 : memref<16xf32, #tpu.memory_space<vmem>>) target_semaphore(%run_scoped3A : memref<!tpu.dma_semaphore, #tpu.memory_space<semaphore_mem>>)
      tpu.wait_dma2 semaphore(%run_scoped3A : memref<!tpu.dma_semaphore, #tpu.memory_space<semaphore_mem>>) src(%arg7 : memref<16xf32, #tpu.memory_space<hbm>>) dst(%arg34 : memref<16xf32, #tpu.memory_space<vmem>>)
      tpu.yield
    }) : () -> ()
    %barrier3A = arith.constant 0 : index
    tpu.barrier barrier_id(%barrier3A)
    %add3A_7 = arith.constant 0 : i32
    %add3A_8 = arith.addi %mul3A_2, %add3A_7 : i32
    %dma_start3A = tpu.memref_slice %arg2[%add3A_8] : memref<327680xi32, #tpu.memory_space<hbm>> -> memref<80xi32, #tpu.memory_space<hbm>>
    %dma_start3A_9 = tpu.memref_slice %arg2[%add3A_8] : memref<327680xi32, #tpu.memory_space<hbm>> -> memref<80xi32, #tpu.memory_space<hbm>>
    tpu.enqueue_dma source(%dma_start3A_9 : memref<80xi32, #tpu.memory_space<hbm>>) target(%arg14 : memref<80xi32, #tpu.memory_space<vmem>>) target_semaphore(%arg37 : memref<!tpu.dma_semaphore, #tpu.memory_space<semaphore_mem>>)
    %dma_start3A_10 = tpu.memref_slice %arg3[%add3A_8] : memref<327680xi32, #tpu.memory_space<hbm>> -> memref<80xi32, #tpu.memory_space<hbm>>
    %dma_start3A_11 = tpu.memref_slice %arg3[%add3A_8] : memref<327680xi32, #tpu.memory_space<hbm>> -> memref<80xi32, #tpu.memory_space<hbm>>
    tpu.enqueue_dma source(%dma_start3A_11 : memref<80xi32, #tpu.memory_space<hbm>>) target(%arg18 : memref<80xi32, #tpu.memory_space<vmem>>) target_semaphore(%arg37 : memref<!tpu.dma_semaphore, #tpu.memory_space<semaphore_mem>>)
    %dma_wait3A = arith.constant 0 : i32
    %dma_wait3A_12 = tpu.memref_slice %arg2[%dma_wait3A] : memref<327680xi32, #tpu.memory_space<hbm>> -> memref<80xi32, #tpu.memory_space<hbm>>
    %dma_wait3A_13 = arith.constant 0 : i32
    %dma_wait3A_14 = tpu.memref_slice %arg2[%dma_wait3A_13] : memref<327680xi32, #tpu.memory_space<hbm>> -> memref<80xi32, #tpu.memory_space<hbm>>
    tpu.wait_dma2 semaphore(%arg37 : memref<!tpu.dma_semaphore, #tpu.memory_space<semaphore_mem>>) src(%dma_wait3A_14 : memref<80xi32, #tpu.memory_space<hbm>>) dst(%arg14 : memref<80xi32, #tpu.memory_space<vmem>>)
    %dma_wait3A_15 = arith.constant 0 : i32
    %dma_wait3A_16 = tpu.memref_slice %arg3[%dma_wait3A_15] : memref<327680xi32, #tpu.memory_space<hbm>> -> memref<80xi32, #tpu.memory_space<hbm>>
    %dma_wait3A_17 = arith.constant 0 : i32
    %dma_wait3A_18 = tpu.memref_slice %arg3[%dma_wait3A_17] : memref<327680xi32, #tpu.memory_space<hbm>> -> memref<80xi32, #tpu.memory_space<hbm>>
    tpu.wait_dma2 semaphore(%arg37 : memref<!tpu.dma_semaphore, #tpu.memory_space<semaphore_mem>>) src(%dma_wait3A_18 : memref<80xi32, #tpu.memory_space<hbm>>) dst(%arg18 : memref<80xi32, #tpu.memory_space<vmem>>)
    %dma_start3A_19 = arith.constant 0 : i32
    %dma_start3A_20 = arith.constant 0 : i32
    %dma_start3A_21 = tpu.memref_slice %arg4[%dma_start3A_19, %dma_start3A_20] : memref<10000x16xf32, #tpu.memory_space<hbm>> -> memref<10000x16xf32, #tpu.memory_space<hbm>>
    tpu.enqueue_indirect_dma source(%dma_start3A_21 : memref<10000x16xf32, #tpu.memory_space<hbm>>) target(%arg24 : memref<80x16xf32, #tpu.memory_space<vmem>>) offsets(%arg14 : memref<80xi32, #tpu.memory_space<vmem>>) semaphore(%arg41 : memref<!tpu.dma_semaphore, #tpu.memory_space<semaphore_mem>>)
    %dma_start3A_22 = arith.constant 0 : i32
    %dma_start3A_23 = arith.constant 0 : i32
    %dma_start3A_24 = tpu.memref_slice %arg5[%dma_start3A_22, %dma_start3A_23] : memref<10000x16xf32, #tpu.memory_space<hbm>> -> memref<10000x16xf32, #tpu.memory_space<hbm>>
    tpu.enqueue_indirect_dma source(%dma_start3A_24 : memref<10000x16xf32, #tpu.memory_space<hbm>>) target(%arg26 : memref<80x16xf32, #tpu.memory_space<vmem>>) offsets(%arg18 : memref<80xi32, #tpu.memory_space<vmem>>) semaphore(%arg41 : memref<!tpu.dma_semaphore, #tpu.memory_space<semaphore_mem>>)
    %dma_start3A_25 = arith.constant 0 : i32
    %dma_start3A_26 = arith.constant 0 : i32
    %dma_start3A_27 = tpu.memref_slice %arg6[%dma_start3A_25, %dma_start3A_26] : memref<10000x128xbf16, #tpu.memory_space<hbm>> -> memref<10000x128xbf16, #tpu.memory_space<hbm>>
    tpu.enqueue_indirect_dma source(%dma_start3A_27 : memref<10000x128xbf16, #tpu.memory_space<hbm>>) target(%arg28 : memref<80x128xbf16, #tpu.memory_space<vmem>>) offsets(%arg14 : memref<80xi32, #tpu.memory_space<vmem>>) semaphore(%arg41 : memref<!tpu.dma_semaphore, #tpu.memory_space<semaphore_mem>>)
    %add3A_28 = arith.constant 80 : i32
    %add3A_29 = arith.addi %mul3A_2, %add3A_28 : i32
    %dma_start3A_30 = tpu.memref_slice %arg2[%add3A_29] : memref<327680xi32, #tpu.memory_space<hbm>> -> memref<80xi32, #tpu.memory_space<hbm>>
    %dma_start3A_31 = tpu.memref_slice %arg2[%add3A_29] : memref<327680xi32, #tpu.memory_space<hbm>> -> memref<80xi32, #tpu.memory_space<hbm>>
    tpu.enqueue_dma source(%dma_start3A_31 : memref<80xi32, #tpu.memory_space<hbm>>) target(%arg15 : memref<80xi32, #tpu.memory_space<vmem>>) target_semaphore(%arg38 : memref<!tpu.dma_semaphore, #tpu.memory_space<semaphore_mem>>)
    %dma_start3A_32 = tpu.memref_slice %arg3[%add3A_29] : memref<327680xi32, #tpu.memory_space<hbm>> -> memref<80xi32, #tpu.memory_space<hbm>>
    %dma_start3A_33 = tpu.memref_slice %arg3[%add3A_29] : memref<327680xi32, #tpu.memory_space<hbm>> -> memref<80xi32, #tpu.memory_space<hbm>>
    tpu.enqueue_dma source(%dma_start3A_33 : memref<80xi32, #tpu.memory_space<hbm>>) target(%arg19 : memref<80xi32, #tpu.memory_space<vmem>>) target_semaphore(%arg38 : memref<!tpu.dma_semaphore, #tpu.memory_space<semaphore_mem>>)
    %add3A_34 = arith.constant 160 : i32
    %add3A_35 = arith.addi %mul3A_2, %add3A_34 : i32
    %dma_start3A_36 = tpu.memref_slice %arg2[%add3A_35] : memref<327680xi32, #tpu.memory_space<hbm>> -> memref<80xi32, #tpu.memory_space<hbm>>
    %dma_start3A_37 = tpu.memref_slice %arg2[%add3A_35] : memref<327680xi32, #tpu.memory_space<hbm>> -> memref<80xi32, #tpu.memory_space<hbm>>
    tpu.enqueue_dma source(%dma_start3A_37 : memref<80xi32, #tpu.memory_space<hbm>>) target(%arg16 : memref<80xi32, #tpu.memory_space<vmem>>) target_semaphore(%arg39 : memref<!tpu.dma_semaphore, #tpu.memory_space<semaphore_mem>>)
    %dma_start3A_38 = tpu.memref_slice %arg3[%add3A_35] : memref<327680xi32, #tpu.memory_space<hbm>> -> memref<80xi32, #tpu.memory_space<hbm>>
    %dma_start3A_39 = tpu.memref_slice %arg3[%add3A_35] : memref<327680xi32, #tpu.memory_space<hbm>> -> memref<80xi32, #tpu.memory_space<hbm>>
    tpu.enqueue_dma source(%dma_start3A_39 : memref<80xi32, #tpu.memory_space<hbm>>) target(%arg20 : memref<80xi32, #tpu.memory_space<vmem>>) target_semaphore(%arg39 : memref<!tpu.dma_semaphore, #tpu.memory_space<semaphore_mem>>)
    %iota3A = tpu.iota {dimensions = array<i32: 0>} : vector<16xi32>
    %lt3A = arith.constant 8 : i32
    %lt3A_40 = vector.broadcast %lt3A : i32 to vector<16xi32>
    %lt3A_41 = arith.cmpi slt, %iota3A, %lt3A_40 : vector<16xi32>
    %get3A = arith.constant 0 : index
    %get3A_42 = tpu.vector_load %arg34[%get3A] {strides = array<i32>} : memref<16xf32, #tpu.memory_space<vmem>>, vector<16xf32>,
    %jit3A = arith.constant 0 : i32
    %jit3A_43 = arith.constant 1 : i32
    %broadcast_in_dim3A = vector.broadcast %jit3A : i32 to vector<16xi32>
    %broadcast_in_dim3A_44 = vector.broadcast %jit3A_43 : i32 to vector<16xi32>
    %select_n3A = arith.select %lt3A_41, %broadcast_in_dim3A, %broadcast_in_dim3A_44 : vector<16xi1>, vector<16xi32>
    %jit3A_45 = arith.constant 2 : i32
    %jit3A_46 = arith.constant 3 : i32
    %broadcast_in_dim3A_47 = vector.broadcast %jit3A_45 : i32 to vector<16xi32>
    %broadcast_in_dim3A_48 = vector.broadcast %jit3A_46 : i32 to vector<16xi32>
    %select_n3A_49 = arith.select %lt3A_41, %broadcast_in_dim3A_47, %broadcast_in_dim3A_48 : vector<16xi1>, vector<16xi32>
    %jit3A_50 = arith.constant 4 : i32
    %jit3A_51 = arith.constant 5 : i32
    %broadcast_in_dim3A_52 = vector.broadcast %jit3A_50 : i32 to vector<16xi32>
    %broadcast_in_dim3A_53 = vector.broadcast %jit3A_51 : i32 to vector<16xi32>
    %select_n3A_54 = arith.select %lt3A_41, %broadcast_in_dim3A_52, %broadcast_in_dim3A_53 : vector<16xi1>, vector<16xi32>
    %jit3A_55 = arith.constant 6 : i32
    %jit3A_56 = arith.constant 7 : i32
    %broadcast_in_dim3A_57 = vector.broadcast %jit3A_55 : i32 to vector<16xi32>
    %broadcast_in_dim3A_58 = vector.broadcast %jit3A_56 : i32 to vector<16xi32>
    %select_n3A_59 = arith.select %lt3A_41, %broadcast_in_dim3A_57, %broadcast_in_dim3A_58 : vector<16xi1>, vector<16xi32>
    %scan3A = arith.constant 0 : i32
    %scan3A_60 = arith.constant 0 : i32
    %scan3A_61 = arith.constant 32 : i32
    %scan3A_62 = arith.addi %scan3A_60, %scan3A_61 : i32
    %scan3A_63 = arith.constant 1 : i32
    scf.for %scan3A_87 = %scan3A_60 to %scan3A_62 step %scan3A_63  : i32 {
      %mul3A_88 = arith.constant 4 : i32
      %mul3A_89 = arith.muli %scan3A_87, %mul3A_88 : i32
      %add3A_90 = arith.constant 0 : i32
      %add3A_91 = arith.addi %mul3A_89, %add3A_90 : i32
      %add3A_92 = arith.constant 1 : i32
      %add3A_93 = arith.addi %add3A_91, %add3A_92 : i32
      %lt3A_94 = arith.constant 128 : i32
      %lt3A_95 = arith.cmpi slt, %add3A_93, %lt3A_94 : i32
      %convert_element_type3A_96 = arith.extui %lt3A_95 : i1 to i32
      %cond3A_97 = arith.constant 0 : i32
      %cond3A_98 = arith.cmpi ne, %convert_element_type3A_96, %cond3A_97 : i32
      scf.if %cond3A_98 {
        %dma_wait3A_329 = arith.constant 0 : i32
        %dma_wait3A_330 = tpu.memref_slice %arg2[%dma_wait3A_329] : memref<327680xi32, #tpu.memory_space<hbm>> -> memref<80xi32, #tpu.memory_space<hbm>>
        %dma_wait3A_331 = arith.constant 0 : i32
        %dma_wait3A_332 = tpu.memref_slice %arg2[%dma_wait3A_331] : memref<327680xi32, #tpu.memory_space<hbm>> -> memref<80xi32, #tpu.memory_space<hbm>>
        tpu.wait_dma2 semaphore(%arg38 : memref<!tpu.dma_semaphore, #tpu.memory_space<semaphore_mem>>) src(%dma_wait3A_332 : memref<80xi32, #tpu.memory_space<hbm>>) dst(%arg15 : memref<80xi32, #tpu.memory_space<vmem>>)
        %dma_wait3A_333 = arith.constant 0 : i32
        %dma_wait3A_334 = tpu.memref_slice %arg3[%dma_wait3A_333] : memref<327680xi32, #tpu.memory_space<hbm>> -> memref<80xi32, #tpu.memory_space<hbm>>
        %dma_wait3A_335 = arith.constant 0 : i32
        %dma_wait3A_336 = tpu.memref_slice %arg3[%dma_wait3A_335] : memref<327680xi32, #tpu.memory_space<hbm>> -> memref<80xi32, #tpu.memory_space<hbm>>
        tpu.wait_dma2 semaphore(%arg38 : memref<!tpu.dma_semaphore, #tpu.memory_space<semaphore_mem>>) src(%dma_wait3A_336 : memref<80xi32, #tpu.memory_space<hbm>>) dst(%arg19 : memref<80xi32, #tpu.memory_space<vmem>>)
        %dma_start3A_337 = arith.constant 0 : i32
        %dma_start3A_338 = arith.constant 0 : i32
        %dma_start3A_339 = tpu.memref_slice %arg4[%dma_start3A_337, %dma_start3A_338] : memref<10000x16xf32, #tpu.memory_space<hbm>> -> memref<10000x16xf32, #tpu.memory_space<hbm>>
        tpu.enqueue_indirect_dma source(%dma_start3A_339 : memref<10000x16xf32, #tpu.memory_space<hbm>>) target(%arg25 : memref<80x16xf32, #tpu.memory_space<vmem>>) offsets(%arg15 : memref<80xi32, #tpu.memory_space<vmem>>) semaphore(%arg42 : memref<!tpu.dma_semaphore, #tpu.memory_space<semaphore_mem>>)
        %dma_start3A_340 = arith.constant 0 : i32
        %dma_start3A_341 = arith.constant 0 : i32
        %dma_start3A_342 = tpu.memref_slice %arg5[%dma_start3A_340, %dma_start3A_341] : memref<10000x16xf32, #tpu.memory_space<hbm>> -> memref<10000x16xf32, #tpu.memory_space<hbm>>
        tpu.enqueue_indirect_dma source(%dma_start3A_342 : memref<10000x16xf32, #tpu.memory_space<hbm>>) target(%arg27 : memref<80x16xf32, #tpu.memory_space<vmem>>) offsets(%arg19 : memref<80xi32, #tpu.memory_space<vmem>>) semaphore(%arg42 : memref<!tpu.dma_semaphore, #tpu.memory_space<semaphore_mem>>)
        %dma_start3A_343 = arith.constant 0 : i32
        %dma_start3A_344 = arith.constant 0 : i32
        %dma_start3A_345 = tpu.memref_slice %arg6[%dma_start3A_343, %dma_start3A_344] : memref<10000x128xbf16, #tpu.memory_space<hbm>> -> memref<10000x128xbf16, #tpu.memory_space<hbm>>
        tpu.enqueue_indirect_dma source(%dma_start3A_345 : memref<10000x128xbf16, #tpu.memory_space<hbm>>) target(%arg29 : memref<80x128xbf16, #tpu.memory_space<vmem>>) offsets(%arg15 : memref<80xi32, #tpu.memory_space<vmem>>) semaphore(%arg42 : memref<!tpu.dma_semaphore, #tpu.memory_space<semaphore_mem>>)
      } else {
      }
      %dma_wait3A_99 = arith.constant 0 : i32
      %dma_wait3A_100 = arith.constant 0 : i32
      %dma_wait3A_101 = tpu.memref_slice %arg4[%dma_wait3A_99, %dma_wait3A_100] : memref<10000x16xf32, #tpu.memory_space<hbm>> -> memref<10000x16xf32, #tpu.memory_space<hbm>>
      tpu.wait_indirect_dma semaphore(%arg41 : memref<!tpu.dma_semaphore, #tpu.memory_space<semaphore_mem>>) src(%dma_wait3A_101 : memref<10000x16xf32, #tpu.memory_space<hbm>>) dst(%arg24 : memref<80x16xf32, #tpu.memory_space<vmem>>)
      %dma_wait3A_102 = arith.constant 0 : i32
      %dma_wait3A_103 = arith.constant 0 : i32
      %dma_wait3A_104 = tpu.memref_slice %arg5[%dma_wait3A_102, %dma_wait3A_103] : memref<10000x16xf32, #tpu.memory_space<hbm>> -> memref<10000x16xf32, #tpu.memory_space<hbm>>
      tpu.wait_indirect_dma semaphore(%arg41 : memref<!tpu.dma_semaphore, #tpu.memory_space<semaphore_mem>>) src(%dma_wait3A_104 : memref<10000x16xf32, #tpu.memory_space<hbm>>) dst(%arg26 : memref<80x16xf32, #tpu.memory_space<vmem>>)
      %dma_wait3A_105 = arith.constant 0 : i32
      %dma_wait3A_106 = arith.constant 0 : i32
      %dma_wait3A_107 = tpu.memref_slice %arg6[%dma_wait3A_105, %dma_wait3A_106] : memref<10000x128xbf16, #tpu.memory_space<hbm>> -> memref<10000x128xbf16, #tpu.memory_space<hbm>>
      tpu.wait_indirect_dma semaphore(%arg41 : memref<!tpu.dma_semaphore, #tpu.memory_space<semaphore_mem>>) src(%dma_wait3A_107 : memref<10000x128xbf16, #tpu.memory_space<hbm>>) dst(%arg28 : memref<80x128xbf16, #tpu.memory_space<vmem>>)
      %ge3A = arith.constant 2 : i32
      %ge3A_108 = arith.cmpi sge, %add3A_91, %ge3A : i32
      %convert_element_type3A_109 = arith.extui %ge3A_108 : i1 to i32
      %cond3A_110 = arith.constant 0 : i32
      %cond3A_111 = arith.cmpi ne, %convert_element_type3A_109, %cond3A_110 : i32
      scf.if %cond3A_111 {
        %dma_wait3A_329 = arith.constant 0 : i32
        %dma_wait3A_330 = arith.constant 0 : i32
        %dma_wait3A_331 = tpu.memref_slice %arg36[%dma_wait3A_329, %dma_wait3A_330] : memref<10112x16xf32, #tpu.memory_space<vmem_shared>> -> memref<10112x16xf32, #tpu.memory_space<vmem_shared>>
        tpu.wait_indirect_dma semaphore(%arg43 : memref<!tpu.dma_semaphore, #tpu.memory_space<semaphore_mem>>) src(%arg30 : memref<80x16xf32, #tpu.memory_space<vmem>>) dst(%dma_wait3A_331 : memref<10112x16xf32, #tpu.memory_space<vmem_shared>>)
        %dma_wait3A_332 = arith.constant 0 : i32
        %dma_wait3A_333 = arith.constant 0 : i32
        %dma_wait3A_334 = tpu.memref_slice %arg35[%dma_wait3A_332, %dma_wait3A_333] : memref<10112x128xf32, #tpu.memory_space<vmem_shared>> -> memref<10112x128xf32, #tpu.memory_space<vmem_shared>>
        tpu.wait_indirect_dma semaphore(%arg43 : memref<!tpu.dma_semaphore, #tpu.memory_space<semaphore_mem>>) src(%arg32 : memref<80x128xf32, #tpu.memory_space<vmem>>) dst(%dma_wait3A_334 : memref<10112x128xf32, #tpu.memory_space<vmem_shared>>)
      } else {
      }
      %parallel_loop3A = arith.constant 0 : i32
      %parallel_loop3A_112 = arith.constant 80 : i32
      %parallel_loop3A_113 = arith.constant 1 : i32
      scf.for %parallel_loop3A_329 = %parallel_loop3A to %parallel_loop3A_112 step %parallel_loop3A_113  : i32 {
        %parallel_loop3A_330 = arith.index_cast %parallel_loop3A_329 : i32 to index
        %parallel_loop3A_331 = arith.constant 0 : index
        %parallel_loop3A_332 = tpu.vector_load %arg24[%parallel_loop3A_330, %parallel_loop3A_331] {strides = array<i32>} : memref<80x16xf32, #tpu.memory_space<vmem>>, vector<16xf32>,
        %parallel_loop3A_333 = arith.index_cast %parallel_loop3A_329 : i32 to index
        %parallel_loop3A_334 = arith.constant 0 : index
        %parallel_loop3A_335 = tpu.vector_load %arg26[%parallel_loop3A_333, %parallel_loop3A_334] {strides = array<i32>} : memref<80x16xf32, #tpu.memory_space<vmem>>, vector<16xf32>,
        %parallel_loop3A_336 = arith.addf %parallel_loop3A_332, %parallel_loop3A_335 : vector<16xf32>
        %parallel_loop3A_337 = arith.constant 0.000000e+00 : f32
        %parallel_loop3A_338 = vector.broadcast %parallel_loop3A_337 : f32 to vector<16xf32>
        %parallel_loop3A_339 = arith.cmpf oge, %parallel_loop3A_336, %parallel_loop3A_338 : vector<16xf32>
        %parallel_loop3A_340 = arith.constant 2.000000e-01 : f32
        %parallel_loop3A_341 = vector.broadcast %parallel_loop3A_340 : f32 to vector<16xf32>
        %parallel_loop3A_342 = arith.mulf %parallel_loop3A_336, %parallel_loop3A_341 : vector<16xf32>
        %parallel_loop3A_343 = arith.select %parallel_loop3A_339, %parallel_loop3A_336, %parallel_loop3A_342 : vector<16xi1>, vector<16xf32>
        %parallel_loop3A_344 = arith.subf %parallel_loop3A_343, %get3A_42 : vector<16xf32>
        %parallel_loop3A_345 = math.exp %parallel_loop3A_344 : vector<16xf32>
        %parallel_loop3A_346 = arith.index_cast %parallel_loop3A_329 : i32 to index
        %parallel_loop3A_347 = arith.constant 0 : index
        %parallel_loop3A_348 = tpu.vector_load %arg30[%parallel_loop3A_346, %parallel_loop3A_347] {strides = array<i32>} : memref<80x16xf32, #tpu.memory_space<vmem>>, vector<16xf32>,
        tpu.vector_store %arg30[%parallel_loop3A_346, %parallel_loop3A_347], %parallel_loop3A_345 {strides = array<i32>} : memref<80x16xf32, #tpu.memory_space<vmem>>, vector<16xf32>,
        %parallel_loop3A_349 = arith.index_cast %parallel_loop3A_329 : i32 to index
        %parallel_loop3A_350 = arith.constant 0 : index
        %parallel_loop3A_351 = tpu.vector_load %arg28[%parallel_loop3A_349, %parallel_loop3A_350] {strides = array<i32>} : memref<80x128xbf16, #tpu.memory_space<vmem>>, vector<32xbf16>,
        %parallel_loop3A_352 = tpu.unpack_subelements %parallel_loop3A_351, 0 {pack_format = #tpu.pack_format<interleaved>} : vector<32xbf16> -> vector<16xf32>
        %parallel_loop3A_353 = tpu.unpack_subelements %parallel_loop3A_351, 1 {pack_format = #tpu.pack_format<interleaved>} : vector<32xbf16> -> vector<16xf32>
        %parallel_loop3A_354 = vector.shape_cast %select_n3A : vector<16xi32> to vector<16x1xi32>
        %parallel_loop3A_355 = vector.shape_cast %parallel_loop3A_354 : vector<16x1xi32> to vector<16xi32>
        %parallel_loop3A_356 = tpu.dynamic_gather %parallel_loop3A_345[%parallel_loop3A_355] in [0] : vector<16xf32>, vector<16xi32> -> vector<16xf32>
        %parallel_loop3A_357 = arith.mulf %parallel_loop3A_352, %parallel_loop3A_356 : vector<16xf32>
        %parallel_loop3A_358 = arith.index_cast %parallel_loop3A_329 : i32 to index
        %parallel_loop3A_359 = arith.constant 0 : index
        %parallel_loop3A_360 = tpu.vector_load %arg32[%parallel_loop3A_358, %parallel_loop3A_359] {strides = array<i32>} : memref<80x128xf32, #tpu.memory_space<vmem>>, vector<16xf32>,
        tpu.vector_store %arg32[%parallel_loop3A_358, %parallel_loop3A_359], %parallel_loop3A_357 {strides = array<i32>} : memref<80x128xf32, #tpu.memory_space<vmem>>, vector<16xf32>,
        %parallel_loop3A_361 = arith.mulf %parallel_loop3A_353, %parallel_loop3A_356 : vector<16xf32>
        %parallel_loop3A_362 = arith.index_cast %parallel_loop3A_329 : i32 to index
        %parallel_loop3A_363 = arith.constant 16 : index
        %parallel_loop3A_364 = tpu.vector_load %arg32[%parallel_loop3A_362, %parallel_loop3A_363] {strides = array<i32>} : memref<80x128xf32, #tpu.memory_space<vmem>>, vector<16xf32>,
        tpu.vector_store %arg32[%parallel_loop3A_362, %parallel_loop3A_363], %parallel_loop3A_361 {strides = array<i32>} : memref<80x128xf32, #tpu.memory_space<vmem>>, vector<16xf32>,
        %parallel_loop3A_365 = arith.index_cast %parallel_loop3A_329 : i32 to index
        %parallel_loop3A_366 = arith.constant 32 : index
        %parallel_loop3A_367 = tpu.vector_load %arg28[%parallel_loop3A_365, %parallel_loop3A_366] {strides = array<i32>} : memref<80x128xbf16, #tpu.memory_space<vmem>>, vector<32xbf16>,
        %parallel_loop3A_368 = tpu.unpack_subelements %parallel_loop3A_367, 0 {pack_format = #tpu.pack_format<interleaved>} : vector<32xbf16> -> vector<16xf32>
        %parallel_loop3A_369 = tpu.unpack_subelements %parallel_loop3A_367, 1 {pack_format = #tpu.pack_format<interleaved>} : vector<32xbf16> -> vector<16xf32>
        %parallel_loop3A_370 = vector.shape_cast %select_n3A_49 : vector<16xi32> to vector<16x1xi32>
        %parallel_loop3A_371 = vector.shape_cast %parallel_loop3A_370 : vector<16x1xi32> to vector<16xi32>
        %parallel_loop3A_372 = tpu.dynamic_gather %parallel_loop3A_345[%parallel_loop3A_371] in [0] : vector<16xf32>, vector<16xi32> -> vector<16xf32>
        %parallel_loop3A_373 = arith.mulf %parallel_loop3A_368, %parallel_loop3A_372 : vector<16xf32>
        %parallel_loop3A_374 = arith.index_cast %parallel_loop3A_329 : i32 to index
        %parallel_loop3A_375 = arith.constant 32 : index
        %parallel_loop3A_376 = tpu.vector_load %arg32[%parallel_loop3A_374, %parallel_loop3A_375] {strides = array<i32>} : memref<80x128xf32, #tpu.memory_space<vmem>>, vector<16xf32>,
        tpu.vector_store %arg32[%parallel_loop3A_374, %parallel_loop3A_375], %parallel_loop3A_373 {strides = array<i32>} : memref<80x128xf32, #tpu.memory_space<vmem>>, vector<16xf32>,
        %parallel_loop3A_377 = arith.mulf %parallel_loop3A_369, %parallel_loop3A_372 : vector<16xf32>
        %parallel_loop3A_378 = arith.index_cast %parallel_loop3A_329 : i32 to index
        %parallel_loop3A_379 = arith.constant 48 : index
        %parallel_loop3A_380 = tpu.vector_load %arg32[%parallel_loop3A_378, %parallel_loop3A_379] {strides = array<i32>} : memref<80x128xf32, #tpu.memory_space<vmem>>, vector<16xf32>,
        tpu.vector_store %arg32[%parallel_loop3A_378, %parallel_loop3A_379], %parallel_loop3A_377 {strides = array<i32>} : memref<80x128xf32, #tpu.memory_space<vmem>>, vector<16xf32>,
        %parallel_loop3A_381 = arith.index_cast %parallel_loop3A_329 : i32 to index
        %parallel_loop3A_382 = arith.constant 64 : index
        %parallel_loop3A_383 = tpu.vector_load %arg28[%parallel_loop3A_381, %parallel_loop3A_382] {strides = array<i32>} : memref<80x128xbf16, #tpu.memory_space<vmem>>, vector<32xbf16>,
        %parallel_loop3A_384 = tpu.unpack_subelements %parallel_loop3A_383, 0 {pack_format = #tpu.pack_format<interleaved>} : vector<32xbf16> -> vector<16xf32>
        %parallel_loop3A_385 = tpu.unpack_subelements %parallel_loop3A_383, 1 {pack_format = #tpu.pack_format<interleaved>} : vector<32xbf16> -> vector<16xf32>
        %parallel_loop3A_386 = vector.shape_cast %select_n3A_54 : vector<16xi32> to vector<16x1xi32>
        %parallel_loop3A_387 = vector.shape_cast %parallel_loop3A_386 : vector<16x1xi32> to vector<16xi32>
        %parallel_loop3A_388 = tpu.dynamic_gather %parallel_loop3A_345[%parallel_loop3A_387] in [0] : vector<16xf32>, vector<16xi32> -> vector<16xf32>
        %parallel_loop3A_389 = arith.mulf %parallel_loop3A_384, %parallel_loop3A_388 : vector<16xf32>
        %parallel_loop3A_390 = arith.index_cast %parallel_loop3A_329 : i32 to index
        %parallel_loop3A_391 = arith.constant 64 : index
        %parallel_loop3A_392 = tpu.vector_load %arg32[%parallel_loop3A_390, %parallel_loop3A_391] {strides = array<i32>} : memref<80x128xf32, #tpu.memory_space<vmem>>, vector<16xf32>,
        tpu.vector_store %arg32[%parallel_loop3A_390, %parallel_loop3A_391], %parallel_loop3A_389 {strides = array<i32>} : memref<80x128xf32, #tpu.memory_space<vmem>>, vector<16xf32>,
        %parallel_loop3A_393 = arith.mulf %parallel_loop3A_385, %parallel_loop3A_388 : vector<16xf32>
        %parallel_loop3A_394 = arith.index_cast %parallel_loop3A_329 : i32 to index
        %parallel_loop3A_395 = arith.constant 80 : index
        %parallel_loop3A_396 = tpu.vector_load %arg32[%parallel_loop3A_394, %parallel_loop3A_395] {strides = array<i32>} : memref<80x128xf32, #tpu.memory_space<vmem>>, vector<16xf32>,
        tpu.vector_store %arg32[%parallel_loop3A_394, %parallel_loop3A_395], %parallel_loop3A_393 {strides = array<i32>} : memref<80x128xf32, #tpu.memory_space<vmem>>, vector<16xf32>,
        %parallel_loop3A_397 = arith.index_cast %parallel_loop3A_329 : i32 to index
        %parallel_loop3A_398 = arith.constant 96 : index
        %parallel_loop3A_399 = tpu.vector_load %arg28[%parallel_loop3A_397, %parallel_loop3A_398] {strides = array<i32>} : memref<80x128xbf16, #tpu.memory_space<vmem>>, vector<32xbf16>,
        %parallel_loop3A_400 = tpu.unpack_subelements %parallel_loop3A_399, 0 {pack_format = #tpu.pack_format<interleaved>} : vector<32xbf16> -> vector<16xf32>
        %parallel_loop3A_401 = tpu.unpack_subelements %parallel_loop3A_399, 1 {pack_format = #tpu.pack_format<interleaved>} : vector<32xbf16> -> vector<16xf32>
        %parallel_loop3A_402 = vector.shape_cast %select_n3A_59 : vector<16xi32> to vector<16x1xi32>
        %parallel_loop3A_403 = vector.shape_cast %parallel_loop3A_402 : vector<16x1xi32> to vector<16xi32>
        %parallel_loop3A_404 = tpu.dynamic_gather %parallel_loop3A_345[%parallel_loop3A_403] in [0] : vector<16xf32>, vector<16xi32> -> vector<16xf32>
        %parallel_loop3A_405 = arith.mulf %parallel_loop3A_400, %parallel_loop3A_404 : vector<16xf32>
        %parallel_loop3A_406 = arith.index_cast %parallel_loop3A_329 : i32 to index
        %parallel_loop3A_407 = arith.constant 96 : index
        %parallel_loop3A_408 = tpu.vector_load %arg32[%parallel_loop3A_406, %parallel_loop3A_407] {strides = array<i32>} : memref<80x128xf32, #tpu.memory_space<vmem>>, vector<16xf32>,
        tpu.vector_store %arg32[%parallel_loop3A_406, %parallel_loop3A_407], %parallel_loop3A_405 {strides = array<i32>} : memref<80x128xf32, #tpu.memory_space<vmem>>, vector<16xf32>,
        %parallel_loop3A_409 = arith.mulf %parallel_loop3A_401, %parallel_loop3A_404 : vector<16xf32>
        %parallel_loop3A_410 = arith.index_cast %parallel_loop3A_329 : i32 to index
        %parallel_loop3A_411 = arith.constant 112 : index
        %parallel_loop3A_412 = tpu.vector_load %arg32[%parallel_loop3A_410, %parallel_loop3A_411] {strides = array<i32>} : memref<80x128xf32, #tpu.memory_space<vmem>>, vector<16xf32>,
        tpu.vector_store %arg32[%parallel_loop3A_410, %parallel_loop3A_411], %parallel_loop3A_409 {strides = array<i32>} : memref<80x128xf32, #tpu.memory_space<vmem>>, vector<16xf32>,
      } {sc.loop_unroll_factor = 8 : i64, sc.parallel_access}
      %get3A_114 = arith.constant 0 : index
      %get3A_115 = tpu.vector_load %arg18[%get3A_114] {strides = array<i32>} : memref<80xi32, #tpu.memory_space<vmem>>, vector<16xi32>,
      %swap3A = arith.constant 0 : index
      %swap3A_116 = tpu.vector_load %arg22[%swap3A] {strides = array<i32>} : memref<80xi32, #tpu.memory_space<vmem>>, vector<16xi32>,
      tpu.vector_store %arg22[%swap3A], %get3A_115 {strides = array<i32>} : memref<80xi32, #tpu.memory_space<vmem>>, vector<16xi32>,
      %get3A_117 = arith.constant 16 : index
      %get3A_118 = tpu.vector_load %arg18[%get3A_117] {strides = array<i32>} : memref<80xi32, #tpu.memory_space<vmem>>, vector<16xi32>,
      %swap3A_119 = arith.constant 16 : index
      %swap3A_120 = tpu.vector_load %arg22[%swap3A_119] {strides = array<i32>} : memref<80xi32, #tpu.memory_space<vmem>>, vector<16xi32>,
      tpu.vector_store %arg22[%swap3A_119], %get3A_118 {strides = array<i32>} : memref<80xi32, #tpu.memory_space<vmem>>, vector<16xi32>,
      %get3A_121 = arith.constant 32 : index
      %get3A_122 = tpu.vector_load %arg18[%get3A_121] {strides = array<i32>} : memref<80xi32, #tpu.memory_space<vmem>>, vector<16xi32>,
      %swap3A_123 = arith.constant 32 : index
      %swap3A_124 = tpu.vector_load %arg22[%swap3A_123] {strides = array<i32>} : memref<80xi32, #tpu.memory_space<vmem>>, vector<16xi32>,
      tpu.vector_store %arg22[%swap3A_123], %get3A_122 {strides = array<i32>} : memref<80xi32, #tpu.memory_space<vmem>>, vector<16xi32>,
      %get3A_125 = arith.constant 48 : index
      %get3A_126 = tpu.vector_load %arg18[%get3A_125] {strides = array<i32>} : memref<80xi32, #tpu.memory_space<vmem>>, vector<16xi32>,
      %swap3A_127 = arith.constant 48 : index
      %swap3A_128 = tpu.vector_load %arg22[%swap3A_127] {strides = array<i32>} : memref<80xi32, #tpu.memory_space<vmem>>, vector<16xi32>,
      tpu.vector_store %arg22[%swap3A_127], %get3A_126 {strides = array<i32>} : memref<80xi32, #tpu.memory_space<vmem>>, vector<16xi32>,
      %get3A_129 = arith.constant 64 : index
      %get3A_130 = tpu.vector_load %arg18[%get3A_129] {strides = array<i32>} : memref<80xi32, #tpu.memory_space<vmem>>, vector<16xi32>,
      %swap3A_131 = arith.constant 64 : index
      %swap3A_132 = tpu.vector_load %arg22[%swap3A_131] {strides = array<i32>} : memref<80xi32, #tpu.memory_space<vmem>>, vector<16xi32>,
      tpu.vector_store %arg22[%swap3A_131], %get3A_130 {strides = array<i32>} : memref<80xi32, #tpu.memory_space<vmem>>, vector<16xi32>,
      %dma_start3A_133 = arith.constant 0 : i32
      %dma_start3A_134 = arith.constant 0 : i32
      %dma_start3A_135 = tpu.memref_slice %arg36[%dma_start3A_133, %dma_start3A_134] : memref<10112x16xf32, #tpu.memory_space<vmem_shared>> -> memref<10112x16xf32, #tpu.memory_space<vmem_shared>>
      tpu.enqueue_indirect_dma source(%arg30 : memref<80x16xf32, #tpu.memory_space<vmem>>) target(%dma_start3A_135 : memref<10112x16xf32, #tpu.memory_space<vmem_shared>>) offsets(%arg22 : memref<80xi32, #tpu.memory_space<vmem>>) semaphore(%arg43 : memref<!tpu.dma_semaphore, #tpu.memory_space<semaphore_mem>>) {add = true}
      %dma_start3A_136 = arith.constant 0 : i32
      %dma_start3A_137 = arith.constant 0 : i32
      %dma_start3A_138 = tpu.memref_slice %arg35[%dma_start3A_136, %dma_start3A_137] : memref<10112x128xf32, #tpu.memory_space<vmem_shared>> -> memref<10112x128xf32, #tpu.memory_space<vmem_shared>>
      tpu.enqueue_indirect_dma source(%arg32 : memref<80x128xf32, #tpu.memory_space<vmem>>) target(%dma_start3A_138 : memref<10112x128xf32, #tpu.memory_space<vmem_shared>>) offsets(%arg22 : memref<80xi32, #tpu.memory_space<vmem>>) semaphore(%arg43 : memref<!tpu.dma_semaphore, #tpu.memory_space<semaphore_mem>>) {add = true}
      %add3A_139 = arith.constant 3 : i32
      %add3A_140 = arith.addi %add3A_91, %add3A_139 : i32
      %lt3A_141 = arith.constant 128 : i32
      %lt3A_142 = arith.cmpi slt, %add3A_140, %lt3A_141 : i32
      %convert_element_type3A_143 = arith.extui %lt3A_142 : i1 to i32
      %cond3A_144 = arith.constant 0 : i32
      %cond3A_145 = arith.cmpi ne, %convert_element_type3A_143, %cond3A_144 : i32
      scf.if %cond3A_145 {
        %add3A_329 = arith.constant 3 : i32
        %add3A_330 = arith.addi %add3A_91, %add3A_329 : i32
        %mul3A_331 = arith.constant 80 : i32
        %mul3A_332 = arith.muli %add3A_330, %mul3A_331 : i32
        %add3A_333 = arith.addi %mul3A_2, %mul3A_332 : i32
        %dma_start3A_334 = tpu.memref_slice %arg2[%add3A_333] : memref<327680xi32, #tpu.memory_space<hbm>> -> memref<80xi32, #tpu.memory_space<hbm>>
        %dma_start3A_335 = tpu.memref_slice %arg2[%add3A_333] : memref<327680xi32, #tpu.memory_space<hbm>> -> memref<80xi32, #tpu.memory_space<hbm>>
        tpu.enqueue_dma source(%dma_start3A_335 : memref<80xi32, #tpu.memory_space<hbm>>) target(%arg17 : memref<80xi32, #tpu.memory_space<vmem>>) target_semaphore(%arg40 : memref<!tpu.dma_semaphore, #tpu.memory_space<semaphore_mem>>)
        %dma_start3A_336 = tpu.memref_slice %arg3[%add3A_333] : memref<327680xi32, #tpu.memory_space<hbm>> -> memref<80xi32, #tpu.memory_space<hbm>>
        %dma_start3A_337 = tpu.memref_slice %arg3[%add3A_333] : memref<327680xi32, #tpu.memory_space<hbm>> -> memref<80xi32, #tpu.memory_space<hbm>>
        tpu.enqueue_dma source(%dma_start3A_337 : memref<80xi32, #tpu.memory_space<hbm>>) target(%arg21 : memref<80xi32, #tpu.memory_space<vmem>>) target_semaphore(%arg40 : memref<!tpu.dma_semaphore, #tpu.memory_space<semaphore_mem>>)
      } else {
      }
      %mul3A_146 = arith.constant 4 : i32
      %mul3A_147 = arith.muli %scan3A_87, %mul3A_146 : i32
      %add3A_148 = arith.constant 1 : i32
      %add3A_149 = arith.addi %mul3A_147, %add3A_148 : i32
      %add3A_150 = arith.constant 1 : i32
      %add3A_151 = arith.addi %add3A_149, %add3A_150 : i32
      %lt3A_152 = arith.constant 128 : i32
      %lt3A_153 = arith.cmpi slt, %add3A_151, %lt3A_152 : i32
      %convert_element_type3A_154 = arith.extui %lt3A_153 : i1 to i32
      %cond3A_155 = arith.constant 0 : i32
      %cond3A_156 = arith.cmpi ne, %convert_element_type3A_154, %cond3A_155 : i32
      scf.if %cond3A_156 {
        %dma_wait3A_329 = arith.constant 0 : i32
        %dma_wait3A_330 = tpu.memref_slice %arg2[%dma_wait3A_329] : memref<327680xi32, #tpu.memory_space<hbm>> -> memref<80xi32, #tpu.memory_space<hbm>>
        %dma_wait3A_331 = arith.constant 0 : i32
        %dma_wait3A_332 = tpu.memref_slice %arg2[%dma_wait3A_331] : memref<327680xi32, #tpu.memory_space<hbm>> -> memref<80xi32, #tpu.memory_space<hbm>>
        tpu.wait_dma2 semaphore(%arg39 : memref<!tpu.dma_semaphore, #tpu.memory_space<semaphore_mem>>) src(%dma_wait3A_332 : memref<80xi32, #tpu.memory_space<hbm>>) dst(%arg16 : memref<80xi32, #tpu.memory_space<vmem>>)
        %dma_wait3A_333 = arith.constant 0 : i32
        %dma_wait3A_334 = tpu.memref_slice %arg3[%dma_wait3A_333] : memref<327680xi32, #tpu.memory_space<hbm>> -> memref<80xi32, #tpu.memory_space<hbm>>
        %dma_wait3A_335 = arith.constant 0 : i32
        %dma_wait3A_336 = tpu.memref_slice %arg3[%dma_wait3A_335] : memref<327680xi32, #tpu.memory_space<hbm>> -> memref<80xi32, #tpu.memory_space<hbm>>
        tpu.wait_dma2 semaphore(%arg39 : memref<!tpu.dma_semaphore, #tpu.memory_space<semaphore_mem>>) src(%dma_wait3A_336 : memref<80xi32, #tpu.memory_space<hbm>>) dst(%arg20 : memref<80xi32, #tpu.memory_space<vmem>>)
        %dma_start3A_337 = arith.constant 0 : i32
        %dma_start3A_338 = arith.constant 0 : i32
        %dma_start3A_339 = tpu.memref_slice %arg4[%dma_start3A_337, %dma_start3A_338] : memref<10000x16xf32, #tpu.memory_space<hbm>> -> memref<10000x16xf32, #tpu.memory_space<hbm>>
        tpu.enqueue_indirect_dma source(%dma_start3A_339 : memref<10000x16xf32, #tpu.memory_space<hbm>>) target(%arg24 : memref<80x16xf32, #tpu.memory_space<vmem>>) offsets(%arg16 : memref<80xi32, #tpu.memory_space<vmem>>) semaphore(%arg41 : memref<!tpu.dma_semaphore, #tpu.memory_space<semaphore_mem>>)
        %dma_start3A_340 = arith.constant 0 : i32
        %dma_start3A_341 = arith.constant 0 : i32
        %dma_start3A_342 = tpu.memref_slice %arg5[%dma_start3A_340, %dma_start3A_341] : memref<10000x16xf32, #tpu.memory_space<hbm>> -> memref<10000x16xf32, #tpu.memory_space<hbm>>
        tpu.enqueue_indirect_dma source(%dma_start3A_342 : memref<10000x16xf32, #tpu.memory_space<hbm>>) target(%arg26 : memref<80x16xf32, #tpu.memory_space<vmem>>) offsets(%arg20 : memref<80xi32, #tpu.memory_space<vmem>>) semaphore(%arg41 : memref<!tpu.dma_semaphore, #tpu.memory_space<semaphore_mem>>)
        %dma_start3A_343 = arith.constant 0 : i32
        %dma_start3A_344 = arith.constant 0 : i32
        %dma_start3A_345 = tpu.memref_slice %arg6[%dma_start3A_343, %dma_start3A_344] : memref<10000x128xbf16, #tpu.memory_space<hbm>> -> memref<10000x128xbf16, #tpu.memory_space<hbm>>
        tpu.enqueue_indirect_dma source(%dma_start3A_345 : memref<10000x128xbf16, #tpu.memory_space<hbm>>) target(%arg28 : memref<80x128xbf16, #tpu.memory_space<vmem>>) offsets(%arg16 : memref<80xi32, #tpu.memory_space<vmem>>) semaphore(%arg41 : memref<!tpu.dma_semaphore, #tpu.memory_space<semaphore_mem>>)
      } else {
      }
      %dma_wait3A_157 = arith.constant 0 : i32
      %dma_wait3A_158 = arith.constant 0 : i32
      %dma_wait3A_159 = tpu.memref_slice %arg4[%dma_wait3A_157, %dma_wait3A_158] : memref<10000x16xf32, #tpu.memory_space<hbm>> -> memref<10000x16xf32, #tpu.memory_space<hbm>>
      tpu.wait_indirect_dma semaphore(%arg42 : memref<!tpu.dma_semaphore, #tpu.memory_space<semaphore_mem>>) src(%dma_wait3A_159 : memref<10000x16xf32, #tpu.memory_space<hbm>>) dst(%arg25 : memref<80x16xf32, #tpu.memory_space<vmem>>)
      %dma_wait3A_160 = arith.constant 0 : i32
      %dma_wait3A_161 = arith.constant 0 : i32
      %dma_wait3A_162 = tpu.memref_slice %arg5[%dma_wait3A_160, %dma_wait3A_161] : memref<10000x16xf32, #tpu.memory_space<hbm>> -> memref<10000x16xf32, #tpu.memory_space<hbm>>
      tpu.wait_indirect_dma semaphore(%arg42 : memref<!tpu.dma_semaphore, #tpu.memory_space<semaphore_mem>>) src(%dma_wait3A_162 : memref<10000x16xf32, #tpu.memory_space<hbm>>) dst(%arg27 : memref<80x16xf32, #tpu.memory_space<vmem>>)
      %dma_wait3A_163 = arith.constant 0 : i32
      %dma_wait3A_164 = arith.constant 0 : i32
      %dma_wait3A_165 = tpu.memref_slice %arg6[%dma_wait3A_163, %dma_wait3A_164] : memref<10000x128xbf16, #tpu.memory_space<hbm>> -> memref<10000x128xbf16, #tpu.memory_space<hbm>>
      tpu.wait_indirect_dma semaphore(%arg42 : memref<!tpu.dma_semaphore, #tpu.memory_space<semaphore_mem>>) src(%dma_wait3A_165 : memref<10000x128xbf16, #tpu.memory_space<hbm>>) dst(%arg29 : memref<80x128xbf16, #tpu.memory_space<vmem>>)
      %ge3A_166 = arith.constant 2 : i32
      %ge3A_167 = arith.cmpi sge, %add3A_149, %ge3A_166 : i32
      %convert_element_type3A_168 = arith.extui %ge3A_167 : i1 to i32
      %cond3A_169 = arith.constant 0 : i32
      %cond3A_170 = arith.cmpi ne, %convert_element_type3A_168, %cond3A_169 : i32
      scf.if %cond3A_170 {
        %dma_wait3A_329 = arith.constant 0 : i32
        %dma_wait3A_330 = arith.constant 0 : i32
        %dma_wait3A_331 = tpu.memref_slice %arg36[%dma_wait3A_329, %dma_wait3A_330] : memref<10112x16xf32, #tpu.memory_space<vmem_shared>> -> memref<10112x16xf32, #tpu.memory_space<vmem_shared>>
        tpu.wait_indirect_dma semaphore(%arg44 : memref<!tpu.dma_semaphore, #tpu.memory_space<semaphore_mem>>) src(%arg31 : memref<80x16xf32, #tpu.memory_space<vmem>>) dst(%dma_wait3A_331 : memref<10112x16xf32, #tpu.memory_space<vmem_shared>>)
        %dma_wait3A_332 = arith.constant 0 : i32
        %dma_wait3A_333 = arith.constant 0 : i32
        %dma_wait3A_334 = tpu.memref_slice %arg35[%dma_wait3A_332, %dma_wait3A_333] : memref<10112x128xf32, #tpu.memory_space<vmem_shared>> -> memref<10112x128xf32, #tpu.memory_space<vmem_shared>>
        tpu.wait_indirect_dma semaphore(%arg44 : memref<!tpu.dma_semaphore, #tpu.memory_space<semaphore_mem>>) src(%arg33 : memref<80x128xf32, #tpu.memory_space<vmem>>) dst(%dma_wait3A_334 : memref<10112x128xf32, #tpu.memory_space<vmem_shared>>)
      } else {
      }
      %parallel_loop3A_171 = arith.constant 0 : i32
      %parallel_loop3A_172 = arith.constant 80 : i32
      %parallel_loop3A_173 = arith.constant 1 : i32
      scf.for %parallel_loop3A_329 = %parallel_loop3A_171 to %parallel_loop3A_172 step %parallel_loop3A_173  : i32 {
        %parallel_loop3A_330 = arith.index_cast %parallel_loop3A_329 : i32 to index
        %parallel_loop3A_331 = arith.constant 0 : index
        %parallel_loop3A_332 = tpu.vector_load %arg25[%parallel_loop3A_330, %parallel_loop3A_331] {strides = array<i32>} : memref<80x16xf32, #tpu.memory_space<vmem>>, vector<16xf32>,
        %parallel_loop3A_333 = arith.index_cast %parallel_loop3A_329 : i32 to index
        %parallel_loop3A_334 = arith.constant 0 : index
        %parallel_loop3A_335 = tpu.vector_load %arg27[%parallel_loop3A_333, %parallel_loop3A_334] {strides = array<i32>} : memref<80x16xf32, #tpu.memory_space<vmem>>, vector<16xf32>,
        %parallel_loop3A_336 = arith.addf %parallel_loop3A_332, %parallel_loop3A_335 : vector<16xf32>
        %parallel_loop3A_337 = arith.constant 0.000000e+00 : f32
        %parallel_loop3A_338 = vector.broadcast %parallel_loop3A_337 : f32 to vector<16xf32>
        %parallel_loop3A_339 = arith.cmpf oge, %parallel_loop3A_336, %parallel_loop3A_338 : vector<16xf32>
        %parallel_loop3A_340 = arith.constant 2.000000e-01 : f32
        %parallel_loop3A_341 = vector.broadcast %parallel_loop3A_340 : f32 to vector<16xf32>
        %parallel_loop3A_342 = arith.mulf %parallel_loop3A_336, %parallel_loop3A_341 : vector<16xf32>
        %parallel_loop3A_343 = arith.select %parallel_loop3A_339, %parallel_loop3A_336, %parallel_loop3A_342 : vector<16xi1>, vector<16xf32>
        %parallel_loop3A_344 = arith.subf %parallel_loop3A_343, %get3A_42 : vector<16xf32>
        %parallel_loop3A_345 = math.exp %parallel_loop3A_344 : vector<16xf32>
        %parallel_loop3A_346 = arith.index_cast %parallel_loop3A_329 : i32 to index
        %parallel_loop3A_347 = arith.constant 0 : index
        %parallel_loop3A_348 = tpu.vector_load %arg31[%parallel_loop3A_346, %parallel_loop3A_347] {strides = array<i32>} : memref<80x16xf32, #tpu.memory_space<vmem>>, vector<16xf32>,
        tpu.vector_store %arg31[%parallel_loop3A_346, %parallel_loop3A_347], %parallel_loop3A_345 {strides = array<i32>} : memref<80x16xf32, #tpu.memory_space<vmem>>, vector<16xf32>,
        %parallel_loop3A_349 = arith.index_cast %parallel_loop3A_329 : i32 to index
        %parallel_loop3A_350 = arith.constant 0 : index
        %parallel_loop3A_351 = tpu.vector_load %arg29[%parallel_loop3A_349, %parallel_loop3A_350] {strides = array<i32>} : memref<80x128xbf16, #tpu.memory_space<vmem>>, vector<32xbf16>,
        %parallel_loop3A_352 = tpu.unpack_subelements %parallel_loop3A_351, 0 {pack_format = #tpu.pack_format<interleaved>} : vector<32xbf16> -> vector<16xf32>
        %parallel_loop3A_353 = tpu.unpack_subelements %parallel_loop3A_351, 1 {pack_format = #tpu.pack_format<interleaved>} : vector<32xbf16> -> vector<16xf32>
        %parallel_loop3A_354 = vector.shape_cast %select_n3A : vector<16xi32> to vector<16x1xi32>
        %parallel_loop3A_355 = vector.shape_cast %parallel_loop3A_354 : vector<16x1xi32> to vector<16xi32>
        %parallel_loop3A_356 = tpu.dynamic_gather %parallel_loop3A_345[%parallel_loop3A_355] in [0] : vector<16xf32>, vector<16xi32> -> vector<16xf32>
        %parallel_loop3A_357 = arith.mulf %parallel_loop3A_352, %parallel_loop3A_356 : vector<16xf32>
        %parallel_loop3A_358 = arith.index_cast %parallel_loop3A_329 : i32 to index
        %parallel_loop3A_359 = arith.constant 0 : index
        %parallel_loop3A_360 = tpu.vector_load %arg33[%parallel_loop3A_358, %parallel_loop3A_359] {strides = array<i32>} : memref<80x128xf32, #tpu.memory_space<vmem>>, vector<16xf32>,
        tpu.vector_store %arg33[%parallel_loop3A_358, %parallel_loop3A_359], %parallel_loop3A_357 {strides = array<i32>} : memref<80x128xf32, #tpu.memory_space<vmem>>, vector<16xf32>,
        %parallel_loop3A_361 = arith.mulf %parallel_loop3A_353, %parallel_loop3A_356 : vector<16xf32>
        %parallel_loop3A_362 = arith.index_cast %parallel_loop3A_329 : i32 to index
        %parallel_loop3A_363 = arith.constant 16 : index
        %parallel_loop3A_364 = tpu.vector_load %arg33[%parallel_loop3A_362, %parallel_loop3A_363] {strides = array<i32>} : memref<80x128xf32, #tpu.memory_space<vmem>>, vector<16xf32>,
        tpu.vector_store %arg33[%parallel_loop3A_362, %parallel_loop3A_363], %parallel_loop3A_361 {strides = array<i32>} : memref<80x128xf32, #tpu.memory_space<vmem>>, vector<16xf32>,
        %parallel_loop3A_365 = arith.index_cast %parallel_loop3A_329 : i32 to index
        %parallel_loop3A_366 = arith.constant 32 : index
        %parallel_loop3A_367 = tpu.vector_load %arg29[%parallel_loop3A_365, %parallel_loop3A_366] {strides = array<i32>} : memref<80x128xbf16, #tpu.memory_space<vmem>>, vector<32xbf16>,
        %parallel_loop3A_368 = tpu.unpack_subelements %parallel_loop3A_367, 0 {pack_format = #tpu.pack_format<interleaved>} : vector<32xbf16> -> vector<16xf32>
        %parallel_loop3A_369 = tpu.unpack_subelements %parallel_loop3A_367, 1 {pack_format = #tpu.pack_format<interleaved>} : vector<32xbf16> -> vector<16xf32>
        %parallel_loop3A_370 = vector.shape_cast %select_n3A_49 : vector<16xi32> to vector<16x1xi32>
        %parallel_loop3A_371 = vector.shape_cast %parallel_loop3A_370 : vector<16x1xi32> to vector<16xi32>
        %parallel_loop3A_372 = tpu.dynamic_gather %parallel_loop3A_345[%parallel_loop3A_371] in [0] : vector<16xf32>, vector<16xi32> -> vector<16xf32>
        %parallel_loop3A_373 = arith.mulf %parallel_loop3A_368, %parallel_loop3A_372 : vector<16xf32>
        %parallel_loop3A_374 = arith.index_cast %parallel_loop3A_329 : i32 to index
        %parallel_loop3A_375 = arith.constant 32 : index
        %parallel_loop3A_376 = tpu.vector_load %arg33[%parallel_loop3A_374, %parallel_loop3A_375] {strides = array<i32>} : memref<80x128xf32, #tpu.memory_space<vmem>>, vector<16xf32>,
        tpu.vector_store %arg33[%parallel_loop3A_374, %parallel_loop3A_375], %parallel_loop3A_373 {strides = array<i32>} : memref<80x128xf32, #tpu.memory_space<vmem>>, vector<16xf32>,
        %parallel_loop3A_377 = arith.mulf %parallel_loop3A_369, %parallel_loop3A_372 : vector<16xf32>
        %parallel_loop3A_378 = arith.index_cast %parallel_loop3A_329 : i32 to index
        %parallel_loop3A_379 = arith.constant 48 : index
        %parallel_loop3A_380 = tpu.vector_load %arg33[%parallel_loop3A_378, %parallel_loop3A_379] {strides = array<i32>} : memref<80x128xf32, #tpu.memory_space<vmem>>, vector<16xf32>,
        tpu.vector_store %arg33[%parallel_loop3A_378, %parallel_loop3A_379], %parallel_loop3A_377 {strides = array<i32>} : memref<80x128xf32, #tpu.memory_space<vmem>>, vector<16xf32>,
        %parallel_loop3A_381 = arith.index_cast %parallel_loop3A_329 : i32 to index
        %parallel_loop3A_382 = arith.constant 64 : index
        %parallel_loop3A_383 = tpu.vector_load %arg29[%parallel_loop3A_381, %parallel_loop3A_382] {strides = array<i32>} : memref<80x128xbf16, #tpu.memory_space<vmem>>, vector<32xbf16>,
        %parallel_loop3A_384 = tpu.unpack_subelements %parallel_loop3A_383, 0 {pack_format = #tpu.pack_format<interleaved>} : vector<32xbf16> -> vector<16xf32>
        %parallel_loop3A_385 = tpu.unpack_subelements %parallel_loop3A_383, 1 {pack_format = #tpu.pack_format<interleaved>} : vector<32xbf16> -> vector<16xf32>
        %parallel_loop3A_386 = vector.shape_cast %select_n3A_54 : vector<16xi32> to vector<16x1xi32>
        %parallel_loop3A_387 = vector.shape_cast %parallel_loop3A_386 : vector<16x1xi32> to vector<16xi32>
        %parallel_loop3A_388 = tpu.dynamic_gather %parallel_loop3A_345[%parallel_loop3A_387] in [0] : vector<16xf32>, vector<16xi32> -> vector<16xf32>
        %parallel_loop3A_389 = arith.mulf %parallel_loop3A_384, %parallel_loop3A_388 : vector<16xf32>
        %parallel_loop3A_390 = arith.index_cast %parallel_loop3A_329 : i32 to index
        %parallel_loop3A_391 = arith.constant 64 : index
        %parallel_loop3A_392 = tpu.vector_load %arg33[%parallel_loop3A_390, %parallel_loop3A_391] {strides = array<i32>} : memref<80x128xf32, #tpu.memory_space<vmem>>, vector<16xf32>,
        tpu.vector_store %arg33[%parallel_loop3A_390, %parallel_loop3A_391], %parallel_loop3A_389 {strides = array<i32>} : memref<80x128xf32, #tpu.memory_space<vmem>>, vector<16xf32>,
        %parallel_loop3A_393 = arith.mulf %parallel_loop3A_385, %parallel_loop3A_388 : vector<16xf32>
        %parallel_loop3A_394 = arith.index_cast %parallel_loop3A_329 : i32 to index
        %parallel_loop3A_395 = arith.constant 80 : index
        %parallel_loop3A_396 = tpu.vector_load %arg33[%parallel_loop3A_394, %parallel_loop3A_395] {strides = array<i32>} : memref<80x128xf32, #tpu.memory_space<vmem>>, vector<16xf32>,
        tpu.vector_store %arg33[%parallel_loop3A_394, %parallel_loop3A_395], %parallel_loop3A_393 {strides = array<i32>} : memref<80x128xf32, #tpu.memory_space<vmem>>, vector<16xf32>,
        %parallel_loop3A_397 = arith.index_cast %parallel_loop3A_329 : i32 to index
        %parallel_loop3A_398 = arith.constant 96 : index
        %parallel_loop3A_399 = tpu.vector_load %arg29[%parallel_loop3A_397, %parallel_loop3A_398] {strides = array<i32>} : memref<80x128xbf16, #tpu.memory_space<vmem>>, vector<32xbf16>,
        %parallel_loop3A_400 = tpu.unpack_subelements %parallel_loop3A_399, 0 {pack_format = #tpu.pack_format<interleaved>} : vector<32xbf16> -> vector<16xf32>
        %parallel_loop3A_401 = tpu.unpack_subelements %parallel_loop3A_399, 1 {pack_format = #tpu.pack_format<interleaved>} : vector<32xbf16> -> vector<16xf32>
        %parallel_loop3A_402 = vector.shape_cast %select_n3A_59 : vector<16xi32> to vector<16x1xi32>
        %parallel_loop3A_403 = vector.shape_cast %parallel_loop3A_402 : vector<16x1xi32> to vector<16xi32>
        %parallel_loop3A_404 = tpu.dynamic_gather %parallel_loop3A_345[%parallel_loop3A_403] in [0] : vector<16xf32>, vector<16xi32> -> vector<16xf32>
        %parallel_loop3A_405 = arith.mulf %parallel_loop3A_400, %parallel_loop3A_404 : vector<16xf32>
        %parallel_loop3A_406 = arith.index_cast %parallel_loop3A_329 : i32 to index
        %parallel_loop3A_407 = arith.constant 96 : index
        %parallel_loop3A_408 = tpu.vector_load %arg33[%parallel_loop3A_406, %parallel_loop3A_407] {strides = array<i32>} : memref<80x128xf32, #tpu.memory_space<vmem>>, vector<16xf32>,
        tpu.vector_store %arg33[%parallel_loop3A_406, %parallel_loop3A_407], %parallel_loop3A_405 {strides = array<i32>} : memref<80x128xf32, #tpu.memory_space<vmem>>, vector<16xf32>,
        %parallel_loop3A_409 = arith.mulf %parallel_loop3A_401, %parallel_loop3A_404 : vector<16xf32>
        %parallel_loop3A_410 = arith.index_cast %parallel_loop3A_329 : i32 to index
        %parallel_loop3A_411 = arith.constant 112 : index
        %parallel_loop3A_412 = tpu.vector_load %arg33[%parallel_loop3A_410, %parallel_loop3A_411] {strides = array<i32>} : memref<80x128xf32, #tpu.memory_space<vmem>>, vector<16xf32>,
        tpu.vector_store %arg33[%parallel_loop3A_410, %parallel_loop3A_411], %parallel_loop3A_409 {strides = array<i32>} : memref<80x128xf32, #tpu.memory_space<vmem>>, vector<16xf32>,
      } {sc.loop_unroll_factor = 8 : i64, sc.parallel_access}
      %get3A_174 = arith.constant 0 : index
      %get3A_175 = tpu.vector_load %arg19[%get3A_174] {strides = array<i32>} : memref<80xi32, #tpu.memory_space<vmem>>, vector<16xi32>,
      %swap3A_176 = arith.constant 0 : index
      %swap3A_177 = tpu.vector_load %arg23[%swap3A_176] {strides = array<i32>} : memref<80xi32, #tpu.memory_space<vmem>>, vector<16xi32>,
      tpu.vector_store %arg23[%swap3A_176], %get3A_175 {strides = array<i32>} : memref<80xi32, #tpu.memory_space<vmem>>, vector<16xi32>,
      %get3A_178 = arith.constant 16 : index
      %get3A_179 = tpu.vector_load %arg19[%get3A_178] {strides = array<i32>} : memref<80xi32, #tpu.memory_space<vmem>>, vector<16xi32>,
      %swap3A_180 = arith.constant 16 : index
      %swap3A_181 = tpu.vector_load %arg23[%swap3A_180] {strides = array<i32>} : memref<80xi32, #tpu.memory_space<vmem>>, vector<16xi32>,
      tpu.vector_store %arg23[%swap3A_180], %get3A_179 {strides = array<i32>} : memref<80xi32, #tpu.memory_space<vmem>>, vector<16xi32>,
      %get3A_182 = arith.constant 32 : index
      %get3A_183 = tpu.vector_load %arg19[%get3A_182] {strides = array<i32>} : memref<80xi32, #tpu.memory_space<vmem>>, vector<16xi32>,
      %swap3A_184 = arith.constant 32 : index
      %swap3A_185 = tpu.vector_load %arg23[%swap3A_184] {strides = array<i32>} : memref<80xi32, #tpu.memory_space<vmem>>, vector<16xi32>,
      tpu.vector_store %arg23[%swap3A_184], %get3A_183 {strides = array<i32>} : memref<80xi32, #tpu.memory_space<vmem>>, vector<16xi32>,
      %get3A_186 = arith.constant 48 : index
      %get3A_187 = tpu.vector_load %arg19[%get3A_186] {strides = array<i32>} : memref<80xi32, #tpu.memory_space<vmem>>, vector<16xi32>,
      %swap3A_188 = arith.constant 48 : index
      %swap3A_189 = tpu.vector_load %arg23[%swap3A_188] {strides = array<i32>} : memref<80xi32, #tpu.memory_space<vmem>>, vector<16xi32>,
      tpu.vector_store %arg23[%swap3A_188], %get3A_187 {strides = array<i32>} : memref<80xi32, #tpu.memory_space<vmem>>, vector<16xi32>,
      %get3A_190 = arith.constant 64 : index
      %get3A_191 = tpu.vector_load %arg19[%get3A_190] {strides = array<i32>} : memref<80xi32, #tpu.memory_space<vmem>>, vector<16xi32>,
      %swap3A_192 = arith.constant 64 : index
      %swap3A_193 = tpu.vector_load %arg23[%swap3A_192] {strides = array<i32>} : memref<80xi32, #tpu.memory_space<vmem>>, vector<16xi32>,
      tpu.vector_store %arg23[%swap3A_192], %get3A_191 {strides = array<i32>} : memref<80xi32, #tpu.memory_space<vmem>>, vector<16xi32>,
      %dma_start3A_194 = arith.constant 0 : i32
      %dma_start3A_195 = arith.constant 0 : i32
      %dma_start3A_196 = tpu.memref_slice %arg36[%dma_start3A_194, %dma_start3A_195] : memref<10112x16xf32, #tpu.memory_space<vmem_shared>> -> memref<10112x16xf32, #tpu.memory_space<vmem_shared>>
      tpu.enqueue_indirect_dma source(%arg31 : memref<80x16xf32, #tpu.memory_space<vmem>>) target(%dma_start3A_196 : memref<10112x16xf32, #tpu.memory_space<vmem_shared>>) offsets(%arg23 : memref<80xi32, #tpu.memory_space<vmem>>) semaphore(%arg44 : memref<!tpu.dma_semaphore, #tpu.memory_space<semaphore_mem>>) {add = true}
      %dma_start3A_197 = arith.constant 0 : i32
      %dma_start3A_198 = arith.constant 0 : i32
      %dma_start3A_199 = tpu.memref_slice %arg35[%dma_start3A_197, %dma_start3A_198] : memref<10112x128xf32, #tpu.memory_space<vmem_shared>> -> memref<10112x128xf32, #tpu.memory_space<vmem_shared>>
      tpu.enqueue_indirect_dma source(%arg33 : memref<80x128xf32, #tpu.memory_space<vmem>>) target(%dma_start3A_199 : memref<10112x128xf32, #tpu.memory_space<vmem_shared>>) offsets(%arg23 : memref<80xi32, #tpu.memory_space<vmem>>) semaphore(%arg44 : memref<!tpu.dma_semaphore, #tpu.memory_space<semaphore_mem>>) {add = true}
      %add3A_200 = arith.constant 3 : i32
      %add3A_201 = arith.addi %add3A_149, %add3A_200 : i32
      %lt3A_202 = arith.constant 128 : i32
      %lt3A_203 = arith.cmpi slt, %add3A_201, %lt3A_202 : i32
      %convert_element_type3A_204 = arith.extui %lt3A_203 : i1 to i32
      %cond3A_205 = arith.constant 0 : i32
      %cond3A_206 = arith.cmpi ne, %convert_element_type3A_204, %cond3A_205 : i32
      scf.if %cond3A_206 {
        %add3A_329 = arith.constant 3 : i32
        %add3A_330 = arith.addi %add3A_149, %add3A_329 : i32
        %mul3A_331 = arith.constant 80 : i32
        %mul3A_332 = arith.muli %add3A_330, %mul3A_331 : i32
        %add3A_333 = arith.addi %mul3A_2, %mul3A_332 : i32
        %dma_start3A_334 = tpu.memref_slice %arg2[%add3A_333] : memref<327680xi32, #tpu.memory_space<hbm>> -> memref<80xi32, #tpu.memory_space<hbm>>
        %dma_start3A_335 = tpu.memref_slice %arg2[%add3A_333] : memref<327680xi32, #tpu.memory_space<hbm>> -> memref<80xi32, #tpu.memory_space<hbm>>
        tpu.enqueue_dma source(%dma_start3A_335 : memref<80xi32, #tpu.memory_space<hbm>>) target(%arg14 : memref<80xi32, #tpu.memory_space<vmem>>) target_semaphore(%arg37 : memref<!tpu.dma_semaphore, #tpu.memory_space<semaphore_mem>>)
        %dma_start3A_336 = tpu.memref_slice %arg3[%add3A_333] : memref<327680xi32, #tpu.memory_space<hbm>> -> memref<80xi32, #tpu.memory_space<hbm>>
        %dma_start3A_337 = tpu.memref_slice %arg3[%add3A_333] : memref<327680xi32, #tpu.memory_space<hbm>> -> memref<80xi32, #tpu.memory_space<hbm>>
        tpu.enqueue_dma source(%dma_start3A_337 : memref<80xi32, #tpu.memory_space<hbm>>) target(%arg18 : memref<80xi32, #tpu.memory_space<vmem>>) target_semaphore(%arg37 : memref<!tpu.dma_semaphore, #tpu.memory_space<semaphore_mem>>)
      } else {
      }
      %mul3A_207 = arith.constant 4 : i32
      %mul3A_208 = arith.muli %scan3A_87, %mul3A_207 : i32
      %add3A_209 = arith.constant 2 : i32
      %add3A_210 = arith.addi %mul3A_208, %add3A_209 : i32
      %add3A_211 = arith.constant 1 : i32
      %add3A_212 = arith.addi %add3A_210, %add3A_211 : i32
      %lt3A_213 = arith.constant 128 : i32
      %lt3A_214 = arith.cmpi slt, %add3A_212, %lt3A_213 : i32
      %convert_element_type3A_215 = arith.extui %lt3A_214 : i1 to i32
      %cond3A_216 = arith.constant 0 : i32
      %cond3A_217 = arith.cmpi ne, %convert_element_type3A_215, %cond3A_216 : i32
      scf.if %cond3A_217 {
        %dma_wait3A_329 = arith.constant 0 : i32
        %dma_wait3A_330 = tpu.memref_slice %arg2[%dma_wait3A_329] : memref<327680xi32, #tpu.memory_space<hbm>> -> memref<80xi32, #tpu.memory_space<hbm>>
        %dma_wait3A_331 = arith.constant 0 : i32
        %dma_wait3A_332 = tpu.memref_slice %arg2[%dma_wait3A_331] : memref<327680xi32, #tpu.memory_space<hbm>> -> memref<80xi32, #tpu.memory_space<hbm>>
        tpu.wait_dma2 semaphore(%arg40 : memref<!tpu.dma_semaphore, #tpu.memory_space<semaphore_mem>>) src(%dma_wait3A_332 : memref<80xi32, #tpu.memory_space<hbm>>) dst(%arg17 : memref<80xi32, #tpu.memory_space<vmem>>)
        %dma_wait3A_333 = arith.constant 0 : i32
        %dma_wait3A_334 = tpu.memref_slice %arg3[%dma_wait3A_333] : memref<327680xi32, #tpu.memory_space<hbm>> -> memref<80xi32, #tpu.memory_space<hbm>>
        %dma_wait3A_335 = arith.constant 0 : i32
        %dma_wait3A_336 = tpu.memref_slice %arg3[%dma_wait3A_335] : memref<327680xi32, #tpu.memory_space<hbm>> -> memref<80xi32, #tpu.memory_space<hbm>>
        tpu.wait_dma2 semaphore(%arg40 : memref<!tpu.dma_semaphore, #tpu.memory_space<semaphore_mem>>) src(%dma_wait3A_336 : memref<80xi32, #tpu.memory_space<hbm>>) dst(%arg21 : memref<80xi32, #tpu.memory_space<vmem>>)
        %dma_start3A_337 = arith.constant 0 : i32
        %dma_start3A_338 = arith.constant 0 : i32
        %dma_start3A_339 = tpu.memref_slice %arg4[%dma_start3A_337, %dma_start3A_338] : memref<10000x16xf32, #tpu.memory_space<hbm>> -> memref<10000x16xf32, #tpu.memory_space<hbm>>
        tpu.enqueue_indirect_dma source(%dma_start3A_339 : memref<10000x16xf32, #tpu.memory_space<hbm>>) target(%arg25 : memref<80x16xf32, #tpu.memory_space<vmem>>) offsets(%arg17 : memref<80xi32, #tpu.memory_space<vmem>>) semaphore(%arg42 : memref<!tpu.dma_semaphore, #tpu.memory_space<semaphore_mem>>)
        %dma_start3A_340 = arith.constant 0 : i32
        %dma_start3A_341 = arith.constant 0 : i32
        %dma_start3A_342 = tpu.memref_slice %arg5[%dma_start3A_340, %dma_start3A_341] : memref<10000x16xf32, #tpu.memory_space<hbm>> -> memref<10000x16xf32, #tpu.memory_space<hbm>>
        tpu.enqueue_indirect_dma source(%dma_start3A_342 : memref<10000x16xf32, #tpu.memory_space<hbm>>) target(%arg27 : memref<80x16xf32, #tpu.memory_space<vmem>>) offsets(%arg21 : memref<80xi32, #tpu.memory_space<vmem>>) semaphore(%arg42 : memref<!tpu.dma_semaphore, #tpu.memory_space<semaphore_mem>>)
        %dma_start3A_343 = arith.constant 0 : i32
        %dma_start3A_344 = arith.constant 0 : i32
        %dma_start3A_345 = tpu.memref_slice %arg6[%dma_start3A_343, %dma_start3A_344] : memref<10000x128xbf16, #tpu.memory_space<hbm>> -> memref<10000x128xbf16, #tpu.memory_space<hbm>>
        tpu.enqueue_indirect_dma source(%dma_start3A_345 : memref<10000x128xbf16, #tpu.memory_space<hbm>>) target(%arg29 : memref<80x128xbf16, #tpu.memory_space<vmem>>) offsets(%arg17 : memref<80xi32, #tpu.memory_space<vmem>>) semaphore(%arg42 : memref<!tpu.dma_semaphore, #tpu.memory_space<semaphore_mem>>)
      } else {
      }
      %dma_wait3A_218 = arith.constant 0 : i32
      %dma_wait3A_219 = arith.constant 0 : i32
      %dma_wait3A_220 = tpu.memref_slice %arg4[%dma_wait3A_218, %dma_wait3A_219] : memref<10000x16xf32, #tpu.memory_space<hbm>> -> memref<10000x16xf32, #tpu.memory_space<hbm>>
      tpu.wait_indirect_dma semaphore(%arg41 : memref<!tpu.dma_semaphore, #tpu.memory_space<semaphore_mem>>) src(%dma_wait3A_220 : memref<10000x16xf32, #tpu.memory_space<hbm>>) dst(%arg24 : memref<80x16xf32, #tpu.memory_space<vmem>>)
      %dma_wait3A_221 = arith.constant 0 : i32
      %dma_wait3A_222 = arith.constant 0 : i32
      %dma_wait3A_223 = tpu.memref_slice %arg5[%dma_wait3A_221, %dma_wait3A_222] : memref<10000x16xf32, #tpu.memory_space<hbm>> -> memref<10000x16xf32, #tpu.memory_space<hbm>>
      tpu.wait_indirect_dma semaphore(%arg41 : memref<!tpu.dma_semaphore, #tpu.memory_space<semaphore_mem>>) src(%dma_wait3A_223 : memref<10000x16xf32, #tpu.memory_space<hbm>>) dst(%arg26 : memref<80x16xf32, #tpu.memory_space<vmem>>)
      %dma_wait3A_224 = arith.constant 0 : i32
      %dma_wait3A_225 = arith.constant 0 : i32
      %dma_wait3A_226 = tpu.memref_slice %arg6[%dma_wait3A_224, %dma_wait3A_225] : memref<10000x128xbf16, #tpu.memory_space<hbm>> -> memref<10000x128xbf16, #tpu.memory_space<hbm>>
      tpu.wait_indirect_dma semaphore(%arg41 : memref<!tpu.dma_semaphore, #tpu.memory_space<semaphore_mem>>) src(%dma_wait3A_226 : memref<10000x128xbf16, #tpu.memory_space<hbm>>) dst(%arg28 : memref<80x128xbf16, #tpu.memory_space<vmem>>)
      %ge3A_227 = arith.constant 2 : i32
      %ge3A_228 = arith.cmpi sge, %add3A_210, %ge3A_227 : i32
      %convert_element_type3A_229 = arith.extui %ge3A_228 : i1 to i32
      %cond3A_230 = arith.constant 0 : i32
      %cond3A_231 = arith.cmpi ne, %convert_element_type3A_229, %cond3A_230 : i32
      scf.if %cond3A_231 {
        %dma_wait3A_329 = arith.constant 0 : i32
        %dma_wait3A_330 = arith.constant 0 : i32
        %dma_wait3A_331 = tpu.memref_slice %arg36[%dma_wait3A_329, %dma_wait3A_330] : memref<10112x16xf32, #tpu.memory_space<vmem_shared>> -> memref<10112x16xf32, #tpu.memory_space<vmem_shared>>
        tpu.wait_indirect_dma semaphore(%arg43 : memref<!tpu.dma_semaphore, #tpu.memory_space<semaphore_mem>>) src(%arg30 : memref<80x16xf32, #tpu.memory_space<vmem>>) dst(%dma_wait3A_331 : memref<10112x16xf32, #tpu.memory_space<vmem_shared>>)
        %dma_wait3A_332 = arith.constant 0 : i32
        %dma_wait3A_333 = arith.constant 0 : i32
        %dma_wait3A_334 = tpu.memref_slice %arg35[%dma_wait3A_332, %dma_wait3A_333] : memref<10112x128xf32, #tpu.memory_space<vmem_shared>> -> memref<10112x128xf32, #tpu.memory_space<vmem_shared>>
        tpu.wait_indirect_dma semaphore(%arg43 : memref<!tpu.dma_semaphore, #tpu.memory_space<semaphore_mem>>) src(%arg32 : memref<80x128xf32, #tpu.memory_space<vmem>>) dst(%dma_wait3A_334 : memref<10112x128xf32, #tpu.memory_space<vmem_shared>>)
      } else {
      }
      %parallel_loop3A_232 = arith.constant 0 : i32
      %parallel_loop3A_233 = arith.constant 80 : i32
      %parallel_loop3A_234 = arith.constant 1 : i32
      scf.for %parallel_loop3A_329 = %parallel_loop3A_232 to %parallel_loop3A_233 step %parallel_loop3A_234  : i32 {
        %parallel_loop3A_330 = arith.index_cast %parallel_loop3A_329 : i32 to index
        %parallel_loop3A_331 = arith.constant 0 : index
        %parallel_loop3A_332 = tpu.vector_load %arg24[%parallel_loop3A_330, %parallel_loop3A_331] {strides = array<i32>} : memref<80x16xf32, #tpu.memory_space<vmem>>, vector<16xf32>,
        %parallel_loop3A_333 = arith.index_cast %parallel_loop3A_329 : i32 to index
        %parallel_loop3A_334 = arith.constant 0 : index
        %parallel_loop3A_335 = tpu.vector_load %arg26[%parallel_loop3A_333, %parallel_loop3A_334] {strides = array<i32>} : memref<80x16xf32, #tpu.memory_space<vmem>>, vector<16xf32>,
        %parallel_loop3A_336 = arith.addf %parallel_loop3A_332, %parallel_loop3A_335 : vector<16xf32>
        %parallel_loop3A_337 = arith.constant 0.000000e+00 : f32
        %parallel_loop3A_338 = vector.broadcast %parallel_loop3A_337 : f32 to vector<16xf32>
        %parallel_loop3A_339 = arith.cmpf oge, %parallel_loop3A_336, %parallel_loop3A_338 : vector<16xf32>
        %parallel_loop3A_340 = arith.constant 2.000000e-01 : f32
        %parallel_loop3A_341 = vector.broadcast %parallel_loop3A_340 : f32 to vector<16xf32>
        %parallel_loop3A_342 = arith.mulf %parallel_loop3A_336, %parallel_loop3A_341 : vector<16xf32>
        %parallel_loop3A_343 = arith.select %parallel_loop3A_339, %parallel_loop3A_336, %parallel_loop3A_342 : vector<16xi1>, vector<16xf32>
        %parallel_loop3A_344 = arith.subf %parallel_loop3A_343, %get3A_42 : vector<16xf32>
        %parallel_loop3A_345 = math.exp %parallel_loop3A_344 : vector<16xf32>
        %parallel_loop3A_346 = arith.index_cast %parallel_loop3A_329 : i32 to index
        %parallel_loop3A_347 = arith.constant 0 : index
        %parallel_loop3A_348 = tpu.vector_load %arg30[%parallel_loop3A_346, %parallel_loop3A_347] {strides = array<i32>} : memref<80x16xf32, #tpu.memory_space<vmem>>, vector<16xf32>,
        tpu.vector_store %arg30[%parallel_loop3A_346, %parallel_loop3A_347], %parallel_loop3A_345 {strides = array<i32>} : memref<80x16xf32, #tpu.memory_space<vmem>>, vector<16xf32>,
        %parallel_loop3A_349 = arith.index_cast %parallel_loop3A_329 : i32 to index
        %parallel_loop3A_350 = arith.constant 0 : index
        %parallel_loop3A_351 = tpu.vector_load %arg28[%parallel_loop3A_349, %parallel_loop3A_350] {strides = array<i32>} : memref<80x128xbf16, #tpu.memory_space<vmem>>, vector<32xbf16>,
        %parallel_loop3A_352 = tpu.unpack_subelements %parallel_loop3A_351, 0 {pack_format = #tpu.pack_format<interleaved>} : vector<32xbf16> -> vector<16xf32>
        %parallel_loop3A_353 = tpu.unpack_subelements %parallel_loop3A_351, 1 {pack_format = #tpu.pack_format<interleaved>} : vector<32xbf16> -> vector<16xf32>
        %parallel_loop3A_354 = vector.shape_cast %select_n3A : vector<16xi32> to vector<16x1xi32>
        %parallel_loop3A_355 = vector.shape_cast %parallel_loop3A_354 : vector<16x1xi32> to vector<16xi32>
        %parallel_loop3A_356 = tpu.dynamic_gather %parallel_loop3A_345[%parallel_loop3A_355] in [0] : vector<16xf32>, vector<16xi32> -> vector<16xf32>
        %parallel_loop3A_357 = arith.mulf %parallel_loop3A_352, %parallel_loop3A_356 : vector<16xf32>
        %parallel_loop3A_358 = arith.index_cast %parallel_loop3A_329 : i32 to index
        %parallel_loop3A_359 = arith.constant 0 : index
        %parallel_loop3A_360 = tpu.vector_load %arg32[%parallel_loop3A_358, %parallel_loop3A_359] {strides = array<i32>} : memref<80x128xf32, #tpu.memory_space<vmem>>, vector<16xf32>,
        tpu.vector_store %arg32[%parallel_loop3A_358, %parallel_loop3A_359], %parallel_loop3A_357 {strides = array<i32>} : memref<80x128xf32, #tpu.memory_space<vmem>>, vector<16xf32>,
        %parallel_loop3A_361 = arith.mulf %parallel_loop3A_353, %parallel_loop3A_356 : vector<16xf32>
        %parallel_loop3A_362 = arith.index_cast %parallel_loop3A_329 : i32 to index
        %parallel_loop3A_363 = arith.constant 16 : index
        %parallel_loop3A_364 = tpu.vector_load %arg32[%parallel_loop3A_362, %parallel_loop3A_363] {strides = array<i32>} : memref<80x128xf32, #tpu.memory_space<vmem>>, vector<16xf32>,
        tpu.vector_store %arg32[%parallel_loop3A_362, %parallel_loop3A_363], %parallel_loop3A_361 {strides = array<i32>} : memref<80x128xf32, #tpu.memory_space<vmem>>, vector<16xf32>,
        %parallel_loop3A_365 = arith.index_cast %parallel_loop3A_329 : i32 to index
        %parallel_loop3A_366 = arith.constant 32 : index
        %parallel_loop3A_367 = tpu.vector_load %arg28[%parallel_loop3A_365, %parallel_loop3A_366] {strides = array<i32>} : memref<80x128xbf16, #tpu.memory_space<vmem>>, vector<32xbf16>,
        %parallel_loop3A_368 = tpu.unpack_subelements %parallel_loop3A_367, 0 {pack_format = #tpu.pack_format<interleaved>} : vector<32xbf16> -> vector<16xf32>
        %parallel_loop3A_369 = tpu.unpack_subelements %parallel_loop3A_367, 1 {pack_format = #tpu.pack_format<interleaved>} : vector<32xbf16> -> vector<16xf32>
        %parallel_loop3A_370 = vector.shape_cast %select_n3A_49 : vector<16xi32> to vector<16x1xi32>
        %parallel_loop3A_371 = vector.shape_cast %parallel_loop3A_370 : vector<16x1xi32> to vector<16xi32>
        %parallel_loop3A_372 = tpu.dynamic_gather %parallel_loop3A_345[%parallel_loop3A_371] in [0] : vector<16xf32>, vector<16xi32> -> vector<16xf32>
        %parallel_loop3A_373 = arith.mulf %parallel_loop3A_368, %parallel_loop3A_372 : vector<16xf32>
        %parallel_loop3A_374 = arith.index_cast %parallel_loop3A_329 : i32 to index
        %parallel_loop3A_375 = arith.constant 32 : index
        %parallel_loop3A_376 = tpu.vector_load %arg32[%parallel_loop3A_374, %parallel_loop3A_375] {strides = array<i32>} : memref<80x128xf32, #tpu.memory_space<vmem>>, vector<16xf32>,
        tpu.vector_store %arg32[%parallel_loop3A_374, %parallel_loop3A_375], %parallel_loop3A_373 {strides = array<i32>} : memref<80x128xf32, #tpu.memory_space<vmem>>, vector<16xf32>,
        %parallel_loop3A_377 = arith.mulf %parallel_loop3A_369, %parallel_loop3A_372 : vector<16xf32>
        %parallel_loop3A_378 = arith.index_cast %parallel_loop3A_329 : i32 to index
        %parallel_loop3A_379 = arith.constant 48 : index
        %parallel_loop3A_380 = tpu.vector_load %arg32[%parallel_loop3A_378, %parallel_loop3A_379] {strides = array<i32>} : memref<80x128xf32, #tpu.memory_space<vmem>>, vector<16xf32>,
        tpu.vector_store %arg32[%parallel_loop3A_378, %parallel_loop3A_379], %parallel_loop3A_377 {strides = array<i32>} : memref<80x128xf32, #tpu.memory_space<vmem>>, vector<16xf32>,
        %parallel_loop3A_381 = arith.index_cast %parallel_loop3A_329 : i32 to index
        %parallel_loop3A_382 = arith.constant 64 : index
        %parallel_loop3A_383 = tpu.vector_load %arg28[%parallel_loop3A_381, %parallel_loop3A_382] {strides = array<i32>} : memref<80x128xbf16, #tpu.memory_space<vmem>>, vector<32xbf16>,
        %parallel_loop3A_384 = tpu.unpack_subelements %parallel_loop3A_383, 0 {pack_format = #tpu.pack_format<interleaved>} : vector<32xbf16> -> vector<16xf32>
        %parallel_loop3A_385 = tpu.unpack_subelements %parallel_loop3A_383, 1 {pack_format = #tpu.pack_format<interleaved>} : vector<32xbf16> -> vector<16xf32>
        %parallel_loop3A_386 = vector.shape_cast %select_n3A_54 : vector<16xi32> to vector<16x1xi32>
        %parallel_loop3A_387 = vector.shape_cast %parallel_loop3A_386 : vector<16x1xi32> to vector<16xi32>
        %parallel_loop3A_388 = tpu.dynamic_gather %parallel_loop3A_345[%parallel_loop3A_387] in [0] : vector<16xf32>, vector<16xi32> -> vector<16xf32>
        %parallel_loop3A_389 = arith.mulf %parallel_loop3A_384, %parallel_loop3A_388 : vector<16xf32>
        %parallel_loop3A_390 = arith.index_cast %parallel_loop3A_329 : i32 to index
        %parallel_loop3A_391 = arith.constant 64 : index
        %parallel_loop3A_392 = tpu.vector_load %arg32[%parallel_loop3A_390, %parallel_loop3A_391] {strides = array<i32>} : memref<80x128xf32, #tpu.memory_space<vmem>>, vector<16xf32>,
        tpu.vector_store %arg32[%parallel_loop3A_390, %parallel_loop3A_391], %parallel_loop3A_389 {strides = array<i32>} : memref<80x128xf32, #tpu.memory_space<vmem>>, vector<16xf32>,
        %parallel_loop3A_393 = arith.mulf %parallel_loop3A_385, %parallel_loop3A_388 : vector<16xf32>
        %parallel_loop3A_394 = arith.index_cast %parallel_loop3A_329 : i32 to index
        %parallel_loop3A_395 = arith.constant 80 : index
        %parallel_loop3A_396 = tpu.vector_load %arg32[%parallel_loop3A_394, %parallel_loop3A_395] {strides = array<i32>} : memref<80x128xf32, #tpu.memory_space<vmem>>, vector<16xf32>,
        tpu.vector_store %arg32[%parallel_loop3A_394, %parallel_loop3A_395], %parallel_loop3A_393 {strides = array<i32>} : memref<80x128xf32, #tpu.memory_space<vmem>>, vector<16xf32>,
        %parallel_loop3A_397 = arith.index_cast %parallel_loop3A_329 : i32 to index
        %parallel_loop3A_398 = arith.constant 96 : index
        %parallel_loop3A_399 = tpu.vector_load %arg28[%parallel_loop3A_397, %parallel_loop3A_398] {strides = array<i32>} : memref<80x128xbf16, #tpu.memory_space<vmem>>, vector<32xbf16>,
        %parallel_loop3A_400 = tpu.unpack_subelements %parallel_loop3A_399, 0 {pack_format = #tpu.pack_format<interleaved>} : vector<32xbf16> -> vector<16xf32>
        %parallel_loop3A_401 = tpu.unpack_subelements %parallel_loop3A_399, 1 {pack_format = #tpu.pack_format<interleaved>} : vector<32xbf16> -> vector<16xf32>
        %parallel_loop3A_402 = vector.shape_cast %select_n3A_59 : vector<16xi32> to vector<16x1xi32>
        %parallel_loop3A_403 = vector.shape_cast %parallel_loop3A_402 : vector<16x1xi32> to vector<16xi32>
        %parallel_loop3A_404 = tpu.dynamic_gather %parallel_loop3A_345[%parallel_loop3A_403] in [0] : vector<16xf32>, vector<16xi32> -> vector<16xf32>
        %parallel_loop3A_405 = arith.mulf %parallel_loop3A_400, %parallel_loop3A_404 : vector<16xf32>
        %parallel_loop3A_406 = arith.index_cast %parallel_loop3A_329 : i32 to index
        %parallel_loop3A_407 = arith.constant 96 : index
        %parallel_loop3A_408 = tpu.vector_load %arg32[%parallel_loop3A_406, %parallel_loop3A_407] {strides = array<i32>} : memref<80x128xf32, #tpu.memory_space<vmem>>, vector<16xf32>,
        tpu.vector_store %arg32[%parallel_loop3A_406, %parallel_loop3A_407], %parallel_loop3A_405 {strides = array<i32>} : memref<80x128xf32, #tpu.memory_space<vmem>>, vector<16xf32>,
        %parallel_loop3A_409 = arith.mulf %parallel_loop3A_401, %parallel_loop3A_404 : vector<16xf32>
        %parallel_loop3A_410 = arith.index_cast %parallel_loop3A_329 : i32 to index
        %parallel_loop3A_411 = arith.constant 112 : index
        %parallel_loop3A_412 = tpu.vector_load %arg32[%parallel_loop3A_410, %parallel_loop3A_411] {strides = array<i32>} : memref<80x128xf32, #tpu.memory_space<vmem>>, vector<16xf32>,
        tpu.vector_store %arg32[%parallel_loop3A_410, %parallel_loop3A_411], %parallel_loop3A_409 {strides = array<i32>} : memref<80x128xf32, #tpu.memory_space<vmem>>, vector<16xf32>,
      } {sc.loop_unroll_factor = 8 : i64, sc.parallel_access}
      %get3A_235 = arith.constant 0 : index
      %get3A_236 = tpu.vector_load %arg20[%get3A_235] {strides = array<i32>} : memref<80xi32, #tpu.memory_space<vmem>>, vector<16xi32>,
      %swap3A_237 = arith.constant 0 : index
      %swap3A_238 = tpu.vector_load %arg22[%swap3A_237] {strides = array<i32>} : memref<80xi32, #tpu.memory_space<vmem>>, vector<16xi32>,
      tpu.vector_store %arg22[%swap3A_237], %get3A_236 {strides = array<i32>} : memref<80xi32, #tpu.memory_space<vmem>>, vector<16xi32>,
      %get3A_239 = arith.constant 16 : index
      %get3A_240 = tpu.vector_load %arg20[%get3A_239] {strides = array<i32>} : memref<80xi32, #tpu.memory_space<vmem>>, vector<16xi32>,
      %swap3A_241 = arith.constant 16 : index
      %swap3A_242 = tpu.vector_load %arg22[%swap3A_241] {strides = array<i32>} : memref<80xi32, #tpu.memory_space<vmem>>, vector<16xi32>,
      tpu.vector_store %arg22[%swap3A_241], %get3A_240 {strides = array<i32>} : memref<80xi32, #tpu.memory_space<vmem>>, vector<16xi32>,
      %get3A_243 = arith.constant 32 : index
      %get3A_244 = tpu.vector_load %arg20[%get3A_243] {strides = array<i32>} : memref<80xi32, #tpu.memory_space<vmem>>, vector<16xi32>,
      %swap3A_245 = arith.constant 32 : index
      %swap3A_246 = tpu.vector_load %arg22[%swap3A_245] {strides = array<i32>} : memref<80xi32, #tpu.memory_space<vmem>>, vector<16xi32>,
      tpu.vector_store %arg22[%swap3A_245], %get3A_244 {strides = array<i32>} : memref<80xi32, #tpu.memory_space<vmem>>, vector<16xi32>,
      %get3A_247 = arith.constant 48 : index
      %get3A_248 = tpu.vector_load %arg20[%get3A_247] {strides = array<i32>} : memref<80xi32, #tpu.memory_space<vmem>>, vector<16xi32>,
      %swap3A_249 = arith.constant 48 : index
      %swap3A_250 = tpu.vector_load %arg22[%swap3A_249] {strides = array<i32>} : memref<80xi32, #tpu.memory_space<vmem>>, vector<16xi32>,
      tpu.vector_store %arg22[%swap3A_249], %get3A_248 {strides = array<i32>} : memref<80xi32, #tpu.memory_space<vmem>>, vector<16xi32>,
      %get3A_251 = arith.constant 64 : index
      %get3A_252 = tpu.vector_load %arg20[%get3A_251] {strides = array<i32>} : memref<80xi32, #tpu.memory_space<vmem>>, vector<16xi32>,
      %swap3A_253 = arith.constant 64 : index
      %swap3A_254 = tpu.vector_load %arg22[%swap3A_253] {strides = array<i32>} : memref<80xi32, #tpu.memory_space<vmem>>, vector<16xi32>,
      tpu.vector_store %arg22[%swap3A_253], %get3A_252 {strides = array<i32>} : memref<80xi32, #tpu.memory_space<vmem>>, vector<16xi32>,
      %dma_start3A_255 = arith.constant 0 : i32
      %dma_start3A_256 = arith.constant 0 : i32
      %dma_start3A_257 = tpu.memref_slice %arg36[%dma_start3A_255, %dma_start3A_256] : memref<10112x16xf32, #tpu.memory_space<vmem_shared>> -> memref<10112x16xf32, #tpu.memory_space<vmem_shared>>
      tpu.enqueue_indirect_dma source(%arg30 : memref<80x16xf32, #tpu.memory_space<vmem>>) target(%dma_start3A_257 : memref<10112x16xf32, #tpu.memory_space<vmem_shared>>) offsets(%arg22 : memref<80xi32, #tpu.memory_space<vmem>>) semaphore(%arg43 : memref<!tpu.dma_semaphore, #tpu.memory_space<semaphore_mem>>) {add = true}
      %dma_start3A_258 = arith.constant 0 : i32
      %dma_start3A_259 = arith.constant 0 : i32
      %dma_start3A_260 = tpu.memref_slice %arg35[%dma_start3A_258, %dma_start3A_259] : memref<10112x128xf32, #tpu.memory_space<vmem_shared>> -> memref<10112x128xf32, #tpu.memory_space<vmem_shared>>
      tpu.enqueue_indirect_dma source(%arg32 : memref<80x128xf32, #tpu.memory_space<vmem>>) target(%dma_start3A_260 : memref<10112x128xf32, #tpu.memory_space<vmem_shared>>) offsets(%arg22 : memref<80xi32, #tpu.memory_space<vmem>>) semaphore(%arg43 : memref<!tpu.dma_semaphore, #tpu.memory_space<semaphore_mem>>) {add = true}
      %add3A_261 = arith.constant 3 : i32
      %add3A_262 = arith.addi %add3A_210, %add3A_261 : i32
      %lt3A_263 = arith.constant 128 : i32
      %lt3A_264 = arith.cmpi slt, %add3A_262, %lt3A_263 : i32
      %convert_element_type3A_265 = arith.extui %lt3A_264 : i1 to i32
      %cond3A_266 = arith.constant 0 : i32
      %cond3A_267 = arith.cmpi ne, %convert_element_type3A_265, %cond3A_266 : i32
      scf.if %cond3A_267 {
        %add3A_329 = arith.constant 3 : i32
        %add3A_330 = arith.addi %add3A_210, %add3A_329 : i32
        %mul3A_331 = arith.constant 80 : i32
        %mul3A_332 = arith.muli %add3A_330, %mul3A_331 : i32
        %add3A_333 = arith.addi %mul3A_2, %mul3A_332 : i32
        %dma_start3A_334 = tpu.memref_slice %arg2[%add3A_333] : memref<327680xi32, #tpu.memory_space<hbm>> -> memref<80xi32, #tpu.memory_space<hbm>>
        %dma_start3A_335 = tpu.memref_slice %arg2[%add3A_333] : memref<327680xi32, #tpu.memory_space<hbm>> -> memref<80xi32, #tpu.memory_space<hbm>>
        tpu.enqueue_dma source(%dma_start3A_335 : memref<80xi32, #tpu.memory_space<hbm>>) target(%arg15 : memref<80xi32, #tpu.memory_space<vmem>>) target_semaphore(%arg38 : memref<!tpu.dma_semaphore, #tpu.memory_space<semaphore_mem>>)
        %dma_start3A_336 = tpu.memref_slice %arg3[%add3A_333] : memref<327680xi32, #tpu.memory_space<hbm>> -> memref<80xi32, #tpu.memory_space<hbm>>
        %dma_start3A_337 = tpu.memref_slice %arg3[%add3A_333] : memref<327680xi32, #tpu.memory_space<hbm>> -> memref<80xi32, #tpu.memory_space<hbm>>
        tpu.enqueue_dma source(%dma_start3A_337 : memref<80xi32, #tpu.memory_space<hbm>>) target(%arg19 : memref<80xi32, #tpu.memory_space<vmem>>) target_semaphore(%arg38 : memref<!tpu.dma_semaphore, #tpu.memory_space<semaphore_mem>>)
      } else {
      }
      %mul3A_268 = arith.constant 4 : i32
      %mul3A_269 = arith.muli %scan3A_87, %mul3A_268 : i32
      %add3A_270 = arith.constant 3 : i32
      %add3A_271 = arith.addi %mul3A_269, %add3A_270 : i32
      %add3A_272 = arith.constant 1 : i32
      %add3A_273 = arith.addi %add3A_271, %add3A_272 : i32
      %lt3A_274 = arith.constant 128 : i32
      %lt3A_275 = arith.cmpi slt, %add3A_273, %lt3A_274 : i32
      %convert_element_type3A_276 = arith.extui %lt3A_275 : i1 to i32
      %cond3A_277 = arith.constant 0 : i32
      %cond3A_278 = arith.cmpi ne, %convert_element_type3A_276, %cond3A_277 : i32
      scf.if %cond3A_278 {
        %dma_wait3A_329 = arith.constant 0 : i32
        %dma_wait3A_330 = tpu.memref_slice %arg2[%dma_wait3A_329] : memref<327680xi32, #tpu.memory_space<hbm>> -> memref<80xi32, #tpu.memory_space<hbm>>
        %dma_wait3A_331 = arith.constant 0 : i32
        %dma_wait3A_332 = tpu.memref_slice %arg2[%dma_wait3A_331] : memref<327680xi32, #tpu.memory_space<hbm>> -> memref<80xi32, #tpu.memory_space<hbm>>
        tpu.wait_dma2 semaphore(%arg37 : memref<!tpu.dma_semaphore, #tpu.memory_space<semaphore_mem>>) src(%dma_wait3A_332 : memref<80xi32, #tpu.memory_space<hbm>>) dst(%arg14 : memref<80xi32, #tpu.memory_space<vmem>>)
        %dma_wait3A_333 = arith.constant 0 : i32
        %dma_wait3A_334 = tpu.memref_slice %arg3[%dma_wait3A_333] : memref<327680xi32, #tpu.memory_space<hbm>> -> memref<80xi32, #tpu.memory_space<hbm>>
        %dma_wait3A_335 = arith.constant 0 : i32
        %dma_wait3A_336 = tpu.memref_slice %arg3[%dma_wait3A_335] : memref<327680xi32, #tpu.memory_space<hbm>> -> memref<80xi32, #tpu.memory_space<hbm>>
        tpu.wait_dma2 semaphore(%arg37 : memref<!tpu.dma_semaphore, #tpu.memory_space<semaphore_mem>>) src(%dma_wait3A_336 : memref<80xi32, #tpu.memory_space<hbm>>) dst(%arg18 : memref<80xi32, #tpu.memory_space<vmem>>)
        %dma_start3A_337 = arith.constant 0 : i32
        %dma_start3A_338 = arith.constant 0 : i32
        %dma_start3A_339 = tpu.memref_slice %arg4[%dma_start3A_337, %dma_start3A_338] : memref<10000x16xf32, #tpu.memory_space<hbm>> -> memref<10000x16xf32, #tpu.memory_space<hbm>>
        tpu.enqueue_indirect_dma source(%dma_start3A_339 : memref<10000x16xf32, #tpu.memory_space<hbm>>) target(%arg24 : memref<80x16xf32, #tpu.memory_space<vmem>>) offsets(%arg14 : memref<80xi32, #tpu.memory_space<vmem>>) semaphore(%arg41 : memref<!tpu.dma_semaphore, #tpu.memory_space<semaphore_mem>>)
        %dma_start3A_340 = arith.constant 0 : i32
        %dma_start3A_341 = arith.constant 0 : i32
        %dma_start3A_342 = tpu.memref_slice %arg5[%dma_start3A_340, %dma_start3A_341] : memref<10000x16xf32, #tpu.memory_space<hbm>> -> memref<10000x16xf32, #tpu.memory_space<hbm>>
        tpu.enqueue_indirect_dma source(%dma_start3A_342 : memref<10000x16xf32, #tpu.memory_space<hbm>>) target(%arg26 : memref<80x16xf32, #tpu.memory_space<vmem>>) offsets(%arg18 : memref<80xi32, #tpu.memory_space<vmem>>) semaphore(%arg41 : memref<!tpu.dma_semaphore, #tpu.memory_space<semaphore_mem>>)
        %dma_start3A_343 = arith.constant 0 : i32
        %dma_start3A_344 = arith.constant 0 : i32
        %dma_start3A_345 = tpu.memref_slice %arg6[%dma_start3A_343, %dma_start3A_344] : memref<10000x128xbf16, #tpu.memory_space<hbm>> -> memref<10000x128xbf16, #tpu.memory_space<hbm>>
        tpu.enqueue_indirect_dma source(%dma_start3A_345 : memref<10000x128xbf16, #tpu.memory_space<hbm>>) target(%arg28 : memref<80x128xbf16, #tpu.memory_space<vmem>>) offsets(%arg14 : memref<80xi32, #tpu.memory_space<vmem>>) semaphore(%arg41 : memref<!tpu.dma_semaphore, #tpu.memory_space<semaphore_mem>>)
      } else {
      }
      %dma_wait3A_279 = arith.constant 0 : i32
      %dma_wait3A_280 = arith.constant 0 : i32
      %dma_wait3A_281 = tpu.memref_slice %arg4[%dma_wait3A_279, %dma_wait3A_280] : memref<10000x16xf32, #tpu.memory_space<hbm>> -> memref<10000x16xf32, #tpu.memory_space<hbm>>
      tpu.wait_indirect_dma semaphore(%arg42 : memref<!tpu.dma_semaphore, #tpu.memory_space<semaphore_mem>>) src(%dma_wait3A_281 : memref<10000x16xf32, #tpu.memory_space<hbm>>) dst(%arg25 : memref<80x16xf32, #tpu.memory_space<vmem>>)
      %dma_wait3A_282 = arith.constant 0 : i32
      %dma_wait3A_283 = arith.constant 0 : i32
      %dma_wait3A_284 = tpu.memref_slice %arg5[%dma_wait3A_282, %dma_wait3A_283] : memref<10000x16xf32, #tpu.memory_space<hbm>> -> memref<10000x16xf32, #tpu.memory_space<hbm>>
      tpu.wait_indirect_dma semaphore(%arg42 : memref<!tpu.dma_semaphore, #tpu.memory_space<semaphore_mem>>) src(%dma_wait3A_284 : memref<10000x16xf32, #tpu.memory_space<hbm>>) dst(%arg27 : memref<80x16xf32, #tpu.memory_space<vmem>>)
      %dma_wait3A_285 = arith.constant 0 : i32
      %dma_wait3A_286 = arith.constant 0 : i32
      %dma_wait3A_287 = tpu.memref_slice %arg6[%dma_wait3A_285, %dma_wait3A_286] : memref<10000x128xbf16, #tpu.memory_space<hbm>> -> memref<10000x128xbf16, #tpu.memory_space<hbm>>
      tpu.wait_indirect_dma semaphore(%arg42 : memref<!tpu.dma_semaphore, #tpu.memory_space<semaphore_mem>>) src(%dma_wait3A_287 : memref<10000x128xbf16, #tpu.memory_space<hbm>>) dst(%arg29 : memref<80x128xbf16, #tpu.memory_space<vmem>>)
      %ge3A_288 = arith.constant 2 : i32
      %ge3A_289 = arith.cmpi sge, %add3A_271, %ge3A_288 : i32
      %convert_element_type3A_290 = arith.extui %ge3A_289 : i1 to i32
      %cond3A_291 = arith.constant 0 : i32
      %cond3A_292 = arith.cmpi ne, %convert_element_type3A_290, %cond3A_291 : i32
      scf.if %cond3A_292 {
        %dma_wait3A_329 = arith.constant 0 : i32
        %dma_wait3A_330 = arith.constant 0 : i32
        %dma_wait3A_331 = tpu.memref_slice %arg36[%dma_wait3A_329, %dma_wait3A_330] : memref<10112x16xf32, #tpu.memory_space<vmem_shared>> -> memref<10112x16xf32, #tpu.memory_space<vmem_shared>>
        tpu.wait_indirect_dma semaphore(%arg44 : memref<!tpu.dma_semaphore, #tpu.memory_space<semaphore_mem>>) src(%arg31 : memref<80x16xf32, #tpu.memory_space<vmem>>) dst(%dma_wait3A_331 : memref<10112x16xf32, #tpu.memory_space<vmem_shared>>)
        %dma_wait3A_332 = arith.constant 0 : i32
        %dma_wait3A_333 = arith.constant 0 : i32
        %dma_wait3A_334 = tpu.memref_slice %arg35[%dma_wait3A_332, %dma_wait3A_333] : memref<10112x128xf32, #tpu.memory_space<vmem_shared>> -> memref<10112x128xf32, #tpu.memory_space<vmem_shared>>
        tpu.wait_indirect_dma semaphore(%arg44 : memref<!tpu.dma_semaphore, #tpu.memory_space<semaphore_mem>>) src(%arg33 : memref<80x128xf32, #tpu.memory_space<vmem>>) dst(%dma_wait3A_334 : memref<10112x128xf32, #tpu.memory_space<vmem_shared>>)
      } else {
      }
      %parallel_loop3A_293 = arith.constant 0 : i32
      %parallel_loop3A_294 = arith.constant 80 : i32
      %parallel_loop3A_295 = arith.constant 1 : i32
      scf.for %parallel_loop3A_329 = %parallel_loop3A_293 to %parallel_loop3A_294 step %parallel_loop3A_295  : i32 {
        %parallel_loop3A_330 = arith.index_cast %parallel_loop3A_329 : i32 to index
        %parallel_loop3A_331 = arith.constant 0 : index
        %parallel_loop3A_332 = tpu.vector_load %arg25[%parallel_loop3A_330, %parallel_loop3A_331] {strides = array<i32>} : memref<80x16xf32, #tpu.memory_space<vmem>>, vector<16xf32>,
        %parallel_loop3A_333 = arith.index_cast %parallel_loop3A_329 : i32 to index
        %parallel_loop3A_334 = arith.constant 0 : index
        %parallel_loop3A_335 = tpu.vector_load %arg27[%parallel_loop3A_333, %parallel_loop3A_334] {strides = array<i32>} : memref<80x16xf32, #tpu.memory_space<vmem>>, vector<16xf32>,
        %parallel_loop3A_336 = arith.addf %parallel_loop3A_332, %parallel_loop3A_335 : vector<16xf32>
        %parallel_loop3A_337 = arith.constant 0.000000e+00 : f32
        %parallel_loop3A_338 = vector.broadcast %parallel_loop3A_337 : f32 to vector<16xf32>
        %parallel_loop3A_339 = arith.cmpf oge, %parallel_loop3A_336, %parallel_loop3A_338 : vector<16xf32>
        %parallel_loop3A_340 = arith.constant 2.000000e-01 : f32
        %parallel_loop3A_341 = vector.broadcast %parallel_loop3A_340 : f32 to vector<16xf32>
        %parallel_loop3A_342 = arith.mulf %parallel_loop3A_336, %parallel_loop3A_341 : vector<16xf32>
        %parallel_loop3A_343 = arith.select %parallel_loop3A_339, %parallel_loop3A_336, %parallel_loop3A_342 : vector<16xi1>, vector<16xf32>
        %parallel_loop3A_344 = arith.subf %parallel_loop3A_343, %get3A_42 : vector<16xf32>
        %parallel_loop3A_345 = math.exp %parallel_loop3A_344 : vector<16xf32>
        %parallel_loop3A_346 = arith.index_cast %parallel_loop3A_329 : i32 to index
        %parallel_loop3A_347 = arith.constant 0 : index
        %parallel_loop3A_348 = tpu.vector_load %arg31[%parallel_loop3A_346, %parallel_loop3A_347] {strides = array<i32>} : memref<80x16xf32, #tpu.memory_space<vmem>>, vector<16xf32>,
        tpu.vector_store %arg31[%parallel_loop3A_346, %parallel_loop3A_347], %parallel_loop3A_345 {strides = array<i32>} : memref<80x16xf32, #tpu.memory_space<vmem>>, vector<16xf32>,
        %parallel_loop3A_349 = arith.index_cast %parallel_loop3A_329 : i32 to index
        %parallel_loop3A_350 = arith.constant 0 : index
        %parallel_loop3A_351 = tpu.vector_load %arg29[%parallel_loop3A_349, %parallel_loop3A_350] {strides = array<i32>} : memref<80x128xbf16, #tpu.memory_space<vmem>>, vector<32xbf16>,
        %parallel_loop3A_352 = tpu.unpack_subelements %parallel_loop3A_351, 0 {pack_format = #tpu.pack_format<interleaved>} : vector<32xbf16> -> vector<16xf32>
        %parallel_loop3A_353 = tpu.unpack_subelements %parallel_loop3A_351, 1 {pack_format = #tpu.pack_format<interleaved>} : vector<32xbf16> -> vector<16xf32>
        %parallel_loop3A_354 = vector.shape_cast %select_n3A : vector<16xi32> to vector<16x1xi32>
        %parallel_loop3A_355 = vector.shape_cast %parallel_loop3A_354 : vector<16x1xi32> to vector<16xi32>
        %parallel_loop3A_356 = tpu.dynamic_gather %parallel_loop3A_345[%parallel_loop3A_355] in [0] : vector<16xf32>, vector<16xi32> -> vector<16xf32>
        %parallel_loop3A_357 = arith.mulf %parallel_loop3A_352, %parallel_loop3A_356 : vector<16xf32>
        %parallel_loop3A_358 = arith.index_cast %parallel_loop3A_329 : i32 to index
        %parallel_loop3A_359 = arith.constant 0 : index
        %parallel_loop3A_360 = tpu.vector_load %arg33[%parallel_loop3A_358, %parallel_loop3A_359] {strides = array<i32>} : memref<80x128xf32, #tpu.memory_space<vmem>>, vector<16xf32>,
        tpu.vector_store %arg33[%parallel_loop3A_358, %parallel_loop3A_359], %parallel_loop3A_357 {strides = array<i32>} : memref<80x128xf32, #tpu.memory_space<vmem>>, vector<16xf32>,
        %parallel_loop3A_361 = arith.mulf %parallel_loop3A_353, %parallel_loop3A_356 : vector<16xf32>
        %parallel_loop3A_362 = arith.index_cast %parallel_loop3A_329 : i32 to index
        %parallel_loop3A_363 = arith.constant 16 : index
        %parallel_loop3A_364 = tpu.vector_load %arg33[%parallel_loop3A_362, %parallel_loop3A_363] {strides = array<i32>} : memref<80x128xf32, #tpu.memory_space<vmem>>, vector<16xf32>,
        tpu.vector_store %arg33[%parallel_loop3A_362, %parallel_loop3A_363], %parallel_loop3A_361 {strides = array<i32>} : memref<80x128xf32, #tpu.memory_space<vmem>>, vector<16xf32>,
        %parallel_loop3A_365 = arith.index_cast %parallel_loop3A_329 : i32 to index
        %parallel_loop3A_366 = arith.constant 32 : index
        %parallel_loop3A_367 = tpu.vector_load %arg29[%parallel_loop3A_365, %parallel_loop3A_366] {strides = array<i32>} : memref<80x128xbf16, #tpu.memory_space<vmem>>, vector<32xbf16>,
        %parallel_loop3A_368 = tpu.unpack_subelements %parallel_loop3A_367, 0 {pack_format = #tpu.pack_format<interleaved>} : vector<32xbf16> -> vector<16xf32>
        %parallel_loop3A_369 = tpu.unpack_subelements %parallel_loop3A_367, 1 {pack_format = #tpu.pack_format<interleaved>} : vector<32xbf16> -> vector<16xf32>
        %parallel_loop3A_370 = vector.shape_cast %select_n3A_49 : vector<16xi32> to vector<16x1xi32>
        %parallel_loop3A_371 = vector.shape_cast %parallel_loop3A_370 : vector<16x1xi32> to vector<16xi32>
        %parallel_loop3A_372 = tpu.dynamic_gather %parallel_loop3A_345[%parallel_loop3A_371] in [0] : vector<16xf32>, vector<16xi32> -> vector<16xf32>
        %parallel_loop3A_373 = arith.mulf %parallel_loop3A_368, %parallel_loop3A_372 : vector<16xf32>
        %parallel_loop3A_374 = arith.index_cast %parallel_loop3A_329 : i32 to index
        %parallel_loop3A_375 = arith.constant 32 : index
        %parallel_loop3A_376 = tpu.vector_load %arg33[%parallel_loop3A_374, %parallel_loop3A_375] {strides = array<i32>} : memref<80x128xf32, #tpu.memory_space<vmem>>, vector<16xf32>,
        tpu.vector_store %arg33[%parallel_loop3A_374, %parallel_loop3A_375], %parallel_loop3A_373 {strides = array<i32>} : memref<80x128xf32, #tpu.memory_space<vmem>>, vector<16xf32>,
        %parallel_loop3A_377 = arith.mulf %parallel_loop3A_369, %parallel_loop3A_372 : vector<16xf32>
        %parallel_loop3A_378 = arith.index_cast %parallel_loop3A_329 : i32 to index
        %parallel_loop3A_379 = arith.constant 48 : index
        %parallel_loop3A_380 = tpu.vector_load %arg33[%parallel_loop3A_378, %parallel_loop3A_379] {strides = array<i32>} : memref<80x128xf32, #tpu.memory_space<vmem>>, vector<16xf32>,
        tpu.vector_store %arg33[%parallel_loop3A_378, %parallel_loop3A_379], %parallel_loop3A_377 {strides = array<i32>} : memref<80x128xf32, #tpu.memory_space<vmem>>, vector<16xf32>,
        %parallel_loop3A_381 = arith.index_cast %parallel_loop3A_329 : i32 to index
        %parallel_loop3A_382 = arith.constant 64 : index
        %parallel_loop3A_383 = tpu.vector_load %arg29[%parallel_loop3A_381, %parallel_loop3A_382] {strides = array<i32>} : memref<80x128xbf16, #tpu.memory_space<vmem>>, vector<32xbf16>,
        %parallel_loop3A_384 = tpu.unpack_subelements %parallel_loop3A_383, 0 {pack_format = #tpu.pack_format<interleaved>} : vector<32xbf16> -> vector<16xf32>
        %parallel_loop3A_385 = tpu.unpack_subelements %parallel_loop3A_383, 1 {pack_format = #tpu.pack_format<interleaved>} : vector<32xbf16> -> vector<16xf32>
        %parallel_loop3A_386 = vector.shape_cast %select_n3A_54 : vector<16xi32> to vector<16x1xi32>
        %parallel_loop3A_387 = vector.shape_cast %parallel_loop3A_386 : vector<16x1xi32> to vector<16xi32>
        %parallel_loop3A_388 = tpu.dynamic_gather %parallel_loop3A_345[%parallel_loop3A_387] in [0] : vector<16xf32>, vector<16xi32> -> vector<16xf32>
        %parallel_loop3A_389 = arith.mulf %parallel_loop3A_384, %parallel_loop3A_388 : vector<16xf32>
        %parallel_loop3A_390 = arith.index_cast %parallel_loop3A_329 : i32 to index
        %parallel_loop3A_391 = arith.constant 64 : index
        %parallel_loop3A_392 = tpu.vector_load %arg33[%parallel_loop3A_390, %parallel_loop3A_391] {strides = array<i32>} : memref<80x128xf32, #tpu.memory_space<vmem>>, vector<16xf32>,
        tpu.vector_store %arg33[%parallel_loop3A_390, %parallel_loop3A_391], %parallel_loop3A_389 {strides = array<i32>} : memref<80x128xf32, #tpu.memory_space<vmem>>, vector<16xf32>,
        %parallel_loop3A_393 = arith.mulf %parallel_loop3A_385, %parallel_loop3A_388 : vector<16xf32>
        %parallel_loop3A_394 = arith.index_cast %parallel_loop3A_329 : i32 to index
        %parallel_loop3A_395 = arith.constant 80 : index
        %parallel_loop3A_396 = tpu.vector_load %arg33[%parallel_loop3A_394, %parallel_loop3A_395] {strides = array<i32>} : memref<80x128xf32, #tpu.memory_space<vmem>>, vector<16xf32>,
        tpu.vector_store %arg33[%parallel_loop3A_394, %parallel_loop3A_395], %parallel_loop3A_393 {strides = array<i32>} : memref<80x128xf32, #tpu.memory_space<vmem>>, vector<16xf32>,
        %parallel_loop3A_397 = arith.index_cast %parallel_loop3A_329 : i32 to index
        %parallel_loop3A_398 = arith.constant 96 : index
        %parallel_loop3A_399 = tpu.vector_load %arg29[%parallel_loop3A_397, %parallel_loop3A_398] {strides = array<i32>} : memref<80x128xbf16, #tpu.memory_space<vmem>>, vector<32xbf16>,
        %parallel_loop3A_400 = tpu.unpack_subelements %parallel_loop3A_399, 0 {pack_format = #tpu.pack_format<interleaved>} : vector<32xbf16> -> vector<16xf32>
        %parallel_loop3A_401 = tpu.unpack_subelements %parallel_loop3A_399, 1 {pack_format = #tpu.pack_format<interleaved>} : vector<32xbf16> -> vector<16xf32>
        %parallel_loop3A_402 = vector.shape_cast %select_n3A_59 : vector<16xi32> to vector<16x1xi32>
        %parallel_loop3A_403 = vector.shape_cast %parallel_loop3A_402 : vector<16x1xi32> to vector<16xi32>
        %parallel_loop3A_404 = tpu.dynamic_gather %parallel_loop3A_345[%parallel_loop3A_403] in [0] : vector<16xf32>, vector<16xi32> -> vector<16xf32>
        %parallel_loop3A_405 = arith.mulf %parallel_loop3A_400, %parallel_loop3A_404 : vector<16xf32>
        %parallel_loop3A_406 = arith.index_cast %parallel_loop3A_329 : i32 to index
        %parallel_loop3A_407 = arith.constant 96 : index
        %parallel_loop3A_408 = tpu.vector_load %arg33[%parallel_loop3A_406, %parallel_loop3A_407] {strides = array<i32>} : memref<80x128xf32, #tpu.memory_space<vmem>>, vector<16xf32>,
        tpu.vector_store %arg33[%parallel_loop3A_406, %parallel_loop3A_407], %parallel_loop3A_405 {strides = array<i32>} : memref<80x128xf32, #tpu.memory_space<vmem>>, vector<16xf32>,
        %parallel_loop3A_409 = arith.mulf %parallel_loop3A_401, %parallel_loop3A_404 : vector<16xf32>
        %parallel_loop3A_410 = arith.index_cast %parallel_loop3A_329 : i32 to index
        %parallel_loop3A_411 = arith.constant 112 : index
        %parallel_loop3A_412 = tpu.vector_load %arg33[%parallel_loop3A_410, %parallel_loop3A_411] {strides = array<i32>} : memref<80x128xf32, #tpu.memory_space<vmem>>, vector<16xf32>,
        tpu.vector_store %arg33[%parallel_loop3A_410, %parallel_loop3A_411], %parallel_loop3A_409 {strides = array<i32>} : memref<80x128xf32, #tpu.memory_space<vmem>>, vector<16xf32>,
      } {sc.loop_unroll_factor = 8 : i64, sc.parallel_access}
      %get3A_296 = arith.constant 0 : index
      %get3A_297 = tpu.vector_load %arg21[%get3A_296] {strides = array<i32>} : memref<80xi32, #tpu.memory_space<vmem>>, vector<16xi32>,
      %swap3A_298 = arith.constant 0 : index
      %swap3A_299 = tpu.vector_load %arg23[%swap3A_298] {strides = array<i32>} : memref<80xi32, #tpu.memory_space<vmem>>, vector<16xi32>,
      tpu.vector_store %arg23[%swap3A_298], %get3A_297 {strides = array<i32>} : memref<80xi32, #tpu.memory_space<vmem>>, vector<16xi32>,
      %get3A_300 = arith.constant 16 : index
      %get3A_301 = tpu.vector_load %arg21[%get3A_300] {strides = array<i32>} : memref<80xi32, #tpu.memory_space<vmem>>, vector<16xi32>,
      %swap3A_302 = arith.constant 16 : index
      %swap3A_303 = tpu.vector_load %arg23[%swap3A_302] {strides = array<i32>} : memref<80xi32, #tpu.memory_space<vmem>>, vector<16xi32>,
      tpu.vector_store %arg23[%swap3A_302], %get3A_301 {strides = array<i32>} : memref<80xi32, #tpu.memory_space<vmem>>, vector<16xi32>,
      %get3A_304 = arith.constant 32 : index
      %get3A_305 = tpu.vector_load %arg21[%get3A_304] {strides = array<i32>} : memref<80xi32, #tpu.memory_space<vmem>>, vector<16xi32>,
      %swap3A_306 = arith.constant 32 : index
      %swap3A_307 = tpu.vector_load %arg23[%swap3A_306] {strides = array<i32>} : memref<80xi32, #tpu.memory_space<vmem>>, vector<16xi32>,
      tpu.vector_store %arg23[%swap3A_306], %get3A_305 {strides = array<i32>} : memref<80xi32, #tpu.memory_space<vmem>>, vector<16xi32>,
      %get3A_308 = arith.constant 48 : index
      %get3A_309 = tpu.vector_load %arg21[%get3A_308] {strides = array<i32>} : memref<80xi32, #tpu.memory_space<vmem>>, vector<16xi32>,
      %swap3A_310 = arith.constant 48 : index
      %swap3A_311 = tpu.vector_load %arg23[%swap3A_310] {strides = array<i32>} : memref<80xi32, #tpu.memory_space<vmem>>, vector<16xi32>,
      tpu.vector_store %arg23[%swap3A_310], %get3A_309 {strides = array<i32>} : memref<80xi32, #tpu.memory_space<vmem>>, vector<16xi32>,
      %get3A_312 = arith.constant 64 : index
      %get3A_313 = tpu.vector_load %arg21[%get3A_312] {strides = array<i32>} : memref<80xi32, #tpu.memory_space<vmem>>, vector<16xi32>,
      %swap3A_314 = arith.constant 64 : index
      %swap3A_315 = tpu.vector_load %arg23[%swap3A_314] {strides = array<i32>} : memref<80xi32, #tpu.memory_space<vmem>>, vector<16xi32>,
      tpu.vector_store %arg23[%swap3A_314], %get3A_313 {strides = array<i32>} : memref<80xi32, #tpu.memory_space<vmem>>, vector<16xi32>,
      %dma_start3A_316 = arith.constant 0 : i32
      %dma_start3A_317 = arith.constant 0 : i32
      %dma_start3A_318 = tpu.memref_slice %arg36[%dma_start3A_316, %dma_start3A_317] : memref<10112x16xf32, #tpu.memory_space<vmem_shared>> -> memref<10112x16xf32, #tpu.memory_space<vmem_shared>>
      tpu.enqueue_indirect_dma source(%arg31 : memref<80x16xf32, #tpu.memory_space<vmem>>) target(%dma_start3A_318 : memref<10112x16xf32, #tpu.memory_space<vmem_shared>>) offsets(%arg23 : memref<80xi32, #tpu.memory_space<vmem>>) semaphore(%arg44 : memref<!tpu.dma_semaphore, #tpu.memory_space<semaphore_mem>>) {add = true}
      %dma_start3A_319 = arith.constant 0 : i32
      %dma_start3A_320 = arith.constant 0 : i32
      %dma_start3A_321 = tpu.memref_slice %arg35[%dma_start3A_319, %dma_start3A_320] : memref<10112x128xf32, #tpu.memory_space<vmem_shared>> -> memref<10112x128xf32, #tpu.memory_space<vmem_shared>>
      tpu.enqueue_indirect_dma source(%arg33 : memref<80x128xf32, #tpu.memory_space<vmem>>) target(%dma_start3A_321 : memref<10112x128xf32, #tpu.memory_space<vmem_shared>>) offsets(%arg23 : memref<80xi32, #tpu.memory_space<vmem>>) semaphore(%arg44 : memref<!tpu.dma_semaphore, #tpu.memory_space<semaphore_mem>>) {add = true}
      %add3A_322 = arith.constant 3 : i32
      %add3A_323 = arith.addi %add3A_271, %add3A_322 : i32
      %lt3A_324 = arith.constant 128 : i32
      %lt3A_325 = arith.cmpi slt, %add3A_323, %lt3A_324 : i32
      %convert_element_type3A_326 = arith.extui %lt3A_325 : i1 to i32
      %cond3A_327 = arith.constant 0 : i32
      %cond3A_328 = arith.cmpi ne, %convert_element_type3A_326, %cond3A_327 : i32
      scf.if %cond3A_328 {
        %add3A_329 = arith.constant 3 : i32
        %add3A_330 = arith.addi %add3A_271, %add3A_329 : i32
        %mul3A_331 = arith.constant 80 : i32
        %mul3A_332 = arith.muli %add3A_330, %mul3A_331 : i32
        %add3A_333 = arith.addi %mul3A_2, %mul3A_332 : i32
        %dma_start3A_334 = tpu.memref_slice %arg2[%add3A_333] : memref<327680xi32, #tpu.memory_space<hbm>> -> memref<80xi32, #tpu.memory_space<hbm>>
        %dma_start3A_335 = tpu.memref_slice %arg2[%add3A_333] : memref<327680xi32, #tpu.memory_space<hbm>> -> memref<80xi32, #tpu.memory_space<hbm>>
        tpu.enqueue_dma source(%dma_start3A_335 : memref<80xi32, #tpu.memory_space<hbm>>) target(%arg16 : memref<80xi32, #tpu.memory_space<vmem>>) target_semaphore(%arg39 : memref<!tpu.dma_semaphore, #tpu.memory_space<semaphore_mem>>)
        %dma_start3A_336 = tpu.memref_slice %arg3[%add3A_333] : memref<327680xi32, #tpu.memory_space<hbm>> -> memref<80xi32, #tpu.memory_space<hbm>>
        %dma_start3A_337 = tpu.memref_slice %arg3[%add3A_333] : memref<327680xi32, #tpu.memory_space<hbm>> -> memref<80xi32, #tpu.memory_space<hbm>>
        tpu.enqueue_dma source(%dma_start3A_337 : memref<80xi32, #tpu.memory_space<hbm>>) target(%arg20 : memref<80xi32, #tpu.memory_space<vmem>>) target_semaphore(%arg39 : memref<!tpu.dma_semaphore, #tpu.memory_space<semaphore_mem>>)
      } else {
      }
    }
    %scan3A_64 = arith.constant 32 : i32
    %dma_wait3A_65 = arith.constant 0 : i32
    %dma_wait3A_66 = arith.constant 0 : i32
    %dma_wait3A_67 = tpu.memref_slice %arg36[%dma_wait3A_65, %dma_wait3A_66] : memref<10112x16xf32, #tpu.memory_space<vmem_shared>> -> memref<10112x16xf32, #tpu.memory_space<vmem_shared>>
    tpu.wait_indirect_dma semaphore(%arg43 : memref<!tpu.dma_semaphore, #tpu.memory_space<semaphore_mem>>) src(%arg30 : memref<80x16xf32, #tpu.memory_space<vmem>>) dst(%dma_wait3A_67 : memref<10112x16xf32, #tpu.memory_space<vmem_shared>>)
    %dma_wait3A_68 = arith.constant 0 : i32
    %dma_wait3A_69 = arith.constant 0 : i32
    %dma_wait3A_70 = tpu.memref_slice %arg35[%dma_wait3A_68, %dma_wait3A_69] : memref<10112x128xf32, #tpu.memory_space<vmem_shared>> -> memref<10112x128xf32, #tpu.memory_space<vmem_shared>>
    tpu.wait_indirect_dma semaphore(%arg43 : memref<!tpu.dma_semaphore, #tpu.memory_space<semaphore_mem>>) src(%arg32 : memref<80x128xf32, #tpu.memory_space<vmem>>) dst(%dma_wait3A_70 : memref<10112x128xf32, #tpu.memory_space<vmem_shared>>)
    %dma_wait3A_71 = arith.constant 0 : i32
    %dma_wait3A_72 = arith.constant 0 : i32
    %dma_wait3A_73 = tpu.memref_slice %arg36[%dma_wait3A_71, %dma_wait3A_72] : memref<10112x16xf32, #tpu.memory_space<vmem_shared>> -> memref<10112x16xf32, #tpu.memory_space<vmem_shared>>
    tpu.wait_indirect_dma semaphore(%arg44 : memref<!tpu.dma_semaphore, #tpu.memory_space<semaphore_mem>>) src(%arg31 : memref<80x16xf32, #tpu.memory_space<vmem>>) dst(%dma_wait3A_73 : memref<10112x16xf32, #tpu.memory_space<vmem_shared>>)
    %dma_wait3A_74 = arith.constant 0 : i32
    %dma_wait3A_75 = arith.constant 0 : i32
    %dma_wait3A_76 = tpu.memref_slice %arg35[%dma_wait3A_74, %dma_wait3A_75] : memref<10112x128xf32, #tpu.memory_space<vmem_shared>> -> memref<10112x128xf32, #tpu.memory_space<vmem_shared>>
    tpu.wait_indirect_dma semaphore(%arg44 : memref<!tpu.dma_semaphore, #tpu.memory_space<semaphore_mem>>) src(%arg33 : memref<80x128xf32, #tpu.memory_space<vmem>>) dst(%dma_wait3A_76 : memref<10112x128xf32, #tpu.memory_space<vmem_shared>>)
    %barrier3A_77 = arith.constant 0 : index
    tpu.barrier barrier_id(%barrier3A_77)
    %mul3A_78 = arith.constant 632 : i32
    %mul3A_79 = arith.muli %arg1, %mul3A_78 : i32
    %eq3A = arith.constant 0 : i32
    %eq3A_80 = arith.cmpi eq, %arg0, %eq3A : i32
    %convert_element_type3A = arith.extui %eq3A_80 : i1 to i32
    %cond3A = arith.constant 0 : i32
    %cond3A_81 = arith.cmpi ne, %convert_element_type3A, %cond3A : i32
    scf.if %cond3A_81 {
      "tpu.region"() ({
        %run_scoped3A = tpu.sem_alloc : memref<!tpu.dma_semaphore, #tpu.memory_space<semaphore_mem>>
        %dma_start3A_87 = arith.constant 0 : i32
        %dma_start3A_88 = tpu.memref_slice %arg10[%mul3A_79, %dma_start3A_87] : memref<10112x128xf32, #tpu.memory_space<hbm>> -> memref<632x128xf32, #tpu.memory_space<hbm>>
        %dma_start3A_89 = arith.constant 0 : i32
        %dma_start3A_90 = tpu.memref_slice %arg35[%mul3A_79, %dma_start3A_89] : memref<10112x128xf32, #tpu.memory_space<vmem_shared>> -> memref<632x128xf32, #tpu.memory_space<vmem_shared>>
        tpu.enqueue_dma source(%dma_start3A_90 : memref<632x128xf32, #tpu.memory_space<vmem_shared>>) target(%dma_start3A_88 : memref<632x128xf32, #tpu.memory_space<hbm>>) target_semaphore(%run_scoped3A : memref<!tpu.dma_semaphore, #tpu.memory_space<semaphore_mem>>)
        %dma_wait3A_91 = arith.constant 0 : i32
        %dma_wait3A_92 = tpu.memref_slice %arg10[%mul3A_79, %dma_wait3A_91] : memref<10112x128xf32, #tpu.memory_space<hbm>> -> memref<632x128xf32, #tpu.memory_space<hbm>>
        %dma_wait3A_93 = arith.constant 0 : i32
        %dma_wait3A_94 = tpu.memref_slice %arg35[%mul3A_79, %dma_wait3A_93] : memref<10112x128xf32, #tpu.memory_space<vmem_shared>> -> memref<632x128xf32, #tpu.memory_space<vmem_shared>>
        tpu.wait_dma2 semaphore(%run_scoped3A : memref<!tpu.dma_semaphore, #tpu.memory_space<semaphore_mem>>) src(%dma_wait3A_94 : memref<632x128xf32, #tpu.memory_space<vmem_shared>>) dst(%dma_wait3A_92 : memref<632x128xf32, #tpu.memory_space<hbm>>)
        tpu.yield
      }) : () -> ()
      "tpu.region"() ({
        %run_scoped3A = tpu.sem_alloc : memref<!tpu.dma_semaphore, #tpu.memory_space<semaphore_mem>>
        %dma_start3A_87 = arith.constant 0 : i32
        %dma_start3A_88 = tpu.memref_slice %arg12[%mul3A_79, %dma_start3A_87] : memref<10112x16xf32, #tpu.memory_space<hbm>> -> memref<632x16xf32, #tpu.memory_space<hbm>>
        %dma_start3A_89 = arith.constant 0 : i32
        %dma_start3A_90 = tpu.memref_slice %arg36[%mul3A_79, %dma_start3A_89] : memref<10112x16xf32, #tpu.memory_space<vmem_shared>> -> memref<632x16xf32, #tpu.memory_space<vmem_shared>>
        tpu.enqueue_dma source(%dma_start3A_90 : memref<632x16xf32, #tpu.memory_space<vmem_shared>>) target(%dma_start3A_88 : memref<632x16xf32, #tpu.memory_space<hbm>>) target_semaphore(%run_scoped3A : memref<!tpu.dma_semaphore, #tpu.memory_space<semaphore_mem>>)
        %dma_wait3A_91 = arith.constant 0 : i32
        %dma_wait3A_92 = tpu.memref_slice %arg12[%mul3A_79, %dma_wait3A_91] : memref<10112x16xf32, #tpu.memory_space<hbm>> -> memref<632x16xf32, #tpu.memory_space<hbm>>
        %dma_wait3A_93 = arith.constant 0 : i32
        %dma_wait3A_94 = tpu.memref_slice %arg36[%mul3A_79, %dma_wait3A_93] : memref<10112x16xf32, #tpu.memory_space<vmem_shared>> -> memref<632x16xf32, #tpu.memory_space<vmem_shared>>
        tpu.wait_dma2 semaphore(%run_scoped3A : memref<!tpu.dma_semaphore, #tpu.memory_space<semaphore_mem>>) src(%dma_wait3A_94 : memref<632x16xf32, #tpu.memory_space<vmem_shared>>) dst(%dma_wait3A_92 : memref<632x16xf32, #tpu.memory_space<hbm>>)
        tpu.yield
      }) : () -> ()
    } else {
    }
    %eq3A_82 = arith.constant 1 : i32
    %eq3A_83 = arith.cmpi eq, %arg0, %eq3A_82 : i32
    %convert_element_type3A_84 = arith.extui %eq3A_83 : i1 to i32
    %cond3A_85 = arith.constant 0 : i32
    %cond3A_86 = arith.cmpi ne, %convert_element_type3A_84, %cond3A_85 : i32
    scf.if %cond3A_86 {
      "tpu.region"() ({
        %run_scoped3A = tpu.sem_alloc : memref<!tpu.dma_semaphore, #tpu.memory_space<semaphore_mem>>
        %dma_start3A_87 = arith.constant 0 : i32
        %dma_start3A_88 = tpu.memref_slice %arg11[%mul3A_79, %dma_start3A_87] : memref<10112x128xf32, #tpu.memory_space<hbm>> -> memref<632x128xf32, #tpu.memory_space<hbm>>
        %dma_start3A_89 = arith.constant 0 : i32
        %dma_start3A_90 = tpu.memref_slice %arg35[%mul3A_79, %dma_start3A_89] : memref<10112x128xf32, #tpu.memory_space<vmem_shared>> -> memref<632x128xf32, #tpu.memory_space<vmem_shared>>
        tpu.enqueue_dma source(%dma_start3A_90 : memref<632x128xf32, #tpu.memory_space<vmem_shared>>) target(%dma_start3A_88 : memref<632x128xf32, #tpu.memory_space<hbm>>) target_semaphore(%run_scoped3A : memref<!tpu.dma_semaphore, #tpu.memory_space<semaphore_mem>>)
        %dma_wait3A_91 = arith.constant 0 : i32
        %dma_wait3A_92 = tpu.memref_slice %arg11[%mul3A_79, %dma_wait3A_91] : memref<10112x128xf32, #tpu.memory_space<hbm>> -> memref<632x128xf32, #tpu.memory_space<hbm>>
        %dma_wait3A_93 = arith.constant 0 : i32
        %dma_wait3A_94 = tpu.memref_slice %arg35[%mul3A_79, %dma_wait3A_93] : memref<10112x128xf32, #tpu.memory_space<vmem_shared>> -> memref<632x128xf32, #tpu.memory_space<vmem_shared>>
        tpu.wait_dma2 semaphore(%run_scoped3A : memref<!tpu.dma_semaphore, #tpu.memory_space<semaphore_mem>>) src(%dma_wait3A_94 : memref<632x128xf32, #tpu.memory_space<vmem_shared>>) dst(%dma_wait3A_92 : memref<632x128xf32, #tpu.memory_space<hbm>>)
        tpu.yield
      }) : () -> ()
      "tpu.region"() ({
        %run_scoped3A = tpu.sem_alloc : memref<!tpu.dma_semaphore, #tpu.memory_space<semaphore_mem>>
        %dma_start3A_87 = arith.constant 0 : i32
        %dma_start3A_88 = tpu.memref_slice %arg13[%mul3A_79, %dma_start3A_87] : memref<10112x16xf32, #tpu.memory_space<hbm>> -> memref<632x16xf32, #tpu.memory_space<hbm>>
        %dma_start3A_89 = arith.constant 0 : i32
        %dma_start3A_90 = tpu.memref_slice %arg36[%mul3A_79, %dma_start3A_89] : memref<10112x16xf32, #tpu.memory_space<vmem_shared>> -> memref<632x16xf32, #tpu.memory_space<vmem_shared>>
        tpu.enqueue_dma source(%dma_start3A_90 : memref<632x16xf32, #tpu.memory_space<vmem_shared>>) target(%dma_start3A_88 : memref<632x16xf32, #tpu.memory_space<hbm>>) target_semaphore(%run_scoped3A : memref<!tpu.dma_semaphore, #tpu.memory_space<semaphore_mem>>)
        %dma_wait3A_91 = arith.constant 0 : i32
        %dma_wait3A_92 = tpu.memref_slice %arg13[%mul3A_79, %dma_wait3A_91] : memref<10112x16xf32, #tpu.memory_space<hbm>> -> memref<632x16xf32, #tpu.memory_space<hbm>>
        %dma_wait3A_93 = arith.constant 0 : i32
        %dma_wait3A_94 = tpu.memref_slice %arg36[%mul3A_79, %dma_wait3A_93] : memref<10112x16xf32, #tpu.memory_space<vmem_shared>> -> memref<632x16xf32, #tpu.memory_space<vmem_shared>>
        tpu.wait_dma2 semaphore(%run_scoped3A : memref<!tpu.dma_semaphore, #tpu.memory_space<semaphore_mem>>) src(%dma_wait3A_94 : memref<632x16xf32, #tpu.memory_space<vmem_shared>>) dst(%dma_wait3A_92 : memref<632x16xf32, #tpu.memory_space<hbm>>)
        tpu.yield
      }) : () -> ()
    } else {
    }
    return
  }
}

module attributes {stable_mosaic.version = 14 : i64} {
  func.func @_prep_body(%arg0: i32, %arg1: memref<2000x128xf32, #tpu.memory_space<vmem>>, %arg2: memref<128x128xf32, #tpu.memory_space<vmem>>, %arg3: memref<128x16xf32, #tpu.memory_space<vmem>>, %arg4: memref<128x16xf32, #tpu.memory_space<vmem>>, %arg5: memref<2000x128xf32, #tpu.memory_space<vmem>>, %arg6: memref<2000x128xbf16, #tpu.memory_space<vmem>>, %arg7: memref<2000x16xf32, #tpu.memory_space<vmem>>, %arg8: memref<2000x16xf32, #tpu.memory_space<vmem>>, %arg9: memref<8x16xf32, #tpu.memory_space<vmem>>, %arg10: memref<8x16xf32, #tpu.memory_space<vmem>>) attributes {dimension_semantics = [#tpu.dimension_semantics<arbitrary>], iteration_bounds = array<i64: 5>, scalar_prefetch = 0 : i64, scratch_operands = 0 : i64, tpu.core_type = #tpu.core_type<tc>, window_params = [{transform_indices = @transform_0, window_bounds = array<i64: 2000, 128>}, {pipeline_mode = #tpu.pipeline_mode<synchronous>, transform_indices = @transform_1, window_bounds = array<i64: 128, 128>}, {pipeline_mode = #tpu.pipeline_mode<synchronous>, transform_indices = @transform_2, window_bounds = array<i64: 128, 16>}, {pipeline_mode = #tpu.pipeline_mode<synchronous>, transform_indices = @transform_3, window_bounds = array<i64: 128, 16>}, {transform_indices = @transform_4, window_bounds = array<i64: 2000, 128>}, {transform_indices = @transform_5, window_bounds = array<i64: 2000, 128>}, {transform_indices = @transform_6, window_bounds = array<i64: 2000, 16>}, {transform_indices = @transform_7, window_bounds = array<i64: 2000, 16>}, {pipeline_mode = #tpu.pipeline_mode<synchronous>, transform_indices = @transform_8, window_bounds = array<i64: 8, 16>}, {pipeline_mode = #tpu.pipeline_mode<synchronous>, transform_indices = @transform_9, window_bounds = array<i64: 8, 16>}]} {
    %get3A = arith.constant 0 : index
    %get3A_0 = arith.constant 0 : index
    %get3A_1 = vector.load %arg1[%get3A, %get3A_0] : memref<2000x128xf32, #tpu.memory_space<vmem>>, vector<2000x128xf32>
    %get3A_2 = arith.constant 0 : index
    %get3A_3 = arith.constant 0 : index
    %get3A_4 = vector.load %arg2[%get3A_2, %get3A_3] : memref<128x128xf32, #tpu.memory_space<vmem>>, vector<128x128xf32>
    %dot_general3A = arith.constant dense<0.000000e+00> : vector<2000x128xf32>
    %dot_general3A_5 = tpu.matmul %get3A_1, %get3A_4, %dot_general3A {dimension_numbers = #tpu.dot_dimension_numbers<[1], [0], [0], [1], [0, 0, 1, 1], [], []>, transpose_lhs_hint = false} : vector<2000x128xf32>, vector<128x128xf32>, vector<2000x128xf32> -> vector<2000x128xf32>
    %swap3A = arith.constant 0 : index
    %swap3A_6 = arith.constant 0 : index
    %swap3A_7 = vector.load %arg5[%swap3A, %swap3A_6] : memref<2000x128xf32, #tpu.memory_space<vmem>>, vector<2000x128xf32>
    tpu.vector_store %arg5[%swap3A, %swap3A_6], %dot_general3A_5 {strides = array<i32>} : memref<2000x128xf32, #tpu.memory_space<vmem>>, vector<2000x128xf32>,
    %convert_element_type3A = arith.truncf %dot_general3A_5 : vector<2000x128xf32> to vector<2000x128xbf16>
    %swap3A_8 = arith.constant 0 : index
    %swap3A_9 = arith.constant 0 : index
    %swap3A_10 = vector.load %arg6[%swap3A_8, %swap3A_9] : memref<2000x128xbf16, #tpu.memory_space<vmem>>, vector<2000x128xbf16>
    tpu.vector_store %arg6[%swap3A_8, %swap3A_9], %convert_element_type3A {strides = array<i32>} : memref<2000x128xbf16, #tpu.memory_space<vmem>>, vector<2000x128xbf16>,
    %get3A_11 = arith.constant 0 : index
    %get3A_12 = arith.constant 0 : index
    %get3A_13 = vector.load %arg3[%get3A_11, %get3A_12] : memref<128x16xf32, #tpu.memory_space<vmem>>, vector<128x16xf32>
    %dot_general3A_14 = arith.constant dense<0.000000e+00> : vector<2000x16xf32>
    %dot_general3A_15 = tpu.matmul %dot_general3A_5, %get3A_13, %dot_general3A_14 {dimension_numbers = #tpu.dot_dimension_numbers<[1], [0], [0], [1], [0, 0, 1, 1], [], []>, transpose_lhs_hint = false} : vector<2000x128xf32>, vector<128x16xf32>, vector<2000x16xf32> -> vector<2000x16xf32>
    %get3A_16 = arith.constant 0 : index
    %get3A_17 = arith.constant 0 : index
    %get3A_18 = vector.load %arg4[%get3A_16, %get3A_17] : memref<128x16xf32, #tpu.memory_space<vmem>>, vector<128x16xf32>
    %dot_general3A_19 = arith.constant dense<0.000000e+00> : vector<2000x16xf32>
    %dot_general3A_20 = tpu.matmul %dot_general3A_5, %get3A_18, %dot_general3A_19 {dimension_numbers = #tpu.dot_dimension_numbers<[1], [0], [0], [1], [0, 0, 1, 1], [], []>, transpose_lhs_hint = false} : vector<2000x128xf32>, vector<128x16xf32>, vector<2000x16xf32> -> vector<2000x16xf32>
    %swap3A_21 = arith.constant 0 : index
    %swap3A_22 = arith.constant 0 : index
    %swap3A_23 = vector.load %arg7[%swap3A_21, %swap3A_22] : memref<2000x16xf32, #tpu.memory_space<vmem>>, vector<2000x16xf32>
    tpu.vector_store %arg7[%swap3A_21, %swap3A_22], %dot_general3A_15 {strides = array<i32>} : memref<2000x16xf32, #tpu.memory_space<vmem>>, vector<2000x16xf32>,
    %swap3A_24 = arith.constant 0 : index
    %swap3A_25 = arith.constant 0 : index
    %swap3A_26 = vector.load %arg8[%swap3A_24, %swap3A_25] : memref<2000x16xf32, #tpu.memory_space<vmem>>, vector<2000x16xf32>
    tpu.vector_store %arg8[%swap3A_24, %swap3A_25], %dot_general3A_20 {strides = array<i32>} : memref<2000x16xf32, #tpu.memory_space<vmem>>, vector<2000x16xf32>,
    %reduce_max3A = arith.constant dense<0xFF800000> : vector<16xf32>
    %reduce_max3A_27 = vector.multi_reduction <maximumf>, %dot_general3A_15, %reduce_max3A [0] : vector<2000x16xf32> to vector<16xf32>
    %broadcast_in_dim3A = vector.shape_cast %reduce_max3A_27 : vector<16xf32> to vector<1x16xf32>
    %broadcast_in_dim3A_28 = vector.shape_cast %broadcast_in_dim3A : vector<1x16xf32> to vector<1x16xf32>
    %broadcast_in_dim3A_29 = vector.broadcast %broadcast_in_dim3A_28 : vector<1x16xf32> to vector<8x16xf32>
    %reduce_max3A_30 = arith.constant dense<0xFF800000> : vector<16xf32>
    %reduce_max3A_31 = vector.multi_reduction <maximumf>, %dot_general3A_20, %reduce_max3A_30 [0] : vector<2000x16xf32> to vector<16xf32>
    %broadcast_in_dim3A_32 = vector.shape_cast %reduce_max3A_31 : vector<16xf32> to vector<1x16xf32>
    %broadcast_in_dim3A_33 = vector.shape_cast %broadcast_in_dim3A_32 : vector<1x16xf32> to vector<1x16xf32>
    %broadcast_in_dim3A_34 = vector.broadcast %broadcast_in_dim3A_33 : vector<1x16xf32> to vector<8x16xf32>
    %eq3A = arith.constant 0 : i32
    %eq3A_35 = arith.cmpi eq, %arg0, %eq3A : i32
    %convert_element_type3A_36 = arith.extui %eq3A_35 : i1 to i32
    %cond3A = arith.constant 0 : i32
    %cond3A_37 = arith.cmpi ne, %convert_element_type3A_36, %cond3A : i32
    scf.if %cond3A_37 {
      %swap3A_42 = arith.constant 0 : index
      %swap3A_43 = arith.constant 0 : index
      %swap3A_44 = vector.load %arg9[%swap3A_42, %swap3A_43] : memref<8x16xf32, #tpu.memory_space<vmem>>, vector<8x16xf32>
      tpu.vector_store %arg9[%swap3A_42, %swap3A_43], %broadcast_in_dim3A_29 {strides = array<i32>} : memref<8x16xf32, #tpu.memory_space<vmem>>, vector<8x16xf32>,
      %swap3A_45 = arith.constant 0 : index
      %swap3A_46 = arith.constant 0 : index
      %swap3A_47 = vector.load %arg10[%swap3A_45, %swap3A_46] : memref<8x16xf32, #tpu.memory_space<vmem>>, vector<8x16xf32>
      tpu.vector_store %arg10[%swap3A_45, %swap3A_46], %broadcast_in_dim3A_34 {strides = array<i32>} : memref<8x16xf32, #tpu.memory_space<vmem>>, vector<8x16xf32>,
    } else {
    }
    %ne3A = arith.constant 0 : i32
    %ne3A_38 = arith.cmpi ne, %arg0, %ne3A : i32
    %convert_element_type3A_39 = arith.extui %ne3A_38 : i1 to i32
    %cond3A_40 = arith.constant 0 : i32
    %cond3A_41 = arith.cmpi ne, %convert_element_type3A_39, %cond3A_40 : i32
    scf.if %cond3A_41 {
      %get3A_42 = arith.constant 0 : index
      %get3A_43 = arith.constant 0 : index
      %get3A_44 = vector.load %arg9[%get3A_42, %get3A_43] : memref<8x16xf32, #tpu.memory_space<vmem>>, vector<8x16xf32>
      %max3A = arith.maximumf %get3A_44, %broadcast_in_dim3A_29 : vector<8x16xf32>
      %swap3A_45 = arith.constant 0 : index
      %swap3A_46 = arith.constant 0 : index
      %swap3A_47 = vector.load %arg9[%swap3A_45, %swap3A_46] : memref<8x16xf32, #tpu.memory_space<vmem>>, vector<8x16xf32>
      tpu.vector_store %arg9[%swap3A_45, %swap3A_46], %max3A {strides = array<i32>} : memref<8x16xf32, #tpu.memory_space<vmem>>, vector<8x16xf32>,
      %get3A_48 = arith.constant 0 : index
      %get3A_49 = arith.constant 0 : index
      %get3A_50 = vector.load %arg10[%get3A_48, %get3A_49] : memref<8x16xf32, #tpu.memory_space<vmem>>, vector<8x16xf32>
      %max3A_51 = arith.maximumf %get3A_50, %broadcast_in_dim3A_34 : vector<8x16xf32>
      %swap3A_52 = arith.constant 0 : index
      %swap3A_53 = arith.constant 0 : index
      %swap3A_54 = vector.load %arg10[%swap3A_52, %swap3A_53] : memref<8x16xf32, #tpu.memory_space<vmem>>, vector<8x16xf32>
      tpu.vector_store %arg10[%swap3A_52, %swap3A_53], %max3A_51 {strides = array<i32>} : memref<8x16xf32, #tpu.memory_space<vmem>>, vector<8x16xf32>,
    } else {
    }
    return
  }
  func.func @transform_0(%arg0: i32) -> (i32, i32) {
    %c0_i32 = arith.constant 0 : i32
    %c0_i32_0 = arith.constant 0 : i32
    return %arg0, %c0_i32 : i32, i32
  }
  func.func @transform_1(%arg0: i32) -> (i32, i32) {
    %c0_i32 = arith.constant 0 : i32
    %c0_i32_0 = arith.constant 0 : i32
    %c0_i32_1 = arith.constant 0 : i32
    return %c0_i32, %c0_i32_0 : i32, i32
  }
  func.func @transform_2(%arg0: i32) -> (i32, i32) {
    %c0_i32 = arith.constant 0 : i32
    %c0_i32_0 = arith.constant 0 : i32
    %c0_i32_1 = arith.constant 0 : i32
    return %c0_i32, %c0_i32_0 : i32, i32
  }
  func.func @transform_3(%arg0: i32) -> (i32, i32) {
    %c0_i32 = arith.constant 0 : i32
    %c0_i32_0 = arith.constant 0 : i32
    %c0_i32_1 = arith.constant 0 : i32
    return %c0_i32, %c0_i32_0 : i32, i32
  }
  func.func @transform_4(%arg0: i32) -> (i32, i32) {
    %c0_i32 = arith.constant 0 : i32
    %c0_i32_0 = arith.constant 0 : i32
    return %arg0, %c0_i32 : i32, i32
  }
  func.func @transform_5(%arg0: i32) -> (i32, i32) {
    %c0_i32 = arith.constant 0 : i32
    %c0_i32_0 = arith.constant 0 : i32
    return %arg0, %c0_i32 : i32, i32
  }
  func.func @transform_6(%arg0: i32) -> (i32, i32) {
    %c0_i32 = arith.constant 0 : i32
    %c0_i32_0 = arith.constant 0 : i32
    return %arg0, %c0_i32 : i32, i32
  }
  func.func @transform_7(%arg0: i32) -> (i32, i32) {
    %c0_i32 = arith.constant 0 : i32
    %c0_i32_0 = arith.constant 0 : i32
    return %arg0, %c0_i32 : i32, i32
  }
  func.func @transform_8(%arg0: i32) -> (i32, i32) {
    %c0_i32 = arith.constant 0 : i32
    %c0_i32_0 = arith.constant 0 : i32
    %c0_i32_1 = arith.constant 0 : i32
    return %c0_i32, %c0_i32_0 : i32, i32
  }
  func.func @transform_9(%arg0: i32) -> (i32, i32) {
    %c0_i32 = arith.constant 0 : i32
    %c0_i32_0 = arith.constant 0 : i32
    %c0_i32_1 = arith.constant 0 : i32
    return %c0_i32, %c0_i32_0 : i32, i32
  }
}

module attributes {stable_mosaic.version = 14 : i64} {
  func.func @_prep_body(%arg0: i32, %arg1: memref<2000x128xf32, #tpu.memory_space<vmem>>, %arg2: memref<128x128xf32, #tpu.memory_space<vmem>>, %arg3: memref<128x16xf32, #tpu.memory_space<vmem>>, %arg4: memref<128x16xf32, #tpu.memory_space<vmem>>, %arg5: memref<2000x128xf32, #tpu.memory_space<vmem>>, %arg6: memref<2000x128xbf16, #tpu.memory_space<vmem>>, %arg7: memref<2000x16xf32, #tpu.memory_space<vmem>>, %arg8: memref<2000x16xf32, #tpu.memory_space<vmem>>, %arg9: memref<8x16xf32, #tpu.memory_space<vmem>>, %arg10: memref<8x16xf32, #tpu.memory_space<vmem>>) attributes {dimension_semantics = [#tpu.dimension_semantics<arbitrary>], iteration_bounds = array<i64: 5>, scalar_prefetch = 0 : i64, scratch_operands = 0 : i64, tpu.core_type = #tpu.core_type<tc>, window_params = [{transform_indices = @transform_0, window_bounds = array<i64: 2000, 128>}, {pipeline_mode = #tpu.pipeline_mode<synchronous>, transform_indices = @transform_1, window_bounds = array<i64: 128, 128>}, {pipeline_mode = #tpu.pipeline_mode<synchronous>, transform_indices = @transform_2, window_bounds = array<i64: 128, 16>}, {pipeline_mode = #tpu.pipeline_mode<synchronous>, transform_indices = @transform_3, window_bounds = array<i64: 128, 16>}, {transform_indices = @transform_4, window_bounds = array<i64: 2000, 128>}, {transform_indices = @transform_5, window_bounds = array<i64: 2000, 128>}, {transform_indices = @transform_6, window_bounds = array<i64: 2000, 16>}, {transform_indices = @transform_7, window_bounds = array<i64: 2000, 16>}, {pipeline_mode = #tpu.pipeline_mode<synchronous>, transform_indices = @transform_8, window_bounds = array<i64: 8, 16>}, {pipeline_mode = #tpu.pipeline_mode<synchronous>, transform_indices = @transform_9, window_bounds = array<i64: 8, 16>}]} {
    %get3A = arith.constant 0 : index
    %get3A_0 = arith.constant 0 : index
    %get3A_1 = vector.load %arg1[%get3A, %get3A_0] : memref<2000x128xf32, #tpu.memory_space<vmem>>, vector<2000x128xf32>
    %get3A_2 = arith.constant 0 : index
    %get3A_3 = arith.constant 0 : index
    %get3A_4 = vector.load %arg2[%get3A_2, %get3A_3] : memref<128x128xf32, #tpu.memory_space<vmem>>, vector<128x128xf32>
    %dot_general3A = arith.constant dense<0.000000e+00> : vector<2000x128xf32>
    %dot_general3A_5 = tpu.matmul %get3A_1, %get3A_4, %dot_general3A {dimension_numbers = #tpu.dot_dimension_numbers<[1], [0], [0], [1], [0, 0, 1, 1], [], []>, transpose_lhs_hint = false} : vector<2000x128xf32>, vector<128x128xf32>, vector<2000x128xf32> -> vector<2000x128xf32>
    %swap3A = arith.constant 0 : index
    %swap3A_6 = arith.constant 0 : index
    %swap3A_7 = vector.load %arg5[%swap3A, %swap3A_6] : memref<2000x128xf32, #tpu.memory_space<vmem>>, vector<2000x128xf32>
    tpu.vector_store %arg5[%swap3A, %swap3A_6], %dot_general3A_5 {strides = array<i32>} : memref<2000x128xf32, #tpu.memory_space<vmem>>, vector<2000x128xf32>,
    %convert_element_type3A = arith.truncf %dot_general3A_5 : vector<2000x128xf32> to vector<2000x128xbf16>
    %swap3A_8 = arith.constant 0 : index
    %swap3A_9 = arith.constant 0 : index
    %swap3A_10 = vector.load %arg6[%swap3A_8, %swap3A_9] : memref<2000x128xbf16, #tpu.memory_space<vmem>>, vector<2000x128xbf16>
    tpu.vector_store %arg6[%swap3A_8, %swap3A_9], %convert_element_type3A {strides = array<i32>} : memref<2000x128xbf16, #tpu.memory_space<vmem>>, vector<2000x128xbf16>,
    %get3A_11 = arith.constant 0 : index
    %get3A_12 = arith.constant 0 : index
    %get3A_13 = vector.load %arg3[%get3A_11, %get3A_12] : memref<128x16xf32, #tpu.memory_space<vmem>>, vector<128x16xf32>
    %dot_general3A_14 = arith.constant dense<0.000000e+00> : vector<2000x16xf32>
    %dot_general3A_15 = tpu.matmul %dot_general3A_5, %get3A_13, %dot_general3A_14 {dimension_numbers = #tpu.dot_dimension_numbers<[1], [0], [0], [1], [0, 0, 1, 1], [], []>, transpose_lhs_hint = false} : vector<2000x128xf32>, vector<128x16xf32>, vector<2000x16xf32> -> vector<2000x16xf32>
    %get3A_16 = arith.constant 0 : index
    %get3A_17 = arith.constant 0 : index
    %get3A_18 = vector.load %arg4[%get3A_16, %get3A_17] : memref<128x16xf32, #tpu.memory_space<vmem>>, vector<128x16xf32>
    %dot_general3A_19 = arith.constant dense<0.000000e+00> : vector<2000x16xf32>
    %dot_general3A_20 = tpu.matmul %dot_general3A_5, %get3A_18, %dot_general3A_19 {dimension_numbers = #tpu.dot_dimension_numbers<[1], [0], [0], [1], [0, 0, 1, 1], [], []>, transpose_lhs_hint = false} : vector<2000x128xf32>, vector<128x16xf32>, vector<2000x16xf32> -> vector<2000x16xf32>
    %swap3A_21 = arith.constant 0 : index
    %swap3A_22 = arith.constant 0 : index
    %swap3A_23 = vector.load %arg7[%swap3A_21, %swap3A_22] : memref<2000x16xf32, #tpu.memory_space<vmem>>, vector<2000x16xf32>
    tpu.vector_store %arg7[%swap3A_21, %swap3A_22], %dot_general3A_15 {strides = array<i32>} : memref<2000x16xf32, #tpu.memory_space<vmem>>, vector<2000x16xf32>,
    %swap3A_24 = arith.constant 0 : index
    %swap3A_25 = arith.constant 0 : index
    %swap3A_26 = vector.load %arg8[%swap3A_24, %swap3A_25] : memref<2000x16xf32, #tpu.memory_space<vmem>>, vector<2000x16xf32>
    tpu.vector_store %arg8[%swap3A_24, %swap3A_25], %dot_general3A_20 {strides = array<i32>} : memref<2000x16xf32, #tpu.memory_space<vmem>>, vector<2000x16xf32>,
    %reduce_max3A = arith.constant dense<0xFF800000> : vector<16xf32>
    %reduce_max3A_27 = vector.multi_reduction <maximumf>, %dot_general3A_15, %reduce_max3A [0] : vector<2000x16xf32> to vector<16xf32>
    %broadcast_in_dim3A = vector.shape_cast %reduce_max3A_27 : vector<16xf32> to vector<1x16xf32>
    %broadcast_in_dim3A_28 = vector.shape_cast %broadcast_in_dim3A : vector<1x16xf32> to vector<1x16xf32>
    %broadcast_in_dim3A_29 = vector.broadcast %broadcast_in_dim3A_28 : vector<1x16xf32> to vector<8x16xf32>
    %reduce_max3A_30 = arith.constant dense<0xFF800000> : vector<16xf32>
    %reduce_max3A_31 = vector.multi_reduction <maximumf>, %dot_general3A_20, %reduce_max3A_30 [0] : vector<2000x16xf32> to vector<16xf32>
    %broadcast_in_dim3A_32 = vector.shape_cast %reduce_max3A_31 : vector<16xf32> to vector<1x16xf32>
    %broadcast_in_dim3A_33 = vector.shape_cast %broadcast_in_dim3A_32 : vector<1x16xf32> to vector<1x16xf32>
    %broadcast_in_dim3A_34 = vector.broadcast %broadcast_in_dim3A_33 : vector<1x16xf32> to vector<8x16xf32>
    %eq3A = arith.constant 0 : i32
    %eq3A_35 = arith.cmpi eq, %arg0, %eq3A : i32
    %convert_element_type3A_36 = arith.extui %eq3A_35 : i1 to i32
    %cond3A = arith.constant 0 : i32
    %cond3A_37 = arith.cmpi ne, %convert_element_type3A_36, %cond3A : i32
    scf.if %cond3A_37 {
      %swap3A_42 = arith.constant 0 : index
      %swap3A_43 = arith.constant 0 : index
      %swap3A_44 = vector.load %arg9[%swap3A_42, %swap3A_43] : memref<8x16xf32, #tpu.memory_space<vmem>>, vector<8x16xf32>
      tpu.vector_store %arg9[%swap3A_42, %swap3A_43], %broadcast_in_dim3A_29 {strides = array<i32>} : memref<8x16xf32, #tpu.memory_space<vmem>>, vector<8x16xf32>,
      %swap3A_45 = arith.constant 0 : index
      %swap3A_46 = arith.constant 0 : index
      %swap3A_47 = vector.load %arg10[%swap3A_45, %swap3A_46] : memref<8x16xf32, #tpu.memory_space<vmem>>, vector<8x16xf32>
      tpu.vector_store %arg10[%swap3A_45, %swap3A_46], %broadcast_in_dim3A_34 {strides = array<i32>} : memref<8x16xf32, #tpu.memory_space<vmem>>, vector<8x16xf32>,
    } else {
    }
    %ne3A = arith.constant 0 : i32
    %ne3A_38 = arith.cmpi ne, %arg0, %ne3A : i32
    %convert_element_type3A_39 = arith.extui %ne3A_38 : i1 to i32
    %cond3A_40 = arith.constant 0 : i32
    %cond3A_41 = arith.cmpi ne, %convert_element_type3A_39, %cond3A_40 : i32
    scf.if %cond3A_41 {
      %get3A_42 = arith.constant 0 : index
      %get3A_43 = arith.constant 0 : index
      %get3A_44 = vector.load %arg9[%get3A_42, %get3A_43] : memref<8x16xf32, #tpu.memory_space<vmem>>, vector<8x16xf32>
      %max3A = arith.maximumf %get3A_44, %broadcast_in_dim3A_29 : vector<8x16xf32>
      %swap3A_45 = arith.constant 0 : index
      %swap3A_46 = arith.constant 0 : index
      %swap3A_47 = vector.load %arg9[%swap3A_45, %swap3A_46] : memref<8x16xf32, #tpu.memory_space<vmem>>, vector<8x16xf32>
      tpu.vector_store %arg9[%swap3A_45, %swap3A_46], %max3A {strides = array<i32>} : memref<8x16xf32, #tpu.memory_space<vmem>>, vector<8x16xf32>,
      %get3A_48 = arith.constant 0 : index
      %get3A_49 = arith.constant 0 : index
      %get3A_50 = vector.load %arg10[%get3A_48, %get3A_49] : memref<8x16xf32, #tpu.memory_space<vmem>>, vector<8x16xf32>
      %max3A_51 = arith.maximumf %get3A_50, %broadcast_in_dim3A_34 : vector<8x16xf32>
      %swap3A_52 = arith.constant 0 : index
      %swap3A_53 = arith.constant 0 : index
      %swap3A_54 = vector.load %arg10[%swap3A_52, %swap3A_53] : memref<8x16xf32, #tpu.memory_space<vmem>>, vector<8x16xf32>
      tpu.vector_store %arg10[%swap3A_52, %swap3A_53], %max3A_51 {strides = array<i32>} : memref<8x16xf32, #tpu.memory_space<vmem>>, vector<8x16xf32>,
    } else {
    }
    return
  }
  func.func @transform_0(%arg0: i32) -> (i32, i32) {
    %c0_i32 = arith.constant 0 : i32
    %c0_i32_0 = arith.constant 0 : i32
    return %arg0, %c0_i32 : i32, i32
  }
  func.func @transform_1(%arg0: i32) -> (i32, i32) {
    %c0_i32 = arith.constant 0 : i32
    %c0_i32_0 = arith.constant 0 : i32
    %c0_i32_1 = arith.constant 0 : i32
    return %c0_i32, %c0_i32_0 : i32, i32
  }
  func.func @transform_2(%arg0: i32) -> (i32, i32) {
    %c0_i32 = arith.constant 0 : i32
    %c0_i32_0 = arith.constant 0 : i32
    %c0_i32_1 = arith.constant 0 : i32
    return %c0_i32, %c0_i32_0 : i32, i32
  }
  func.func @transform_3(%arg0: i32) -> (i32, i32) {
    %c0_i32 = arith.constant 0 : i32
    %c0_i32_0 = arith.constant 0 : i32
    %c0_i32_1 = arith.constant 0 : i32
    return %c0_i32, %c0_i32_0 : i32, i32
  }
  func.func @transform_4(%arg0: i32) -> (i32, i32) {
    %c0_i32 = arith.constant 0 : i32
    %c0_i32_0 = arith.constant 0 : i32
    return %arg0, %c0_i32 : i32, i32
  }
  func.func @transform_5(%arg0: i32) -> (i32, i32) {
    %c0_i32 = arith.constant 0 : i32
    %c0_i32_0 = arith.constant 0 : i32
    return %arg0, %c0_i32 : i32, i32
  }
  func.func @transform_6(%arg0: i32) -> (i32, i32) {
    %c0_i32 = arith.constant 0 : i32
    %c0_i32_0 = arith.constant 0 : i32
    return %arg0, %c0_i32 : i32, i32
  }
  func.func @transform_7(%arg0: i32) -> (i32, i32) {
    %c0_i32 = arith.constant 0 : i32
    %c0_i32_0 = arith.constant 0 : i32
    return %arg0, %c0_i32 : i32, i32
  }
  func.func @transform_8(%arg0: i32) -> (i32, i32) {
    %c0_i32 = arith.constant 0 : i32
    %c0_i32_0 = arith.constant 0 : i32
    %c0_i32_1 = arith.constant 0 : i32
    return %c0_i32, %c0_i32_0 : i32, i32
  }
  func.func @transform_9(%arg0: i32) -> (i32, i32) {
    %c0_i32 = arith.constant 0 : i32
    %c0_i32_0 = arith.constant 0 : i32
    %c0_i32_1 = arith.constant 0 : i32
    return %c0_i32, %c0_i32_0 : i32, i32
  }
}

module attributes {stable_mosaic.version = 14 : i64} {
  func.func @_fin_body(%arg0: i32, %arg1: memref<2000x128xf32, #tpu.memory_space<vmem>>, %arg2: memref<2000x128xf32, #tpu.memory_space<vmem>>, %arg3: memref<2000x16xf32, #tpu.memory_space<vmem>>, %arg4: memref<2000x16xf32, #tpu.memory_space<vmem>>, %arg5: memref<2000x16xf32, #tpu.memory_space<vmem>>, %arg6: memref<2000x16xf32, #tpu.memory_space<vmem>>, %arg7: memref<2000x128xf32, #tpu.memory_space<vmem>>, %arg8: memref<1x16xf32, #tpu.memory_space<vmem>>, %arg9: memref<1x128xf32, #tpu.memory_space<vmem>>, %arg10: memref<8x128xf32, #tpu.memory_space<vmem>>, %arg11: memref<128x128xf32, #tpu.memory_space<vmem>>, %arg12: memref<2000x128xf32, #tpu.memory_space<vmem>>) attributes {dimension_semantics = [#tpu.dimension_semantics<arbitrary>], iteration_bounds = array<i64: 5>, scalar_prefetch = 0 : i64, scratch_operands = 0 : i64, tpu.core_type = #tpu.core_type<tc>, window_params = [{transform_indices = @transform_0, window_bounds = array<i64: 2000, 128>}, {transform_indices = @transform_1, window_bounds = array<i64: 2000, 128>}, {transform_indices = @transform_2, window_bounds = array<i64: 2000, 16>}, {transform_indices = @transform_3, window_bounds = array<i64: 2000, 16>}, {transform_indices = @transform_4, window_bounds = array<i64: 2000, 16>}, {transform_indices = @transform_5, window_bounds = array<i64: 2000, 16>}, {transform_indices = @transform_6, window_bounds = array<i64: 2000, 128>}, {pipeline_mode = #tpu.pipeline_mode<synchronous>, transform_indices = @transform_7, window_bounds = array<i64: 1, 16>}, {pipeline_mode = #tpu.pipeline_mode<synchronous>, transform_indices = @transform_8, window_bounds = array<i64: 1, 128>}, {pipeline_mode = #tpu.pipeline_mode<synchronous>, transform_indices = @transform_9, window_bounds = array<i64: 8, 128>}, {pipeline_mode = #tpu.pipeline_mode<synchronous>, transform_indices = @transform_10, window_bounds = array<i64: 128, 128>}, {transform_indices = @transform_11, window_bounds = array<i64: 2000, 128>}]} {
    %get3A = arith.constant 0 : index
    %get3A_0 = arith.constant 0 : index
    %get3A_1 = vector.load %arg5[%get3A, %get3A_0] : memref<2000x16xf32, #tpu.memory_space<vmem>>, vector<2000x16xf32>
    %get3A_2 = arith.constant 0 : index
    %get3A_3 = arith.constant 0 : index
    %get3A_4 = vector.load %arg6[%get3A_2, %get3A_3] : memref<2000x16xf32, #tpu.memory_space<vmem>>, vector<2000x16xf32>
    %add3A = arith.addf %get3A_1, %get3A_4 : vector<2000x16xf32>
    %ge3A = arith.constant 0.000000e+00 : f32
    %ge3A_5 = vector.broadcast %ge3A : f32 to vector<2000x16xf32>
    %ge3A_6 = arith.cmpf oge, %add3A, %ge3A_5 : vector<2000x16xf32>
    %mul3A = arith.constant 2.000000e-01 : f32
    %mul3A_7 = vector.broadcast %mul3A : f32 to vector<2000x16xf32>
    %mul3A_8 = arith.mulf %add3A, %mul3A_7 : vector<2000x16xf32>
    %select_n3A = arith.select %ge3A_6, %add3A, %mul3A_8 : vector<2000x16xi1>, vector<2000x16xf32>
    %get3A_9 = arith.constant 0 : index
    %get3A_10 = arith.constant 0 : index
    %get3A_11 = vector.load %arg8[%get3A_9, %get3A_10] : memref<1x16xf32, #tpu.memory_space<vmem>>, vector<1x16xf32>
    %sub3A = vector.broadcast %get3A_11 : vector<1x16xf32> to vector<2000x16xf32>
    %sub3A_12 = arith.subf %select_n3A, %sub3A : vector<2000x16xf32>
    %exp3A = math.exp %sub3A_12 : vector<2000x16xf32>
    %get3A_13 = arith.constant 0 : index
    %get3A_14 = arith.constant 0 : index
    %get3A_15 = vector.load %arg3[%get3A_13, %get3A_14] : memref<2000x16xf32, #tpu.memory_space<vmem>>, vector<2000x16xf32>
    %get3A_16 = arith.constant 0 : index
    %get3A_17 = arith.constant 0 : index
    %get3A_18 = vector.load %arg4[%get3A_16, %get3A_17] : memref<2000x16xf32, #tpu.memory_space<vmem>>, vector<2000x16xf32>
    %add3A_19 = arith.addf %get3A_15, %get3A_18 : vector<2000x16xf32>
    %add3A_20 = arith.addf %add3A_19, %exp3A : vector<2000x16xf32>
    %slice3A = vector.extract_strided_slice %add3A_20 {offsets = [0, 0], sizes = [2000, 8], strides = [1, 1]} : vector<2000x16xf32> to vector<2000x8xf32>
    %get3A_21 = arith.constant 0 : index
    %get3A_22 = arith.constant 0 : index
    %get3A_23 = vector.load %arg10[%get3A_21, %get3A_22] : memref<8x128xf32, #tpu.memory_space<vmem>>, vector<8x128xf32>
    %dot_general3A = arith.constant dense<0.000000e+00> : vector<2000x128xf32>
    %dot_general3A_24 = tpu.matmul %slice3A, %get3A_23, %dot_general3A {dimension_numbers = #tpu.dot_dimension_numbers<[1], [0], [0], [1], [0, 0, 1, 1], [], []>, transpose_lhs_hint = false} : vector<2000x8xf32>, vector<8x128xf32>, vector<2000x128xf32> -> vector<2000x128xf32>
    %slice3A_25 = vector.extract_strided_slice %exp3A {offsets = [0, 0], sizes = [2000, 8], strides = [1, 1]} : vector<2000x16xf32> to vector<2000x8xf32>
    %get3A_26 = arith.constant 0 : index
    %get3A_27 = arith.constant 0 : index
    %get3A_28 = vector.load %arg10[%get3A_26, %get3A_27] : memref<8x128xf32, #tpu.memory_space<vmem>>, vector<8x128xf32>
    %dot_general3A_29 = arith.constant dense<0.000000e+00> : vector<2000x128xf32>
    %dot_general3A_30 = tpu.matmul %slice3A_25, %get3A_28, %dot_general3A_29 {dimension_numbers = #tpu.dot_dimension_numbers<[1], [0], [0], [1], [0, 0, 1, 1], [], []>, transpose_lhs_hint = false} : vector<2000x8xf32>, vector<8x128xf32>, vector<2000x128xf32> -> vector<2000x128xf32>
    %get3A_31 = arith.constant 0 : index
    %get3A_32 = arith.constant 0 : index
    %get3A_33 = vector.load %arg1[%get3A_31, %get3A_32] : memref<2000x128xf32, #tpu.memory_space<vmem>>, vector<2000x128xf32>
    %get3A_34 = arith.constant 0 : index
    %get3A_35 = arith.constant 0 : index
    %get3A_36 = vector.load %arg2[%get3A_34, %get3A_35] : memref<2000x128xf32, #tpu.memory_space<vmem>>, vector<2000x128xf32>
    %add3A_37 = arith.addf %get3A_33, %get3A_36 : vector<2000x128xf32>
    %get3A_38 = arith.constant 0 : index
    %get3A_39 = arith.constant 0 : index
    %get3A_40 = vector.load %arg11[%get3A_38, %get3A_39] : memref<128x128xf32, #tpu.memory_space<vmem>>, vector<128x128xf32>
    %dot_general3A_41 = arith.constant dense<0.000000e+00> : vector<2000x128xf32>
    %dot_general3A_42 = tpu.matmul %add3A_37, %get3A_40, %dot_general3A_41 {dimension_numbers = #tpu.dot_dimension_numbers<[1], [0], [0], [1], [0, 0, 1, 1], [], []>, transpose_lhs_hint = false} : vector<2000x128xf32>, vector<128x128xf32>, vector<2000x128xf32> -> vector<2000x128xf32>
    %get3A_43 = arith.constant 0 : index
    %get3A_44 = arith.constant 0 : index
    %get3A_45 = vector.load %arg7[%get3A_43, %get3A_44] : memref<2000x128xf32, #tpu.memory_space<vmem>>, vector<2000x128xf32>
    %mul3A_46 = arith.mulf %dot_general3A_30, %get3A_45 : vector<2000x128xf32>
    %add3A_47 = arith.addf %dot_general3A_42, %mul3A_46 : vector<2000x128xf32>
    %add3A_48 = arith.constant 1.000000e-30 : f32
    %add3A_49 = vector.broadcast %add3A_48 : f32 to vector<2000x128xf32>
    %add3A_50 = arith.addf %dot_general3A_24, %add3A_49 : vector<2000x128xf32>
    %div3A = arith.divf %add3A_47, %add3A_50 : vector<2000x128xf32>
    %get3A_51 = arith.constant 0 : index
    %get3A_52 = arith.constant 0 : index
    %get3A_53 = vector.load %arg9[%get3A_51, %get3A_52] : memref<1x128xf32, #tpu.memory_space<vmem>>, vector<1x128xf32>
    %add3A_54 = vector.broadcast %get3A_53 : vector<1x128xf32> to vector<2000x128xf32>
    %add3A_55 = arith.addf %div3A, %add3A_54 : vector<2000x128xf32>
    %swap3A = arith.constant 0 : index
    %swap3A_56 = arith.constant 0 : index
    %swap3A_57 = vector.load %arg12[%swap3A, %swap3A_56] : memref<2000x128xf32, #tpu.memory_space<vmem>>, vector<2000x128xf32>
    tpu.vector_store %arg12[%swap3A, %swap3A_56], %add3A_55 {strides = array<i32>} : memref<2000x128xf32, #tpu.memory_space<vmem>>, vector<2000x128xf32>,
    return
  }
  func.func @transform_0(%arg0: i32) -> (i32, i32) {
    %c0_i32 = arith.constant 0 : i32
    %c0_i32_0 = arith.constant 0 : i32
    return %arg0, %c0_i32 : i32, i32
  }
  func.func @transform_1(%arg0: i32) -> (i32, i32) {
    %c0_i32 = arith.constant 0 : i32
    %c0_i32_0 = arith.constant 0 : i32
    return %arg0, %c0_i32 : i32, i32
  }
  func.func @transform_2(%arg0: i32) -> (i32, i32) {
    %c0_i32 = arith.constant 0 : i32
    %c0_i32_0 = arith.constant 0 : i32
    return %arg0, %c0_i32 : i32, i32
  }
  func.func @transform_3(%arg0: i32) -> (i32, i32) {
    %c0_i32 = arith.constant 0 : i32
    %c0_i32_0 = arith.constant 0 : i32
    return %arg0, %c0_i32 : i32, i32
  }
  func.func @transform_4(%arg0: i32) -> (i32, i32) {
    %c0_i32 = arith.constant 0 : i32
    %c0_i32_0 = arith.constant 0 : i32
    return %arg0, %c0_i32 : i32, i32
  }
  func.func @transform_5(%arg0: i32) -> (i32, i32) {
    %c0_i32 = arith.constant 0 : i32
    %c0_i32_0 = arith.constant 0 : i32
    return %arg0, %c0_i32 : i32, i32
  }
  func.func @transform_6(%arg0: i32) -> (i32, i32) {
    %c0_i32 = arith.constant 0 : i32
    %c0_i32_0 = arith.constant 0 : i32
    return %arg0, %c0_i32 : i32, i32
  }
  func.func @transform_7(%arg0: i32) -> (i32, i32) {
    %c0_i32 = arith.constant 0 : i32
    %c0_i32_0 = arith.constant 0 : i32
    %c0_i32_1 = arith.constant 0 : i32
    return %c0_i32, %c0_i32_0 : i32, i32
  }
  func.func @transform_8(%arg0: i32) -> (i32, i32) {
    %c0_i32 = arith.constant 0 : i32
    %c0_i32_0 = arith.constant 0 : i32
    %c0_i32_1 = arith.constant 0 : i32
    return %c0_i32, %c0_i32_0 : i32, i32
  }
  func.func @transform_9(%arg0: i32) -> (i32, i32) {
    %c0_i32 = arith.constant 0 : i32
    %c0_i32_0 = arith.constant 0 : i32
    %c0_i32_1 = arith.constant 0 : i32
    return %c0_i32, %c0_i32_0 : i32, i32
  }
  func.func @transform_10(%arg0: i32) -> (i32, i32) {
    %c0_i32 = arith.constant 0 : i32
    %c0_i32_0 = arith.constant 0 : i32
    %c0_i32_1 = arith.constant 0 : i32
    return %c0_i32, %c0_i32_0 : i32, i32
  }
  func.func @transform_11(%arg0: i32) -> (i32, i32) {
    %c0_i32 = arith.constant 0 : i32
    %c0_i32_0 = arith.constant 0 : i32
    return %arg0, %c0_i32 : i32, i32
  }
}

</mosaic_0001>

<sc_bundles>
// kernel: kernel.6.cloned.1.call-start
scs
__scs_entry_jumppad:
0x0: {  	(pc) =	sbr.rel $0x88, $3  }
0x1: {  	(tag) =	ssettag $0x0;
	lr =	simm.s32 $0x1  }
0x2: {  	[smem:$0x3F9A] =	sst lr;
	_ =	strace $0xD0000000  }
0x3: {  	_ = 	snop  }
0x4: {  	_ = 	snop  }
0x5: {  	_ = 	snop  }
0x6: {  	_ = 	snop  }
0x7: {  	_ = 	snop  }
__scs_overlays_trampoline_lowered:
0x8: {  	[smem:$0x3FA9] =	sst s0  }
0x9: {  	[smem:$0x3FAA] =	sst s1  }
0xa: {  	[smem:$0x3FAB] =	sst s2  }
0xb: {  	[smem:$0x3FAC] =	sst s3  }
0xc: {  	[smem:$0x3FAD] =	sst s4  }
0xd: {  	[smem:$0x3FAE] =	sst s5  }
0xe: {  	[smem:$0x3FAF] =	sst s6  }
0xf: {  	[smem:$0x3FB0] =	sst s7  }
0x10: {  	[smem:$0x3FB1] =	sst s8  }
0x11: {  	[smem:$0x3FB2] =	sst s9;
	s0 =	simm.s32 @!p0 $0x0  }
0x12: {  	s1 =	sld [smem:$0x3F98];
	s0 =	simm.s32 @p0 $0x1  }
0x13: {  	[smem:$0x3FB3] =	sst s0;
	s0 =	simm.s32 @!p1 $0x0  }
0x14: {  	s2 =	sld [smem:$0x3F97];
	s0 =	simm.s32 @p1 $0x1  }
0x15: {  	[smem:$0x3FB4] =	sst s0;
	s0 =	simm.s32 @!p2 $0x0  }
0x16: {  	s3 =	sld [smem:$0x3FDB];
	s0 =	simm.s32 @p2 $0x1  }
0x17: {  	s4 =	simm.s32 $0x1BF5;
	[smem:$0x3FB6] =	sst s0  }
0x18: {  	s0 =	sld [smem:$0x3F99];
	_ =	swait.ge [sflag:s4], $0x0  }
0x19: {  	s7 =	sld [smem:$0x3F9A]  }
0x1a: {  	s8 =	sadd.s32 $0xFFFFE003, lr  }
0x1b: {  	s9 =	sadd.s32 $0xFFFFFEF7, lr;
	s5 =	simm.s32 $0xFFFFFFFF;
	p2 =	slt.u32 s8, $0xFFFFF086  }
0x1c: {  	p1 =	slt.u32 s9, $0xF7A;
	s5 =	simm.s32 @!p2 $0x0  }
0x1d: {  	s5 =	simm.s32 @p1 $0x1;
	p0 =	seq.s32 s7, s2  }
0x1e: {  	s7 =	smul.u32 @!p0 $0xF7A, s2;
	p2 =	seq.s32 @!p0 s5, $0x0  }
0x1f: {  	s9 =	smul.u32 $0xF7A, s1;
	s8 =	simm.s32 @!p0 $0x1BF5;
	p2 =	por !p2, p0  }
0x20: {  	[sflag:s8] =	ssyncset.s32 @!p0 $0xFFFFF086;
	s6 =	sadd.s32 @!p0 s3, s7;
	s7 =	simm.s32 @!p0 $0x108  }
0x21: {  	s3 =	sadd.s32 s3, s9;
	s6 =	sadd.s32 @!p0 $0x88, s6;
	s7 =	simm.s32 @p2 $0x1082  }
0x22: {  	[simem:s7], [sflag:s8] =	dma.local @!p0 [hbm:s6], $0xF7A  }
0x23: {  	s9 =	sor.u32 $0xD0000000, s2;
	s6 =	simm.s32 $0x108;
	_ =	swait.ge @!p0 [sflag:s8], $0x0  }
0x24: {  	s3 =	sadd.s32 $0x88, s3;
	s6 =	simm.s32 @!p1 $0x1082;
	[sflag:s4] =	ssyncset.s32 $0xFFFFF086  }
0x25: {  	[simem:s6], [sflag:s4] =	dma.local [hbm:s3], $0xF7A  }
0x26: {  	[smem:$0x3F9A] =	sst s1;
	(tag) =	ssettag s2;
	_ =	strace s9  }
0x27: {  	s1 =	sld [smem:$0x3FAA]  }
0x28: {  	s2 =	sld [smem:$0x3FAB]  }
0x29: {  	s4 =	sld [smem:$0x3FAD]  }
0x2a: {  	p0 =	seq.s32 s5, $0x0;
	s5 =	sld [smem:$0x3FAE]  }
0x2b: {  	s6 =	sld [smem:$0x3FAF]  }
0x2c: {  	s7 =	sld [smem:$0x3FB0]  }
0x2d: {  	s3 =	simm.s32 $0x108;
	s8 =	sld [smem:$0x3FB1]  }
0x2e: {  	s3 =	simm.s32 @!p0 $0x1082;
	s9 =	sld [smem:$0x3FB2]  }
0x2f: {  	lr =	sadd.s32 s0, s3;
	s0 =	sld [smem:$0x3FA9]  }
0x30: {  	s3 =	sld [smem:$0x3FAC]  }
0x31: {  	[smem:$0x3FB5] =	sst s10  }
0x32: {  	s10 =	sld [smem:$0x3FB3];
	_ =	sdelay $0x3  }
0x33: {  	p0 =	seq.s32 s10, $0x1;
	s10 =	sld [smem:$0x3FB5];
	_ =	sdelay $0x3  }
0x34: {  	[smem:$0x3FB5] =	sst s10  }
0x35: {  	s10 =	sld [smem:$0x3FB4];
	_ =	sdelay $0x3  }
0x36: {  	p1 =	seq.s32 s10, $0x1;
	s10 =	sld [smem:$0x3FB5];
	_ =	sdelay $0x3  }
0x37: {  	[smem:$0x3FB5] =	sst s10  }
0x38: {  	s10 =	sld [smem:$0x3FB6]  }
0x39: {  	_ = 	snop;
	(pc) =	sbr.ind lr, $3  }
0x3a: {  	_ = 	snop  }
0x3b: {  	_ = 	snop  }
0x3c: {  	p2 =	seq.s32 s10, $0x1;
	s10 =	sld [smem:$0x3FB5]  }
0x3d: {  	_ =	shalt  }
0x3e: {  	_ =	shalt  }
0x3f: {  	_ =	shalt  }
0x40: {  	_ =	shalt  }
0x41: {  	_ =	shalt  }
0x42: {  	_ =	shalt  }
0x43: {  	_ =	shalt  }
0x44: {  	_ =	shalt  }
0x45: {  	_ =	shalt  }
0x46: {  	_ =	shalt  }
0x47: {  	_ =	shalt  }
0x48: {  	_ =	shalt  }
0x49: {  	_ =	shalt  }
0x4a: {  	_ =	shalt  }
0x4b: {  	_ =	shalt  }
0x4c: {  	_ =	shalt  }
0x4d: {  	_ =	shalt  }
0x4e: {  	_ =	shalt  }
0x4f: {  	_ =	shalt  }
0x50: {  	_ =	shalt  }
0x51: {  	_ =	shalt  }
0x52: {  	_ =	shalt  }
0x53: {  	_ =	shalt  }
0x54: {  	_ =	shalt  }
0x55: {  	_ =	shalt  }
0x56: {  	_ =	shalt  }
0x57: {  	_ =	shalt  }
0x58: {  	_ =	shalt  }
0x59: {  	_ =	shalt  }
0x5a: {  	_ =	shalt  }
0x5b: {  	_ =	shalt  }
0x5c: {  	_ =	shalt  }
0x5d: {  	_ =	shalt  }
0x5e: {  	_ =	shalt  }
0x5f: {  	_ =	shalt  }
0x60: {  	_ =	shalt  }
0x61: {  	_ =	shalt  }
0x62: {  	_ =	shalt  }
0x63: {  	_ =	shalt  }
0x64: {  	_ =	shalt  }
0x65: {  	_ =	shalt  }
0x66: {  	_ =	shalt  }
0x67: {  	_ =	shalt  }
0x68: {  	_ =	shalt  }
0x69: {  	_ =	shalt  }
0x6a: {  	_ =	shalt  }
0x6b: {  	_ =	shalt  }
0x6c: {  	_ =	shalt  }
0x6d: {  	_ =	shalt  }
0x6e: {  	_ =	shalt  }
0x6f: {  	_ =	shalt  }
0x70: {  	_ =	shalt  }
0x71: {  	_ =	shalt  }
0x72: {  	_ =	shalt  }
0x73: {  	_ =	shalt  }
0x74: {  	_ =	shalt  }
0x75: {  	_ =	shalt  }
0x76: {  	_ =	shalt  }
0x77: {  	_ =	shalt  }
0x78: {  	_ =	shalt  }
0x79: {  	_ =	shalt  }
0x7a: {  	_ =	shalt  }
0x7b: {  	_ =	shalt  }
0x7c: {  	_ =	shalt  }
0x7d: {  	_ =	shalt  }
0x7e: {  	_ =	shalt  }
0x7f: {  	_ =	shalt  }
0x80: {  	_ =	shalt  }
0x81: {  	_ =	shalt  }
0x82: {  	_ =	shalt  }
0x83: {  	_ =	shalt  }
0x84: {  	_ =	shalt  }
0x85: {  	_ =	shalt  }
0x86: {  	_ =	shalt  }
0x87: {  	_ =	shalt  }
.Lfunc_end0:
.L_simem_size_0:
called_computation_lowered:
.L_overlay_start_0:
0x88: {  	s2 =	sld [smem:$0x3FD9]  }
0x89: {  	s3 =	sld [smem:$0x3FFE];
	_ =	sdelay $0x1  }
0x8a: {  	s1 =	srdreg.scid  }
0x8b: {  	s0 =	sand.u32 $0x1, s1  }
0x8c: {  	s14 =	sshll.u32 s0, $0xA;
	s2 =	sadd.s32 s3, s2  }
0x8d: {  	s2 =	sadd.s32 s2, s14  }
0x8e: {  	[smem:$0x3FC1] =	sst s2  }
0x8f: {  	_ = 	snop  }
0x90: {  	s2 =	sld [smem:$0x3FD0];
	_ =	sdelay $0x2  }
0x91: {  	s15 =	simm.s32 $0xA;
	s4 =	simm.s32 $0x10  }
0x92: {  	[smem:s4], [sflag:s15] =	dma.local [hbm:s2], $0x1  }
0x93: {  	_ =	swait.eq [sflag:s15], $0x1  }
0x94: {  	[sflag:s15] =	ssyncset.done $0x0  }
0x95: {  	s16 =	sld [smem:$0x10];
	[sflag:s15] =	ssyncadd.s32 $0xFFFFFFFF  }
0x96: {  	s17 =	sld [smem:$0x11];
	(tm) =	ssettm $0x1  }
0x97: {  	s18 =	sld [smem:$0x3FFB];
	_ =	sdelay $0x3  }
0x98: {  	_ =	strace s18  }
0x99: {  	s4 =	sld [smem:$0x3FFC];
	_ =	sdelay $0x3  }
0x9a: {  	_ =	strace s4  }
0x9b: {  	s4 =	sld [smem:$0x3FFD];
	_ =	sdelay $0x3  }
0x9c: {  	_ =	strace s4  }
0x9d: {  	_ =	strace $0x8FFFFFFF  }
0x9e: {  	s19 =	sld [smem:$0x3FDB];
	_ =	sdelay $0x1  }
0x9f: {  	s5 =	simm.s32 $_scs_section_size  }
0xa0: {  	s6 =	simm.s32 $_size__tile_overlayer_lowered;
	s7 =	simm.s32 $_tile_overlayer_lowered  }
0xa1: {  	s22 =	simm.s32 $0x1BFF;
	s21 =	sshll.u32 s7, $0x1;
	s4 =	sadd.s32 s5, s19  }
0xa2: {  	s8 =	simm.s32 $0x0;
	s20 =	sshll.u32 s6, $0x1;
	s6 =	sadd.s32 s21, s4  }
0xa3: {  	[timem:s8], [sflag:s22] =	dma.local [hbm:s6], s20  }
0xa4: {  	_ =	swait.ge [sflag:s22], s20  }
0xa5: {  	s5 =	ssub.s32 $0x0, s20;
	[sflag:s22] =	ssyncset.done $0x0  }
0xa6: {  	[sflag:s22] =	ssyncadd.s32 s5;
	_ =	sdelay $0x1  }
0xa7: {  	s23 =	simm.s32 $0x1B8B  }
0xa8: {  	_ =	swait.ge [sflag:s23], $0x1  }
0xa9: {  	[sflag:s23] =	ssyncset.done $0x0  }
0xaa: {  	s25 =	simm.s32 $0x1B8E;
	s24 =	sld [smem:$0x3FFE];
	[sflag:s23] =	ssyncadd.s32 $0xFFFFFFFF  }
0xab: {  	s26 =	simm.s32 $execute0_lowered;
	[smem:$0x3FD2] =	sst s25  }
0xac: {  	s6 =	sshll.u32 s26, $0x1;
	_ =	strace $0x80000046;
	[dreg:$0x1] =	wrdreg $0xFFFFFFFF  }
0xad: {  	s28 =	simm.s32 $_size_execute0_lowered;
	s4 =	sadd.s32 s4, s6;
	[dreg:$0x0] =	wrdreg $0x0  }
0xae: {  	s6 =	sshll.u32 s28, $0x1;
	[dreg:$0x2] =	wrdreg s4  }
0xaf: {  	[dreg:$0x3] =	wrdreg s6  }
0xb0: {  	[dreg:$0x4] =	wrdreg $0xC0  }
0xb1: {  	_ =	task [dreg:s8], $0x5FFFF  }
0xb2: {  	[dreg:$0x1] =	wrdreg $0xFFFFFFFF  }
0xb3: {  	[dreg:$0x0] =	wrdreg $0x60  }
0xb4: {  	[dreg:$0x2] =	wrdreg s16  }
0xb5: {  	[dreg:$0x3] =	wrdreg s24  }
0xb6: {  	[dreg:$0x4] =	wrdreg s17  }
0xb7: {  	[dreg:$0x5] =	wrdreg $0x99300  }
0xb8: {  	[dreg:$0x6] =	wrdreg $0x1D5300  }
0xb9: {  	[dreg:$0x7] =	wrdreg $0x9  }
0xba: {  	_ =	task.clear_ibuf [dreg:s8], $0x8FFFF;
	_ =	strace $0x90000046  }
0xbb: {  	s29 =	simm.s32 $0x9;
	_ =	strace $0x80000048  }
0xbc: {  	_ =	swait.ge [sflag:s29], $0x1  }
0xbd: {  	[sflag:s29] =	ssyncadd.s32 $0xFFFFFFFF  }
0xbe: {  	_ =	strace $0x90000048  }
0xbf: {  	_ =	sfence  }
0xc0: {  	s30 =	sld [smem:$0x0];
	_ =	sdelay $0x2  }
0xc1: {  	s31 =	sshll.u32 s1, $0xD;
	s1 =	sshrl.u32 s1, $0x2  }
0xc2: {  	s3 =	sand.u32 $0x4000, s31;
	s1 =	sadd.s32 s1, s30  }
0xc3: {  	s0 =	sor.u32 s3, s0;
	s1 =	sshll.u32 s1, $0x11  }
0xc4: {  	s0 =	sor.u32 s1, s0  }
0xc5: {  	s0 =	sadd.s32 $0x8F2B, s0  }
0xc6: {  	[sflag:s0] =	ssyncadd.remote.s32 $0x1  }
0xc7: {  	_ =	sfence.sel $0xFFFF  }
0xc8: {  	[dreg:$0x0] =	wrdreg $0xFFFFFFFF;
	(pc) =	sbr.abs _section_cstart, $3  }
0xc9: {  	[dreg:$0x1] =	wrdreg $0xFFFFFFFF  }
0xca: {  	_ =	task.clear_ibuf [dreg:s8], $0x2FFFF;
	_ =	strace $0x9FFFFFFF  }
0xcb: {  	(tm) =	ssettm $0x7FFFFFFF  }
tec
execute0_lowered:
.L_overlay_start_1:
0x0: {  	(tag) =	ssettag $0x1  }
0x1: {  	s1 =	rddreg [dreg:$0x0]  }
0x2: {  	s0 =	rddreg [dreg:$0x1]  }
0x3: {  	s2 =	rddreg [dreg:$0x2]  }
0x4: {  	s3 =	rddreg [dreg:$0x3]  }
0x5: {  	s4 =	rddreg [dreg:$0x4];
	s5 =	simm.s32 $0x0  }
0x6: {  	s20 =	srdreg.scid;
	s17 =	stileid.u32;
	s31 =	simm.s32 $0x50  }
0x7: {  	s29 =	simm.s32 $0xF0;
	s30 =	simm.s32 $0x6;
	s28 =	simm.s32 $0x7  }
0x8: {  	[smem:$0x7FF] =	sst s5;
	s6 =	sadd.s32 $0x33A00, s0;
	s7 =	sadd.s32 $0x2EA00, s0  }
0x9: {  	s9 =	sadd.s32 $0x29A00, s0;
	s8 =	sadd.s32 $0x29800, s0;
	s19 =	sadd.s32 $0x3DA00, s0  }
0xa: {  	s10 =	sadd.s32 $0x40200, s0;
	s21 =	sshll.u32 s17, $0x1;
	s11 =	sadd.s32 $0x4A800, s0  }
0xb: {  	s12 =	sadd.s32 $0x72000, s0;
	s13 =	sadd.s32 $0x45800, s0;
	s16 =	smul.u32 $0x13C00, s17  }
0xc: {  	s22 =	sshll.u32 s17, $0x6;
	_ =	strace $0x80000047;
	[dreg:$0x6] =	wrdreg s8  }
0xd: {  	s17 =	smul.u32 $0x2780, s17;
	[dreg:$0x7] =	wrdreg s19;
	s8 =	sand.u32 $0x1, s20  }
0xe: {  	s0 =	sadd.s32 $0x40800, s0;
	[dreg:$0x8] =	wrdreg s10;
	s10 =	sor.u32 s8, s21  }
0xf: {  	s14 =	ssub.s32 $0x2, s8;
	s18 =	sadd.s32 s16, s3;
	s19 =	sadd.s32 s17, s4  }
0x10: {  	p0 =	seq.s32 s8, $0x1;
	s26 =	sshrl.u32 s16, $0x3;
	s10 =	smul.u32 $0x2800, s10  }
0x11: {  	s15 =	sshrl.u32 s14, $0x1;
	[dreg:$0x9] =	wrdreg s18;
	s18 =	sor.u32 $0x1C09, s22  }
0x12: {  	[dreg:$0xb] =	wrdreg s19;
	s11 =	smov.u32 @p0 s12;
	s13 =	smov.u32 @p0 s0  }
0x13: {  	s19 =	sshrl.u32 s17, $0x3;
	s8 =	sadd.s32 s11, s26;
	[dreg:$0xa] =	wrdreg s18  }
0x14: {  	s17 =	simm.s32 $0x0;
	s20 =	sadd.s32 s13, s19;
	[dreg:$0xe] =	wrdreg s8  }
0x15: {  	s14 =	ssub.s32 s14, s15;
	[dreg:$0x11] =	wrdreg s20;
	s22 =	sor.u32 $0xF0, s10  }
0x16: {  	s23 =	sshrl.u32 s10, $0x3;
	s26 =	smax.u32 s14, $0x1;
	[dreg:$0x14] =	wrdreg s22  }
0x17: {  	s15 =	simm.s32 $0x9;
	s24 =	sadd.s32 s1, s23;
	[dreg:$0x18] =	wrdreg s26  }
0x18: {  	s25 =	sadd.s32 s6, s23;
	s11 =	sor.u32 $0xA, s23;
	[dreg:$0xc] =	wrdreg s24  }
0x19: {  	s16 =	sor.u32 $0x14, s23;
	s23 =	sor.u32 $0x140, s10;
	[dreg:$0xd] =	wrdreg s25  }
0x1a: {  	s13 =	simm.s32 $0xA0;
	s12 =	sadd.s32 s1, s11;
	[dreg:$0x15] =	wrdreg s23  }
0x1b: {  	s20 =	simm.s32 $0x5;
	s8 =	sadd.s32 s6, s11;
	[dreg:$0xf] =	wrdreg s12  }
0x1c: {  	s14 =	simm.s32 $0x3;
	s21 =	sadd.s32 s1, s16;
	[dreg:$0x10] =	wrdreg s8  }
.Ltmp0:
0x1d: {  	s0 =	sadd.s32 s6, s16;
	[dreg:$0x12] =	wrdreg s21;
	(pc) =	sbr.rel .LBB2_1-.Ltmp0, $4  }
0x1e: {  	s24 =	sor.u32 $0x190, s10;
	s25 =	sor.u32 $0x1E0, s10;
	[dreg:$0x13] =	wrdreg s0  }
0x1f: {  	v0 =	vlaneseq.u32;
	s16 =	simm.s32 $0x2;
	s10 =	simm.s32 $0x4420;
	[dreg:$0x16] =	wrdreg s24  }
0x20: {  	v0 =	vshrl.u32 v0, $0x3;
	s11 =	simm.s32 $0x7120;
	[dreg:$0x17] =	wrdreg s25;
	s21 =	simm.s32 $0x280  }
0x21: {  	v1 =	vor.u32 $0x2, v0;
	v2 =	vor.u32 $0x4, v0;
	v3 =	vor.u32 $0x6, v0;
	s0 =	simm.s32 $0x2D0;
	s12 =	simm.s32 $0x4;
	s24 =	simm.s32 $0x8  }
.LBB2_12:
0x22: {  	_ =	swait.ge [sflag:s28], $0x500  }
0x23: {  	[sflag:s28] =	ssyncset.done $0x0  }
0x24: {  	[sflag:s28] =	ssyncadd.s32 $0xFFFFFB00  }
0x25: {  	_ =	swait.ge [sflag:s28], $0x2800  }
0x26: {  	[sflag:s28] =	ssyncset.done $0x0  }
0x27: {  	[sflag:s28] =	ssyncadd.s32 $0xFFFFD800  }
0x28: {  	_ =	swait.ge [sflag:s24], $0x500  }
0x29: {  	[sflag:s24] =	ssyncset.done $0x0  }
0x2a: {  	[sflag:s24] =	ssyncadd.s32 $0xFFFFFB00  }
0x2b: {  	_ =	swait.ge [sflag:s24], $0x2800  }
0x2c: {  	[sflag:s24] =	ssyncset.done $0x0  }
0x2d: {  	[sflag:s24] =	ssyncadd.s32 $0xFFFFD800  }
0x2e: {  	[bflag:$0x0] =	sbarrier.arrive $0xFFFF  }
0x2f: {  	s18 =	rddreg [dreg:$0xa]  }
0x30: {  	s8 =	rddreg [dreg:$0xe]  }
0x31: {  	s15 =	rddreg [dreg:$0x1a]  }
0x32: {  	[hbm:s8], [sflag:s18] =	dma.local [spmem:s15], $0x2780  }
0x33: {  	s15 =	simm.s32 $0x9  }
0x34: {  	_ =	swait.ge [sflag:s15], $0x2780  }
0x35: {  	[sflag:s15] =	ssyncset.done $0x0;
	s23 =	rddreg [dreg:$0x11]  }
0x36: {  	s17 =	rddreg [dreg:$0x1b];
	[sflag:s15] =	ssyncadd.s32 $0xFFFFD880  }
0x37: {  	[hbm:s23], [sflag:s18] =	dma.local [spmem:s17], $0x4F0  }
0x38: {  	_ =	swait.ge [sflag:s15], $0x4F0  }
0x39: {  	s25 =	rddreg [dreg:$0x19]  }
0x3a: {  	s26 =	rddreg [dreg:$0x18];
	s17 =	sadd.s32 $0x1, s25  }
0x3b: {  	p0 =	sne.s32 s17, s26  }
.Ltmp1:
0x3c: {  	_ = 	snop;
	(pc) =	sbr.rel @!p0 .LBB2_13-.Ltmp1, $3  }
0x3d: {  	_ =	sdelay $0x1  }
0x3e: {  	[sflag:s15] =	ssyncset.done $0x0  }
0x3f: {  	[sflag:s15] =	ssyncadd.s32 $0xFFFFFB10  }
.LBB2_1:
0x40: {  	[dreg:$0x19] =	wrdreg s17  }
0x41: {  	s8 =	rddreg [dreg:$0x9]  }
0x42: {  	s26 =	rddreg [dreg:$0x7];
	s25 =	sshrl.u32 s8, $0x3  }
0x43: {  	[dreg:$0x1a] =	wrdreg s25  }
0x44: {  	[spmem:s25], [sflag:s18] =	dma.local [hbm:s26], $0x2780  }
0x45: {  	_ =	swait.ge [sflag:s15], $0x2780  }
0x46: {  	s19 =	rddreg [dreg:$0xb]  }
0x47: {  	[sflag:s15] =	ssyncset.done $0x0;
	s23 =	rddreg [dreg:$0x8];
	s22 =	sshrl.u32 s19, $0x3  }
0x48: {  	[sflag:s15] =	ssyncadd.s32 $0xFFFFD880;
	[dreg:$0x1b] =	wrdreg s22  }
0x49: {  	[spmem:s22], [sflag:s18] =	dma.local [hbm:s23], $0x4F0  }
0x4a: {  	_ =	swait.ge [sflag:s15], $0x4F0  }
0x4b: {  	[sflag:s15] =	ssyncset.done $0x0  }
0x4c: {  	s26 =	simm.s32 $0x9920;
	s25 =	rddreg [dreg:$0x6];
	[sflag:s15] =	ssyncadd.s32 $0xFFFFFB10  }
0x4d: {  	[tilespmem:s26], [sflag:$0x9] =	stream.linear.gather [hbm4b:s25+s5], $0x10, $0x38;
	[tilespmem:$0x1FCB0] =	vst v63  }
0x4e: {  	_ =	swait.ge [sflag:s15], $0x10  }
0x4f: {  	[sflag:s15] =	ssyncset.done $0x0  }
0x50: {  	[sflag:s15] =	ssyncadd.s32 $0xFFFFFFF0  }
0x51: {  	[bflag:$0x0] =	sbarrier.arrive $0xFFFF  }
0x52: {  	s18 =	rddreg [dreg:$0xc]  }
0x53: {  	[tilespmem:s5], [sflag:$0x1] =	stream.linear.gather [hbm4b:s18+s5], $0x50, $0x38;
	[tilespmem:$0x1FCB0] =	vst v63  }
0x54: {  	s22 =	simm.s32 $0x140;
	s23 =	simm.s32 $0x1;
	s19 =	rddreg [dreg:$0xd]  }
0x55: {  	[tilespmem:s22], [sflag:$0x1] =	stream.linear.gather [hbm4b:s19+s5], $0x50, $0x38;
	[tilespmem:$0x1FCB0] =	vst v63  }
0x56: {  	_ =	swait.ge [sflag:s23], $0x50  }
0x57: {  	[sflag:s23] =	ssyncset.done $0x0  }
0x58: {  	[sflag:s23] =	ssyncadd.s32 $0xFFFFFFB0  }
0x59: {  	_ =	swait.ge [sflag:s23], $0x50  }
0x5a: {  	[sflag:s23] =	ssyncset.done $0x0  }
0x5b: {  	s25 =	simm.s32 $0x320;
	[sflag:s23] =	ssyncadd.s32 $0xFFFFFFB0  }
0x5c: {  	[tilespmem:s25], [sflag:$0x5] =	stream.indirect.gather [hbm4b:s7+s31], $0x10, s5, s31, $0xb8;
	[tilespmem:$0x1FCB0] =	vst v63  }
0x5d: {  	s26 =	simm.s32 $0xD20  }
0x5e: {  	[tilespmem:s26], [sflag:$0x5] =	stream.indirect.gather [hbm4b:s9+s31], $0x10, s22, s31, $0xb8;
	[tilespmem:$0x1FCB0] =	vst v63  }
0x5f: {  	s17 =	simm.s32 $0x1720  }
0x60: {  	[tilespmem:s17], [sflag:$0x5] =	stream.indirect.gather [hbm4b:s2+s31], $0x40, s5, s31, $0xb8;
	[tilespmem:$0x1FCB0] =	vst v63  }
0x61: {  	s18 =	rddreg [dreg:$0xf]  }
0x62: {  	[tilespmem:s31], [sflag:$0x2] =	stream.linear.gather [hbm4b:s18+s5], $0x50, $0x38;
	[tilespmem:$0x1FCB0] =	vst v63  }
0x63: {  	s19 =	rddreg [dreg:$0x10];
	s22 =	simm.s32 $0x190  }
0x64: {  	[tilespmem:s22], [sflag:$0x2] =	stream.linear.gather [hbm4b:s19+s5], $0x50, $0x38;
	[tilespmem:$0x1FCB0] =	vst v63  }
0x65: {  	s23 =	rddreg [dreg:$0x12]  }
0x66: {  	[tilespmem:s13], [sflag:$0x3] =	stream.linear.gather [hbm4b:s23+s5], $0x50, $0x38;
	[tilespmem:$0x1FCB0] =	vst v63  }
0x67: {  	s25 =	rddreg [dreg:$0x13];
	s26 =	simm.s32 $0x1E0  }
0x68: {  	[tilespmem:s26], [sflag:$0x3] =	stream.linear.gather [hbm4b:s25+s5], $0x50, $0x38;
	[tilespmem:$0x1FCB0] =	vst v63  }
0x69: {  	s25 =	simm.s32 $0x0;
	v4 =	vld [tilespmem:$0x9920]  }
.LBB2_2:
0x6a: {  	_ =	swait.ge [sflag:s16], $0x50  }
0x6b: {  	[sflag:s16] =	ssyncset.done $0x0  }
0x6c: {  	[sflag:s16] =	ssyncadd.s32 $0xFFFFFFB0  }
0x6d: {  	_ =	swait.ge [sflag:s16], $0x50  }
0x6e: {  	[sflag:s16] =	ssyncset.done $0x0  }
0x6f: {  	s8 =	simm.s32 $0x820;
	[sflag:s16] =	ssyncadd.s32 $0xFFFFFFB0  }
0x70: {  	[tilespmem:s8], [sflag:$0x6] =	stream.indirect.gather [hbm4b:s7+s31], $0x10, s31, s31, $0xb8;
	[tilespmem:$0x1FCB0] =	vst v63  }
0x71: {  	s26 =	simm.s32 $0x190;
	s15 =	simm.s32 $0x1220  }
0x72: {  	[tilespmem:s15], [sflag:$0x6] =	stream.indirect.gather [hbm4b:s9+s31], $0x10, s26, s31, $0xb8;
	[tilespmem:$0x1FCB0] =	vst v63  }
0x73: {  	s15 =	simm.s32 $0x2B20  }
0x74: {  	[tilespmem:s15], [sflag:$0x6] =	stream.indirect.gather [hbm4b:s2+s31], $0x40, s31, s31, $0xb8;
	[tilespmem:$0x1FCB0] =	vst v63  }
0x75: {  	_ =	swait.ge [sflag:s20], $0x500  }
0x76: {  	[sflag:s20] =	ssyncset.done $0x0  }
0x77: {  	[sflag:s20] =	ssyncadd.s32 $0xFFFFFB00  }
0x78: {  	_ =	swait.ge [sflag:s20], $0x500  }
0x79: {  	[sflag:s20] =	ssyncset.done $0x0  }
0x7a: {  	[sflag:s20] =	ssyncadd.s32 $0xFFFFFB00  }
0x7b: {  	_ =	swait.ge [sflag:s20], $0x1400  }
0x7c: {  	p0 =	seq.s32 s25, $0x0;
	[sflag:s20] =	ssyncset.done $0x0  }
0x7d: {  	s8 =	simm.s32 @!p0 $0x7;
	[sflag:s20] =	ssyncadd.s32 $0xFFFFEC00  }
0x7e: {  	_ =	swait.ge @!p0 [sflag:s8], $0x500  }
0x7f: {  	[sflag:s8] =	ssyncset.done @!p0 $0x0  }
0x80: {  	[sflag:s8] =	ssyncadd.s32 @!p0 $0xFFFFFB00  }
0x81: {  	_ =	swait.ge @!p0 [sflag:s8], $0x2800  }
0x82: {  	[sflag:s8] =	ssyncset.done @!p0 $0x0  }
0x83: {  	s17 =	simm.s32 $0x360;
	[sflag:s8] =	ssyncadd.s32 @!p0 $0xFFFFD800  }
0x84: {  	s18 =	simm.s32 $0xD60;
	v5 =	vld [tilespmem:s17+$0x30]  }
0x85: {  	v6 =	vld [tilespmem:s18+$0x30];
	_ =	sdelay $0x4  }
0x86: {  	v7 =	vld [tilespmem:s18+$0xFFFFFFC0];
	v5 =	vadd.f32 v6, v5  }
0x87: {  	v8 =	vld [tilespmem:s18+$0xFFFFFFD0]  }
0x88: {  	v10 =	vld [tilespmem:s17+$0xFFFFFFE0];
	v9 =	vmul.f32 $2.000000030e-01, v5  }
0x89: {  	v11 =	vld [tilespmem:s18+$0xFFFFFFE0];
	vm0 =	vge.f32 v5, $0.0e+00  }
0x8a: {  	v6 =	vld [tilespmem:s17+$0xFFFFFFD0];
	v5 =	vsel vm0, v5, v9  }
0x8b: {  	v12 =	vld [tilespmem:s18+$0xFFFFFFF0];
	v5 =	vsub.f32 v5, v4  }
0x8c: {  	v13 =	vld [tilespmem:s17+$0x0]  }
0x8d: {  	v14 =	vld [tilespmem:s18+$0x0];
	v5 =	vmul.f32 $1.442695020e+00, v5  }
0x8e: {  	v9 =	vld [tilespmem:s17+$0xFFFFFFF0]  }
0x8f: {  	v6 =	vadd.f32 v8, v6;
	v8 =	vld [tilespmem:s17+$0xFFFFFFC0];
	(erf) = vpow2.f32 v5  }
0x90: {  	v10 =	vadd.f32 v11, v10;
	v11 =	vld [tilespmem:s18+$0x10]  }
0x91: {  	v15 =	vmul.f32 $2.000000030e-01, v6;
	v5 =	vld [tilespmem:s17+$0x10]  }
0x92: {  	v13 =	vadd.f32 v14, v13;
	vm15 =	vge.f32 v10, $0.0e+00;
	vm14 =	vge.f32 v6, $0.0e+00  }
0x93: {  	v9 =	vadd.f32 v12, v9;
	v12 =	vmul.f32 $2.000000030e-01, v10;
	v6 =	vsel vm14, v6, v15  }
0x94: {  	v14 =	vmul.f32 $2.000000030e-01, v13;
	v7 =	vadd.f32 v7, v8;
	v6 =	vsub.f32 v6, v4  }
0x95: {  	v16 =	vld [tilespmem:s18+$0x20];
	v15 =	vmul.f32 $2.000000030e-01, v9;
	v8 =	vsel vm15, v10, v12;
	vm4 =	vge.f32 v9, $0.0e+00  }
0x96: {  	v10 =	vld [tilespmem:s17+$0x20];
	v8 =	vsub.f32 v8, v4;
	v5 =	vadd.f32 v11, v5;
	v11 =	vmul.f32 $2.000000030e-01, v7  }
0x97: {  	vm5 =	vge.f32 v7, $0.0e+00;
	v6 =	vmul.f32 $1.442695020e+00, v6;
	v9 =	vsel vm4, v9, v15  }
0x98: {  	s19 =	simm.s32 $0x3F60;
	v9 =	vsub.f32 v9, v4;
	v8 =	vmul.f32 $1.442695020e+00, v8;
	v7 =	vsel vm5, v7, v11;
	v12 =	vpop (erf)  }
0x99: {  	s22 =	simm.s32 $0x1820;
	(erf) = vpow2.f32 v6;
	v11 =	vmul.f32 $2.000000030e-01, v5;
	v7 =	vsub.f32 v7, v4;
	[tilespmem:s19+$0x30] =	vst v12  }
0x9a: {  	vm6 =	vge.f32 v13, $0.0e+00;
	v9 =	vmul.f32 $1.442695020e+00, v9;
	(erf) = vpow2.f32 v8;
	v15 =	vld [tilespmem:s22+$0xC0]  }
0x9b: {  	v8 =	vsel vm6, v13, v14;
	v6 =	vmul.f32 $1.442695020e+00, v7;
	v7 =	vadd.f32 v16, v10  }
0x9c: {  	vm1 =	vge.f32 v5, $0.0e+00;
	v8 =	vsub.f32 v8, v4;
	(erf) = vpow2.f32 v9  }
0x9d: {  	v5 =	vsel vm1, v5, v11;
	(erf) = vpow2.f32 v6;
	v6 =	vmul.f32 $2.000000030e-01, v7  }
0x9e: {  	v9 =	vperm.xlane v12, v0;
	v5 =	vsub.f32 v5, v4;
	vm7 =	vge.f32 v7, $0.0e+00  }
0x9f: {  	v8 =	vmul.f32 $1.442695020e+00, v8;
	v6 =	vsel vm7, v7, v6;
	v10 =	vunpack.i.l.bf16.f32 v15  }
0xa0: {  	v6 =	vsub.f32 v6, v4;
	v7 =	vunpack.i.u.bf16.f32 v15;
	v10 =	vmul.f32 v9, v10  }
0xa1: {  	s26 =	simm.s32 $0x4B20;
	(erf) = vpow2.f32 v8;
	v7 =	vmul.f32 v9, v7  }
0xa2: {  	v8 =	vmul.f32 $1.442695020e+00, v5;
	[tilespmem:s26+$0x180] =	vst v10  }
0xa3: {  	v5 =	vpop (erf);
	v9 =	vmul.f32 $1.442695020e+00, v6;
	[tilespmem:s26+$0x190] =	vst v7  }
0xa4: {  	(erf) = vpow2.f32 v8;
	v6 =	vpop (erf);
	v10 =	vld [tilespmem:s22+$0xD0]  }
0xa5: {  	(erf) = vpow2.f32 v9;
	v7 =	vpop (erf)  }
0xa6: {  	v13 =	vpop (erf)  }
0xa7: {  	[tilespmem:s19+$0xFFFFFFC0] =	vst v13  }
0xa8: {  	v11 =	vperm.xlane v12, v1;
	[tilespmem:s19+$0xFFFFFFD0] =	vst v5;
	v9 =	vld [tilespmem:s22+$0xFFFFFF00]  }
0xa9: {  	[tilespmem:s19+$0xFFFFFFE0] =	vst v6;
	v14 =	vunpack.i.l.bf16.f32 v10;
	v10 =	vunpack.i.u.bf16.f32 v10  }
0xaa: {  	v15 =	vld [tilespmem:s22+$0xFFFFFF40];
	[tilespmem:s19+$0xFFFFFFF0] =	vst v7;
	v8 =	vpop (erf);
	v14 =	vmul.f32 v11, v14;
	v11 =	vmul.f32 v11, v10  }
0xab: {  	[tilespmem:s19+$0x0] =	vst v8  }
0xac: {  	v16 =	vld [tilespmem:s22+$0xFFFFFF80];
	v17 =	vperm.xlane v13, v0;
	[tilespmem:s26+$0x1A0] =	vst v14  }
0xad: {  	v10 =	vpop (erf);
	[tilespmem:s26+$0x1B0] =	vst v11;
	v14 =	vunpack.i.l.bf16.f32 v9  }
0xae: {  	v18 =	vperm.xlane v5, v0;
	[tilespmem:s19+$0x10] =	vst v10;
	v9 =	vunpack.i.u.bf16.f32 v9;
	v19 =	vld [tilespmem:s22+$0xE0];
	v11 =	vpop (erf);
	v14 =	vmul.f32 v17, v14  }
0xaf: {  	v20 =	vunpack.i.l.bf16.f32 v15;
	v9 =	vmul.f32 v17, v9;
	[tilespmem:s19+$0x20] =	vst v11  }
0xb0: {  	v15 =	vunpack.i.u.bf16.f32 v15;
	v21 =	vld [tilespmem:s22+$0xFFFFFFC0];
	v17 =	vperm.xlane v6, v0;
	[tilespmem:s26+$0xFFFFFE00] =	vst v14;
	v14 =	vmul.f32 v18, v20  }
0xb1: {  	v20 =	vunpack.i.l.bf16.f32 v16;
	[tilespmem:s26+$0xFFFFFE10] =	vst v9;
	v9 =	vmul.f32 v18, v15  }
0xb2: {  	v15 =	vld [tilespmem:s22+$0x0];
	v16 =	vunpack.i.u.bf16.f32 v16;
	v18 =	vmul.f32 v17, v20;
	[tilespmem:s26+$0xFFFFFE80] =	vst v14;
	v14 =	vperm.xlane v12, v2  }
0xb3: {  	v16 =	vmul.f32 v17, v16;
	[tilespmem:s26+$0xFFFFFE90] =	vst v9;
	v9 =	vunpack.i.l.bf16.f32 v19  }
0xb4: {  	v17 =	vperm.xlane v7, v0;
	v20 =	vld [tilespmem:s22+$0x40];
	[tilespmem:s26+$0xFFFFFF00] =	vst v18;
	v18 =	vunpack.i.u.bf16.f32 v19;
	v9 =	vmul.f32 v14, v9  }
0xb5: {  	v19 =	vunpack.i.l.bf16.f32 v21;
	[tilespmem:s26+$0xFFFFFF10] =	vst v16;
	v14 =	vmul.f32 v14, v18  }
0xb6: {  	v16 =	vperm.xlane v8, v0;
	v21 =	vunpack.i.u.bf16.f32 v21;
	v18 =	vld [tilespmem:s22+$0x80];
	v19 =	vmul.f32 v17, v19;
	[tilespmem:s26+$0x1C0] =	vst v9  }
0xb7: {  	v17 =	vmul.f32 v17, v21;
	v9 =	vunpack.i.l.bf16.f32 v15;
	[tilespmem:s26+$0x1D0] =	vst v14  }
0xb8: {  	v21 =	vld [tilespmem:s22+$0xFFFFFF10];
	v14 =	vperm.xlane v10, v0;
	v15 =	vunpack.i.u.bf16.f32 v15;
	[tilespmem:s26+$0xFFFFFF80] =	vst v19;
	v9 =	vmul.f32 v16, v9  }
0xb9: {  	v19 =	vunpack.i.l.bf16.f32 v20;
	[tilespmem:s26+$0xFFFFFF90] =	vst v17;
	v15 =	vmul.f32 v16, v15  }
0xba: {  	v17 =	vunpack.i.u.bf16.f32 v20;
	v20 =	vld [tilespmem:s22+$0xFFFFFF50];
	v16 =	vperm.xlane v11, v0;
	v19 =	vmul.f32 v14, v19;
	[tilespmem:s26+$0x0] =	vst v9  }
0xbb: {  	s15 =	simm.s32 $0xDE0;
	v23 =	vperm.xlane v7, v1;
	v14 =	vmul.f32 v14, v17;
	v9 =	vunpack.i.l.bf16.f32 v18;
	[tilespmem:s26+$0x10] =	vst v15  }
0xbc: {  	v32 =	vld [tilespmem:s15+$0xFFFFFFC0];
	v15 =	vperm.xlane v13, v1;
	v17 =	vunpack.i.u.bf16.f32 v18;
	v9 =	vmul.f32 v16, v9;
	[tilespmem:s26+$0x80] =	vst v19  }
0xbd: {  	v12 =	vperm.xlane v12, v3;
	v18 =	vld [tilespmem:s22+$0xFFFFFF90];
	v16 =	vmul.f32 v16, v17;
	v17 =	vunpack.i.l.bf16.f32 v21;
	[tilespmem:s26+$0x90] =	vst v14  }
0xbe: {  	s23 =	simm.s32 $0x3E0;
	v22 =	vld [tilespmem:s22+$0xFFFFFFD0];
	v19 =	vperm.xlane v5, v1;
	v21 =	vunpack.i.u.bf16.f32 v21;
	v17 =	vmul.f32 v15, v17;
	[tilespmem:s26+$0x100] =	vst v9  }
0xbf: {  	v50 =	vld [tilespmem:s23+$0xFFFFFFC0];
	v14 =	vperm.xlane v6, v1;
	v24 =	vunpack.i.l.bf16.f32 v20;
	v15 =	vmul.f32 v15, v21;
	[tilespmem:s26+$0x110] =	vst v16  }
0xc0: {  	v20 =	vunpack.i.u.bf16.f32 v20;
	v9 =	vld [tilespmem:s22+$0xF0];
	v16 =	vperm.xlane v8, v1;
	v21 =	vmul.f32 v19, v24;
	[tilespmem:s26+$0xFFFFFE20] =	vst v17  }
0xc1: {  	v24 =	vld [tilespmem:s22+$0x10];
	v19 =	vmul.f32 v19, v20;
	v17 =	vperm.xlane v10, v1;
	[tilespmem:s26+$0xFFFFFE30] =	vst v15  }
0xc2: {  	v15 =	vperm.xlane v11, v1;
	v20 =	vunpack.i.l.bf16.f32 v18;
	v18 =	vunpack.i.u.bf16.f32 v18;
	[tilespmem:s26+$0xFFFFFEA0] =	vst v21  }
0xc3: {  	v25 =	vld [tilespmem:s22+$0x50];
	[tilespmem:s26+$0xFFFFFEB0] =	vst v19;
	v19 =	vperm.xlane v13, v2;
	v21 =	vunpack.i.u.bf16.f32 v22;
	v20 =	vmul.f32 v14, v20  }
0xc4: {  	v13 =	vperm.xlane v13, v3;
	v14 =	vmul.f32 v14, v18;
	v18 =	vunpack.i.l.bf16.f32 v22  }
0xc5: {  	v32 =	vadd.f32 v32, v50;
	v22 =	vld [tilespmem:s22+$0x90];
	v21 =	vmul.f32 v23, v21;
	v18 =	vmul.f32 v23, v18;
	[tilespmem:s26+$0xFFFFFF20] =	vst v20  }
0xc6: {  	v34 =	vld [tilespmem:s15+$0xFFFFFFD0];
	v20 =	vunpack.i.u.bf16.f32 v9;
	v23 =	vunpack.i.l.bf16.f32 v24;
	[tilespmem:s26+$0xFFFFFF30] =	vst v14;
	v14 =	vperm.xlane v5, v2  }
0xc7: {  	v26 =	vld [tilespmem:s22+$0xFFFFFF20];
	v24 =	vunpack.i.u.bf16.f32 v24;
	[tilespmem:s26+$0xFFFFFFB0] =	vst v21;
	v21 =	vperm.xlane v6, v2;
	v23 =	vmul.f32 v16, v23  }
0xc8: {  	v39 =	vld [tilespmem:s23+$0x0];
	[tilespmem:s26+$0xFFFFFFA0] =	vst v18;
	v18 =	vmul.f32 v12, v20;
	v16 =	vmul.f32 v16, v24;
	v20 =	vunpack.i.l.bf16.f32 v25  }
0xc9: {  	v5 =	vperm.xlane v5, v3;
	v24 =	vld [tilespmem:s22+$0xFFFFFF60];
	v25 =	vunpack.i.u.bf16.f32 v25;
	v20 =	vmul.f32 v17, v20;
	[tilespmem:s26+$0x20] =	vst v23  }
0xca: {  	v6 =	vperm.xlane v6, v3;
	v27 =	vld [tilespmem:s22+$0xFFFFFFA0];
	v17 =	vmul.f32 v17, v25;
	v25 =	vunpack.i.l.bf16.f32 v22;
	[tilespmem:s26+$0x30] =	vst v16  }
0xcb: {  	v28 =	vld [tilespmem:s22+$0xFFFFFFE0];
	v23 =	vperm.xlane v7, v2;
	v22 =	vunpack.i.u.bf16.f32 v22;
	v25 =	vmul.f32 v15, v25;
	[tilespmem:s26+$0xA0] =	vst v20  }
0xcc: {  	v30 =	vunpack.i.u.bf16.f32 v26;
	v16 =	vperm.xlane v8, v2;
	v29 =	vld [tilespmem:s22+$0x20];
	v15 =	vmul.f32 v15, v22;
	[tilespmem:s26+$0xB0] =	vst v17  }
0xcd: {  	v26 =	vunpack.i.l.bf16.f32 v26;
	v8 =	vperm.xlane v8, v3;
	v20 =	vperm.xlane v10, v2;
	v17 =	vld [tilespmem:s23+$0x30];
	[tilespmem:s26+$0x120] =	vst v25  }
0xce: {  	vm14 =	vge.f32 v32, $0.0e+00;
	v22 =	vperm.xlane v11, v2;
	v25 =	vld [tilespmem:s15+$0x30];
	[tilespmem:s26+$0x130] =	vst v15;
	v15 =	vmul.f32 v19, v26  }
0xcf: {  	v31 =	vld [tilespmem:s22+$0x60];
	v19 =	vmul.f32 v19, v30;
	v30 =	vunpack.i.u.bf16.f32 v24;
	v24 =	vunpack.i.l.bf16.f32 v24  }
0xd0: {  	v47 =	vld [tilespmem:s15+$0x0];
	v10 =	vperm.xlane v10, v3;
	v33 =	vunpack.i.u.bf16.f32 v27;
	v24 =	vmul.f32 v14, v24  }
0xd1: {  	v26 =	vld [tilespmem:s22+$0xA0];
	v14 =	vmul.f32 v14, v30;
	v44 =	vunpack.i.u.bf16.f32 v28;
	v28 =	vunpack.i.l.bf16.f32 v28  }
0xd2: {  	v27 =	vunpack.i.l.bf16.f32 v27;
	v30 =	vld [tilespmem:s23+$0xFFFFFFD0];
	v28 =	vmul.f32 v23, v28;
	v23 =	vmul.f32 v23, v44  }
0xd3: {  	v37 =	vunpack.i.u.bf16.f32 v29;
	v29 =	vunpack.i.l.bf16.f32 v29;
	v17 =	vadd.f32 v25, v17  }
0xd4: {  	v29 =	vmul.f32 v16, v29;
	v46 =	vunpack.i.l.bf16.f32 v31;
	v16 =	vmul.f32 v16, v37  }
0xd5: {  	v35 =	vld [tilespmem:s15+$0xFFFFFFE0];
	v31 =	vunpack.i.u.bf16.f32 v31;
	v37 =	vadd.f32 v47, v39;
	v36 =	vmul.f32 $2.000000030e-01, v17  }
0xd6: {  	v25 =	vmul.f32 v21, v27;
	v27 =	vld [tilespmem:s23+$0xFFFFFFE0];
	v40 =	vunpack.i.l.bf16.f32 v26;
	vm8 =	vge.f32 v17, $0.0e+00  }
0xd7: {  	v45 =	vld [tilespmem:s23+$0xFFFFFFF0];
	v30 =	vadd.f32 v34, v30;
	v26 =	vunpack.i.u.bf16.f32 v26;
	v17 =	vsel vm8, v17, v36  }
0xd8: {  	v38 =	vld [tilespmem:s15+$0xFFFFFFF0];
	[tilespmem:s26+$0xFFFFFE50] =	vst v19;
	vm12 =	vge.f32 v37, $0.0e+00;
	v19 =	vmul.f32 $2.000000030e-01, v37;
	v17 =	vsub.f32 v17, v4  }
0xd9: {  	v41 =	vmul.f32 $2.000000030e-01, v30;
	vm9 =	vge.f32 v30, $0.0e+00;
	v36 =	vmul.f32 v20, v46  }
0xda: {  	v48 =	vld [tilespmem:s23+$0x10];
	v19 =	vsel vm12, v37, v19;
	v20 =	vmul.f32 v20, v31;
	v17 =	vmul.f32 $1.442695020e+00, v17  }
0xdb: {  	v49 =	vld [tilespmem:s15+$0x10];
	v31 =	vmul.f32 v22, v40;
	v27 =	vadd.f32 v35, v27;
	v30 =	vsel vm9, v30, v41  }
0xdc: {  	v52 =	vld [tilespmem:s15+$0x20];
	[tilespmem:s26+$0x1F0] =	vst v18;
	v19 =	vsub.f32 v19, v4;
	v30 =	vsub.f32 v30, v4;
	(erf) = vpow2.f32 v17  }
0xdd: {  	[tilespmem:s26+$0xFFFFFE40] =	vst v15;
	v51 =	vmul.f32 $2.000000030e-01, v27;
	v17 =	vmul.f32 v22, v26;
	v22 =	vadd.f32 v38, v45;
	v26 =	vld [tilespmem:s23+$0x20]  }
0xde: {  	v21 =	vmul.f32 v21, v33;
	[tilespmem:s26+$0x50] =	vst v16;
	v16 =	vmul.f32 $1.442695020e+00, v19;
	vm10 =	vge.f32 v27, $0.0e+00  }
0xdf: {  	[tilespmem:s26+$0xFFFFFEC0] =	vst v24;
	v24 =	vmul.f32 $1.442695020e+00, v30;
	v15 =	vsel vm10, v27, v51;
	v18 =	vmul.f32 $2.000000030e-01, v22  }
0xe0: {  	v27 =	vadd.f32 v49, v48;
	v30 =	vsub.f32 v15, v4;
	vm11 =	vge.f32 v22, $0.0e+00  }
0xe1: {  	[tilespmem:s26+$0xFFFFFED0] =	vst v14;
	(erf) = vpow2.f32 v24;
	v15 =	vsel vm11, v22, v18;
	v18 =	vmul.f32 $2.000000030e-01, v32  }
0xe2: {  	[tilespmem:s26+$0xFFFFFFC0] =	vst v28;
	vm13 =	vge.f32 v27, $0.0e+00;
	v14 =	vadd.f32 v52, v26;
	v26 =	vmul.f32 $1.442695020e+00, v30  }
0xe3: {  	[tilespmem:s26+$0xFFFFFF50] =	vst v21;
	v22 =	vmul.f32 $2.000000030e-01, v27;
	v21 =	vsub.f32 v15, v4;
	v18 =	vsel vm14, v32, v18  }
0xe4: {  	[tilespmem:s26+$0xFFFFFF40] =	vst v25;
	v25 =	vmul.f32 $2.000000030e-01, v14;
	v18 =	vsub.f32 v18, v4;
	(erf) = vpow2.f32 v26  }
0xe5: {  	s19 =	simm.s32 $0x3FE0;
	[tilespmem:s26+$0xD0] =	vst v20;
	v22 =	vsel vm13, v27, v22;
	vm15 =	vge.f32 v14, $0.0e+00;
	v21 =	vmul.f32 $1.442695020e+00, v21;
	v15 =	vpop (erf)  }
0xe6: {  	s17 =	simm.s32 $0x1A20;
	v20 =	vld [tilespmem:s22+$0xFFFFFF30];
	v22 =	vsub.f32 v22, v4;
	v18 =	vmul.f32 $1.442695020e+00, v18;
	v14 =	vsel vm15, v14, v25;
	[tilespmem:s19+$0x30] =	vst v15  }
0xe7: {  	[tilespmem:s26+$0xFFFFFFD0] =	vst v23;
	(erf) = vpow2.f32 v21;
	v21 =	vunpack.i.l.bf16.f32 v9;
	v9 =	vperm.xlane v7, v3;
	v27 =	vld [tilespmem:s17+$0xC0]  }
0xe8: {  	[tilespmem:s26+$0x40] =	vst v29;
	v7 =	vperm.xlane v11, v3;
	v14 =	vsub.f32 v14, v4;
	v12 =	vmul.f32 v12, v21  }
0xe9: {  	[tilespmem:s26+$0xC0] =	vst v36;
	(erf) = vpow2.f32 v18;
	v18 =	vmul.f32 $1.442695020e+00, v22  }
0xea: {  	[tilespmem:s26+$0x140] =	vst v31;
	v14 =	vmul.f32 $1.442695020e+00, v14;
	(erf) = vpow2.f32 v16  }
0xeb: {  	[tilespmem:s26+$0x150] =	vst v17;
	v11 =	vunpack.i.u.bf16.f32 v20;
	v19 =	vperm.xlane v15, v0;
	(erf) = vpow2.f32 v18  }
0xec: {  	v21 =	vpop (erf);
	[tilespmem:s26+$0x1E0] =	vst v12;
	v12 =	vunpack.i.l.bf16.f32 v20;
	(erf) = vpow2.f32 v14;
	v16 =	vunpack.i.l.bf16.f32 v27  }
0xed: {  	[tilespmem:s19+$0xFFFFFFD0] =	vst v21;
	v25 =	vperm.xlane v21, v0;
	v18 =	vunpack.i.u.bf16.f32 v27;
	v20 =	vpop (erf);
	v16 =	vmul.f32 v19, v16  }
0xee: {  	s18 =	simm.s32 $0x4F20;
	v28 =	vperm.xlane v21, v1;
	v14 =	vmul.f32 v19, v18;
	[tilespmem:s19+$0xFFFFFFE0] =	vst v20  }
0xef: {  	v29 =	vld [tilespmem:s17+$0xFFFFFF40];
	v18 =	vmul.f32 v13, v12;
	v19 =	vmul.f32 v13, v11;
	[tilespmem:s18+$0x180] =	vst v16  }
0xf0: {  	v30 =	vperm.xlane v20, v0;
	v31 =	vperm.xlane v20, v1;
	v23 =	vpop (erf);
	v56 =	vld [tilespmem:s17+$0xFFFFFF80];
	[tilespmem:s18+$0x190] =	vst v14  }
0xf1: {  	v12 =	vperm.xlane v15, v1;
	[tilespmem:s19+$0xFFFFFFF0] =	vst v23;
	v53 =	vperm.xlane v23, v0  }
0xf2: {  	v34 =	vperm.xlane v23, v1;
	[tilespmem:s26+$0xFFFFFE60] =	vst v18;
	v47 =	vperm.xlane v23, v2;
	v17 =	vld [tilespmem:s17+$0xD0];
	v24 =	vpop (erf)  }
0xf3: {  	v16 =	vld [tilespmem:s22+$0xFFFFFF70];
	[tilespmem:s19+$0xFFFFFFC0] =	vst v24;
	v26 =	vpop (erf);
	v55 =	vperm.xlane v24, v0;
	v57 =	vperm.xlane v24, v1  }
0xf4: {  	v44 =	vunpack.i.u.bf16.f32 v29;
	[tilespmem:s26+$0xFFFFFE70] =	vst v19;
	v54 =	vld [tilespmem:s17+$0xFFFFFF00];
	v27 =	vpop (erf);
	v59 =	vperm.xlane v26, v0;
	v41 =	vperm.xlane v26, v1  }
0xf5: {  	[tilespmem:s19+$0x0] =	vst v26;
	v14 =	vpop (erf);
	v42 =	vperm.xlane v27, v0;
	v36 =	vunpack.i.l.bf16.f32 v56;
	v39 =	vperm.xlane v27, v1  }
0xf6: {  	[tilespmem:s19+$0x10] =	vst v27;
	v60 =	vld [tilespmem:s17+$0x0];
	v63 =	vunpack.i.u.bf16.f32 v56;
	v43 =	vperm.xlane v14, v0;
	v36 =	vmul.f32 v30, v36  }
0xf7: {  	[tilespmem:s19+$0x20] =	vst v14;
	v61 =	vld [tilespmem:s17+$0x40];
	v30 =	vmul.f32 v30, v63;
	v13 =	vunpack.i.l.bf16.f32 v17;
	v17 =	vunpack.i.u.bf16.f32 v17  }
0xf8: {  	v11 =	vunpack.i.u.bf16.f32 v16;
	v58 =	vmul.f32 v12, v13;
	v17 =	vmul.f32 v12, v17;
	[tilespmem:s18+$0xFFFFFF00] =	vst v36  }
0xf9: {  	v13 =	vunpack.i.l.bf16.f32 v16;
	v16 =	vld [tilespmem:s17+$0xFFFFFFC0];
	[tilespmem:s18+$0xFFFFFF10] =	vst v30;
	v45 =	vunpack.i.l.bf16.f32 v54;
	v18 =	vunpack.i.u.bf16.f32 v54  }
0xfa: {  	[tilespmem:s18+$0x1B0] =	vst v17;
	v17 =	vunpack.i.l.bf16.f32 v29;
	v29 =	vmul.f32 v55, v45;
	v18 =	vmul.f32 v55, v18  }
0xfb: {  	[tilespmem:s18+$0x1A0] =	vst v58;
	v48 =	vunpack.i.u.bf16.f32 v60;
	v45 =	vperm.xlane v20, v2;
	v17 =	vmul.f32 v25, v17  }
0xfc: {  	v62 =	vld [tilespmem:s17+$0xE0];
	v51 =	vunpack.i.l.bf16.f32 v61;
	v54 =	vmul.f32 v59, v48;
	[tilespmem:s18+$0xFFFFFE10] =	vst v18;
	v18 =	vmul.f32 v25, v44  }
0xfd: {  	[tilespmem:s18+$0xFFFFFE00] =	vst v29;
	v29 =	vld [tilespmem:s17+$0x80];
	v25 =	vunpack.i.u.bf16.f32 v61;
	v33 =	vmul.f32 v42, v51;
	v61 =	vperm.xlane v24, v2  }
0xfe: {  	v24 =	vperm.xlane v24, v3;
	v19 =	vunpack.i.u.bf16.f32 v16;
	v16 =	vunpack.i.l.bf16.f32 v16;
	[tilespmem:s18+$0xFFFFFE80] =	vst v17  }
0xff: {  	v40 =	vunpack.i.l.bf16.f32 v60;
	v17 =	vperm.xlane v15, v2;
	v49 =	vld [tilespmem:s17+$0xFFFFFF10];
	[tilespmem:s18+$0x10] =	vst v54;
	v16 =	vmul.f32 v53, v16  }
0x100: {  	v22 =	vld [tilespmem:s22+$0xFFFFFFB0];
	[tilespmem:s18+$0xFFFFFE90] =	vst v18;
	v19 =	vmul.f32 v53, v19;
	v53 =	vmul.f32 v59, v40  }
0x101: {  	v55 =	vld [tilespmem:s17+$0xFFFFFF90];
	[tilespmem:s18+$0x80] =	vst v33;
	v33 =	vperm.xlane v27, v2;
	v27 =	vperm.xlane v27, v3;
	v18 =	vunpack.i.l.bf16.f32 v62  }
0x102: {  	v52 =	vld [tilespmem:s17+$0xFFFFFF50];
	v50 =	vunpack.i.u.bf16.f32 v62;
	[tilespmem:s18+$0xFFFFFF80] =	vst v16;
	v18 =	vmul.f32 v17, v18;
	v30 =	vunpack.i.l.bf16.f32 v29  }
0x103: {  	[tilespmem:s18+$0x0] =	vst v53;
	v17 =	vmul.f32 v17, v50;
	v30 =	vmul.f32 v43, v30  }
0x104: {  	v58 =	vld [tilespmem:s22+$0xFFFFFFF0];
	v16 =	vunpack.i.u.bf16.f32 v49;
	[tilespmem:s18+$0x1C0] =	vst v18;
	v18 =	vunpack.i.u.bf16.f32 v29;
	v29 =	vmul.f32 v42, v25  }
0x105: {  	v12 =	vunpack.i.u.bf16.f32 v22;
	v32 =	vld [tilespmem:s17+$0x10];
	[tilespmem:s18+$0x1D0] =	vst v17;
	v42 =	vperm.xlane v14, v1;
	v56 =	vmul.f32 v57, v16  }
0x106: {  	[tilespmem:s18+$0xFFFFFF90] =	vst v19;
	v16 =	vunpack.i.l.bf16.f32 v55;
	v17 =	vmul.f32 v43, v18;
	v18 =	vunpack.i.l.bf16.f32 v49;
	v40 =	vld [tilespmem:s17+$0xF0]  }
0x107: {  	v19 =	vunpack.i.u.bf16.f32 v52;
	v25 =	vunpack.i.l.bf16.f32 v52;
	[tilespmem:s18+$0x100] =	vst v30;
	v18 =	vmul.f32 v57, v18;
	v57 =	vld [tilespmem:s17+$0xFFFFFFD0]  }
0x108: {  	v60 =	vmul.f32 v31, v16;
	v16 =	vunpack.i.l.bf16.f32 v22;
	v59 =	vmul.f32 v28, v25;
	[tilespmem:s18+$0x90] =	vst v29  }
0x109: {  	v19 =	vmul.f32 v28, v19;
	v28 =	vunpack.i.u.bf16.f32 v55;
	v25 =	vperm.xlane v15, v3;
	[tilespmem:s18+$0xFFFFFE30] =	vst v56;
	v22 =	vld [tilespmem:s17+$0x50]  }
0x10a: {  	v29 =	vperm.xlane v21, v2;
	v28 =	vmul.f32 v31, v28;
	v31 =	vld [tilespmem:s22+$0x30];
	[tilespmem:s18+$0x110] =	vst v17  }
0x10b: {  	v17 =	vunpack.i.u.bf16.f32 v32;
	v63 =	vld [tilespmem:s17+$0x90];
	[tilespmem:s18+$0xFFFFFE20] =	vst v18;
	v18 =	vunpack.i.l.bf16.f32 v58;
	v15 =	vunpack.i.u.bf16.f32 v40  }
0x10c: {  	[tilespmem:s18+$0xFFFFFF20] =	vst v60;
	v52 =	vmul.f32 v41, v17;
	v30 =	vmul.f32 v25, v15;
	v37 =	vunpack.i.l.bf16.f32 v57  }
0x10d: {  	v48 =	vld [tilespmem:s22+$0x70];
	[tilespmem:s18+$0xFFFFFEA0] =	vst v59;
	v62 =	vunpack.i.u.bf16.f32 v57;
	v15 =	vunpack.i.u.bf16.f32 v58;
	v37 =	vmul.f32 v34, v37  }
0x10e: {  	[tilespmem:s18+$0xFFFFFEB0] =	vst v19;
	v53 =	vld [tilespmem:s17+$0xFFFFFF20];
	v46 =	vmul.f32 v34, v62;
	v54 =	vunpack.i.u.bf16.f32 v22;
	v22 =	vunpack.i.l.bf16.f32 v22  }
0x10f: {  	v43 =	vld [tilespmem:s17+$0xFFFFFF60];
	v17 =	vunpack.i.u.bf16.f32 v31;
	[tilespmem:s18+$0x1F0] =	vst v30;
	v30 =	vunpack.i.l.bf16.f32 v32;
	v32 =	vperm.xlane v26, v2  }
0x110: {  	[tilespmem:s18+$0xFFFFFF30] =	vst v28;
	v55 =	vmul.f32 v39, v22;
	v39 =	vmul.f32 v39, v54;
	v19 =	vunpack.i.u.bf16.f32 v63  }
0x111: {  	v28 =	vld [tilespmem:s17+$0xFFFFFFA0];
	v34 =	vunpack.i.l.bf16.f32 v63;
	v22 =	vunpack.i.l.bf16.f32 v31;
	v31 =	vperm.xlane v21, v3  }
0x112: {  	v49 =	vld [tilespmem:s22+$0xB0];
	v21 =	vunpack.i.l.bf16.f32 v48;
	v30 =	vmul.f32 v41, v30;
	v50 =	vmul.f32 v42, v34;
	[tilespmem:s18+$0xFFFFFFA0] =	vst v37  }
0x113: {  	v42 =	vmul.f32 v42, v19;
	v19 =	vunpack.i.u.bf16.f32 v48;
	v34 =	vperm.xlane v14, v2;
	[tilespmem:s18+$0xFFFFFFB0] =	vst v46  }
0x114: {  	[tilespmem:s18+$0x30] =	vst v52;
	v56 =	vunpack.i.u.bf16.f32 v53;
	v57 =	vunpack.i.l.bf16.f32 v53;
	v58 =	vunpack.i.u.bf16.f32 v43;
	v46 =	vld [tilespmem:s17+$0xFFFFFFE0]  }
0x115: {  	v59 =	vunpack.i.l.bf16.f32 v43;
	v38 =	vmul.f32 v61, v57;
	v44 =	vmul.f32 v61, v56;
	[tilespmem:s18+$0x20] =	vst v30  }
0x116: {  	v36 =	vmul.f32 v29, v59;
	v35 =	vmul.f32 v29, v58;
	[tilespmem:s18+$0xA0] =	vst v55;
	v29 =	vunpack.i.u.bf16.f32 v28;
	v60 =	vld [tilespmem:s17+$0x20]  }
0x117: {  	v61 =	vunpack.i.l.bf16.f32 v28;
	v28 =	vperm.xlane v23, v3;
	[tilespmem:s18+$0xB0] =	vst v39;
	v23 =	vunpack.i.l.bf16.f32 v49  }
0x118: {  	v30 =	vperm.xlane v20, v3;
	v20 =	vunpack.i.u.bf16.f32 v49;
	v39 =	vmul.f32 v45, v61;
	[tilespmem:s18+$0x130] =	vst v42;
	v42 =	vld [tilespmem:s17+$0x60]  }
0x119: {  	v37 =	vmul.f32 v45, v29;
	[tilespmem:s18+$0x120] =	vst v50;
	v29 =	vperm.xlane v26, v3;
	v63 =	vunpack.i.l.bf16.f32 v46  }
0x11a: {  	v26 =	vunpack.i.l.bf16.f32 v40;
	[tilespmem:s18+$0xFFFFFE40] =	vst v38;
	v40 =	vld [tilespmem:s17+$0xA0];
	v62 =	vunpack.i.u.bf16.f32 v46;
	v41 =	vmul.f32 v47, v63  }
0x11b: {  	s23 =	simm.s32 $0x460;
	s22 =	simm.s32 $0x8;
	[tilespmem:s18+$0xFFFFFE50] =	vst v44;
	v38 =	vmul.f32 v47, v62;
	v43 =	vunpack.i.u.bf16.f32 v60;
	v44 =	vunpack.i.l.bf16.f32 v60  }
.LBB2_3:
0x11c: {  	v45 =	vld [tilespmem:s23+$0x30];
	[tilespmem:s18+$0xFFFFFEC0] =	vst v36;
	v36 =	vmul.f32 v32, v44;
	v32 =	vmul.f32 v32, v43;
	s15 =	sadd.s32 $0x80, s15  }
0x11d: {  	v14 =	vperm.xlane v14, v3;
	v43 =	vld [tilespmem:s15+$0x30];
	[tilespmem:s18+$0xFFFFFED0] =	vst v35;
	v35 =	vunpack.i.u.bf16.f32 v42;
	v42 =	vunpack.i.l.bf16.f32 v42  }
0x11e: {  	v44 =	vld [tilespmem:s15+$0xFFFFFFC0];
	[tilespmem:s18+$0xFFFFFF40] =	vst v39;
	v39 =	vmul.f32 v33, v42;
	v33 =	vmul.f32 v33, v35  }
0x11f: {  	v13 =	vmul.f32 v5, v13;
	v35 =	vld [tilespmem:s23+$0xFFFFFFD0];
	[tilespmem:s18+$0xFFFFFF50] =	vst v37;
	v37 =	vunpack.i.u.bf16.f32 v40;
	v40 =	vunpack.i.l.bf16.f32 v40  }
0x120: {  	s22 =	sadd.s32 $0x8, s22;
	v42 =	vld [tilespmem:s15+$0xFFFFFFD0];
	[tilespmem:s18+$0xFFFFFFC0] =	vst v41;
	v40 =	vmul.f32 v34, v40;
	v34 =	vmul.f32 v34, v37  }
0x121: {  	v11 =	vmul.f32 v5, v11;
	v16 =	vmul.f32 v6, v16;
	v5 =	vmov v31;
	p1 =	slt.u32 s22, $0x48;
	v37 =	vld [tilespmem:s23+$0xFFFFFFE0];
	[tilespmem:s18+$0xFFFFFFD0] =	vst v38  }
0x122: {  	v12 =	vmul.f32 v6, v12;
	v18 =	vmul.f32 v9, v18;
	v31 =	vld [tilespmem:s15+$0xFFFFFFE0];
	v38 =	vadd.f32 v43, v45;
	[tilespmem:s18+$0x40] =	vst v36  }
0x123: {  	v15 =	vmul.f32 v9, v15;
	v22 =	vmul.f32 v8, v22;
	v6 =	vmovc v30;
	v9 =	vmov v28;
	v36 =	vld [tilespmem:s23+$0xFFFFFFF0];
	[tilespmem:s18+$0x50] =	vst v32  }
0x124: {  	v17 =	vmul.f32 v8, v17;
	v8 =	vmov v29;
	v28 =	vld [tilespmem:s15+$0xFFFFFFF0];
	v30 =	vmul.f32 $2.000000030e-01, v38;
	[tilespmem:s18+$0xC0] =	vst v39  }
0x125: {  	v21 =	vmul.f32 v10, v21;
	vm0 =	vge.f32 v38, $0.0e+00;
	v29 =	vadd.f32 v42, v35;
	v32 =	vld [tilespmem:s23+$0x0];
	[tilespmem:s18+$0xD0] =	vst v33  }
0x126: {  	v19 =	vmul.f32 v10, v19;
	v23 =	vmul.f32 v7, v23;
	v33 =	vld [tilespmem:s15+$0x0];
	v30 =	vsel vm0, v38, v30;
	[tilespmem:s18+$0x140] =	vst v40  }
0x127: {  	v10 =	vmovc v27;
	v35 =	vmul.f32 $2.000000030e-01, v29;
	v31 =	vadd.f32 v31, v37;
	v37 =	vld [tilespmem:s23+$0x10];
	v30 =	vsub.f32 v30, v4;
	[tilespmem:s18+$0x150] =	vst v34  }
0x128: {  	v26 =	vmul.f32 v25, v26;
	vm0 =	vge.f32 v29, $0.0e+00;
	v27 =	vld [tilespmem:s15+$0x10];
	[tilespmem:s26+$0xFFFFFEE0] =	vst v13;
	v13 =	vmul.f32 v7, v20;
	v7 =	vmovc v14  }
0x129: {  	v14 =	vmul.f32 $2.000000030e-01, v31;
	v20 =	vadd.f32 v28, v36;
	v25 =	vld [tilespmem:s23+$0x20];
	v28 =	vmul.f32 $1.442695020e+00, v30;
	[tilespmem:s26+$0xFFFFFEF0] =	vst v11  }
0x12a: {  	v11 =	vsel vm0, v29, v35;
	vm0 =	vge.f32 v31, $0.0e+00;
	v29 =	vld [tilespmem:s15+$0x20];
	[tilespmem:s26+$0xFFFFFF60] =	vst v16  }
0x12b: {  	v16 =	vld [tilespmem:s23+$0xFFFFFFC0];
	v30 =	vmul.f32 $2.000000030e-01, v20;
	v32 =	vadd.f32 v33, v32;
	(erf) = vpow2.f32 v28;
	[tilespmem:s26+$0xFFFFFF70] =	vst v12  }
0x12c: {  	v11 =	vsub.f32 v11, v4;
	v12 =	vsel vm0, v31, v14;
	vm0 =	vge.f32 v20, $0.0e+00;
	v14 =	vld [tilespmem:s17+$0xFFFFFF30];
	[tilespmem:s26+$0xFFFFFFE0] =	vst v18  }
0x12d: {  	vm1 =	vge.f32 v32, $0.0e+00;
	v18 =	vmul.f32 $2.000000030e-01, v32;
	v27 =	vadd.f32 v27, v37;
	v28 =	vld [tilespmem:s17+$0xFFFFFF70];
	[tilespmem:s26+$0xFFFFFFF0] =	vst v15  }
0x12e: {  	v11 =	vmul.f32 $1.442695020e+00, v11;
	v12 =	vsub.f32 v12, v4;
	v15 =	vsel vm0, v20, v30;
	v20 =	vld [tilespmem:s17+$0xFFFFFFB0];
	[tilespmem:s26+$0x60] =	vst v22  }
0x12f: {  	vm0 =	vge.f32 v27, $0.0e+00;
	v22 =	vmul.f32 $2.000000030e-01, v27;
	v25 =	vadd.f32 v29, v25;
	v29 =	vld [tilespmem:s17+$0xFFFFFFF0];
	[tilespmem:s26+$0x70] =	vst v17  }
0x130: {  	v15 =	vsub.f32 v15, v4;
	v17 =	vsel vm1, v32, v18;
	v16 =	vadd.f32 v44, v16;
	v30 =	vld [tilespmem:s17+$0x30];
	[tilespmem:s26+$0xE0] =	vst v21  }
0x131: {  	v18 =	vsel vm0, v27, v22;
	vm0 =	vge.f32 v25, $0.0e+00;
	v21 =	vmul.f32 $2.000000030e-01, v25;
	v27 =	vld [tilespmem:s17+$0x70];
	[tilespmem:s26+$0xF0] =	vst v19  }
0x132: {  	v17 =	vsub.f32 v17, v4;
	vm1 =	vge.f32 v16, $0.0e+00;
	v19 =	vmul.f32 $2.000000030e-01, v16;
	v32 =	vld [tilespmem:s17+$0xB0];
	[tilespmem:s26+$0x160] =	vst v23  }
0x133: {  	v12 =	vmul.f32 $1.442695020e+00, v12;
	v18 =	vsub.f32 v18, v4;
	v21 =	vsel vm0, v25, v21;
	[tilespmem:s26+$0x170] =	vst v13;
	s26 =	smov.u32 s18  }
0x134: {  	s19 =	sadd.s32 $0x80, s19;
	v15 =	vmul.f32 $1.442695020e+00, v15;
	v13 =	vsel vm1, v16, v19;
	v16 =	vsub.f32 v21, v4;
	v25 =	vpop (erf);
	[tilespmem:s18+$0x1E0] =	vst v26  }
0x135: {  	v17 =	vmul.f32 $1.442695020e+00, v17;
	s17 =	sadd.s32 $0x200, s17;
	v18 =	vmul.f32 $1.442695020e+00, v18;
	v13 =	vsub.f32 v13, v4;
	[tilespmem:s19+$0x30] =	vst v25  }
0x136: {  	v23 =	vunpack.i.u.bf16.f32 v14;
	v19 =	vmul.f32 $1.442695020e+00, v16;
	v21 =	vld [tilespmem:s17+$0xC0];
	(erf) = vpow2.f32 v11  }
0x137: {  	v14 =	vunpack.i.l.bf16.f32 v14;
	v16 =	vmul.f32 $1.442695020e+00, v13;
	(erf) = vpow2.f32 v12  }
0x138: {  	v11 =	vunpack.i.u.bf16.f32 v28;
	v13 =	vunpack.i.l.bf16.f32 v28;
	(erf) = vpow2.f32 v15  }
0x139: {  	v12 =	vunpack.i.u.bf16.f32 v20;
	(erf) = vpow2.f32 v16;
	v16 =	vunpack.i.l.bf16.f32 v20  }
0x13a: {  	v15 =	vunpack.i.u.bf16.f32 v29;
	v20 =	vperm.xlane v25, v0;
	(erf) = vpow2.f32 v17  }
0x13b: {  	v17 =	vunpack.i.l.bf16.f32 v21;
	(erf) = vpow2.f32 v18;
	v18 =	vunpack.i.l.bf16.f32 v29  }
0x13c: {  	v21 =	vunpack.i.u.bf16.f32 v21;
	v26 =	vmul.f32 v20, v17;
	(erf) = vpow2.f32 v19  }
0x13d: {  	s18 =	sadd.s32 $0x400, s18;
	v22 =	vunpack.i.l.bf16.f32 v30;
	v28 =	vmul.f32 v20, v21;
	v17 =	vunpack.i.u.bf16.f32 v30  }
0x13e: {  	v19 =	vunpack.i.u.bf16.f32 v27;
	v21 =	vunpack.i.l.bf16.f32 v27;
	v20 =	vunpack.i.u.bf16.f32 v32;
	[tilespmem:s18+$0x180] =	vst v26  }
0x13f: {  	v34 =	vmul.f32 v24, v23;
	v23 =	vunpack.i.l.bf16.f32 v32;
	v26 =	vmul.f32 v24, v14;
	[tilespmem:s18+$0x190] =	vst v28;
	v31 =	vpop (erf)  }
0x140: {  	[tilespmem:s19+$0xFFFFFFD0] =	vst v31;
	v35 =	vperm.xlane v31, v0;
	v36 =	vperm.xlane v31, v1;
	v37 =	vld [tilespmem:s17+$0xD0];
	v30 =	vpop (erf)  }
0x141: {  	v38 =	vld [tilespmem:s17+$0xFFFFFF40];
	[tilespmem:s19+$0xFFFFFFE0] =	vst v30;
	v39 =	vperm.xlane v30, v0;
	v40 =	vperm.xlane v30, v1;
	v28 =	vpop (erf)  }
0x142: {  	v41 =	vld [tilespmem:s17+$0xFFFFFF80];
	[tilespmem:s19+$0xFFFFFFF0] =	vst v28;
	v42 =	vperm.xlane v28, v0;
	v32 =	vperm.xlane v28, v1;
	v24 =	vpop (erf)  }
0x143: {  	[tilespmem:s19+$0xFFFFFFC0] =	vst v24;
	v43 =	vperm.xlane v24, v0;
	v44 =	vperm.xlane v24, v1;
	v45 =	vld [tilespmem:s17+$0xFFFFFFC0];
	v29 =	vpop (erf)  }
0x144: {  	v48 =	vperm.xlane v25, v1;
	v46 =	vld [tilespmem:s17+$0xFFFFFF00];
	[tilespmem:s19+$0x0] =	vst v29;
	v47 =	vperm.xlane v29, v0;
	v27 =	vpop (erf)  }
0x145: {  	v33 =	vperm.xlane v29, v1;
	v49 =	vld [tilespmem:s17+$0x0];
	[tilespmem:s19+$0x10] =	vst v27;
	v50 =	vperm.xlane v27, v0;
	v51 =	vunpack.i.l.bf16.f32 v37;
	v14 =	vpop (erf)  }
0x146: {  	v37 =	vunpack.i.u.bf16.f32 v37;
	v52 =	vld [tilespmem:s17+$0x40];
	[tilespmem:s19+$0x20] =	vst v14;
	v53 =	vperm.xlane v14, v0;
	v51 =	vmul.f32 v48, v51  }
0x147: {  	v54 =	vunpack.i.u.bf16.f32 v38;
	v38 =	vunpack.i.l.bf16.f32 v38;
	v37 =	vmul.f32 v48, v37;
	v55 =	vld [tilespmem:s17+$0x80];
	[tilespmem:s26+$0xFFFFFE60] =	vst v26  }
0x148: {  	v26 =	vunpack.i.u.bf16.f32 v41;
	v41 =	vunpack.i.l.bf16.f32 v41;
	v48 =	vunpack.i.u.bf16.f32 v45;
	[tilespmem:s18+$0x1A0] =	vst v51  }
0x149: {  	v45 =	vunpack.i.l.bf16.f32 v45;
	v51 =	vunpack.i.u.bf16.f32 v46;
	v46 =	vunpack.i.l.bf16.f32 v46;
	[tilespmem:s18+$0x1B0] =	vst v37  }
0x14a: {  	v37 =	vmul.f32 v43, v46;
	v46 =	vunpack.i.u.bf16.f32 v49;
	v49 =	vunpack.i.l.bf16.f32 v49;
	v56 =	vld [tilespmem:s17+$0xE0];
	[tilespmem:s26+$0xFFFFFE70] =	vst v34  }
0x14b: {  	v34 =	vmul.f32 v43, v51;
	v43 =	vunpack.i.u.bf16.f32 v52;
	v51 =	vunpack.i.l.bf16.f32 v52  }
0x14c: {  	[tilespmem:s18+$0xFFFFFE00] =	vst v37;
	v37 =	vmul.f32 v35, v38;
	v38 =	vunpack.i.u.bf16.f32 v55;
	v52 =	vunpack.i.l.bf16.f32 v55  }
0x14d: {  	[tilespmem:s18+$0xFFFFFE10] =	vst v34;
	v34 =	vmul.f32 v35, v54;
	v35 =	vmul.f32 v39, v41  }
0x14e: {  	v26 =	vmul.f32 v39, v26;
	v41 =	vld [tilespmem:s17+$0xFFFFFF10];
	[tilespmem:s18+$0xFFFFFE80] =	vst v37;
	v37 =	vperm.xlane v25, v2  }
0x14f: {  	v39 =	vmul.f32 v42, v48;
	[tilespmem:s18+$0xFFFFFE90] =	vst v34;
	v34 =	vmul.f32 v42, v45;
	v42 =	vunpack.i.l.bf16.f32 v56  }
0x150: {  	v48 =	vunpack.i.u.bf16.f32 v56;
	v45 =	vld [tilespmem:s17+$0xFFFFFF50];
	[tilespmem:s18+$0xFFFFFF00] =	vst v35;
	v35 =	vmul.f32 v47, v49;
	v42 =	vmul.f32 v37, v42  }
0x151: {  	v37 =	vmul.f32 v37, v48;
	[tilespmem:s18+$0xFFFFFF10] =	vst v26;
	v26 =	vmul.f32 v47, v46  }
0x152: {  	v43 =	vmul.f32 v50, v43;
	v47 =	vmul.f32 v50, v51;
	v46 =	vld [tilespmem:s17+$0xFFFFFF90];
	[tilespmem:s18+$0x1C0] =	vst v42  }
0x153: {  	v38 =	vmul.f32 v53, v38;
	v48 =	vmul.f32 v53, v52;
	v42 =	vunpack.i.u.bf16.f32 v41;
	[tilespmem:s18+$0x1D0] =	vst v37  }
0x154: {  	v37 =	vunpack.i.l.bf16.f32 v41;
	v41 =	vperm.xlane v14, v1;
	[tilespmem:s18+$0xFFFFFF80] =	vst v34;
	v34 =	vperm.xlane v27, v1;
	v49 =	vld [tilespmem:s17+$0xF0]  }
0x155: {  	v37 =	vmul.f32 v44, v37;
	v50 =	vunpack.i.u.bf16.f32 v45;
	v45 =	vunpack.i.l.bf16.f32 v45;
	[tilespmem:s18+$0xFFFFFF90] =	vst v39  }
0x156: {  	v39 =	vmul.f32 v44, v42;
	v42 =	vmul.f32 v36, v45;
	v44 =	vld [tilespmem:s17+$0xFFFFFFD0];
	[tilespmem:s18+$0x0] =	vst v35  }
0x157: {  	v35 =	vmul.f32 v36, v50;
	v36 =	vunpack.i.u.bf16.f32 v46;
	v45 =	vunpack.i.l.bf16.f32 v46;
	[tilespmem:s18+$0x10] =	vst v26  }
0x158: {  	v25 =	vperm.xlane v25, v3;
	v45 =	vmul.f32 v40, v45;
	v46 =	vld [tilespmem:s17+$0x10];
	[tilespmem:s18+$0x80] =	vst v47  }
0x159: {  	v47 =	vperm.xlane v24, v2;
	v36 =	vmul.f32 v40, v36;
	[tilespmem:s18+$0x90] =	vst v43;
	v40 =	vunpack.i.u.bf16.f32 v49  }
0x15a: {  	v43 =	vperm.xlane v31, v2;
	v26 =	vunpack.i.l.bf16.f32 v49;
	v50 =	vld [tilespmem:s17+$0x50];
	[tilespmem:s18+$0x100] =	vst v48;
	v40 =	vmul.f32 v25, v40  }
0x15b: {  	v48 =	vperm.xlane v30, v2;
	v49 =	vunpack.i.u.bf16.f32 v44;
	v44 =	vunpack.i.l.bf16.f32 v44;
	[tilespmem:s18+$0x110] =	vst v38  }
0x15c: {  	v38 =	vmul.f32 v32, v44;
	v44 =	vmul.f32 v32, v49;
	v49 =	vld [tilespmem:s17+$0x90];
	[tilespmem:s18+$0x1F0] =	vst v40  }
0x15d: {  	v40 =	vperm.xlane v28, v2;
	[tilespmem:s18+$0xFFFFFE20] =	vst v37;
	v32 =	vunpack.i.u.bf16.f32 v46;
	v37 =	vunpack.i.l.bf16.f32 v46  }
0x15e: {  	[tilespmem:s18+$0xFFFFFE30] =	vst v39;
	v37 =	vmul.f32 v33, v37;
	v39 =	vmul.f32 v33, v32  }
0x15f: {  	v32 =	vperm.xlane v29, v2;
	v46 =	vld [tilespmem:s17+$0xFFFFFF20];
	[tilespmem:s18+$0xFFFFFEA0] =	vst v42;
	v33 =	vunpack.i.u.bf16.f32 v50;
	v42 =	vunpack.i.l.bf16.f32 v50  }
0x160: {  	[tilespmem:s18+$0xFFFFFEB0] =	vst v35;
	v42 =	vmul.f32 v34, v42;
	v50 =	vmul.f32 v34, v33  }
0x161: {  	v33 =	vperm.xlane v27, v2;
	v35 =	vld [tilespmem:s17+$0xFFFFFF60];
	[tilespmem:s18+$0xFFFFFF20] =	vst v45;
	v34 =	vunpack.i.u.bf16.f32 v49;
	v45 =	vunpack.i.l.bf16.f32 v49  }
0x162: {  	[tilespmem:s18+$0xFFFFFF30] =	vst v36;
	v45 =	vmul.f32 v41, v45;
	v41 =	vmul.f32 v41, v34  }
0x163: {  	v24 =	vperm.xlane v24, v3;
	v34 =	vperm.xlane v14, v2;
	v49 =	vld [tilespmem:s17+$0xFFFFFFA0];
	[tilespmem:s18+$0xFFFFFFA0] =	vst v38  }
0x164: {  	v31 =	vperm.xlane v31, v3;
	v36 =	vunpack.i.u.bf16.f32 v46;
	v38 =	vunpack.i.l.bf16.f32 v46;
	[tilespmem:s18+$0xFFFFFFB0] =	vst v44  }
0x165: {  	v38 =	vmul.f32 v47, v38;
	v44 =	vmul.f32 v47, v36;
	v46 =	vld [tilespmem:s17+$0xFFFFFFE0];
	[tilespmem:s18+$0x20] =	vst v37  }
0x166: {  	v30 =	vperm.xlane v30, v3;
	v37 =	vunpack.i.u.bf16.f32 v35;
	v35 =	vunpack.i.l.bf16.f32 v35;
	[tilespmem:s18+$0x30] =	vst v39  }
0x167: {  	v36 =	vmul.f32 v43, v35;
	v35 =	vmul.f32 v43, v37;
	v47 =	vld [tilespmem:s17+$0x20];
	[tilespmem:s18+$0xA0] =	vst v42  }
.Ltmp2:
0x168: {  	v28 =	vperm.xlane v28, v3;
	v37 =	vunpack.i.u.bf16.f32 v49;
	v39 =	vunpack.i.l.bf16.f32 v49;
	[tilespmem:s18+$0xB0] =	vst v50;
	(pc) =	sbr.rel @p1 .LBB2_3-.Ltmp2, $4  }
0x169: {  	v39 =	vmul.f32 v48, v39;
	v37 =	vmul.f32 v48, v37;
	v42 =	vld [tilespmem:s17+$0x60];
	[tilespmem:s18+$0x120] =	vst v45  }
0x16a: {  	v29 =	vperm.xlane v29, v3;
	v43 =	vunpack.i.u.bf16.f32 v46;
	v45 =	vunpack.i.l.bf16.f32 v46;
	[tilespmem:s18+$0x130] =	vst v41  }
0x16b: {  	[tilespmem:s18+$0xFFFFFE40] =	vst v38;
	v41 =	vmul.f32 v40, v45;
	v38 =	vmul.f32 v40, v43;
	v40 =	vld [tilespmem:s17+$0xA0]  }
0x16c: {  	s23 =	sadd.s32 $0x80, s23;
	v27 =	vperm.xlane v27, v3;
	[tilespmem:s18+$0xFFFFFE50] =	vst v44;
	v43 =	vunpack.i.u.bf16.f32 v47;
	v44 =	vunpack.i.l.bf16.f32 v47  }
0x16d: {  	[tilespmem:s18+$0xFFFFFEC0] =	vst v36  }
0x16e: {  	[tilespmem:s18+$0xFFFFFED0] =	vst v35  }
0x16f: {  	[tilespmem:s18+$0xFFFFFF40] =	vst v39  }
0x170: {  	[tilespmem:s18+$0xFFFFFF50] =	vst v37  }
0x171: {  	v45 =	vmul.f32 v32, v44;
	[tilespmem:s18+$0xFFFFFFC0] =	vst v41  }
0x172: {  	v46 =	vmul.f32 v32, v43;
	[tilespmem:s18+$0xFFFFFFD0] =	vst v38  }
0x173: {  	v13 =	vmul.f32 v5, v13;
	[tilespmem:s18+$0x40] =	vst v45  }
0x174: {  	v5 =	vmul.f32 v5, v11;
	[tilespmem:s18+$0x50] =	vst v46  }
0x175: {  	v11 =	vmul.f32 v6, v16;
	[tilespmem:s26+$0xFFFFFEE0] =	vst v13  }
0x176: {  	v6 =	vmul.f32 v6, v12;
	v47 =	vunpack.i.l.bf16.f32 v42;
	[tilespmem:s26+$0xFFFFFEF0] =	vst v5  }
0x177: {  	v48 =	vunpack.i.u.bf16.f32 v42;
	v36 =	vmul.f32 v33, v47;
	[tilespmem:s26+$0xFFFFFF60] =	vst v11  }
0x178: {  	v49 =	vmul.f32 v33, v48;
	[tilespmem:s26+$0xFFFFFF70] =	vst v6  }
0x179: {  	v5 =	vmul.f32 v9, v18;
	[tilespmem:s18+$0xC0] =	vst v36  }
0x17a: {  	v9 =	vmul.f32 v9, v15;
	[tilespmem:s18+$0xD0] =	vst v49  }
0x17b: {  	v6 =	vmul.f32 v8, v22;
	v50 =	vunpack.i.l.bf16.f32 v40;
	[tilespmem:s26+$0xFFFFFFE0] =	vst v5  }
0x17c: {  	v51 =	vunpack.i.u.bf16.f32 v40;
	v35 =	vmul.f32 v34, v50;
	[tilespmem:s26+$0xFFFFFFF0] =	vst v9  }
0x17d: {  	v32 =	vmul.f32 v34, v51;
	[tilespmem:s26+$0x60] =	vst v6  }
0x17e: {  	v5 =	vmul.f32 v8, v17;
	v8 =	vld [tilespmem:s17+$0xFFFFFF30];
	[tilespmem:s18+$0x140] =	vst v35  }
0x17f: {  	v9 =	vmul.f32 v10, v21;
	[tilespmem:s18+$0x150] =	vst v32  }
0x180: {  	v6 =	vmul.f32 v10, v19;
	v10 =	vld [tilespmem:s17+$0xFFFFFF70];
	[tilespmem:s26+$0x70] =	vst v5  }
0x181: {  	v5 =	vmul.f32 v7, v23;
	[tilespmem:s26+$0xE0] =	vst v9  }
0x182: {  	v7 =	vmul.f32 v7, v20;
	v9 =	vld [tilespmem:s17+$0xFFFFFFB0];
	[tilespmem:s26+$0xF0] =	vst v6  }
0x183: {  	v6 =	vmul.f32 v25, v26;
	[tilespmem:s26+$0x160] =	vst v5;
	v5 =	vunpack.i.l.bf16.f32 v8  }
0x184: {  	v11 =	vld [tilespmem:s17+$0xFFFFFFF0];
	[tilespmem:s26+$0x170] =	vst v7;
	v7 =	vunpack.i.u.bf16.f32 v8;
	v5 =	vmul.f32 v24, v5  }
0x185: {  	[tilespmem:s18+$0x1E0] =	vst v6;
	v6 =	vunpack.i.l.bf16.f32 v10;
	v7 =	vmul.f32 v24, v7  }
0x186: {  	v8 =	vld [tilespmem:s17+$0x30];
	v10 =	vunpack.i.u.bf16.f32 v10;
	[tilespmem:s18+$0xFFFFFE60] =	vst v5;
	v5 =	vmul.f32 v31, v6  }
0x187: {  	v6 =	vunpack.i.l.bf16.f32 v9;
	[tilespmem:s18+$0xFFFFFE70] =	vst v7;
	v7 =	vmul.f32 v31, v10  }
0x188: {  	v10 =	vld [tilespmem:s17+$0x70];
	v9 =	vunpack.i.u.bf16.f32 v9;
	v6 =	vmul.f32 v30, v6;
	[tilespmem:s18+$0xFFFFFEE0] =	vst v5  }
0x189: {  	v9 =	vmul.f32 v30, v9;
	v5 =	vunpack.i.l.bf16.f32 v11;
	[tilespmem:s18+$0xFFFFFEF0] =	vst v7  }
0x18a: {  	v7 =	vld [tilespmem:s17+$0xB0];
	v11 =	vunpack.i.u.bf16.f32 v11;
	v5 =	vmul.f32 v28, v5;
	[tilespmem:s18+$0xFFFFFF60] =	vst v6  }
0x18b: {  	v6 =	vunpack.i.l.bf16.f32 v8;
	v11 =	vmul.f32 v28, v11;
	[tilespmem:s18+$0xFFFFFF70] =	vst v9  }
0x18c: {  	v8 =	vunpack.i.u.bf16.f32 v8;
	v6 =	vmul.f32 v29, v6;
	[tilespmem:s18+$0xFFFFFFE0] =	vst v5  }
0x18d: {  	v8 =	vmul.f32 v29, v8;
	v5 =	vunpack.i.l.bf16.f32 v10;
	[tilespmem:s18+$0xFFFFFFF0] =	vst v11  }
0x18e: {  	v9 =	vperm.xlane v14, v3;
	v10 =	vunpack.i.u.bf16.f32 v10;
	v5 =	vmul.f32 v27, v5;
	[tilespmem:s18+$0x60] =	vst v6  }
0x18f: {  	v10 =	vmul.f32 v27, v10;
	[tilespmem:s18+$0x70] =	vst v8;
	v6 =	vunpack.i.l.bf16.f32 v7  }
0x190: {  	v7 =	vunpack.i.u.bf16.f32 v7;
	v6 =	vmul.f32 v9, v6;
	[tilespmem:s18+$0xE0] =	vst v5  }
0x191: {  	v5 =	vmul.f32 v9, v7;
	[tilespmem:s18+$0xF0] =	vst v10  }
0x192: {  	[tilespmem:s18+$0x160] =	vst v6  }
0x193: {  	[tilespmem:s18+$0x170] =	vst v5  }
0x194: {  	v5 =	vld [tilespmem:$0x140]  }
0x195: {  	v6 =	vld [tilespmem:$0x150]  }
0x196: {  	v7 =	vld [tilespmem:$0x160]  }
0x197: {  	v8 =	vld [tilespmem:$0x170]  }
0x198: {  	v9 =	vld [tilespmem:$0x180]  }
0x199: {  	[tilespmem:$0x280] =	vst v5  }
0x19a: {  	[tilespmem:$0x290] =	vst v6  }
0x19b: {  	[tilespmem:$0x2A0] =	vst v7  }
0x19c: {  	[tilespmem:$0x2B0] =	vst v8  }
0x19d: {  	s8 =	simm.s32 $0x3F20;
	s26 =	smul.u32 $0x140, s25;
	s17 =	rddreg [dreg:$0x14];
	[tilespmem:$0x2C0] =	vst v9  }
0x19e: {  	[spmem:s4] =	stream.indirect.scatter.add.f32 [tilespmem:s8], [sflag:$0x7], $0x10, s21, s31, $0xb8;
	[tilespmem:$0x1FCB0] =	vst v63  }
0x19f: {  	s8 =	sadd.s32 s26, s17  }
0x1a0: {  	s15 =	simm.s32 $0x4920;
	s8 =	sshrl.u32 s8, $0x3  }
0x1a1: {  	[spmem:s3] =	stream.indirect.scatter.add.f32 [tilespmem:s15], [sflag:$0x7], $0x80, s21, s31, $0xb8;
	[tilespmem:$0x1FCB0] =	vst v63  }
0x1a2: {  	s15 =	sadd.s32 s1, s8  }
0x1a3: {  	[tilespmem:s29], [sflag:$0x4] =	stream.linear.gather [hbm4b:s15+s5], $0x50, $0x38;
	[tilespmem:$0x1FCB0] =	vst v63  }
0x1a4: {  	s18 =	simm.s32 $0x230;
	s8 =	sadd.s32 s6, s8  }
0x1a5: {  	[tilespmem:s18], [sflag:$0x4] =	stream.linear.gather [hbm4b:s8+s5], $0x50, $0x38;
	[tilespmem:$0x1FCB0] =	vst v63  }
0x1a6: {  	_ =	swait.ge [sflag:s14], $0x50  }
0x1a7: {  	[sflag:s14] =	ssyncset.done $0x0  }
0x1a8: {  	[sflag:s14] =	ssyncadd.s32 $0xFFFFFFB0  }
0x1a9: {  	_ =	swait.ge [sflag:s14], $0x50  }
0x1aa: {  	[sflag:s14] =	ssyncset.done $0x0  }
0x1ab: {  	s19 =	simm.s32 $0x320;
	[sflag:s14] =	ssyncadd.s32 $0xFFFFFFB0  }
0x1ac: {  	[tilespmem:s19], [sflag:$0x5] =	stream.indirect.gather [hbm4b:s7+s31], $0x10, s13, s31, $0xb8;
	[tilespmem:$0x1FCB0] =	vst v63  }
0x1ad: {  	s22 =	simm.s32 $0xD20;
	s23 =	simm.s32 $0x1E0  }
0x1ae: {  	[tilespmem:s22], [sflag:$0x5] =	stream.indirect.gather [hbm4b:s9+s31], $0x10, s23, s31, $0xb8;
	[tilespmem:$0x1FCB0] =	vst v63  }
0x1af: {  	s15 =	simm.s32 $0x1720  }
0x1b0: {  	[tilespmem:s15], [sflag:$0x5] =	stream.indirect.gather [hbm4b:s2+s31], $0x40, s13, s31, $0xb8;
	[tilespmem:$0x1FCB0] =	vst v63  }
0x1b1: {  	_ =	swait.ge [sflag:s30], $0x500  }
0x1b2: {  	[sflag:s30] =	ssyncset.done $0x0  }
0x1b3: {  	[sflag:s30] =	ssyncadd.s32 $0xFFFFFB00  }
0x1b4: {  	_ =	swait.ge [sflag:s30], $0x500  }
0x1b5: {  	[sflag:s30] =	ssyncset.done $0x0  }
0x1b6: {  	[sflag:s30] =	ssyncadd.s32 $0xFFFFFB00  }
0x1b7: {  	_ =	swait.ge [sflag:s30], $0x1400  }
0x1b8: {  	[sflag:s30] =	ssyncset.done $0x0  }
0x1b9: {  	s8 =	simm.s32 @!p0 $0x8;
	[sflag:s30] =	ssyncadd.s32 $0xFFFFEC00  }
0x1ba: {  	_ =	swait.ge @!p0 [sflag:s8], $0x500  }
0x1bb: {  	[sflag:s8] =	ssyncset.done @!p0 $0x0  }
0x1bc: {  	[sflag:s8] =	ssyncadd.s32 @!p0 $0xFFFFFB00  }
0x1bd: {  	_ =	swait.ge @!p0 [sflag:s8], $0x2800  }
0x1be: {  	[sflag:s8] =	ssyncset.done @!p0 $0x0  }
0x1bf: {  	s17 =	simm.s32 $0x860;
	[sflag:s8] =	ssyncadd.s32 @!p0 $0xFFFFD800  }
0x1c0: {  	s18 =	simm.s32 $0x1260;
	v5 =	vld [tilespmem:s17+$0x30]  }
0x1c1: {  	v6 =	vld [tilespmem:s18+$0x30];
	_ =	sdelay $0x4  }
0x1c2: {  	v7 =	vld [tilespmem:s18+$0xFFFFFFC0];
	v5 =	vadd.f32 v6, v5  }
0x1c3: {  	v8 =	vld [tilespmem:s18+$0xFFFFFFD0]  }
0x1c4: {  	v10 =	vld [tilespmem:s17+$0xFFFFFFE0];
	v9 =	vmul.f32 $2.000000030e-01, v5  }
0x1c5: {  	v11 =	vld [tilespmem:s18+$0xFFFFFFE0];
	vm0 =	vge.f32 v5, $0.0e+00  }
0x1c6: {  	v6 =	vld [tilespmem:s17+$0xFFFFFFD0];
	v5 =	vsel vm0, v5, v9  }
0x1c7: {  	v12 =	vld [tilespmem:s18+$0xFFFFFFF0];
	v5 =	vsub.f32 v5, v4  }
0x1c8: {  	v13 =	vld [tilespmem:s17+$0x0]  }
0x1c9: {  	v14 =	vld [tilespmem:s18+$0x0];
	v5 =	vmul.f32 $1.442695020e+00, v5  }
0x1ca: {  	v9 =	vld [tilespmem:s17+$0xFFFFFFF0]  }
0x1cb: {  	v6 =	vadd.f32 v8, v6;
	v8 =	vld [tilespmem:s17+$0xFFFFFFC0];
	(erf) = vpow2.f32 v5  }
0x1cc: {  	v10 =	vadd.f32 v11, v10;
	v11 =	vld [tilespmem:s18+$0x10]  }
0x1cd: {  	v15 =	vmul.f32 $2.000000030e-01, v6;
	v5 =	vld [tilespmem:s17+$0x10]  }
0x1ce: {  	v13 =	vadd.f32 v14, v13;
	vm15 =	vge.f32 v10, $0.0e+00;
	vm14 =	vge.f32 v6, $0.0e+00  }
0x1cf: {  	v9 =	vadd.f32 v12, v9;
	v12 =	vmul.f32 $2.000000030e-01, v10;
	v6 =	vsel vm14, v6, v15  }
0x1d0: {  	v14 =	vmul.f32 $2.000000030e-01, v13;
	v7 =	vadd.f32 v7, v8;
	v6 =	vsub.f32 v6, v4  }
0x1d1: {  	v16 =	vld [tilespmem:s18+$0x20];
	v15 =	vmul.f32 $2.000000030e-01, v9;
	v8 =	vsel vm15, v10, v12;
	vm4 =	vge.f32 v9, $0.0e+00  }
0x1d2: {  	v10 =	vld [tilespmem:s17+$0x20];
	v8 =	vsub.f32 v8, v4;
	v5 =	vadd.f32 v11, v5;
	v11 =	vmul.f32 $2.000000030e-01, v7  }
0x1d3: {  	vm5 =	vge.f32 v7, $0.0e+00;
	v6 =	vmul.f32 $1.442695020e+00, v6;
	v9 =	vsel vm4, v9, v15  }
0x1d4: {  	s19 =	simm.s32 $0x4460;
	v9 =	vsub.f32 v9, v4;
	v8 =	vmul.f32 $1.442695020e+00, v8;
	v7 =	vsel vm5, v7, v11;
	v12 =	vpop (erf)  }
0x1d5: {  	s23 =	simm.s32 $0x2C20;
	(erf) = vpow2.f32 v6;
	v11 =	vmul.f32 $2.000000030e-01, v5;
	v7 =	vsub.f32 v7, v4;
	[tilespmem:s19+$0x30] =	vst v12  }
0x1d6: {  	vm6 =	vge.f32 v13, $0.0e+00;
	v9 =	vmul.f32 $1.442695020e+00, v9;
	(erf) = vpow2.f32 v8;
	v15 =	vld [tilespmem:s23+$0xC0]  }
0x1d7: {  	v8 =	vsel vm6, v13, v14;
	v6 =	vmul.f32 $1.442695020e+00, v7;
	v7 =	vadd.f32 v16, v10  }
0x1d8: {  	vm1 =	vge.f32 v5, $0.0e+00;
	v8 =	vsub.f32 v8, v4;
	(erf) = vpow2.f32 v9  }
0x1d9: {  	v5 =	vsel vm1, v5, v11;
	(erf) = vpow2.f32 v6;
	v6 =	vmul.f32 $2.000000030e-01, v7  }
0x1da: {  	v9 =	vperm.xlane v12, v0;
	v5 =	vsub.f32 v5, v4;
	vm7 =	vge.f32 v7, $0.0e+00  }
0x1db: {  	v8 =	vmul.f32 $1.442695020e+00, v8;
	v6 =	vsel vm7, v7, v6;
	v10 =	vunpack.i.l.bf16.f32 v15  }
0x1dc: {  	v6 =	vsub.f32 v6, v4;
	v7 =	vunpack.i.u.bf16.f32 v15;
	v10 =	vmul.f32 v9, v10  }
0x1dd: {  	s15 =	simm.s32 $0x7320;
	(erf) = vpow2.f32 v8;
	v7 =	vmul.f32 v9, v7  }
0x1de: {  	v8 =	vmul.f32 $1.442695020e+00, v5;
	[tilespmem:s15+$0x180] =	vst v10  }
0x1df: {  	v5 =	vpop (erf);
	v9 =	vmul.f32 $1.442695020e+00, v6;
	[tilespmem:s15+$0x190] =	vst v7  }
0x1e0: {  	(erf) = vpow2.f32 v8;
	v6 =	vpop (erf);
	v10 =	vld [tilespmem:s23+$0xD0]  }
0x1e1: {  	(erf) = vpow2.f32 v9;
	v7 =	vpop (erf)  }
0x1e2: {  	v13 =	vpop (erf)  }
0x1e3: {  	[tilespmem:s19+$0xFFFFFFC0] =	vst v13  }
0x1e4: {  	v11 =	vperm.xlane v12, v1;
	[tilespmem:s19+$0xFFFFFFD0] =	vst v5;
	v9 =	vld [tilespmem:s23+$0xFFFFFF00]  }
0x1e5: {  	[tilespmem:s19+$0xFFFFFFE0] =	vst v6;
	v14 =	vunpack.i.l.bf16.f32 v10;
	v10 =	vunpack.i.u.bf16.f32 v10  }
0x1e6: {  	v15 =	vld [tilespmem:s23+$0xFFFFFF40];
	[tilespmem:s19+$0xFFFFFFF0] =	vst v7;
	v8 =	vpop (erf);
	v14 =	vmul.f32 v11, v14;
	v11 =	vmul.f32 v11, v10  }
0x1e7: {  	[tilespmem:s19+$0x0] =	vst v8  }
0x1e8: {  	v16 =	vld [tilespmem:s23+$0xFFFFFF80];
	v17 =	vperm.xlane v13, v0;
	[tilespmem:s15+$0x1A0] =	vst v14  }
0x1e9: {  	v10 =	vpop (erf);
	[tilespmem:s15+$0x1B0] =	vst v11;
	v14 =	vunpack.i.l.bf16.f32 v9  }
0x1ea: {  	v18 =	vperm.xlane v5, v0;
	[tilespmem:s19+$0x10] =	vst v10;
	v9 =	vunpack.i.u.bf16.f32 v9;
	v19 =	vld [tilespmem:s23+$0xE0];
	v11 =	vpop (erf);
	v14 =	vmul.f32 v17, v14  }
0x1eb: {  	v20 =	vunpack.i.l.bf16.f32 v15;
	v9 =	vmul.f32 v17, v9;
	[tilespmem:s19+$0x20] =	vst v11  }
0x1ec: {  	s22 =	simm.s32 $0x8E0;
	v15 =	vunpack.i.u.bf16.f32 v15;
	v21 =	vld [tilespmem:s23+$0xFFFFFFC0];
	v17 =	vperm.xlane v6, v0;
	[tilespmem:s15+$0xFFFFFE00] =	vst v14;
	v14 =	vmul.f32 v18, v20  }
0x1ed: {  	v62 =	vld [tilespmem:s22+$0x0];
	v20 =	vunpack.i.l.bf16.f32 v16;
	[tilespmem:s15+$0xFFFFFE10] =	vst v9;
	v9 =	vmul.f32 v18, v15  }
0x1ee: {  	s17 =	simm.s32 $0x12E0;
	v15 =	vld [tilespmem:s23+$0x0];
	v16 =	vunpack.i.u.bf16.f32 v16;
	v18 =	vmul.f32 v17, v20;
	[tilespmem:s15+$0xFFFFFE80] =	vst v14;
	v14 =	vperm.xlane v12, v2  }
0x1ef: {  	v63 =	vld [tilespmem:s17+$0x0];
	v16 =	vmul.f32 v17, v16;
	[tilespmem:s15+$0xFFFFFE90] =	vst v9;
	v9 =	vunpack.i.l.bf16.f32 v19  }
0x1f0: {  	v17 =	vperm.xlane v7, v0;
	v20 =	vld [tilespmem:s23+$0x40];
	[tilespmem:s15+$0xFFFFFF00] =	vst v18;
	v18 =	vunpack.i.u.bf16.f32 v19;
	v9 =	vmul.f32 v14, v9  }
0x1f1: {  	v19 =	vunpack.i.l.bf16.f32 v21;
	[tilespmem:s15+$0xFFFFFF10] =	vst v16;
	v14 =	vmul.f32 v14, v18  }
0x1f2: {  	v16 =	vperm.xlane v8, v0;
	v21 =	vunpack.i.u.bf16.f32 v21;
	v18 =	vld [tilespmem:s23+$0x80];
	v19 =	vmul.f32 v17, v19;
	[tilespmem:s15+$0x1C0] =	vst v9  }
0x1f3: {  	v17 =	vmul.f32 v17, v21;
	v9 =	vunpack.i.l.bf16.f32 v15;
	[tilespmem:s15+$0x1D0] =	vst v14  }
0x1f4: {  	v21 =	vld [tilespmem:s23+$0xFFFFFF10];
	v14 =	vperm.xlane v10, v0;
	v15 =	vunpack.i.u.bf16.f32 v15;
	[tilespmem:s15+$0xFFFFFF80] =	vst v19;
	v9 =	vmul.f32 v16, v9  }
0x1f5: {  	v37 =	vadd.f32 v63, v62;
	v19 =	vunpack.i.l.bf16.f32 v20;
	[tilespmem:s15+$0xFFFFFF90] =	vst v17;
	v15 =	vmul.f32 v16, v15  }
0x1f6: {  	v17 =	vunpack.i.u.bf16.f32 v20;
	v20 =	vld [tilespmem:s23+$0xFFFFFF50];
	v16 =	vperm.xlane v11, v0;
	v19 =	vmul.f32 v14, v19;
	[tilespmem:s15+$0x0] =	vst v9  }
0x1f7: {  	v48 =	vld [tilespmem:s22+$0xFFFFFFC0];
	v23 =	vperm.xlane v7, v1;
	v14 =	vmul.f32 v14, v17;
	v9 =	vunpack.i.l.bf16.f32 v18;
	[tilespmem:s15+$0x10] =	vst v15  }
0x1f8: {  	v52 =	vld [tilespmem:s17+$0xFFFFFFC0];
	v15 =	vperm.xlane v13, v1;
	v17 =	vunpack.i.u.bf16.f32 v18;
	v9 =	vmul.f32 v16, v9;
	[tilespmem:s15+$0x80] =	vst v19  }
0x1f9: {  	v12 =	vperm.xlane v12, v3;
	v18 =	vld [tilespmem:s23+$0xFFFFFF90];
	v16 =	vmul.f32 v16, v17;
	v17 =	vunpack.i.l.bf16.f32 v21;
	[tilespmem:s15+$0x90] =	vst v14  }
0x1fa: {  	v22 =	vld [tilespmem:s23+$0xFFFFFFD0];
	v19 =	vperm.xlane v5, v1;
	v21 =	vunpack.i.u.bf16.f32 v21;
	v17 =	vmul.f32 v15, v17;
	[tilespmem:s15+$0x100] =	vst v9  }
0x1fb: {  	v14 =	vperm.xlane v6, v1;
	v24 =	vunpack.i.l.bf16.f32 v20;
	v15 =	vmul.f32 v15, v21;
	[tilespmem:s15+$0x110] =	vst v16  }
0x1fc: {  	v20 =	vunpack.i.u.bf16.f32 v20;
	v9 =	vld [tilespmem:s23+$0xF0];
	v16 =	vperm.xlane v8, v1;
	v21 =	vmul.f32 v19, v24;
	[tilespmem:s15+$0xFFFFFE20] =	vst v17  }
0x1fd: {  	v32 =	vadd.f32 v52, v48;
	v24 =	vld [tilespmem:s23+$0x10];
	v19 =	vmul.f32 v19, v20;
	v17 =	vperm.xlane v10, v1;
	[tilespmem:s15+$0xFFFFFE30] =	vst v15  }
0x1fe: {  	v15 =	vperm.xlane v11, v1;
	v20 =	vunpack.i.l.bf16.f32 v18;
	v18 =	vunpack.i.u.bf16.f32 v18;
	[tilespmem:s15+$0xFFFFFEA0] =	vst v21  }
0x1ff: {  	v25 =	vld [tilespmem:s23+$0x50];
	[tilespmem:s15+$0xFFFFFEB0] =	vst v19;
	v19 =	vperm.xlane v13, v2;
	v21 =	vunpack.i.u.bf16.f32 v22;
	v20 =	vmul.f32 v14, v20  }
0x200: {  	v13 =	vperm.xlane v13, v3;
	v14 =	vmul.f32 v14, v18;
	v18 =	vunpack.i.l.bf16.f32 v22  }
0x201: {  	vm12 =	vge.f32 v37, $0.0e+00;
	v22 =	vld [tilespmem:s23+$0x90];
	v21 =	vmul.f32 v23, v21;
	v18 =	vmul.f32 v23, v18;
	[tilespmem:s15+$0xFFFFFF20] =	vst v20  }
0x202: {  	v20 =	vunpack.i.u.bf16.f32 v9;
	v23 =	vunpack.i.l.bf16.f32 v24;
	[tilespmem:s15+$0xFFFFFF30] =	vst v14;
	v14 =	vperm.xlane v5, v2  }
0x203: {  	v26 =	vld [tilespmem:s23+$0xFFFFFF20];
	v24 =	vunpack.i.u.bf16.f32 v24;
	[tilespmem:s15+$0xFFFFFFB0] =	vst v21;
	v21 =	vperm.xlane v6, v2;
	v23 =	vmul.f32 v16, v23  }
0x204: {  	[tilespmem:s15+$0xFFFFFFA0] =	vst v18;
	v18 =	vmul.f32 v12, v20;
	v16 =	vmul.f32 v16, v24;
	v20 =	vunpack.i.l.bf16.f32 v25  }
0x205: {  	v5 =	vperm.xlane v5, v3;
	v24 =	vld [tilespmem:s23+$0xFFFFFF60];
	v25 =	vunpack.i.u.bf16.f32 v25;
	v20 =	vmul.f32 v17, v20;
	[tilespmem:s15+$0x20] =	vst v23  }
0x206: {  	v6 =	vperm.xlane v6, v3;
	v27 =	vld [tilespmem:s23+$0xFFFFFFA0];
	v17 =	vmul.f32 v17, v25;
	v25 =	vunpack.i.l.bf16.f32 v22;
	[tilespmem:s15+$0x30] =	vst v16  }
0x207: {  	v28 =	vld [tilespmem:s23+$0xFFFFFFE0];
	v23 =	vperm.xlane v7, v2;
	v22 =	vunpack.i.u.bf16.f32 v22;
	v25 =	vmul.f32 v15, v25;
	[tilespmem:s15+$0xA0] =	vst v20  }
0x208: {  	v30 =	vunpack.i.u.bf16.f32 v26;
	v16 =	vperm.xlane v8, v2;
	v15 =	vmul.f32 v15, v22;
	[tilespmem:s15+$0xB0] =	vst v17;
	v17 =	vld [tilespmem:s22+$0x30]  }
0x209: {  	v26 =	vunpack.i.l.bf16.f32 v26;
	v8 =	vperm.xlane v8, v3;
	v20 =	vperm.xlane v10, v2;
	[tilespmem:s15+$0x120] =	vst v25;
	v25 =	vld [tilespmem:s17+$0x30]  }
0x20a: {  	vm14 =	vge.f32 v32, $0.0e+00;
	v29 =	vld [tilespmem:s23+$0x20];
	v22 =	vperm.xlane v11, v2;
	[tilespmem:s15+$0x130] =	vst v15;
	v15 =	vmul.f32 v19, v26  }
0x20b: {  	v19 =	vmul.f32 v19, v30;
	v30 =	vunpack.i.u.bf16.f32 v24;
	v24 =	vunpack.i.l.bf16.f32 v24  }
0x20c: {  	v10 =	vperm.xlane v10, v3;
	v31 =	vld [tilespmem:s23+$0x60];
	v53 =	vunpack.i.u.bf16.f32 v27;
	v24 =	vmul.f32 v14, v24  }
0x20d: {  	v54 =	vld [tilespmem:s17+$0xFFFFFFD0];
	v14 =	vmul.f32 v14, v30;
	v55 =	vunpack.i.u.bf16.f32 v28;
	v28 =	vunpack.i.l.bf16.f32 v28  }
0x20e: {  	v30 =	vld [tilespmem:s22+$0xFFFFFFD0];
	v28 =	vmul.f32 v23, v28;
	v23 =	vmul.f32 v23, v55;
	v17 =	vadd.f32 v25, v17  }
0x20f: {  	v56 =	vld [tilespmem:s17+$0xFFFFFFE0];
	[tilespmem:s15+$0xFFFFFE50] =	vst v19;
	v19 =	vmul.f32 $2.000000030e-01, v37;
	v59 =	vunpack.i.u.bf16.f32 v29;
	v29 =	vunpack.i.l.bf16.f32 v29  }
0x210: {  	v27 =	vunpack.i.l.bf16.f32 v27;
	v26 =	vld [tilespmem:s23+$0xA0];
	v29 =	vmul.f32 v16, v29;
	v57 =	vmul.f32 $2.000000030e-01, v17  }
0x211: {  	v61 =	vunpack.i.l.bf16.f32 v31;
	v25 =	vmul.f32 v21, v27;
	v27 =	vld [tilespmem:s22+$0xFFFFFFE0];
	vm8 =	vge.f32 v17, $0.0e+00  }
0x212: {  	v58 =	vld [tilespmem:s22+$0xFFFFFFF0];
	v16 =	vmul.f32 v16, v59;
	v31 =	vunpack.i.u.bf16.f32 v31;
	v17 =	vsel vm8, v17, v57  }
0x213: {  	v60 =	vld [tilespmem:s17+$0xFFFFFFF0];
	v19 =	vsel vm12, v37, v19;
	v30 =	vadd.f32 v54, v30;
	v17 =	vsub.f32 v17, v4  }
0x214: {  	v36 =	vmul.f32 v20, v61;
	v20 =	vmul.f32 v20, v31;
	v19 =	vsub.f32 v19, v4  }
0x215: {  	v45 =	vld [tilespmem:s22+$0x10];
	v44 =	vunpack.i.l.bf16.f32 v26;
	v47 =	vmul.f32 $2.000000030e-01, v30;
	v17 =	vmul.f32 $1.442695020e+00, v17  }
0x216: {  	v46 =	vld [tilespmem:s17+$0x10];
	v26 =	vunpack.i.u.bf16.f32 v26;
	vm9 =	vge.f32 v30, $0.0e+00;
	v27 =	vadd.f32 v56, v27  }
0x217: {  	v50 =	vld [tilespmem:s17+$0x20];
	v31 =	vmul.f32 v22, v44;
	v30 =	vsel vm9, v30, v47;
	(erf) = vpow2.f32 v17  }
0x218: {  	[tilespmem:s15+$0x1F0] =	vst v18;
	v49 =	vmul.f32 $2.000000030e-01, v27;
	v17 =	vmul.f32 v22, v26;
	v22 =	vadd.f32 v60, v58;
	v26 =	vld [tilespmem:s22+$0x20]  }
0x219: {  	[tilespmem:s15+$0xFFFFFE40] =	vst v15;
	v21 =	vmul.f32 v21, v53;
	v30 =	vsub.f32 v30, v4;
	vm10 =	vge.f32 v27, $0.0e+00  }
0x21a: {  	[tilespmem:s15+$0x50] =	vst v16;
	v16 =	vmul.f32 $1.442695020e+00, v19;
	v15 =	vsel vm10, v27, v49;
	v18 =	vmul.f32 $2.000000030e-01, v22  }
0x21b: {  	[tilespmem:s15+$0xFFFFFEC0] =	vst v24;
	v24 =	vmul.f32 $1.442695020e+00, v30;
	v30 =	vsub.f32 v15, v4;
	vm11 =	vge.f32 v22, $0.0e+00  }
0x21c: {  	[tilespmem:s15+$0xFFFFFED0] =	vst v14;
	v27 =	vadd.f32 v46, v45;
	v15 =	vsel vm11, v22, v18;
	v18 =	vmul.f32 $2.000000030e-01, v32  }
0x21d: {  	[tilespmem:s15+$0xFFFFFFC0] =	vst v28;
	(erf) = vpow2.f32 v24;
	v14 =	vadd.f32 v50, v26;
	v26 =	vmul.f32 $1.442695020e+00, v30  }
0x21e: {  	[tilespmem:s15+$0xFFFFFF50] =	vst v21;
	v22 =	vmul.f32 $2.000000030e-01, v27;
	v21 =	vsub.f32 v15, v4;
	v18 =	vsel vm14, v32, v18  }
0x21f: {  	[tilespmem:s15+$0xFFFFFF40] =	vst v25;
	vm13 =	vge.f32 v27, $0.0e+00;
	v18 =	vsub.f32 v18, v4;
	(erf) = vpow2.f32 v26  }
0x220: {  	[tilespmem:s15+$0xD0] =	vst v20;
	s22 =	simm.s32 $0x44E0;
	v22 =	vsel vm13, v27, v22;
	v25 =	vmul.f32 $2.000000030e-01, v14;
	v21 =	vmul.f32 $1.442695020e+00, v21;
	v15 =	vpop (erf)  }
0x221: {  	s18 =	simm.s32 $0x2E20;
	v20 =	vld [tilespmem:s23+$0xFFFFFF30];
	vm15 =	vge.f32 v14, $0.0e+00;
	v22 =	vsub.f32 v22, v4;
	v18 =	vmul.f32 $1.442695020e+00, v18;
	[tilespmem:s22+$0x30] =	vst v15  }
0x222: {  	[tilespmem:s15+$0xFFFFFFD0] =	vst v23;
	(erf) = vpow2.f32 v21;
	v21 =	vunpack.i.l.bf16.f32 v9;
	v9 =	vperm.xlane v7, v3;
	v27 =	vld [tilespmem:s18+$0xC0]  }
0x223: {  	[tilespmem:s15+$0x40] =	vst v29;
	v14 =	vsel vm15, v14, v25;
	v7 =	vperm.xlane v11, v3;
	v19 =	vperm.xlane v15, v0  }
0x224: {  	[tilespmem:s15+$0xC0] =	vst v36;
	v14 =	vsub.f32 v14, v4;
	(erf) = vpow2.f32 v18;
	v18 =	vmul.f32 $1.442695020e+00, v22  }
0x225: {  	[tilespmem:s15+$0x140] =	vst v31;
	v12 =	vmul.f32 v12, v21;
	(erf) = vpow2.f32 v16  }
0x226: {  	[tilespmem:s15+$0x150] =	vst v17;
	v14 =	vmul.f32 $1.442695020e+00, v14;
	(erf) = vpow2.f32 v18  }
0x227: {  	v11 =	vunpack.i.u.bf16.f32 v20;
	v21 =	vpop (erf);
	[tilespmem:s15+$0x1E0] =	vst v12;
	v12 =	vunpack.i.l.bf16.f32 v20;
	v16 =	vunpack.i.l.bf16.f32 v27  }
0x228: {  	[tilespmem:s22+$0xFFFFFFD0] =	vst v21;
	(erf) = vpow2.f32 v14;
	v18 =	vunpack.i.u.bf16.f32 v27;
	v20 =	vpop (erf);
	v16 =	vmul.f32 v19, v16  }
0x229: {  	s19 =	simm.s32 $0x7720;
	v25 =	vperm.xlane v21, v0;
	v14 =	vmul.f32 v19, v18;
	[tilespmem:s22+$0xFFFFFFE0] =	vst v20  }
0x22a: {  	v28 =	vperm.xlane v21, v1;
	v29 =	vld [tilespmem:s18+$0xFFFFFF40];
	v18 =	vmul.f32 v13, v12;
	[tilespmem:s19+$0x180] =	vst v16  }
0x22b: {  	v19 =	vmul.f32 v13, v11;
	v30 =	vperm.xlane v20, v0;
	v23 =	vpop (erf);
	v54 =	vld [tilespmem:s18+$0xFFFFFF80];
	[tilespmem:s19+$0x190] =	vst v14  }
0x22c: {  	v31 =	vperm.xlane v20, v1;
	v12 =	vperm.xlane v15, v1;
	[tilespmem:s22+$0xFFFFFFF0] =	vst v23  }
0x22d: {  	v51 =	vperm.xlane v23, v0;
	v34 =	vperm.xlane v23, v1;
	[tilespmem:s15+$0xFFFFFE60] =	vst v18;
	v17 =	vld [tilespmem:s18+$0xD0];
	v24 =	vpop (erf)  }
0x22e: {  	v16 =	vld [tilespmem:s23+$0xFFFFFF70];
	v47 =	vperm.xlane v23, v2;
	[tilespmem:s22+$0xFFFFFFC0] =	vst v24;
	v26 =	vpop (erf);
	v53 =	vperm.xlane v24, v0  }
0x22f: {  	v61 =	vunpack.i.u.bf16.f32 v29;
	[tilespmem:s15+$0xFFFFFE70] =	vst v19;
	v37 =	vperm.xlane v24, v1;
	v52 =	vld [tilespmem:s18+$0xFFFFFF00];
	v27 =	vpop (erf);
	v56 =	vperm.xlane v26, v0  }
0x230: {  	[tilespmem:s22+$0x0] =	vst v26;
	v41 =	vperm.xlane v26, v1;
	v58 =	vperm.xlane v27, v0;
	v36 =	vunpack.i.l.bf16.f32 v54  }
0x231: {  	v22 =	vld [tilespmem:s23+$0xFFFFFFB0];
	[tilespmem:s22+$0x10] =	vst v27;
	v14 =	vpop (erf);
	v63 =	vunpack.i.u.bf16.f32 v54;
	v39 =	vperm.xlane v27, v1;
	v36 =	vmul.f32 v30, v36  }
0x232: {  	v57 =	vld [tilespmem:s18+$0x0];
	[tilespmem:s22+$0x20] =	vst v14;
	v30 =	vmul.f32 v30, v63;
	v13 =	vunpack.i.l.bf16.f32 v17;
	v17 =	vunpack.i.u.bf16.f32 v17  }
0x233: {  	v11 =	vunpack.i.u.bf16.f32 v16;
	v60 =	vperm.xlane v14, v0;
	v17 =	vmul.f32 v12, v17;
	[tilespmem:s19+$0xFFFFFF00] =	vst v36  }
0x234: {  	v59 =	vld [tilespmem:s18+$0x40];
	v55 =	vmul.f32 v12, v13;
	v13 =	vunpack.i.l.bf16.f32 v16;
	[tilespmem:s19+$0xFFFFFF10] =	vst v30;
	v45 =	vunpack.i.l.bf16.f32 v52  }
0x235: {  	v16 =	vld [tilespmem:s18+$0xFFFFFFC0];
	v18 =	vunpack.i.u.bf16.f32 v52;
	[tilespmem:s19+$0x1B0] =	vst v17;
	v17 =	vunpack.i.l.bf16.f32 v29;
	v29 =	vmul.f32 v53, v45  }
0x236: {  	v42 =	vperm.xlane v14, v1;
	[tilespmem:s19+$0x1A0] =	vst v55;
	v18 =	vmul.f32 v53, v18  }
0x237: {  	v12 =	vunpack.i.u.bf16.f32 v22;
	v40 =	vunpack.i.l.bf16.f32 v57;
	v62 =	vld [tilespmem:s18+$0xE0];
	v17 =	vmul.f32 v25, v17;
	[tilespmem:s19+$0xFFFFFE00] =	vst v29  }
0x238: {  	v48 =	vunpack.i.u.bf16.f32 v57;
	v45 =	vperm.xlane v20, v2;
	v53 =	vmul.f32 v56, v40;
	[tilespmem:s19+$0xFFFFFE10] =	vst v18  }
0x239: {  	v54 =	vmul.f32 v56, v48;
	v29 =	vld [tilespmem:s18+$0x80];
	v18 =	vmul.f32 v25, v61;
	v25 =	vunpack.i.u.bf16.f32 v59;
	[tilespmem:s19+$0xFFFFFE80] =	vst v17  }
0x23a: {  	v19 =	vunpack.i.u.bf16.f32 v16;
	v16 =	vunpack.i.l.bf16.f32 v16;
	v17 =	vperm.xlane v15, v2;
	v49 =	vld [tilespmem:s18+$0xFFFFFF10];
	[tilespmem:s19+$0x0] =	vst v53  }
0x23b: {  	[tilespmem:s19+$0x10] =	vst v54;
	v16 =	vmul.f32 v51, v16;
	v19 =	vmul.f32 v51, v19;
	v51 =	vunpack.i.l.bf16.f32 v59  }
0x23c: {  	v55 =	vld [tilespmem:s18+$0xFFFFFF90];
	v61 =	vperm.xlane v24, v2;
	[tilespmem:s19+$0xFFFFFE90] =	vst v18;
	v33 =	vmul.f32 v58, v51;
	v18 =	vunpack.i.l.bf16.f32 v62  }
0x23d: {  	v24 =	vperm.xlane v24, v3;
	v52 =	vld [tilespmem:s18+$0xFFFFFF50];
	v50 =	vunpack.i.u.bf16.f32 v62;
	[tilespmem:s19+$0xFFFFFF80] =	vst v16;
	v18 =	vmul.f32 v17, v18  }
0x23e: {  	v17 =	vmul.f32 v17, v50;
	v30 =	vunpack.i.l.bf16.f32 v29;
	[tilespmem:s19+$0x80] =	vst v33;
	v33 =	vperm.xlane v27, v2  }
0x23f: {  	[tilespmem:s19+$0xFFFFFF90] =	vst v19;
	v27 =	vperm.xlane v27, v3;
	v30 =	vmul.f32 v60, v30;
	v16 =	vunpack.i.u.bf16.f32 v49  }
0x240: {  	v32 =	vld [tilespmem:s18+$0x10];
	[tilespmem:s19+$0x1C0] =	vst v18;
	v18 =	vunpack.i.u.bf16.f32 v29;
	v29 =	vmul.f32 v58, v25;
	v56 =	vmul.f32 v37, v16  }
0x241: {  	v57 =	vld [tilespmem:s18+$0xFFFFFFD0];
	[tilespmem:s19+$0x1D0] =	vst v17;
	v16 =	vunpack.i.l.bf16.f32 v55;
	v17 =	vmul.f32 v60, v18;
	v18 =	vunpack.i.l.bf16.f32 v49  }
0x242: {  	v40 =	vld [tilespmem:s18+$0xF0];
	v19 =	vunpack.i.u.bf16.f32 v52;
	v25 =	vunpack.i.l.bf16.f32 v52;
	v60 =	vmul.f32 v31, v16;
	[tilespmem:s19+$0x100] =	vst v30  }
0x243: {  	v58 =	vld [tilespmem:s23+$0xFFFFFFF0];
	v16 =	vunpack.i.l.bf16.f32 v22;
	v18 =	vmul.f32 v37, v18;
	v59 =	vmul.f32 v28, v25;
	[tilespmem:s19+$0x90] =	vst v29  }
0x244: {  	v19 =	vmul.f32 v28, v19;
	v28 =	vunpack.i.u.bf16.f32 v55;
	v25 =	vperm.xlane v15, v3;
	[tilespmem:s19+$0xFFFFFE30] =	vst v56;
	v22 =	vld [tilespmem:s18+$0x50]  }
0x245: {  	v29 =	vperm.xlane v21, v2;
	v28 =	vmul.f32 v31, v28;
	v31 =	vld [tilespmem:s23+$0x30];
	[tilespmem:s19+$0x110] =	vst v17  }
0x246: {  	v62 =	vunpack.i.u.bf16.f32 v57;
	v37 =	vunpack.i.l.bf16.f32 v57;
	v17 =	vunpack.i.u.bf16.f32 v32;
	[tilespmem:s19+$0xFFFFFF20] =	vst v60;
	v63 =	vld [tilespmem:s18+$0x90]  }
0x247: {  	v37 =	vmul.f32 v34, v37;
	v46 =	vmul.f32 v34, v62;
	[tilespmem:s19+$0xFFFFFE20] =	vst v18;
	v15 =	vunpack.i.u.bf16.f32 v40  }
0x248: {  	v48 =	vld [tilespmem:s23+$0x70];
	v52 =	vmul.f32 v41, v17;
	[tilespmem:s19+$0xFFFFFEA0] =	vst v59;
	v18 =	vunpack.i.l.bf16.f32 v58;
	v30 =	vmul.f32 v25, v15  }
0x249: {  	[tilespmem:s19+$0xFFFFFEB0] =	vst v19;
	v53 =	vld [tilespmem:s18+$0xFFFFFF20];
	v15 =	vunpack.i.u.bf16.f32 v58;
	v54 =	vunpack.i.u.bf16.f32 v22;
	v22 =	vunpack.i.l.bf16.f32 v22  }
0x24a: {  	v43 =	vld [tilespmem:s18+$0xFFFFFF60];
	v17 =	vunpack.i.u.bf16.f32 v31;
	[tilespmem:s19+$0x1F0] =	vst v30;
	v30 =	vunpack.i.l.bf16.f32 v32;
	v32 =	vperm.xlane v26, v2  }
0x24b: {  	[tilespmem:s19+$0xFFFFFF30] =	vst v28;
	v55 =	vmul.f32 v39, v22;
	v39 =	vmul.f32 v39, v54;
	v19 =	vunpack.i.u.bf16.f32 v63  }
0x24c: {  	v28 =	vld [tilespmem:s18+$0xFFFFFFA0];
	v34 =	vunpack.i.l.bf16.f32 v63;
	v22 =	vunpack.i.l.bf16.f32 v31;
	v31 =	vperm.xlane v21, v3  }
0x24d: {  	v49 =	vld [tilespmem:s23+$0xB0];
	[tilespmem:s19+$0xFFFFFFA0] =	vst v37;
	v21 =	vunpack.i.l.bf16.f32 v48;
	v30 =	vmul.f32 v41, v30;
	v50 =	vmul.f32 v42, v34  }
0x24e: {  	[tilespmem:s19+$0xFFFFFFB0] =	vst v46;
	v42 =	vmul.f32 v42, v19;
	v19 =	vunpack.i.u.bf16.f32 v48;
	v34 =	vperm.xlane v14, v2  }
0x24f: {  	[tilespmem:s19+$0x30] =	vst v52;
	v46 =	vld [tilespmem:s18+$0xFFFFFFE0];
	v56 =	vunpack.i.u.bf16.f32 v53;
	v57 =	vunpack.i.l.bf16.f32 v53;
	v58 =	vunpack.i.u.bf16.f32 v43  }
0x250: {  	v59 =	vunpack.i.l.bf16.f32 v43;
	v38 =	vmul.f32 v61, v57;
	v44 =	vmul.f32 v61, v56;
	[tilespmem:s19+$0x20] =	vst v30  }
0x251: {  	v36 =	vmul.f32 v29, v59;
	v35 =	vmul.f32 v29, v58;
	[tilespmem:s19+$0xA0] =	vst v55;
	v29 =	vunpack.i.u.bf16.f32 v28;
	v60 =	vld [tilespmem:s18+$0x20]  }
0x252: {  	v61 =	vunpack.i.l.bf16.f32 v28;
	v28 =	vperm.xlane v23, v3;
	[tilespmem:s19+$0xB0] =	vst v39;
	v23 =	vunpack.i.l.bf16.f32 v49  }
0x253: {  	v30 =	vperm.xlane v20, v3;
	v20 =	vunpack.i.u.bf16.f32 v49;
	v39 =	vmul.f32 v45, v61;
	[tilespmem:s19+$0x130] =	vst v42;
	v42 =	vld [tilespmem:s18+$0x60]  }
0x254: {  	v37 =	vmul.f32 v45, v29;
	[tilespmem:s19+$0x120] =	vst v50;
	v62 =	vunpack.i.u.bf16.f32 v46;
	v63 =	vunpack.i.l.bf16.f32 v46  }
0x255: {  	v29 =	vperm.xlane v26, v3;
	v26 =	vunpack.i.l.bf16.f32 v40;
	[tilespmem:s19+$0xFFFFFE40] =	vst v38;
	v41 =	vmul.f32 v47, v63;
	v40 =	vld [tilespmem:s18+$0xA0]  }
0x256: {  	s8 =	simm.s32 $0x960;
	s23 =	simm.s32 $0x8;
	v38 =	vmul.f32 v47, v62;
	[tilespmem:s19+$0xFFFFFE50] =	vst v44;
	v43 =	vunpack.i.u.bf16.f32 v60;
	v44 =	vunpack.i.l.bf16.f32 v60  }
.LBB2_5:
0x257: {  	v45 =	vld [tilespmem:s8+$0x30];
	[tilespmem:s19+$0xFFFFFEC0] =	vst v36;
	v36 =	vmul.f32 v32, v44;
	v32 =	vmul.f32 v32, v43;
	s17 =	sadd.s32 $0x80, s17  }
0x258: {  	v14 =	vperm.xlane v14, v3;
	v43 =	vld [tilespmem:s17+$0x30];
	[tilespmem:s19+$0xFFFFFED0] =	vst v35;
	v35 =	vunpack.i.u.bf16.f32 v42;
	v42 =	vunpack.i.l.bf16.f32 v42  }
0x259: {  	v44 =	vld [tilespmem:s17+$0xFFFFFFC0];
	[tilespmem:s19+$0xFFFFFF40] =	vst v39;
	v39 =	vmul.f32 v33, v42;
	v33 =	vmul.f32 v33, v35  }
0x25a: {  	v13 =	vmul.f32 v5, v13;
	v35 =	vld [tilespmem:s8+$0xFFFFFFD0];
	[tilespmem:s19+$0xFFFFFF50] =	vst v37;
	v37 =	vunpack.i.u.bf16.f32 v40;
	v40 =	vunpack.i.l.bf16.f32 v40  }
0x25b: {  	s23 =	sadd.s32 $0x8, s23;
	v42 =	vld [tilespmem:s17+$0xFFFFFFD0];
	[tilespmem:s19+$0xFFFFFFC0] =	vst v41;
	v40 =	vmul.f32 v34, v40;
	v34 =	vmul.f32 v34, v37  }
0x25c: {  	v11 =	vmul.f32 v5, v11;
	v16 =	vmul.f32 v6, v16;
	v5 =	vmov v31;
	p0 =	slt.u32 s23, $0x48;
	v37 =	vld [tilespmem:s8+$0xFFFFFFE0];
	[tilespmem:s19+$0xFFFFFFD0] =	vst v38  }
0x25d: {  	v12 =	vmul.f32 v6, v12;
	v18 =	vmul.f32 v9, v18;
	v31 =	vld [tilespmem:s17+$0xFFFFFFE0];
	v38 =	vadd.f32 v43, v45;
	[tilespmem:s19+$0x40] =	vst v36  }
0x25e: {  	v15 =	vmul.f32 v9, v15;
	v22 =	vmul.f32 v8, v22;
	v6 =	vmovc v30;
	v9 =	vmov v28;
	v36 =	vld [tilespmem:s8+$0xFFFFFFF0];
	[tilespmem:s19+$0x50] =	vst v32  }
0x25f: {  	v17 =	vmul.f32 v8, v17;
	v8 =	vmov v29;
	v28 =	vld [tilespmem:s17+$0xFFFFFFF0];
	v30 =	vmul.f32 $2.000000030e-01, v38;
	[tilespmem:s19+$0xC0] =	vst v39  }
0x260: {  	v21 =	vmul.f32 v10, v21;
	vm0 =	vge.f32 v38, $0.0e+00;
	v29 =	vadd.f32 v42, v35;
	v32 =	vld [tilespmem:s8+$0x0];
	[tilespmem:s19+$0xD0] =	vst v33  }
0x261: {  	v19 =	vmul.f32 v10, v19;
	v23 =	vmul.f32 v7, v23;
	v33 =	vld [tilespmem:s17+$0x0];
	v30 =	vsel vm0, v38, v30;
	[tilespmem:s19+$0x140] =	vst v40  }
0x262: {  	v10 =	vmovc v27;
	v35 =	vmul.f32 $2.000000030e-01, v29;
	v31 =	vadd.f32 v31, v37;
	v37 =	vld [tilespmem:s8+$0x10];
	v30 =	vsub.f32 v30, v4;
	[tilespmem:s19+$0x150] =	vst v34  }
0x263: {  	v26 =	vmul.f32 v25, v26;
	vm0 =	vge.f32 v29, $0.0e+00;
	v27 =	vld [tilespmem:s17+$0x10];
	[tilespmem:s15+$0xFFFFFEE0] =	vst v13;
	v13 =	vmul.f32 v7, v20;
	v7 =	vmovc v14  }
0x264: {  	v14 =	vmul.f32 $2.000000030e-01, v31;
	v20 =	vadd.f32 v28, v36;
	v25 =	vld [tilespmem:s8+$0x20];
	v28 =	vmul.f32 $1.442695020e+00, v30;
	[tilespmem:s15+$0xFFFFFEF0] =	vst v11  }
0x265: {  	v11 =	vsel vm0, v29, v35;
	vm0 =	vge.f32 v31, $0.0e+00;
	v29 =	vld [tilespmem:s17+$0x20];
	[tilespmem:s15+$0xFFFFFF60] =	vst v16  }
0x266: {  	v16 =	vld [tilespmem:s8+$0xFFFFFFC0];
	v30 =	vmul.f32 $2.000000030e-01, v20;
	v32 =	vadd.f32 v33, v32;
	(erf) = vpow2.f32 v28;
	[tilespmem:s15+$0xFFFFFF70] =	vst v12  }
0x267: {  	v11 =	vsub.f32 v11, v4;
	v12 =	vsel vm0, v31, v14;
	vm0 =	vge.f32 v20, $0.0e+00;
	v14 =	vld [tilespmem:s18+$0xFFFFFF30];
	[tilespmem:s15+$0xFFFFFFE0] =	vst v18  }
0x268: {  	vm1 =	vge.f32 v32, $0.0e+00;
	v18 =	vmul.f32 $2.000000030e-01, v32;
	v27 =	vadd.f32 v27, v37;
	v28 =	vld [tilespmem:s18+$0xFFFFFF70];
	[tilespmem:s15+$0xFFFFFFF0] =	vst v15  }
0x269: {  	v11 =	vmul.f32 $1.442695020e+00, v11;
	v12 =	vsub.f32 v12, v4;
	v15 =	vsel vm0, v20, v30;
	v20 =	vld [tilespmem:s18+$0xFFFFFFB0];
	[tilespmem:s15+$0x60] =	vst v22  }
0x26a: {  	vm0 =	vge.f32 v27, $0.0e+00;
	v22 =	vmul.f32 $2.000000030e-01, v27;
	v25 =	vadd.f32 v29, v25;
	v29 =	vld [tilespmem:s18+$0xFFFFFFF0];
	[tilespmem:s15+$0x70] =	vst v17  }
0x26b: {  	v15 =	vsub.f32 v15, v4;
	v17 =	vsel vm1, v32, v18;
	v16 =	vadd.f32 v44, v16;
	v30 =	vld [tilespmem:s18+$0x30];
	[tilespmem:s15+$0xE0] =	vst v21  }
0x26c: {  	v18 =	vsel vm0, v27, v22;
	vm0 =	vge.f32 v25, $0.0e+00;
	v21 =	vmul.f32 $2.000000030e-01, v25;
	v27 =	vld [tilespmem:s18+$0x70];
	[tilespmem:s15+$0xF0] =	vst v19  }
0x26d: {  	v17 =	vsub.f32 v17, v4;
	vm1 =	vge.f32 v16, $0.0e+00;
	v19 =	vmul.f32 $2.000000030e-01, v16;
	v32 =	vld [tilespmem:s18+$0xB0];
	[tilespmem:s15+$0x160] =	vst v23  }
0x26e: {  	v12 =	vmul.f32 $1.442695020e+00, v12;
	v18 =	vsub.f32 v18, v4;
	v21 =	vsel vm0, v25, v21;
	[tilespmem:s15+$0x170] =	vst v13;
	s15 =	smov.u32 s19  }
0x26f: {  	s22 =	sadd.s32 $0x80, s22;
	v15 =	vmul.f32 $1.442695020e+00, v15;
	v13 =	vsel vm1, v16, v19;
	v16 =	vsub.f32 v21, v4;
	v25 =	vpop (erf);
	[tilespmem:s19+$0x1E0] =	vst v26  }
0x270: {  	v17 =	vmul.f32 $1.442695020e+00, v17;
	s18 =	sadd.s32 $0x200, s18;
	v18 =	vmul.f32 $1.442695020e+00, v18;
	v13 =	vsub.f32 v13, v4;
	[tilespmem:s22+$0x30] =	vst v25  }
0x271: {  	v23 =	vunpack.i.u.bf16.f32 v14;
	v19 =	vmul.f32 $1.442695020e+00, v16;
	v21 =	vld [tilespmem:s18+$0xC0];
	(erf) = vpow2.f32 v11  }
0x272: {  	v14 =	vunpack.i.l.bf16.f32 v14;
	v16 =	vmul.f32 $1.442695020e+00, v13;
	(erf) = vpow2.f32 v12  }
0x273: {  	v11 =	vunpack.i.u.bf16.f32 v28;
	v13 =	vunpack.i.l.bf16.f32 v28;
	(erf) = vpow2.f32 v15  }
0x274: {  	v12 =	vunpack.i.u.bf16.f32 v20;
	(erf) = vpow2.f32 v16;
	v16 =	vunpack.i.l.bf16.f32 v20  }
0x275: {  	v15 =	vunpack.i.u.bf16.f32 v29;
	v20 =	vperm.xlane v25, v0;
	(erf) = vpow2.f32 v17  }
0x276: {  	v17 =	vunpack.i.l.bf16.f32 v21;
	(erf) = vpow2.f32 v18;
	v18 =	vunpack.i.l.bf16.f32 v29  }
0x277: {  	v21 =	vunpack.i.u.bf16.f32 v21;
	v26 =	vmul.f32 v20, v17;
	(erf) = vpow2.f32 v19  }
0x278: {  	s19 =	sadd.s32 $0x400, s19;
	v22 =	vunpack.i.l.bf16.f32 v30;
	v28 =	vmul.f32 v20, v21;
	v17 =	vunpack.i.u.bf16.f32 v30  }
0x279: {  	v19 =	vunpack.i.u.bf16.f32 v27;
	v21 =	vunpack.i.l.bf16.f32 v27;
	v20 =	vunpack.i.u.bf16.f32 v32;
	[tilespmem:s19+$0x180] =	vst v26  }
0x27a: {  	v34 =	vmul.f32 v24, v23;
	v23 =	vunpack.i.l.bf16.f32 v32;
	v26 =	vmul.f32 v24, v14;
	[tilespmem:s19+$0x190] =	vst v28;
	v31 =	vpop (erf)  }
0x27b: {  	[tilespmem:s22+$0xFFFFFFD0] =	vst v31;
	v35 =	vperm.xlane v31, v0;
	v36 =	vperm.xlane v31, v1;
	v37 =	vld [tilespmem:s18+$0xD0];
	v30 =	vpop (erf)  }
0x27c: {  	v38 =	vld [tilespmem:s18+$0xFFFFFF40];
	[tilespmem:s22+$0xFFFFFFE0] =	vst v30;
	v39 =	vperm.xlane v30, v0;
	v40 =	vperm.xlane v30, v1;
	v28 =	vpop (erf)  }
0x27d: {  	v41 =	vld [tilespmem:s18+$0xFFFFFF80];
	[tilespmem:s22+$0xFFFFFFF0] =	vst v28;
	v42 =	vperm.xlane v28, v0;
	v32 =	vperm.xlane v28, v1;
	v24 =	vpop (erf)  }
0x27e: {  	[tilespmem:s22+$0xFFFFFFC0] =	vst v24;
	v43 =	vperm.xlane v24, v0;
	v44 =	vperm.xlane v24, v1;
	v45 =	vld [tilespmem:s18+$0xFFFFFFC0];
	v29 =	vpop (erf)  }
0x27f: {  	v48 =	vperm.xlane v25, v1;
	v46 =	vld [tilespmem:s18+$0xFFFFFF00];
	[tilespmem:s22+$0x0] =	vst v29;
	v47 =	vperm.xlane v29, v0;
	v27 =	vpop (erf)  }
0x280: {  	v33 =	vperm.xlane v29, v1;
	v49 =	vld [tilespmem:s18+$0x0];
	[tilespmem:s22+$0x10] =	vst v27;
	v50 =	vperm.xlane v27, v0;
	v51 =	vunpack.i.l.bf16.f32 v37;
	v14 =	vpop (erf)  }
0x281: {  	v37 =	vunpack.i.u.bf16.f32 v37;
	v52 =	vld [tilespmem:s18+$0x40];
	[tilespmem:s22+$0x20] =	vst v14;
	v53 =	vperm.xlane v14, v0;
	v51 =	vmul.f32 v48, v51  }
0x282: {  	v54 =	vunpack.i.u.bf16.f32 v38;
	v38 =	vunpack.i.l.bf16.f32 v38;
	v37 =	vmul.f32 v48, v37;
	v55 =	vld [tilespmem:s18+$0x80];
	[tilespmem:s15+$0xFFFFFE60] =	vst v26  }
0x283: {  	v26 =	vunpack.i.u.bf16.f32 v41;
	v41 =	vunpack.i.l.bf16.f32 v41;
	v48 =	vunpack.i.u.bf16.f32 v45;
	[tilespmem:s19+$0x1A0] =	vst v51  }
0x284: {  	v45 =	vunpack.i.l.bf16.f32 v45;
	v51 =	vunpack.i.u.bf16.f32 v46;
	v46 =	vunpack.i.l.bf16.f32 v46;
	[tilespmem:s19+$0x1B0] =	vst v37  }
0x285: {  	v37 =	vmul.f32 v43, v46;
	v46 =	vunpack.i.u.bf16.f32 v49;
	v49 =	vunpack.i.l.bf16.f32 v49;
	v56 =	vld [tilespmem:s18+$0xE0];
	[tilespmem:s15+$0xFFFFFE70] =	vst v34  }
0x286: {  	v34 =	vmul.f32 v43, v51;
	v43 =	vunpack.i.u.bf16.f32 v52;
	v51 =	vunpack.i.l.bf16.f32 v52  }
0x287: {  	[tilespmem:s19+$0xFFFFFE00] =	vst v37;
	v37 =	vmul.f32 v35, v38;
	v38 =	vunpack.i.u.bf16.f32 v55;
	v52 =	vunpack.i.l.bf16.f32 v55  }
0x288: {  	[tilespmem:s19+$0xFFFFFE10] =	vst v34;
	v34 =	vmul.f32 v35, v54;
	v35 =	vmul.f32 v39, v41  }
0x289: {  	v26 =	vmul.f32 v39, v26;
	v41 =	vld [tilespmem:s18+$0xFFFFFF10];
	[tilespmem:s19+$0xFFFFFE80] =	vst v37;
	v37 =	vperm.xlane v25, v2  }
0x28a: {  	v39 =	vmul.f32 v42, v48;
	[tilespmem:s19+$0xFFFFFE90] =	vst v34;
	v34 =	vmul.f32 v42, v45;
	v42 =	vunpack.i.l.bf16.f32 v56  }
0x28b: {  	v48 =	vunpack.i.u.bf16.f32 v56;
	v45 =	vld [tilespmem:s18+$0xFFFFFF50];
	[tilespmem:s19+$0xFFFFFF00] =	vst v35;
	v35 =	vmul.f32 v47, v49;
	v42 =	vmul.f32 v37, v42  }
0x28c: {  	v37 =	vmul.f32 v37, v48;
	[tilespmem:s19+$0xFFFFFF10] =	vst v26;
	v26 =	vmul.f32 v47, v46  }
0x28d: {  	v43 =	vmul.f32 v50, v43;
	v47 =	vmul.f32 v50, v51;
	v46 =	vld [tilespmem:s18+$0xFFFFFF90];
	[tilespmem:s19+$0x1C0] =	vst v42  }
0x28e: {  	v38 =	vmul.f32 v53, v38;
	v48 =	vmul.f32 v53, v52;
	v42 =	vunpack.i.u.bf16.f32 v41;
	[tilespmem:s19+$0x1D0] =	vst v37  }
0x28f: {  	v37 =	vunpack.i.l.bf16.f32 v41;
	v41 =	vperm.xlane v14, v1;
	[tilespmem:s19+$0xFFFFFF80] =	vst v34;
	v34 =	vperm.xlane v27, v1;
	v49 =	vld [tilespmem:s18+$0xF0]  }
0x290: {  	v37 =	vmul.f32 v44, v37;
	v50 =	vunpack.i.u.bf16.f32 v45;
	v45 =	vunpack.i.l.bf16.f32 v45;
	[tilespmem:s19+$0xFFFFFF90] =	vst v39  }
0x291: {  	v39 =	vmul.f32 v44, v42;
	v42 =	vmul.f32 v36, v45;
	v44 =	vld [tilespmem:s18+$0xFFFFFFD0];
	[tilespmem:s19+$0x0] =	vst v35  }
0x292: {  	v35 =	vmul.f32 v36, v50;
	v36 =	vunpack.i.u.bf16.f32 v46;
	v45 =	vunpack.i.l.bf16.f32 v46;
	[tilespmem:s19+$0x10] =	vst v26  }
0x293: {  	v25 =	vperm.xlane v25, v3;
	v45 =	vmul.f32 v40, v45;
	v46 =	vld [tilespmem:s18+$0x10];
	[tilespmem:s19+$0x80] =	vst v47  }
0x294: {  	v47 =	vperm.xlane v24, v2;
	v36 =	vmul.f32 v40, v36;
	[tilespmem:s19+$0x90] =	vst v43;
	v40 =	vunpack.i.u.bf16.f32 v49  }
0x295: {  	v43 =	vperm.xlane v31, v2;
	v26 =	vunpack.i.l.bf16.f32 v49;
	v50 =	vld [tilespmem:s18+$0x50];
	[tilespmem:s19+$0x100] =	vst v48;
	v40 =	vmul.f32 v25, v40  }
0x296: {  	v48 =	vperm.xlane v30, v2;
	v49 =	vunpack.i.u.bf16.f32 v44;
	v44 =	vunpack.i.l.bf16.f32 v44;
	[tilespmem:s19+$0x110] =	vst v38  }
0x297: {  	v38 =	vmul.f32 v32, v44;
	v44 =	vmul.f32 v32, v49;
	v49 =	vld [tilespmem:s18+$0x90];
	[tilespmem:s19+$0x1F0] =	vst v40  }
0x298: {  	v40 =	vperm.xlane v28, v2;
	[tilespmem:s19+$0xFFFFFE20] =	vst v37;
	v32 =	vunpack.i.u.bf16.f32 v46;
	v37 =	vunpack.i.l.bf16.f32 v46  }
0x299: {  	[tilespmem:s19+$0xFFFFFE30] =	vst v39;
	v37 =	vmul.f32 v33, v37;
	v39 =	vmul.f32 v33, v32  }
0x29a: {  	v32 =	vperm.xlane v29, v2;
	v46 =	vld [tilespmem:s18+$0xFFFFFF20];
	[tilespmem:s19+$0xFFFFFEA0] =	vst v42;
	v33 =	vunpack.i.u.bf16.f32 v50;
	v42 =	vunpack.i.l.bf16.f32 v50  }
0x29b: {  	[tilespmem:s19+$0xFFFFFEB0] =	vst v35;
	v42 =	vmul.f32 v34, v42;
	v50 =	vmul.f32 v34, v33  }
0x29c: {  	v33 =	vperm.xlane v27, v2;
	v35 =	vld [tilespmem:s18+$0xFFFFFF60];
	[tilespmem:s19+$0xFFFFFF20] =	vst v45;
	v34 =	vunpack.i.u.bf16.f32 v49;
	v45 =	vunpack.i.l.bf16.f32 v49  }
0x29d: {  	[tilespmem:s19+$0xFFFFFF30] =	vst v36;
	v45 =	vmul.f32 v41, v45;
	v41 =	vmul.f32 v41, v34  }
0x29e: {  	v24 =	vperm.xlane v24, v3;
	v34 =	vperm.xlane v14, v2;
	v49 =	vld [tilespmem:s18+$0xFFFFFFA0];
	[tilespmem:s19+$0xFFFFFFA0] =	vst v38  }
0x29f: {  	v31 =	vperm.xlane v31, v3;
	v36 =	vunpack.i.u.bf16.f32 v46;
	v38 =	vunpack.i.l.bf16.f32 v46;
	[tilespmem:s19+$0xFFFFFFB0] =	vst v44  }
0x2a0: {  	v38 =	vmul.f32 v47, v38;
	v44 =	vmul.f32 v47, v36;
	v46 =	vld [tilespmem:s18+$0xFFFFFFE0];
	[tilespmem:s19+$0x20] =	vst v37  }
0x2a1: {  	v30 =	vperm.xlane v30, v3;
	v37 =	vunpack.i.u.bf16.f32 v35;
	v35 =	vunpack.i.l.bf16.f32 v35;
	[tilespmem:s19+$0x30] =	vst v39  }
0x2a2: {  	v36 =	vmul.f32 v43, v35;
	v35 =	vmul.f32 v43, v37;
	v47 =	vld [tilespmem:s18+$0x20];
	[tilespmem:s19+$0xA0] =	vst v42  }
.Ltmp3:
0x2a3: {  	v28 =	vperm.xlane v28, v3;
	v37 =	vunpack.i.u.bf16.f32 v49;
	v39 =	vunpack.i.l.bf16.f32 v49;
	[tilespmem:s19+$0xB0] =	vst v50;
	(pc) =	sbr.rel @p0 .LBB2_5-.Ltmp3, $4  }
0x2a4: {  	v39 =	vmul.f32 v48, v39;
	v37 =	vmul.f32 v48, v37;
	v42 =	vld [tilespmem:s18+$0x60];
	[tilespmem:s19+$0x120] =	vst v45  }
0x2a5: {  	v29 =	vperm.xlane v29, v3;
	v43 =	vunpack.i.u.bf16.f32 v46;
	v45 =	vunpack.i.l.bf16.f32 v46;
	[tilespmem:s19+$0x130] =	vst v41  }
0x2a6: {  	[tilespmem:s19+$0xFFFFFE40] =	vst v38;
	v41 =	vmul.f32 v40, v45;
	v38 =	vmul.f32 v40, v43;
	v40 =	vld [tilespmem:s18+$0xA0]  }
0x2a7: {  	s8 =	sadd.s32 $0x80, s8;
	v27 =	vperm.xlane v27, v3;
	[tilespmem:s19+$0xFFFFFE50] =	vst v44;
	v43 =	vunpack.i.u.bf16.f32 v47;
	v44 =	vunpack.i.l.bf16.f32 v47  }
0x2a8: {  	[tilespmem:s19+$0xFFFFFEC0] =	vst v36  }
0x2a9: {  	[tilespmem:s19+$0xFFFFFED0] =	vst v35  }
0x2aa: {  	[tilespmem:s19+$0xFFFFFF40] =	vst v39  }
0x2ab: {  	[tilespmem:s19+$0xFFFFFF50] =	vst v37  }
0x2ac: {  	v45 =	vmul.f32 v32, v44;
	[tilespmem:s19+$0xFFFFFFC0] =	vst v41  }
0x2ad: {  	v46 =	vmul.f32 v32, v43;
	[tilespmem:s19+$0xFFFFFFD0] =	vst v38  }
0x2ae: {  	v13 =	vmul.f32 v5, v13;
	[tilespmem:s19+$0x40] =	vst v45  }
0x2af: {  	v5 =	vmul.f32 v5, v11;
	[tilespmem:s19+$0x50] =	vst v46  }
0x2b0: {  	v11 =	vmul.f32 v6, v16;
	[tilespmem:s15+$0xFFFFFEE0] =	vst v13  }
0x2b1: {  	v6 =	vmul.f32 v6, v12;
	v47 =	vunpack.i.l.bf16.f32 v42;
	[tilespmem:s15+$0xFFFFFEF0] =	vst v5  }
0x2b2: {  	v48 =	vunpack.i.u.bf16.f32 v42;
	v36 =	vmul.f32 v33, v47;
	[tilespmem:s15+$0xFFFFFF60] =	vst v11  }
0x2b3: {  	v49 =	vmul.f32 v33, v48;
	[tilespmem:s15+$0xFFFFFF70] =	vst v6  }
0x2b4: {  	v5 =	vmul.f32 v9, v18;
	[tilespmem:s19+$0xC0] =	vst v36  }
0x2b5: {  	v9 =	vmul.f32 v9, v15;
	[tilespmem:s19+$0xD0] =	vst v49  }
0x2b6: {  	v6 =	vmul.f32 v8, v22;
	v50 =	vunpack.i.l.bf16.f32 v40;
	[tilespmem:s15+$0xFFFFFFE0] =	vst v5  }
0x2b7: {  	v51 =	vunpack.i.u.bf16.f32 v40;
	v35 =	vmul.f32 v34, v50;
	[tilespmem:s15+$0xFFFFFFF0] =	vst v9  }
0x2b8: {  	v32 =	vmul.f32 v34, v51;
	[tilespmem:s15+$0x60] =	vst v6  }
0x2b9: {  	v5 =	vmul.f32 v8, v17;
	v8 =	vld [tilespmem:s18+$0xFFFFFF30];
	[tilespmem:s19+$0x140] =	vst v35  }
0x2ba: {  	v9 =	vmul.f32 v10, v21;
	[tilespmem:s19+$0x150] =	vst v32  }
0x2bb: {  	v6 =	vmul.f32 v10, v19;
	v10 =	vld [tilespmem:s18+$0xFFFFFF70];
	[tilespmem:s15+$0x70] =	vst v5  }
0x2bc: {  	v5 =	vmul.f32 v7, v23;
	[tilespmem:s15+$0xE0] =	vst v9  }
0x2bd: {  	v7 =	vmul.f32 v7, v20;
	v9 =	vld [tilespmem:s18+$0xFFFFFFB0];
	[tilespmem:s15+$0xF0] =	vst v6  }
0x2be: {  	v6 =	vmul.f32 v25, v26;
	[tilespmem:s15+$0x160] =	vst v5;
	v5 =	vunpack.i.l.bf16.f32 v8  }
0x2bf: {  	v11 =	vld [tilespmem:s18+$0xFFFFFFF0];
	[tilespmem:s15+$0x170] =	vst v7;
	v7 =	vunpack.i.u.bf16.f32 v8;
	v5 =	vmul.f32 v24, v5  }
0x2c0: {  	[tilespmem:s19+$0x1E0] =	vst v6;
	v6 =	vunpack.i.l.bf16.f32 v10;
	v7 =	vmul.f32 v24, v7  }
0x2c1: {  	v8 =	vld [tilespmem:s18+$0x30];
	v10 =	vunpack.i.u.bf16.f32 v10;
	[tilespmem:s19+$0xFFFFFE60] =	vst v5;
	v5 =	vmul.f32 v31, v6  }
0x2c2: {  	v6 =	vunpack.i.l.bf16.f32 v9;
	[tilespmem:s19+$0xFFFFFE70] =	vst v7;
	v7 =	vmul.f32 v31, v10  }
0x2c3: {  	v10 =	vld [tilespmem:s18+$0x70];
	v9 =	vunpack.i.u.bf16.f32 v9;
	v6 =	vmul.f32 v30, v6;
	[tilespmem:s19+$0xFFFFFEE0] =	vst v5  }
0x2c4: {  	v9 =	vmul.f32 v30, v9;
	v5 =	vunpack.i.l.bf16.f32 v11;
	[tilespmem:s19+$0xFFFFFEF0] =	vst v7  }
0x2c5: {  	v7 =	vld [tilespmem:s18+$0xB0];
	v11 =	vunpack.i.u.bf16.f32 v11;
	v5 =	vmul.f32 v28, v5;
	[tilespmem:s19+$0xFFFFFF60] =	vst v6  }
0x2c6: {  	v6 =	vunpack.i.l.bf16.f32 v8;
	v11 =	vmul.f32 v28, v11;
	[tilespmem:s19+$0xFFFFFF70] =	vst v9  }
0x2c7: {  	v8 =	vunpack.i.u.bf16.f32 v8;
	v6 =	vmul.f32 v29, v6;
	[tilespmem:s19+$0xFFFFFFE0] =	vst v5  }
0x2c8: {  	v8 =	vmul.f32 v29, v8;
	v5 =	vunpack.i.l.bf16.f32 v10;
	[tilespmem:s19+$0xFFFFFFF0] =	vst v11  }
0x2c9: {  	v9 =	vperm.xlane v14, v3;
	v10 =	vunpack.i.u.bf16.f32 v10;
	v5 =	vmul.f32 v27, v5;
	[tilespmem:s19+$0x60] =	vst v6  }
0x2ca: {  	v10 =	vmul.f32 v27, v10;
	[tilespmem:s19+$0x70] =	vst v8;
	v6 =	vunpack.i.l.bf16.f32 v7  }
0x2cb: {  	v7 =	vunpack.i.u.bf16.f32 v7;
	v6 =	vmul.f32 v9, v6;
	[tilespmem:s19+$0xE0] =	vst v5  }
0x2cc: {  	v5 =	vmul.f32 v9, v7;
	[tilespmem:s19+$0xF0] =	vst v10  }
0x2cd: {  	[tilespmem:s19+$0x160] =	vst v6  }
0x2ce: {  	[tilespmem:s19+$0x170] =	vst v5  }
0x2cf: {  	v5 =	vld [tilespmem:$0x190]  }
0x2d0: {  	v6 =	vld [tilespmem:$0x1A0]  }
0x2d1: {  	v7 =	vld [tilespmem:$0x1B0]  }
0x2d2: {  	v8 =	vld [tilespmem:$0x1C0]  }
0x2d3: {  	v9 =	vld [tilespmem:$0x1D0]  }
0x2d4: {  	[tilespmem:$0x2D0] =	vst v5  }
0x2d5: {  	[tilespmem:$0x2E0] =	vst v6  }
0x2d6: {  	[tilespmem:$0x2F0] =	vst v7  }
0x2d7: {  	p0 =	seq.s32 s25, $0x1F;
	s8 =	rddreg [dreg:$0x15];
	[tilespmem:$0x300] =	vst v8  }
0x2d8: {  	s8 =	sadd.s32 @!p0 s26, s8;
	[tilespmem:$0x310] =	vst v9  }
0x2d9: {  	[spmem:s4] =	stream.indirect.scatter.add.f32 [tilespmem:s10], [sflag:$0x8], $0x10, s0, s31, $0xb8;
	[tilespmem:$0x1FCB0] =	vst v63  }
0x2da: {  	s8 =	sshrl.u32 @!p0 s8, $0x3  }
0x2db: {  	[spmem:s3] =	stream.indirect.scatter.add.f32 [tilespmem:s11], [sflag:$0x8], $0x80, s0, s31, $0xb8;
	[tilespmem:$0x1FCB0] =	vst v63  }
0x2dc: {  	s17 =	simm.s32 @!p0 $0x0;
	s15 =	sadd.s32 @!p0 s1, s8  }
0x2dd: {  	[tilespmem:s17], [sflag:$0x1] =	stream.linear.gather @!p0 [hbm4b:s15+s17], $0x50, $0x38;
	[tilespmem:$0x1FCB0] =	vst v63  }
0x2de: {  	s8 =	sadd.s32 @!p0 s6, s8;
	s15 =	simm.s32 @!p0 $0x140  }
0x2df: {  	[tilespmem:s15], [sflag:$0x1] =	stream.linear.gather @!p0 [hbm4b:s8+s17], $0x50, $0x38;
	[tilespmem:$0x1FCB0] =	vst v63  }
0x2e0: {  	_ =	swait.ge [sflag:s12], $0x50  }
0x2e1: {  	[sflag:s12] =	ssyncset.done $0x0  }
0x2e2: {  	[sflag:s12] =	ssyncadd.s32 $0xFFFFFFB0  }
0x2e3: {  	_ =	swait.ge [sflag:s12], $0x50  }
0x2e4: {  	[sflag:s12] =	ssyncset.done $0x0  }
0x2e5: {  	s19 =	simm.s32 $0x820;
	[sflag:s12] =	ssyncadd.s32 $0xFFFFFFB0  }
0x2e6: {  	[tilespmem:s19], [sflag:$0x6] =	stream.indirect.gather [hbm4b:s7+s31], $0x10, s29, s31, $0xb8;
	[tilespmem:$0x1FCB0] =	vst v63  }
0x2e7: {  	s22 =	simm.s32 $0x1220;
	s23 =	simm.s32 $0x230  }
0x2e8: {  	[tilespmem:s22], [sflag:$0x6] =	stream.indirect.gather [hbm4b:s9+s31], $0x10, s23, s31, $0xb8;
	[tilespmem:$0x1FCB0] =	vst v63  }
0x2e9: {  	s15 =	simm.s32 $0x2B20  }
0x2ea: {  	[tilespmem:s15], [sflag:$0x6] =	stream.indirect.gather [hbm4b:s2+s31], $0x40, s29, s31, $0xb8;
	[tilespmem:$0x1FCB0] =	vst v63  }
0x2eb: {  	_ =	swait.ge [sflag:s20], $0x500  }
0x2ec: {  	[sflag:s20] =	ssyncset.done $0x0  }
0x2ed: {  	[sflag:s20] =	ssyncadd.s32 $0xFFFFFB00  }
0x2ee: {  	_ =	swait.ge [sflag:s20], $0x500  }
0x2ef: {  	[sflag:s20] =	ssyncset.done $0x0  }
0x2f0: {  	[sflag:s20] =	ssyncadd.s32 $0xFFFFFB00  }
0x2f1: {  	_ =	swait.ge [sflag:s20], $0x1400  }
0x2f2: {  	[sflag:s20] =	ssyncset.done $0x0  }
0x2f3: {  	[sflag:s20] =	ssyncadd.s32 $0xFFFFEC00  }
0x2f4: {  	_ =	swait.ge [sflag:s28], $0x500  }
0x2f5: {  	[sflag:s28] =	ssyncset.done $0x0  }
0x2f6: {  	[sflag:s28] =	ssyncadd.s32 $0xFFFFFB00  }
0x2f7: {  	_ =	swait.ge [sflag:s28], $0x2800  }
0x2f8: {  	[sflag:s28] =	ssyncset.done $0x0  }
0x2f9: {  	s17 =	simm.s32 $0x360;
	[sflag:s28] =	ssyncadd.s32 $0xFFFFD800  }
0x2fa: {  	s18 =	simm.s32 $0xD60;
	v5 =	vld [tilespmem:s17+$0x30]  }
0x2fb: {  	v6 =	vld [tilespmem:s18+$0x30];
	_ =	sdelay $0x4  }
0x2fc: {  	v7 =	vld [tilespmem:s18+$0xFFFFFFC0];
	v5 =	vadd.f32 v6, v5  }
0x2fd: {  	v8 =	vld [tilespmem:s18+$0xFFFFFFD0]  }
0x2fe: {  	v10 =	vld [tilespmem:s17+$0xFFFFFFE0];
	v9 =	vmul.f32 $2.000000030e-01, v5  }
0x2ff: {  	v11 =	vld [tilespmem:s18+$0xFFFFFFE0];
	vm0 =	vge.f32 v5, $0.0e+00  }
0x300: {  	v6 =	vld [tilespmem:s17+$0xFFFFFFD0];
	v5 =	vsel vm0, v5, v9  }
0x301: {  	v12 =	vld [tilespmem:s18+$0xFFFFFFF0];
	v5 =	vsub.f32 v5, v4  }
0x302: {  	v13 =	vld [tilespmem:s17+$0x0]  }
0x303: {  	v14 =	vld [tilespmem:s18+$0x0];
	v5 =	vmul.f32 $1.442695020e+00, v5  }
0x304: {  	v9 =	vld [tilespmem:s17+$0xFFFFFFF0]  }
0x305: {  	v6 =	vadd.f32 v8, v6;
	v8 =	vld [tilespmem:s17+$0xFFFFFFC0];
	(erf) = vpow2.f32 v5  }
0x306: {  	v10 =	vadd.f32 v11, v10;
	v11 =	vld [tilespmem:s18+$0x10]  }
0x307: {  	v15 =	vmul.f32 $2.000000030e-01, v6;
	v5 =	vld [tilespmem:s17+$0x10]  }
0x308: {  	v13 =	vadd.f32 v14, v13;
	vm15 =	vge.f32 v10, $0.0e+00;
	vm14 =	vge.f32 v6, $0.0e+00  }
0x309: {  	v9 =	vadd.f32 v12, v9;
	v12 =	vmul.f32 $2.000000030e-01, v10;
	v6 =	vsel vm14, v6, v15  }
0x30a: {  	v14 =	vmul.f32 $2.000000030e-01, v13;
	v7 =	vadd.f32 v7, v8;
	v6 =	vsub.f32 v6, v4  }
0x30b: {  	v16 =	vld [tilespmem:s18+$0x20];
	v15 =	vmul.f32 $2.000000030e-01, v9;
	v8 =	vsel vm15, v10, v12;
	vm4 =	vge.f32 v9, $0.0e+00  }
0x30c: {  	v10 =	vld [tilespmem:s17+$0x20];
	v8 =	vsub.f32 v8, v4;
	v5 =	vadd.f32 v11, v5;
	v11 =	vmul.f32 $2.000000030e-01, v7  }
0x30d: {  	vm5 =	vge.f32 v7, $0.0e+00;
	v6 =	vmul.f32 $1.442695020e+00, v6;
	v9 =	vsel vm4, v9, v15  }
0x30e: {  	s19 =	simm.s32 $0x3F60;
	v9 =	vsub.f32 v9, v4;
	v8 =	vmul.f32 $1.442695020e+00, v8;
	v7 =	vsel vm5, v7, v11;
	v12 =	vpop (erf)  }
0x30f: {  	s23 =	simm.s32 $0x1820;
	(erf) = vpow2.f32 v6;
	v11 =	vmul.f32 $2.000000030e-01, v5;
	v7 =	vsub.f32 v7, v4;
	[tilespmem:s19+$0x30] =	vst v12  }
0x310: {  	vm6 =	vge.f32 v13, $0.0e+00;
	v9 =	vmul.f32 $1.442695020e+00, v9;
	(erf) = vpow2.f32 v8;
	v15 =	vld [tilespmem:s23+$0xC0]  }
0x311: {  	v8 =	vsel vm6, v13, v14;
	v6 =	vmul.f32 $1.442695020e+00, v7;
	v7 =	vadd.f32 v16, v10  }
0x312: {  	vm1 =	vge.f32 v5, $0.0e+00;
	v8 =	vsub.f32 v8, v4;
	(erf) = vpow2.f32 v9  }
0x313: {  	v5 =	vsel vm1, v5, v11;
	(erf) = vpow2.f32 v6;
	v6 =	vmul.f32 $2.000000030e-01, v7  }
0x314: {  	v9 =	vperm.xlane v12, v0;
	v5 =	vsub.f32 v5, v4;
	vm7 =	vge.f32 v7, $0.0e+00  }
0x315: {  	v8 =	vmul.f32 $1.442695020e+00, v8;
	v6 =	vsel vm7, v7, v6;
	v10 =	vunpack.i.l.bf16.f32 v15  }
0x316: {  	v6 =	vsub.f32 v6, v4;
	v7 =	vunpack.i.u.bf16.f32 v15;
	v10 =	vmul.f32 v9, v10  }
0x317: {  	s15 =	simm.s32 $0x4B20;
	(erf) = vpow2.f32 v8;
	v7 =	vmul.f32 v9, v7  }
0x318: {  	v8 =	vmul.f32 $1.442695020e+00, v5;
	[tilespmem:s15+$0x180] =	vst v10  }
0x319: {  	v5 =	vpop (erf);
	v9 =	vmul.f32 $1.442695020e+00, v6;
	[tilespmem:s15+$0x190] =	vst v7  }
0x31a: {  	(erf) = vpow2.f32 v8;
	v6 =	vpop (erf);
	v10 =	vld [tilespmem:s23+$0xD0]  }
0x31b: {  	(erf) = vpow2.f32 v9;
	v7 =	vpop (erf)  }
0x31c: {  	v13 =	vpop (erf)  }
0x31d: {  	[tilespmem:s19+$0xFFFFFFC0] =	vst v13  }
0x31e: {  	v11 =	vperm.xlane v12, v1;
	[tilespmem:s19+$0xFFFFFFD0] =	vst v5;
	v9 =	vld [tilespmem:s23+$0xFFFFFF00]  }
0x31f: {  	[tilespmem:s19+$0xFFFFFFE0] =	vst v6;
	v14 =	vunpack.i.l.bf16.f32 v10;
	v10 =	vunpack.i.u.bf16.f32 v10  }
0x320: {  	v15 =	vld [tilespmem:s23+$0xFFFFFF40];
	[tilespmem:s19+$0xFFFFFFF0] =	vst v7;
	v8 =	vpop (erf);
	v14 =	vmul.f32 v11, v14;
	v11 =	vmul.f32 v11, v10  }
0x321: {  	[tilespmem:s19+$0x0] =	vst v8  }
0x322: {  	v16 =	vld [tilespmem:s23+$0xFFFFFF80];
	v17 =	vperm.xlane v13, v0;
	[tilespmem:s15+$0x1A0] =	vst v14  }
0x323: {  	v10 =	vpop (erf);
	[tilespmem:s15+$0x1B0] =	vst v11;
	v14 =	vunpack.i.l.bf16.f32 v9  }
0x324: {  	v18 =	vperm.xlane v5, v0;
	[tilespmem:s19+$0x10] =	vst v10;
	v9 =	vunpack.i.u.bf16.f32 v9;
	v19 =	vld [tilespmem:s23+$0xE0];
	v11 =	vpop (erf);
	v14 =	vmul.f32 v17, v14  }
0x325: {  	v20 =	vunpack.i.l.bf16.f32 v15;
	v9 =	vmul.f32 v17, v9;
	[tilespmem:s19+$0x20] =	vst v11  }
0x326: {  	s22 =	simm.s32 $0x3E0;
	v15 =	vunpack.i.u.bf16.f32 v15;
	v21 =	vld [tilespmem:s23+$0xFFFFFFC0];
	v17 =	vperm.xlane v6, v0;
	[tilespmem:s15+$0xFFFFFE00] =	vst v14;
	v14 =	vmul.f32 v18, v20  }
0x327: {  	v62 =	vld [tilespmem:s22+$0x0];
	v20 =	vunpack.i.l.bf16.f32 v16;
	[tilespmem:s15+$0xFFFFFE10] =	vst v9;
	v9 =	vmul.f32 v18, v15  }
0x328: {  	s17 =	simm.s32 $0xDE0;
	v15 =	vld [tilespmem:s23+$0x0];
	v16 =	vunpack.i.u.bf16.f32 v16;
	v18 =	vmul.f32 v17, v20;
	[tilespmem:s15+$0xFFFFFE80] =	vst v14;
	v14 =	vperm.xlane v12, v2  }
0x329: {  	v63 =	vld [tilespmem:s17+$0x0];
	v16 =	vmul.f32 v17, v16;
	[tilespmem:s15+$0xFFFFFE90] =	vst v9;
	v9 =	vunpack.i.l.bf16.f32 v19  }
0x32a: {  	v17 =	vperm.xlane v7, v0;
	v20 =	vld [tilespmem:s23+$0x40];
	[tilespmem:s15+$0xFFFFFF00] =	vst v18;
	v18 =	vunpack.i.u.bf16.f32 v19;
	v9 =	vmul.f32 v14, v9  }
0x32b: {  	v19 =	vunpack.i.l.bf16.f32 v21;
	[tilespmem:s15+$0xFFFFFF10] =	vst v16;
	v14 =	vmul.f32 v14, v18  }
0x32c: {  	v16 =	vperm.xlane v8, v0;
	v21 =	vunpack.i.u.bf16.f32 v21;
	v18 =	vld [tilespmem:s23+$0x80];
	v19 =	vmul.f32 v17, v19;
	[tilespmem:s15+$0x1C0] =	vst v9  }
0x32d: {  	v17 =	vmul.f32 v17, v21;
	v9 =	vunpack.i.l.bf16.f32 v15;
	[tilespmem:s15+$0x1D0] =	vst v14  }
0x32e: {  	v21 =	vld [tilespmem:s23+$0xFFFFFF10];
	v14 =	vperm.xlane v10, v0;
	v15 =	vunpack.i.u.bf16.f32 v15;
	[tilespmem:s15+$0xFFFFFF80] =	vst v19;
	v9 =	vmul.f32 v16, v9  }
0x32f: {  	v37 =	vadd.f32 v63, v62;
	v19 =	vunpack.i.l.bf16.f32 v20;
	[tilespmem:s15+$0xFFFFFF90] =	vst v17;
	v15 =	vmul.f32 v16, v15  }
0x330: {  	v17 =	vunpack.i.u.bf16.f32 v20;
	v20 =	vld [tilespmem:s23+$0xFFFFFF50];
	v16 =	vperm.xlane v11, v0;
	v19 =	vmul.f32 v14, v19;
	[tilespmem:s15+$0x0] =	vst v9  }
0x331: {  	v48 =	vld [tilespmem:s22+$0xFFFFFFC0];
	v23 =	vperm.xlane v7, v1;
	v14 =	vmul.f32 v14, v17;
	v9 =	vunpack.i.l.bf16.f32 v18;
	[tilespmem:s15+$0x10] =	vst v15  }
0x332: {  	v52 =	vld [tilespmem:s17+$0xFFFFFFC0];
	v15 =	vperm.xlane v13, v1;
	v17 =	vunpack.i.u.bf16.f32 v18;
	v9 =	vmul.f32 v16, v9;
	[tilespmem:s15+$0x80] =	vst v19  }
0x333: {  	v12 =	vperm.xlane v12, v3;
	v18 =	vld [tilespmem:s23+$0xFFFFFF90];
	v16 =	vmul.f32 v16, v17;
	v17 =	vunpack.i.l.bf16.f32 v21;
	[tilespmem:s15+$0x90] =	vst v14  }
0x334: {  	v22 =	vld [tilespmem:s23+$0xFFFFFFD0];
	v19 =	vperm.xlane v5, v1;
	v21 =	vunpack.i.u.bf16.f32 v21;
	v17 =	vmul.f32 v15, v17;
	[tilespmem:s15+$0x100] =	vst v9  }
0x335: {  	v14 =	vperm.xlane v6, v1;
	v24 =	vunpack.i.l.bf16.f32 v20;
	v15 =	vmul.f32 v15, v21;
	[tilespmem:s15+$0x110] =	vst v16  }
0x336: {  	v20 =	vunpack.i.u.bf16.f32 v20;
	v9 =	vld [tilespmem:s23+$0xF0];
	v16 =	vperm.xlane v8, v1;
	v21 =	vmul.f32 v19, v24;
	[tilespmem:s15+$0xFFFFFE20] =	vst v17  }
0x337: {  	v32 =	vadd.f32 v52, v48;
	v24 =	vld [tilespmem:s23+$0x10];
	v19 =	vmul.f32 v19, v20;
	v17 =	vperm.xlane v10, v1;
	[tilespmem:s15+$0xFFFFFE30] =	vst v15  }
0x338: {  	v15 =	vperm.xlane v11, v1;
	v20 =	vunpack.i.l.bf16.f32 v18;
	v18 =	vunpack.i.u.bf16.f32 v18;
	[tilespmem:s15+$0xFFFFFEA0] =	vst v21  }
0x339: {  	v25 =	vld [tilespmem:s23+$0x50];
	[tilespmem:s15+$0xFFFFFEB0] =	vst v19;
	v19 =	vperm.xlane v13, v2;
	v21 =	vunpack.i.u.bf16.f32 v22;
	v20 =	vmul.f32 v14, v20  }
0x33a: {  	v13 =	vperm.xlane v13, v3;
	v14 =	vmul.f32 v14, v18;
	v18 =	vunpack.i.l.bf16.f32 v22  }
0x33b: {  	vm12 =	vge.f32 v37, $0.0e+00;
	v22 =	vld [tilespmem:s23+$0x90];
	v21 =	vmul.f32 v23, v21;
	v18 =	vmul.f32 v23, v18;
	[tilespmem:s15+$0xFFFFFF20] =	vst v20  }
0x33c: {  	v20 =	vunpack.i.u.bf16.f32 v9;
	v23 =	vunpack.i.l.bf16.f32 v24;
	[tilespmem:s15+$0xFFFFFF30] =	vst v14;
	v14 =	vperm.xlane v5, v2  }
0x33d: {  	v26 =	vld [tilespmem:s23+$0xFFFFFF20];
	v24 =	vunpack.i.u.bf16.f32 v24;
	[tilespmem:s15+$0xFFFFFFB0] =	vst v21;
	v21 =	vperm.xlane v6, v2;
	v23 =	vmul.f32 v16, v23  }
0x33e: {  	[tilespmem:s15+$0xFFFFFFA0] =	vst v18;
	v18 =	vmul.f32 v12, v20;
	v16 =	vmul.f32 v16, v24;
	v20 =	vunpack.i.l.bf16.f32 v25  }
0x33f: {  	v5 =	vperm.xlane v5, v3;
	v24 =	vld [tilespmem:s23+$0xFFFFFF60];
	v25 =	vunpack.i.u.bf16.f32 v25;
	v20 =	vmul.f32 v17, v20;
	[tilespmem:s15+$0x20] =	vst v23  }
0x340: {  	v6 =	vperm.xlane v6, v3;
	v27 =	vld [tilespmem:s23+$0xFFFFFFA0];
	v17 =	vmul.f32 v17, v25;
	v25 =	vunpack.i.l.bf16.f32 v22;
	[tilespmem:s15+$0x30] =	vst v16  }
0x341: {  	v28 =	vld [tilespmem:s23+$0xFFFFFFE0];
	v23 =	vperm.xlane v7, v2;
	v22 =	vunpack.i.u.bf16.f32 v22;
	v25 =	vmul.f32 v15, v25;
	[tilespmem:s15+$0xA0] =	vst v20  }
0x342: {  	v30 =	vunpack.i.u.bf16.f32 v26;
	v16 =	vperm.xlane v8, v2;
	v15 =	vmul.f32 v15, v22;
	[tilespmem:s15+$0xB0] =	vst v17;
	v17 =	vld [tilespmem:s22+$0x30]  }
0x343: {  	v26 =	vunpack.i.l.bf16.f32 v26;
	v8 =	vperm.xlane v8, v3;
	v20 =	vperm.xlane v10, v2;
	[tilespmem:s15+$0x120] =	vst v25;
	v25 =	vld [tilespmem:s17+$0x30]  }
0x344: {  	vm14 =	vge.f32 v32, $0.0e+00;
	v29 =	vld [tilespmem:s23+$0x20];
	v22 =	vperm.xlane v11, v2;
	[tilespmem:s15+$0x130] =	vst v15;
	v15 =	vmul.f32 v19, v26  }
0x345: {  	v19 =	vmul.f32 v19, v30;
	v30 =	vunpack.i.u.bf16.f32 v24;
	v24 =	vunpack.i.l.bf16.f32 v24  }
0x346: {  	v10 =	vperm.xlane v10, v3;
	v31 =	vld [tilespmem:s23+$0x60];
	v53 =	vunpack.i.u.bf16.f32 v27;
	v24 =	vmul.f32 v14, v24  }
0x347: {  	v54 =	vld [tilespmem:s17+$0xFFFFFFD0];
	v14 =	vmul.f32 v14, v30;
	v55 =	vunpack.i.u.bf16.f32 v28;
	v28 =	vunpack.i.l.bf16.f32 v28  }
0x348: {  	v30 =	vld [tilespmem:s22+$0xFFFFFFD0];
	v28 =	vmul.f32 v23, v28;
	v23 =	vmul.f32 v23, v55;
	v17 =	vadd.f32 v25, v17  }
0x349: {  	v56 =	vld [tilespmem:s17+$0xFFFFFFE0];
	[tilespmem:s15+$0xFFFFFE50] =	vst v19;
	v19 =	vmul.f32 $2.000000030e-01, v37;
	v59 =	vunpack.i.u.bf16.f32 v29;
	v29 =	vunpack.i.l.bf16.f32 v29  }
0x34a: {  	v27 =	vunpack.i.l.bf16.f32 v27;
	v26 =	vld [tilespmem:s23+$0xA0];
	v29 =	vmul.f32 v16, v29;
	v57 =	vmul.f32 $2.000000030e-01, v17  }
0x34b: {  	v61 =	vunpack.i.l.bf16.f32 v31;
	v25 =	vmul.f32 v21, v27;
	v27 =	vld [tilespmem:s22+$0xFFFFFFE0];
	vm8 =	vge.f32 v17, $0.0e+00  }
0x34c: {  	v58 =	vld [tilespmem:s22+$0xFFFFFFF0];
	v16 =	vmul.f32 v16, v59;
	v31 =	vunpack.i.u.bf16.f32 v31;
	v17 =	vsel vm8, v17, v57  }
0x34d: {  	v60 =	vld [tilespmem:s17+$0xFFFFFFF0];
	v19 =	vsel vm12, v37, v19;
	v30 =	vadd.f32 v54, v30;
	v17 =	vsub.f32 v17, v4  }
0x34e: {  	v36 =	vmul.f32 v20, v61;
	v20 =	vmul.f32 v20, v31;
	v19 =	vsub.f32 v19, v4  }
0x34f: {  	v45 =	vld [tilespmem:s22+$0x10];
	v44 =	vunpack.i.l.bf16.f32 v26;
	v47 =	vmul.f32 $2.000000030e-01, v30;
	v17 =	vmul.f32 $1.442695020e+00, v17  }
0x350: {  	v46 =	vld [tilespmem:s17+$0x10];
	v26 =	vunpack.i.u.bf16.f32 v26;
	vm9 =	vge.f32 v30, $0.0e+00;
	v27 =	vadd.f32 v56, v27  }
0x351: {  	v50 =	vld [tilespmem:s17+$0x20];
	v31 =	vmul.f32 v22, v44;
	v30 =	vsel vm9, v30, v47;
	(erf) = vpow2.f32 v17  }
0x352: {  	[tilespmem:s15+$0x1F0] =	vst v18;
	v49 =	vmul.f32 $2.000000030e-01, v27;
	v17 =	vmul.f32 v22, v26;
	v22 =	vadd.f32 v60, v58;
	v26 =	vld [tilespmem:s22+$0x20]  }
0x353: {  	[tilespmem:s15+$0xFFFFFE40] =	vst v15;
	v21 =	vmul.f32 v21, v53;
	v30 =	vsub.f32 v30, v4;
	vm10 =	vge.f32 v27, $0.0e+00  }
0x354: {  	[tilespmem:s15+$0x50] =	vst v16;
	v16 =	vmul.f32 $1.442695020e+00, v19;
	v15 =	vsel vm10, v27, v49;
	v18 =	vmul.f32 $2.000000030e-01, v22  }
0x355: {  	[tilespmem:s15+$0xFFFFFEC0] =	vst v24;
	v24 =	vmul.f32 $1.442695020e+00, v30;
	v30 =	vsub.f32 v15, v4;
	vm11 =	vge.f32 v22, $0.0e+00  }
0x356: {  	[tilespmem:s15+$0xFFFFFED0] =	vst v14;
	v27 =	vadd.f32 v46, v45;
	v15 =	vsel vm11, v22, v18;
	v18 =	vmul.f32 $2.000000030e-01, v32  }
0x357: {  	[tilespmem:s15+$0xFFFFFFC0] =	vst v28;
	(erf) = vpow2.f32 v24;
	v14 =	vadd.f32 v50, v26;
	v26 =	vmul.f32 $1.442695020e+00, v30  }
0x358: {  	[tilespmem:s15+$0xFFFFFF50] =	vst v21;
	v22 =	vmul.f32 $2.000000030e-01, v27;
	v21 =	vsub.f32 v15, v4;
	v18 =	vsel vm14, v32, v18  }
0x359: {  	[tilespmem:s15+$0xFFFFFF40] =	vst v25;
	vm13 =	vge.f32 v27, $0.0e+00;
	v18 =	vsub.f32 v18, v4;
	(erf) = vpow2.f32 v26  }
0x35a: {  	[tilespmem:s15+$0xD0] =	vst v20;
	s22 =	simm.s32 $0x3FE0;
	v22 =	vsel vm13, v27, v22;
	v25 =	vmul.f32 $2.000000030e-01, v14;
	v21 =	vmul.f32 $1.442695020e+00, v21;
	v15 =	vpop (erf)  }
0x35b: {  	s18 =	simm.s32 $0x1A20;
	v20 =	vld [tilespmem:s23+$0xFFFFFF30];
	vm15 =	vge.f32 v14, $0.0e+00;
	v22 =	vsub.f32 v22, v4;
	v18 =	vmul.f32 $1.442695020e+00, v18;
	[tilespmem:s22+$0x30] =	vst v15  }
0x35c: {  	[tilespmem:s15+$0xFFFFFFD0] =	vst v23;
	(erf) = vpow2.f32 v21;
	v21 =	vunpack.i.l.bf16.f32 v9;
	v9 =	vperm.xlane v7, v3;
	v27 =	vld [tilespmem:s18+$0xC0]  }
0x35d: {  	[tilespmem:s15+$0x40] =	vst v29;
	v14 =	vsel vm15, v14, v25;
	v7 =	vperm.xlane v11, v3;
	v19 =	vperm.xlane v15, v0  }
0x35e: {  	[tilespmem:s15+$0xC0] =	vst v36;
	v14 =	vsub.f32 v14, v4;
	(erf) = vpow2.f32 v18;
	v18 =	vmul.f32 $1.442695020e+00, v22  }
0x35f: {  	[tilespmem:s15+$0x140] =	vst v31;
	v12 =	vmul.f32 v12, v21;
	(erf) = vpow2.f32 v16  }
0x360: {  	[tilespmem:s15+$0x150] =	vst v17;
	v14 =	vmul.f32 $1.442695020e+00, v14;
	(erf) = vpow2.f32 v18  }
0x361: {  	v11 =	vunpack.i.u.bf16.f32 v20;
	v21 =	vpop (erf);
	[tilespmem:s15+$0x1E0] =	vst v12;
	v12 =	vunpack.i.l.bf16.f32 v20;
	v16 =	vunpack.i.l.bf16.f32 v27  }
0x362: {  	[tilespmem:s22+$0xFFFFFFD0] =	vst v21;
	(erf) = vpow2.f32 v14;
	v18 =	vunpack.i.u.bf16.f32 v27;
	v20 =	vpop (erf);
	v16 =	vmul.f32 v19, v16  }
0x363: {  	s19 =	simm.s32 $0x4F20;
	v25 =	vperm.xlane v21, v0;
	v14 =	vmul.f32 v19, v18;
	[tilespmem:s22+$0xFFFFFFE0] =	vst v20  }
0x364: {  	v28 =	vperm.xlane v21, v1;
	v29 =	vld [tilespmem:s18+$0xFFFFFF40];
	v18 =	vmul.f32 v13, v12;
	[tilespmem:s19+$0x180] =	vst v16  }
0x365: {  	v19 =	vmul.f32 v13, v11;
	v30 =	vperm.xlane v20, v0;
	v23 =	vpop (erf);
	v54 =	vld [tilespmem:s18+$0xFFFFFF80];
	[tilespmem:s19+$0x190] =	vst v14  }
0x366: {  	v31 =	vperm.xlane v20, v1;
	v12 =	vperm.xlane v15, v1;
	[tilespmem:s22+$0xFFFFFFF0] =	vst v23  }
0x367: {  	v51 =	vperm.xlane v23, v0;
	v34 =	vperm.xlane v23, v1;
	[tilespmem:s15+$0xFFFFFE60] =	vst v18;
	v17 =	vld [tilespmem:s18+$0xD0];
	v24 =	vpop (erf)  }
0x368: {  	v16 =	vld [tilespmem:s23+$0xFFFFFF70];
	v47 =	vperm.xlane v23, v2;
	[tilespmem:s22+$0xFFFFFFC0] =	vst v24;
	v26 =	vpop (erf);
	v53 =	vperm.xlane v24, v0  }
0x369: {  	v61 =	vunpack.i.u.bf16.f32 v29;
	[tilespmem:s15+$0xFFFFFE70] =	vst v19;
	v37 =	vperm.xlane v24, v1;
	v52 =	vld [tilespmem:s18+$0xFFFFFF00];
	v27 =	vpop (erf);
	v56 =	vperm.xlane v26, v0  }
0x36a: {  	[tilespmem:s22+$0x0] =	vst v26;
	v41 =	vperm.xlane v26, v1;
	v58 =	vperm.xlane v27, v0;
	v36 =	vunpack.i.l.bf16.f32 v54  }
0x36b: {  	v22 =	vld [tilespmem:s23+$0xFFFFFFB0];
	[tilespmem:s22+$0x10] =	vst v27;
	v14 =	vpop (erf);
	v63 =	vunpack.i.u.bf16.f32 v54;
	v39 =	vperm.xlane v27, v1;
	v36 =	vmul.f32 v30, v36  }
0x36c: {  	v57 =	vld [tilespmem:s18+$0x0];
	[tilespmem:s22+$0x20] =	vst v14;
	v30 =	vmul.f32 v30, v63;
	v13 =	vunpack.i.l.bf16.f32 v17;
	v17 =	vunpack.i.u.bf16.f32 v17  }
0x36d: {  	v11 =	vunpack.i.u.bf16.f32 v16;
	v60 =	vperm.xlane v14, v0;
	v17 =	vmul.f32 v12, v17;
	[tilespmem:s19+$0xFFFFFF00] =	vst v36  }
0x36e: {  	v59 =	vld [tilespmem:s18+$0x40];
	v55 =	vmul.f32 v12, v13;
	v13 =	vunpack.i.l.bf16.f32 v16;
	[tilespmem:s19+$0xFFFFFF10] =	vst v30;
	v45 =	vunpack.i.l.bf16.f32 v52  }
0x36f: {  	v16 =	vld [tilespmem:s18+$0xFFFFFFC0];
	v18 =	vunpack.i.u.bf16.f32 v52;
	[tilespmem:s19+$0x1B0] =	vst v17;
	v17 =	vunpack.i.l.bf16.f32 v29;
	v29 =	vmul.f32 v53, v45  }
0x370: {  	v42 =	vperm.xlane v14, v1;
	[tilespmem:s19+$0x1A0] =	vst v55;
	v18 =	vmul.f32 v53, v18  }
0x371: {  	v12 =	vunpack.i.u.bf16.f32 v22;
	v40 =	vunpack.i.l.bf16.f32 v57;
	v62 =	vld [tilespmem:s18+$0xE0];
	v17 =	vmul.f32 v25, v17;
	[tilespmem:s19+$0xFFFFFE00] =	vst v29  }
0x372: {  	v48 =	vunpack.i.u.bf16.f32 v57;
	v45 =	vperm.xlane v20, v2;
	v53 =	vmul.f32 v56, v40;
	[tilespmem:s19+$0xFFFFFE10] =	vst v18  }
0x373: {  	v54 =	vmul.f32 v56, v48;
	v29 =	vld [tilespmem:s18+$0x80];
	v18 =	vmul.f32 v25, v61;
	v25 =	vunpack.i.u.bf16.f32 v59;
	[tilespmem:s19+$0xFFFFFE80] =	vst v17  }
0x374: {  	v19 =	vunpack.i.u.bf16.f32 v16;
	v16 =	vunpack.i.l.bf16.f32 v16;
	v17 =	vperm.xlane v15, v2;
	v49 =	vld [tilespmem:s18+$0xFFFFFF10];
	[tilespmem:s19+$0x0] =	vst v53  }
0x375: {  	[tilespmem:s19+$0x10] =	vst v54;
	v16 =	vmul.f32 v51, v16;
	v19 =	vmul.f32 v51, v19;
	v51 =	vunpack.i.l.bf16.f32 v59  }
0x376: {  	v55 =	vld [tilespmem:s18+$0xFFFFFF90];
	v61 =	vperm.xlane v24, v2;
	[tilespmem:s19+$0xFFFFFE90] =	vst v18;
	v33 =	vmul.f32 v58, v51;
	v18 =	vunpack.i.l.bf16.f32 v62  }
0x377: {  	v24 =	vperm.xlane v24, v3;
	v52 =	vld [tilespmem:s18+$0xFFFFFF50];
	v50 =	vunpack.i.u.bf16.f32 v62;
	[tilespmem:s19+$0xFFFFFF80] =	vst v16;
	v18 =	vmul.f32 v17, v18  }
0x378: {  	v17 =	vmul.f32 v17, v50;
	v30 =	vunpack.i.l.bf16.f32 v29;
	[tilespmem:s19+$0x80] =	vst v33;
	v33 =	vperm.xlane v27, v2  }
0x379: {  	[tilespmem:s19+$0xFFFFFF90] =	vst v19;
	v27 =	vperm.xlane v27, v3;
	v30 =	vmul.f32 v60, v30;
	v16 =	vunpack.i.u.bf16.f32 v49  }
0x37a: {  	v32 =	vld [tilespmem:s18+$0x10];
	[tilespmem:s19+$0x1C0] =	vst v18;
	v18 =	vunpack.i.u.bf16.f32 v29;
	v29 =	vmul.f32 v58, v25;
	v56 =	vmul.f32 v37, v16  }
0x37b: {  	v57 =	vld [tilespmem:s18+$0xFFFFFFD0];
	[tilespmem:s19+$0x1D0] =	vst v17;
	v16 =	vunpack.i.l.bf16.f32 v55;
	v17 =	vmul.f32 v60, v18;
	v18 =	vunpack.i.l.bf16.f32 v49  }
0x37c: {  	v40 =	vld [tilespmem:s18+$0xF0];
	v19 =	vunpack.i.u.bf16.f32 v52;
	v25 =	vunpack.i.l.bf16.f32 v52;
	v60 =	vmul.f32 v31, v16;
	[tilespmem:s19+$0x100] =	vst v30  }
0x37d: {  	v58 =	vld [tilespmem:s23+$0xFFFFFFF0];
	v16 =	vunpack.i.l.bf16.f32 v22;
	v18 =	vmul.f32 v37, v18;
	v59 =	vmul.f32 v28, v25;
	[tilespmem:s19+$0x90] =	vst v29  }
0x37e: {  	v19 =	vmul.f32 v28, v19;
	v28 =	vunpack.i.u.bf16.f32 v55;
	v25 =	vperm.xlane v15, v3;
	[tilespmem:s19+$0xFFFFFE30] =	vst v56;
	v22 =	vld [tilespmem:s18+$0x50]  }
0x37f: {  	v29 =	vperm.xlane v21, v2;
	v28 =	vmul.f32 v31, v28;
	v31 =	vld [tilespmem:s23+$0x30];
	[tilespmem:s19+$0x110] =	vst v17  }
0x380: {  	v62 =	vunpack.i.u.bf16.f32 v57;
	v37 =	vunpack.i.l.bf16.f32 v57;
	v17 =	vunpack.i.u.bf16.f32 v32;
	[tilespmem:s19+$0xFFFFFF20] =	vst v60;
	v63 =	vld [tilespmem:s18+$0x90]  }
0x381: {  	v37 =	vmul.f32 v34, v37;
	v46 =	vmul.f32 v34, v62;
	[tilespmem:s19+$0xFFFFFE20] =	vst v18;
	v15 =	vunpack.i.u.bf16.f32 v40  }
0x382: {  	v48 =	vld [tilespmem:s23+$0x70];
	v52 =	vmul.f32 v41, v17;
	[tilespmem:s19+$0xFFFFFEA0] =	vst v59;
	v18 =	vunpack.i.l.bf16.f32 v58;
	v30 =	vmul.f32 v25, v15  }
0x383: {  	[tilespmem:s19+$0xFFFFFEB0] =	vst v19;
	v53 =	vld [tilespmem:s18+$0xFFFFFF20];
	v15 =	vunpack.i.u.bf16.f32 v58;
	v54 =	vunpack.i.u.bf16.f32 v22;
	v22 =	vunpack.i.l.bf16.f32 v22  }
0x384: {  	v43 =	vld [tilespmem:s18+$0xFFFFFF60];
	v17 =	vunpack.i.u.bf16.f32 v31;
	[tilespmem:s19+$0x1F0] =	vst v30;
	v30 =	vunpack.i.l.bf16.f32 v32;
	v32 =	vperm.xlane v26, v2  }
0x385: {  	[tilespmem:s19+$0xFFFFFF30] =	vst v28;
	v55 =	vmul.f32 v39, v22;
	v39 =	vmul.f32 v39, v54;
	v19 =	vunpack.i.u.bf16.f32 v63  }
0x386: {  	v28 =	vld [tilespmem:s18+$0xFFFFFFA0];
	v34 =	vunpack.i.l.bf16.f32 v63;
	v22 =	vunpack.i.l.bf16.f32 v31;
	v31 =	vperm.xlane v21, v3  }
0x387: {  	v49 =	vld [tilespmem:s23+$0xB0];
	[tilespmem:s19+$0xFFFFFFA0] =	vst v37;
	v21 =	vunpack.i.l.bf16.f32 v48;
	v30 =	vmul.f32 v41, v30;
	v50 =	vmul.f32 v42, v34  }
0x388: {  	[tilespmem:s19+$0xFFFFFFB0] =	vst v46;
	v42 =	vmul.f32 v42, v19;
	v19 =	vunpack.i.u.bf16.f32 v48;
	v34 =	vperm.xlane v14, v2  }
0x389: {  	[tilespmem:s19+$0x30] =	vst v52;
	v46 =	vld [tilespmem:s18+$0xFFFFFFE0];
	v56 =	vunpack.i.u.bf16.f32 v53;
	v57 =	vunpack.i.l.bf16.f32 v53;
	v58 =	vunpack.i.u.bf16.f32 v43  }
0x38a: {  	v59 =	vunpack.i.l.bf16.f32 v43;
	v38 =	vmul.f32 v61, v57;
	v44 =	vmul.f32 v61, v56;
	[tilespmem:s19+$0x20] =	vst v30  }
0x38b: {  	v36 =	vmul.f32 v29, v59;
	v35 =	vmul.f32 v29, v58;
	[tilespmem:s19+$0xA0] =	vst v55;
	v29 =	vunpack.i.u.bf16.f32 v28;
	v60 =	vld [tilespmem:s18+$0x20]  }
0x38c: {  	v61 =	vunpack.i.l.bf16.f32 v28;
	v28 =	vperm.xlane v23, v3;
	[tilespmem:s19+$0xB0] =	vst v39;
	v23 =	vunpack.i.l.bf16.f32 v49  }
0x38d: {  	v30 =	vperm.xlane v20, v3;
	v20 =	vunpack.i.u.bf16.f32 v49;
	v39 =	vmul.f32 v45, v61;
	[tilespmem:s19+$0x130] =	vst v42;
	v42 =	vld [tilespmem:s18+$0x60]  }
0x38e: {  	v37 =	vmul.f32 v45, v29;
	[tilespmem:s19+$0x120] =	vst v50;
	v62 =	vunpack.i.u.bf16.f32 v46;
	v63 =	vunpack.i.l.bf16.f32 v46  }
0x38f: {  	v29 =	vperm.xlane v26, v3;
	v26 =	vunpack.i.l.bf16.f32 v40;
	[tilespmem:s19+$0xFFFFFE40] =	vst v38;
	v41 =	vmul.f32 v47, v63;
	v40 =	vld [tilespmem:s18+$0xA0]  }
0x390: {  	s8 =	simm.s32 $0x460;
	s23 =	simm.s32 $0x8;
	v38 =	vmul.f32 v47, v62;
	[tilespmem:s19+$0xFFFFFE50] =	vst v44;
	v43 =	vunpack.i.u.bf16.f32 v60;
	v44 =	vunpack.i.l.bf16.f32 v60  }
.LBB2_7:
0x391: {  	v45 =	vld [tilespmem:s8+$0x30];
	[tilespmem:s19+$0xFFFFFEC0] =	vst v36;
	v36 =	vmul.f32 v32, v44;
	v32 =	vmul.f32 v32, v43;
	s17 =	sadd.s32 $0x80, s17  }
0x392: {  	v14 =	vperm.xlane v14, v3;
	v43 =	vld [tilespmem:s17+$0x30];
	[tilespmem:s19+$0xFFFFFED0] =	vst v35;
	v35 =	vunpack.i.u.bf16.f32 v42;
	v42 =	vunpack.i.l.bf16.f32 v42  }
0x393: {  	v44 =	vld [tilespmem:s17+$0xFFFFFFC0];
	[tilespmem:s19+$0xFFFFFF40] =	vst v39;
	v39 =	vmul.f32 v33, v42;
	v33 =	vmul.f32 v33, v35  }
0x394: {  	v13 =	vmul.f32 v5, v13;
	v35 =	vld [tilespmem:s8+$0xFFFFFFD0];
	[tilespmem:s19+$0xFFFFFF50] =	vst v37;
	v37 =	vunpack.i.u.bf16.f32 v40;
	v40 =	vunpack.i.l.bf16.f32 v40  }
0x395: {  	s23 =	sadd.s32 $0x8, s23;
	v42 =	vld [tilespmem:s17+$0xFFFFFFD0];
	[tilespmem:s19+$0xFFFFFFC0] =	vst v41;
	v40 =	vmul.f32 v34, v40;
	v34 =	vmul.f32 v34, v37  }
0x396: {  	v11 =	vmul.f32 v5, v11;
	v16 =	vmul.f32 v6, v16;
	v5 =	vmov v31;
	p1 =	slt.u32 s23, $0x48;
	v37 =	vld [tilespmem:s8+$0xFFFFFFE0];
	[tilespmem:s19+$0xFFFFFFD0] =	vst v38  }
0x397: {  	v12 =	vmul.f32 v6, v12;
	v18 =	vmul.f32 v9, v18;
	v31 =	vld [tilespmem:s17+$0xFFFFFFE0];
	v38 =	vadd.f32 v43, v45;
	[tilespmem:s19+$0x40] =	vst v36  }
0x398: {  	v15 =	vmul.f32 v9, v15;
	v22 =	vmul.f32 v8, v22;
	v6 =	vmovc v30;
	v9 =	vmov v28;
	v36 =	vld [tilespmem:s8+$0xFFFFFFF0];
	[tilespmem:s19+$0x50] =	vst v32  }
0x399: {  	v17 =	vmul.f32 v8, v17;
	v8 =	vmov v29;
	v28 =	vld [tilespmem:s17+$0xFFFFFFF0];
	v30 =	vmul.f32 $2.000000030e-01, v38;
	[tilespmem:s19+$0xC0] =	vst v39  }
0x39a: {  	v21 =	vmul.f32 v10, v21;
	vm0 =	vge.f32 v38, $0.0e+00;
	v29 =	vadd.f32 v42, v35;
	v32 =	vld [tilespmem:s8+$0x0];
	[tilespmem:s19+$0xD0] =	vst v33  }
0x39b: {  	v19 =	vmul.f32 v10, v19;
	v23 =	vmul.f32 v7, v23;
	v33 =	vld [tilespmem:s17+$0x0];
	v30 =	vsel vm0, v38, v30;
	[tilespmem:s19+$0x140] =	vst v40  }
0x39c: {  	v10 =	vmovc v27;
	v35 =	vmul.f32 $2.000000030e-01, v29;
	v31 =	vadd.f32 v31, v37;
	v37 =	vld [tilespmem:s8+$0x10];
	v30 =	vsub.f32 v30, v4;
	[tilespmem:s19+$0x150] =	vst v34  }
0x39d: {  	v26 =	vmul.f32 v25, v26;
	vm0 =	vge.f32 v29, $0.0e+00;
	v27 =	vld [tilespmem:s17+$0x10];
	[tilespmem:s15+$0xFFFFFEE0] =	vst v13;
	v13 =	vmul.f32 v7, v20;
	v7 =	vmovc v14  }
0x39e: {  	v14 =	vmul.f32 $2.000000030e-01, v31;
	v20 =	vadd.f32 v28, v36;
	v25 =	vld [tilespmem:s8+$0x20];
	v28 =	vmul.f32 $1.442695020e+00, v30;
	[tilespmem:s15+$0xFFFFFEF0] =	vst v11  }
0x39f: {  	v11 =	vsel vm0, v29, v35;
	vm0 =	vge.f32 v31, $0.0e+00;
	v29 =	vld [tilespmem:s17+$0x20];
	[tilespmem:s15+$0xFFFFFF60] =	vst v16  }
0x3a0: {  	v16 =	vld [tilespmem:s8+$0xFFFFFFC0];
	v30 =	vmul.f32 $2.000000030e-01, v20;
	v32 =	vadd.f32 v33, v32;
	(erf) = vpow2.f32 v28;
	[tilespmem:s15+$0xFFFFFF70] =	vst v12  }
0x3a1: {  	v11 =	vsub.f32 v11, v4;
	v12 =	vsel vm0, v31, v14;
	vm0 =	vge.f32 v20, $0.0e+00;
	v14 =	vld [tilespmem:s18+$0xFFFFFF30];
	[tilespmem:s15+$0xFFFFFFE0] =	vst v18  }
0x3a2: {  	vm1 =	vge.f32 v32, $0.0e+00;
	v18 =	vmul.f32 $2.000000030e-01, v32;
	v27 =	vadd.f32 v27, v37;
	v28 =	vld [tilespmem:s18+$0xFFFFFF70];
	[tilespmem:s15+$0xFFFFFFF0] =	vst v15  }
0x3a3: {  	v11 =	vmul.f32 $1.442695020e+00, v11;
	v12 =	vsub.f32 v12, v4;
	v15 =	vsel vm0, v20, v30;
	v20 =	vld [tilespmem:s18+$0xFFFFFFB0];
	[tilespmem:s15+$0x60] =	vst v22  }
0x3a4: {  	vm0 =	vge.f32 v27, $0.0e+00;
	v22 =	vmul.f32 $2.000000030e-01, v27;
	v25 =	vadd.f32 v29, v25;
	v29 =	vld [tilespmem:s18+$0xFFFFFFF0];
	[tilespmem:s15+$0x70] =	vst v17  }
0x3a5: {  	v15 =	vsub.f32 v15, v4;
	v17 =	vsel vm1, v32, v18;
	v16 =	vadd.f32 v44, v16;
	v30 =	vld [tilespmem:s18+$0x30];
	[tilespmem:s15+$0xE0] =	vst v21  }
0x3a6: {  	v18 =	vsel vm0, v27, v22;
	vm0 =	vge.f32 v25, $0.0e+00;
	v21 =	vmul.f32 $2.000000030e-01, v25;
	v27 =	vld [tilespmem:s18+$0x70];
	[tilespmem:s15+$0xF0] =	vst v19  }
0x3a7: {  	v17 =	vsub.f32 v17, v4;
	vm1 =	vge.f32 v16, $0.0e+00;
	v19 =	vmul.f32 $2.000000030e-01, v16;
	v32 =	vld [tilespmem:s18+$0xB0];
	[tilespmem:s15+$0x160] =	vst v23  }
0x3a8: {  	v12 =	vmul.f32 $1.442695020e+00, v12;
	v18 =	vsub.f32 v18, v4;
	v21 =	vsel vm0, v25, v21;
	[tilespmem:s15+$0x170] =	vst v13;
	s15 =	smov.u32 s19  }
0x3a9: {  	s22 =	sadd.s32 $0x80, s22;
	v15 =	vmul.f32 $1.442695020e+00, v15;
	v13 =	vsel vm1, v16, v19;
	v16 =	vsub.f32 v21, v4;
	v25 =	vpop (erf);
	[tilespmem:s19+$0x1E0] =	vst v26  }
0x3aa: {  	v17 =	vmul.f32 $1.442695020e+00, v17;
	s18 =	sadd.s32 $0x200, s18;
	v18 =	vmul.f32 $1.442695020e+00, v18;
	v13 =	vsub.f32 v13, v4;
	[tilespmem:s22+$0x30] =	vst v25  }
0x3ab: {  	v23 =	vunpack.i.u.bf16.f32 v14;
	v19 =	vmul.f32 $1.442695020e+00, v16;
	v21 =	vld [tilespmem:s18+$0xC0];
	(erf) = vpow2.f32 v11  }
0x3ac: {  	v14 =	vunpack.i.l.bf16.f32 v14;
	v16 =	vmul.f32 $1.442695020e+00, v13;
	(erf) = vpow2.f32 v12  }
0x3ad: {  	v11 =	vunpack.i.u.bf16.f32 v28;
	v13 =	vunpack.i.l.bf16.f32 v28;
	(erf) = vpow2.f32 v15  }
0x3ae: {  	v12 =	vunpack.i.u.bf16.f32 v20;
	(erf) = vpow2.f32 v16;
	v16 =	vunpack.i.l.bf16.f32 v20  }
0x3af: {  	v15 =	vunpack.i.u.bf16.f32 v29;
	v20 =	vperm.xlane v25, v0;
	(erf) = vpow2.f32 v17  }
0x3b0: {  	v17 =	vunpack.i.l.bf16.f32 v21;
	(erf) = vpow2.f32 v18;
	v18 =	vunpack.i.l.bf16.f32 v29  }
0x3b1: {  	v21 =	vunpack.i.u.bf16.f32 v21;
	v26 =	vmul.f32 v20, v17;
	(erf) = vpow2.f32 v19  }
0x3b2: {  	s19 =	sadd.s32 $0x400, s19;
	v22 =	vunpack.i.l.bf16.f32 v30;
	v28 =	vmul.f32 v20, v21;
	v17 =	vunpack.i.u.bf16.f32 v30  }
0x3b3: {  	v19 =	vunpack.i.u.bf16.f32 v27;
	v21 =	vunpack.i.l.bf16.f32 v27;
	v20 =	vunpack.i.u.bf16.f32 v32;
	[tilespmem:s19+$0x180] =	vst v26  }
0x3b4: {  	v34 =	vmul.f32 v24, v23;
	v23 =	vunpack.i.l.bf16.f32 v32;
	v26 =	vmul.f32 v24, v14;
	[tilespmem:s19+$0x190] =	vst v28;
	v31 =	vpop (erf)  }
0x3b5: {  	[tilespmem:s22+$0xFFFFFFD0] =	vst v31;
	v35 =	vperm.xlane v31, v0;
	v36 =	vperm.xlane v31, v1;
	v37 =	vld [tilespmem:s18+$0xD0];
	v30 =	vpop (erf)  }
0x3b6: {  	v38 =	vld [tilespmem:s18+$0xFFFFFF40];
	[tilespmem:s22+$0xFFFFFFE0] =	vst v30;
	v39 =	vperm.xlane v30, v0;
	v40 =	vperm.xlane v30, v1;
	v28 =	vpop (erf)  }
0x3b7: {  	v41 =	vld [tilespmem:s18+$0xFFFFFF80];
	[tilespmem:s22+$0xFFFFFFF0] =	vst v28;
	v42 =	vperm.xlane v28, v0;
	v32 =	vperm.xlane v28, v1;
	v24 =	vpop (erf)  }
0x3b8: {  	[tilespmem:s22+$0xFFFFFFC0] =	vst v24;
	v43 =	vperm.xlane v24, v0;
	v44 =	vperm.xlane v24, v1;
	v45 =	vld [tilespmem:s18+$0xFFFFFFC0];
	v29 =	vpop (erf)  }
0x3b9: {  	v48 =	vperm.xlane v25, v1;
	v46 =	vld [tilespmem:s18+$0xFFFFFF00];
	[tilespmem:s22+$0x0] =	vst v29;
	v47 =	vperm.xlane v29, v0;
	v27 =	vpop (erf)  }
0x3ba: {  	v33 =	vperm.xlane v29, v1;
	v49 =	vld [tilespmem:s18+$0x0];
	[tilespmem:s22+$0x10] =	vst v27;
	v50 =	vperm.xlane v27, v0;
	v51 =	vunpack.i.l.bf16.f32 v37;
	v14 =	vpop (erf)  }
0x3bb: {  	v37 =	vunpack.i.u.bf16.f32 v37;
	v52 =	vld [tilespmem:s18+$0x40];
	[tilespmem:s22+$0x20] =	vst v14;
	v53 =	vperm.xlane v14, v0;
	v51 =	vmul.f32 v48, v51  }
0x3bc: {  	v54 =	vunpack.i.u.bf16.f32 v38;
	v38 =	vunpack.i.l.bf16.f32 v38;
	v37 =	vmul.f32 v48, v37;
	v55 =	vld [tilespmem:s18+$0x80];
	[tilespmem:s15+$0xFFFFFE60] =	vst v26  }
0x3bd: {  	v26 =	vunpack.i.u.bf16.f32 v41;
	v41 =	vunpack.i.l.bf16.f32 v41;
	v48 =	vunpack.i.u.bf16.f32 v45;
	[tilespmem:s19+$0x1A0] =	vst v51  }
0x3be: {  	v45 =	vunpack.i.l.bf16.f32 v45;
	v51 =	vunpack.i.u.bf16.f32 v46;
	v46 =	vunpack.i.l.bf16.f32 v46;
	[tilespmem:s19+$0x1B0] =	vst v37  }
0x3bf: {  	v37 =	vmul.f32 v43, v46;
	v46 =	vunpack.i.u.bf16.f32 v49;
	v49 =	vunpack.i.l.bf16.f32 v49;
	v56 =	vld [tilespmem:s18+$0xE0];
	[tilespmem:s15+$0xFFFFFE70] =	vst v34  }
0x3c0: {  	v34 =	vmul.f32 v43, v51;
	v43 =	vunpack.i.u.bf16.f32 v52;
	v51 =	vunpack.i.l.bf16.f32 v52  }
0x3c1: {  	[tilespmem:s19+$0xFFFFFE00] =	vst v37;
	v37 =	vmul.f32 v35, v38;
	v38 =	vunpack.i.u.bf16.f32 v55;
	v52 =	vunpack.i.l.bf16.f32 v55  }
0x3c2: {  	[tilespmem:s19+$0xFFFFFE10] =	vst v34;
	v34 =	vmul.f32 v35, v54;
	v35 =	vmul.f32 v39, v41  }
0x3c3: {  	v26 =	vmul.f32 v39, v26;
	v41 =	vld [tilespmem:s18+$0xFFFFFF10];
	[tilespmem:s19+$0xFFFFFE80] =	vst v37;
	v37 =	vperm.xlane v25, v2  }
0x3c4: {  	v39 =	vmul.f32 v42, v48;
	[tilespmem:s19+$0xFFFFFE90] =	vst v34;
	v34 =	vmul.f32 v42, v45;
	v42 =	vunpack.i.l.bf16.f32 v56  }
0x3c5: {  	v48 =	vunpack.i.u.bf16.f32 v56;
	v45 =	vld [tilespmem:s18+$0xFFFFFF50];
	[tilespmem:s19+$0xFFFFFF00] =	vst v35;
	v35 =	vmul.f32 v47, v49;
	v42 =	vmul.f32 v37, v42  }
0x3c6: {  	v37 =	vmul.f32 v37, v48;
	[tilespmem:s19+$0xFFFFFF10] =	vst v26;
	v26 =	vmul.f32 v47, v46  }
0x3c7: {  	v43 =	vmul.f32 v50, v43;
	v47 =	vmul.f32 v50, v51;
	v46 =	vld [tilespmem:s18+$0xFFFFFF90];
	[tilespmem:s19+$0x1C0] =	vst v42  }
0x3c8: {  	v38 =	vmul.f32 v53, v38;
	v48 =	vmul.f32 v53, v52;
	v42 =	vunpack.i.u.bf16.f32 v41;
	[tilespmem:s19+$0x1D0] =	vst v37  }
0x3c9: {  	v37 =	vunpack.i.l.bf16.f32 v41;
	v41 =	vperm.xlane v14, v1;
	[tilespmem:s19+$0xFFFFFF80] =	vst v34;
	v34 =	vperm.xlane v27, v1;
	v49 =	vld [tilespmem:s18+$0xF0]  }
0x3ca: {  	v37 =	vmul.f32 v44, v37;
	v50 =	vunpack.i.u.bf16.f32 v45;
	v45 =	vunpack.i.l.bf16.f32 v45;
	[tilespmem:s19+$0xFFFFFF90] =	vst v39  }
0x3cb: {  	v39 =	vmul.f32 v44, v42;
	v42 =	vmul.f32 v36, v45;
	v44 =	vld [tilespmem:s18+$0xFFFFFFD0];
	[tilespmem:s19+$0x0] =	vst v35  }
0x3cc: {  	v35 =	vmul.f32 v36, v50;
	v36 =	vunpack.i.u.bf16.f32 v46;
	v45 =	vunpack.i.l.bf16.f32 v46;
	[tilespmem:s19+$0x10] =	vst v26  }
0x3cd: {  	v25 =	vperm.xlane v25, v3;
	v45 =	vmul.f32 v40, v45;
	v46 =	vld [tilespmem:s18+$0x10];
	[tilespmem:s19+$0x80] =	vst v47  }
0x3ce: {  	v47 =	vperm.xlane v24, v2;
	v36 =	vmul.f32 v40, v36;
	[tilespmem:s19+$0x90] =	vst v43;
	v40 =	vunpack.i.u.bf16.f32 v49  }
0x3cf: {  	v43 =	vperm.xlane v31, v2;
	v26 =	vunpack.i.l.bf16.f32 v49;
	v50 =	vld [tilespmem:s18+$0x50];
	[tilespmem:s19+$0x100] =	vst v48;
	v40 =	vmul.f32 v25, v40  }
0x3d0: {  	v48 =	vperm.xlane v30, v2;
	v49 =	vunpack.i.u.bf16.f32 v44;
	v44 =	vunpack.i.l.bf16.f32 v44;
	[tilespmem:s19+$0x110] =	vst v38  }
0x3d1: {  	v38 =	vmul.f32 v32, v44;
	v44 =	vmul.f32 v32, v49;
	v49 =	vld [tilespmem:s18+$0x90];
	[tilespmem:s19+$0x1F0] =	vst v40  }
0x3d2: {  	v40 =	vperm.xlane v28, v2;
	[tilespmem:s19+$0xFFFFFE20] =	vst v37;
	v32 =	vunpack.i.u.bf16.f32 v46;
	v37 =	vunpack.i.l.bf16.f32 v46  }
0x3d3: {  	[tilespmem:s19+$0xFFFFFE30] =	vst v39;
	v37 =	vmul.f32 v33, v37;
	v39 =	vmul.f32 v33, v32  }
0x3d4: {  	v32 =	vperm.xlane v29, v2;
	v46 =	vld [tilespmem:s18+$0xFFFFFF20];
	[tilespmem:s19+$0xFFFFFEA0] =	vst v42;
	v33 =	vunpack.i.u.bf16.f32 v50;
	v42 =	vunpack.i.l.bf16.f32 v50  }
0x3d5: {  	[tilespmem:s19+$0xFFFFFEB0] =	vst v35;
	v42 =	vmul.f32 v34, v42;
	v50 =	vmul.f32 v34, v33  }
0x3d6: {  	v33 =	vperm.xlane v27, v2;
	v35 =	vld [tilespmem:s18+$0xFFFFFF60];
	[tilespmem:s19+$0xFFFFFF20] =	vst v45;
	v34 =	vunpack.i.u.bf16.f32 v49;
	v45 =	vunpack.i.l.bf16.f32 v49  }
0x3d7: {  	[tilespmem:s19+$0xFFFFFF30] =	vst v36;
	v45 =	vmul.f32 v41, v45;
	v41 =	vmul.f32 v41, v34  }
0x3d8: {  	v24 =	vperm.xlane v24, v3;
	v34 =	vperm.xlane v14, v2;
	v49 =	vld [tilespmem:s18+$0xFFFFFFA0];
	[tilespmem:s19+$0xFFFFFFA0] =	vst v38  }
0x3d9: {  	v31 =	vperm.xlane v31, v3;
	v36 =	vunpack.i.u.bf16.f32 v46;
	v38 =	vunpack.i.l.bf16.f32 v46;
	[tilespmem:s19+$0xFFFFFFB0] =	vst v44  }
0x3da: {  	v38 =	vmul.f32 v47, v38;
	v44 =	vmul.f32 v47, v36;
	v46 =	vld [tilespmem:s18+$0xFFFFFFE0];
	[tilespmem:s19+$0x20] =	vst v37  }
0x3db: {  	v30 =	vperm.xlane v30, v3;
	v37 =	vunpack.i.u.bf16.f32 v35;
	v35 =	vunpack.i.l.bf16.f32 v35;
	[tilespmem:s19+$0x30] =	vst v39  }
0x3dc: {  	v36 =	vmul.f32 v43, v35;
	v35 =	vmul.f32 v43, v37;
	v47 =	vld [tilespmem:s18+$0x20];
	[tilespmem:s19+$0xA0] =	vst v42  }
.Ltmp4:
0x3dd: {  	v28 =	vperm.xlane v28, v3;
	v37 =	vunpack.i.u.bf16.f32 v49;
	v39 =	vunpack.i.l.bf16.f32 v49;
	[tilespmem:s19+$0xB0] =	vst v50;
	(pc) =	sbr.rel @p1 .LBB2_7-.Ltmp4, $4  }
0x3de: {  	v39 =	vmul.f32 v48, v39;
	v37 =	vmul.f32 v48, v37;
	v42 =	vld [tilespmem:s18+$0x60];
	[tilespmem:s19+$0x120] =	vst v45  }
0x3df: {  	v29 =	vperm.xlane v29, v3;
	v43 =	vunpack.i.u.bf16.f32 v46;
	v45 =	vunpack.i.l.bf16.f32 v46;
	[tilespmem:s19+$0x130] =	vst v41  }
0x3e0: {  	[tilespmem:s19+$0xFFFFFE40] =	vst v38;
	v41 =	vmul.f32 v40, v45;
	v38 =	vmul.f32 v40, v43;
	v40 =	vld [tilespmem:s18+$0xA0]  }
0x3e1: {  	s8 =	sadd.s32 $0x80, s8;
	v27 =	vperm.xlane v27, v3;
	[tilespmem:s19+$0xFFFFFE50] =	vst v44;
	v43 =	vunpack.i.u.bf16.f32 v47;
	v44 =	vunpack.i.l.bf16.f32 v47  }
0x3e2: {  	[tilespmem:s19+$0xFFFFFEC0] =	vst v36  }
0x3e3: {  	[tilespmem:s19+$0xFFFFFED0] =	vst v35  }
0x3e4: {  	[tilespmem:s19+$0xFFFFFF40] =	vst v39  }
0x3e5: {  	[tilespmem:s19+$0xFFFFFF50] =	vst v37  }
0x3e6: {  	v45 =	vmul.f32 v32, v44;
	[tilespmem:s19+$0xFFFFFFC0] =	vst v41  }
0x3e7: {  	v46 =	vmul.f32 v32, v43;
	[tilespmem:s19+$0xFFFFFFD0] =	vst v38  }
0x3e8: {  	v13 =	vmul.f32 v5, v13;
	[tilespmem:s19+$0x40] =	vst v45  }
0x3e9: {  	v5 =	vmul.f32 v5, v11;
	[tilespmem:s19+$0x50] =	vst v46  }
0x3ea: {  	v11 =	vmul.f32 v6, v16;
	[tilespmem:s15+$0xFFFFFEE0] =	vst v13  }
0x3eb: {  	v6 =	vmul.f32 v6, v12;
	v47 =	vunpack.i.l.bf16.f32 v42;
	[tilespmem:s15+$0xFFFFFEF0] =	vst v5  }
0x3ec: {  	v48 =	vunpack.i.u.bf16.f32 v42;
	v36 =	vmul.f32 v33, v47;
	[tilespmem:s15+$0xFFFFFF60] =	vst v11  }
0x3ed: {  	v49 =	vmul.f32 v33, v48;
	[tilespmem:s15+$0xFFFFFF70] =	vst v6  }
0x3ee: {  	v5 =	vmul.f32 v9, v18;
	[tilespmem:s19+$0xC0] =	vst v36  }
0x3ef: {  	v9 =	vmul.f32 v9, v15;
	[tilespmem:s19+$0xD0] =	vst v49  }
0x3f0: {  	v6 =	vmul.f32 v8, v22;
	v50 =	vunpack.i.l.bf16.f32 v40;
	[tilespmem:s15+$0xFFFFFFE0] =	vst v5  }
0x3f1: {  	v51 =	vunpack.i.u.bf16.f32 v40;
	v35 =	vmul.f32 v34, v50;
	[tilespmem:s15+$0xFFFFFFF0] =	vst v9  }
0x3f2: {  	v32 =	vmul.f32 v34, v51;
	[tilespmem:s15+$0x60] =	vst v6  }
0x3f3: {  	v5 =	vmul.f32 v8, v17;
	v8 =	vld [tilespmem:s18+$0xFFFFFF30];
	[tilespmem:s19+$0x140] =	vst v35  }
0x3f4: {  	v9 =	vmul.f32 v10, v21;
	[tilespmem:s19+$0x150] =	vst v32  }
0x3f5: {  	v6 =	vmul.f32 v10, v19;
	v10 =	vld [tilespmem:s18+$0xFFFFFF70];
	[tilespmem:s15+$0x70] =	vst v5  }
0x3f6: {  	v5 =	vmul.f32 v7, v23;
	[tilespmem:s15+$0xE0] =	vst v9  }
0x3f7: {  	v7 =	vmul.f32 v7, v20;
	v9 =	vld [tilespmem:s18+$0xFFFFFFB0];
	[tilespmem:s15+$0xF0] =	vst v6  }
0x3f8: {  	v6 =	vmul.f32 v25, v26;
	[tilespmem:s15+$0x160] =	vst v5;
	v5 =	vunpack.i.l.bf16.f32 v8  }
0x3f9: {  	v11 =	vld [tilespmem:s18+$0xFFFFFFF0];
	[tilespmem:s15+$0x170] =	vst v7;
	v7 =	vunpack.i.u.bf16.f32 v8;
	v5 =	vmul.f32 v24, v5  }
0x3fa: {  	[tilespmem:s19+$0x1E0] =	vst v6;
	v6 =	vunpack.i.l.bf16.f32 v10;
	v7 =	vmul.f32 v24, v7  }
0x3fb: {  	v8 =	vld [tilespmem:s18+$0x30];
	v10 =	vunpack.i.u.bf16.f32 v10;
	[tilespmem:s19+$0xFFFFFE60] =	vst v5;
	v5 =	vmul.f32 v31, v6  }
0x3fc: {  	v6 =	vunpack.i.l.bf16.f32 v9;
	[tilespmem:s19+$0xFFFFFE70] =	vst v7;
	v7 =	vmul.f32 v31, v10  }
0x3fd: {  	v10 =	vld [tilespmem:s18+$0x70];
	v9 =	vunpack.i.u.bf16.f32 v9;
	v6 =	vmul.f32 v30, v6;
	[tilespmem:s19+$0xFFFFFEE0] =	vst v5  }
0x3fe: {  	v9 =	vmul.f32 v30, v9;
	v5 =	vunpack.i.l.bf16.f32 v11;
	[tilespmem:s19+$0xFFFFFEF0] =	vst v7  }
0x3ff: {  	v7 =	vld [tilespmem:s18+$0xB0];
	v11 =	vunpack.i.u.bf16.f32 v11;
	v5 =	vmul.f32 v28, v5;
	[tilespmem:s19+$0xFFFFFF60] =	vst v6  }
0x400: {  	v6 =	vunpack.i.l.bf16.f32 v8;
	v11 =	vmul.f32 v28, v11;
	[tilespmem:s19+$0xFFFFFF70] =	vst v9  }
0x401: {  	v8 =	vunpack.i.u.bf16.f32 v8;
	v6 =	vmul.f32 v29, v6;
	[tilespmem:s19+$0xFFFFFFE0] =	vst v5  }
0x402: {  	v8 =	vmul.f32 v29, v8;
	v5 =	vunpack.i.l.bf16.f32 v10;
	[tilespmem:s19+$0xFFFFFFF0] =	vst v11  }
0x403: {  	v9 =	vperm.xlane v14, v3;
	v10 =	vunpack.i.u.bf16.f32 v10;
	v5 =	vmul.f32 v27, v5;
	[tilespmem:s19+$0x60] =	vst v6  }
0x404: {  	v10 =	vmul.f32 v27, v10;
	[tilespmem:s19+$0x70] =	vst v8;
	v6 =	vunpack.i.l.bf16.f32 v7  }
0x405: {  	v7 =	vunpack.i.u.bf16.f32 v7;
	v6 =	vmul.f32 v9, v6;
	[tilespmem:s19+$0xE0] =	vst v5  }
0x406: {  	v5 =	vmul.f32 v9, v7;
	[tilespmem:s19+$0xF0] =	vst v10  }
0x407: {  	[tilespmem:s19+$0x160] =	vst v6  }
0x408: {  	[tilespmem:s19+$0x170] =	vst v5  }
0x409: {  	v5 =	vld [tilespmem:$0x1E0]  }
0x40a: {  	v6 =	vld [tilespmem:$0x1F0]  }
0x40b: {  	v7 =	vld [tilespmem:$0x200]  }
0x40c: {  	v8 =	vld [tilespmem:$0x210]  }
0x40d: {  	v9 =	vld [tilespmem:$0x220]  }
0x40e: {  	[tilespmem:$0x280] =	vst v5  }
0x40f: {  	[tilespmem:$0x290] =	vst v6  }
0x410: {  	[tilespmem:$0x2A0] =	vst v7  }
0x411: {  	[tilespmem:$0x2B0] =	vst v8  }
0x412: {  	s8 =	simm.s32 $0x3F20;
	[tilespmem:$0x2C0] =	vst v9  }
0x413: {  	[spmem:s4] =	stream.indirect.scatter.add.f32 [tilespmem:s8], [sflag:$0x7], $0x10, s21, s31, $0xb8;
	[tilespmem:$0x1FCB0] =	vst v63  }
0x414: {  	s8 =	rddreg [dreg:$0x16]  }
0x415: {  	s15 =	simm.s32 $0x4920;
	s8 =	sadd.s32 @!p0 s26, s8  }
0x416: {  	[spmem:s3] =	stream.indirect.scatter.add.f32 [tilespmem:s15], [sflag:$0x7], $0x80, s21, s31, $0xb8;
	[tilespmem:$0x1FCB0] =	vst v63  }
0x417: {  	s8 =	sshrl.u32 @!p0 s8, $0x3  }
0x418: {  	s17 =	simm.s32 @!p0 $0x0;
	s18 =	simm.s32 @!p0 $0x50;
	s15 =	sadd.s32 @!p0 s1, s8  }
0x419: {  	[tilespmem:s18], [sflag:$0x2] =	stream.linear.gather @!p0 [hbm4b:s15+s17], $0x50, $0x38;
	[tilespmem:$0x1FCB0] =	vst v63  }
0x41a: {  	s8 =	sadd.s32 @!p0 s6, s8;
	s15 =	simm.s32 @!p0 $0x190  }
0x41b: {  	[tilespmem:s15], [sflag:$0x2] =	stream.linear.gather @!p0 [hbm4b:s8+s17], $0x50, $0x38;
	[tilespmem:$0x1FCB0] =	vst v63  }
0x41c: {  	s8 =	simm.s32 @!p0 $0x1  }
0x41d: {  	_ =	swait.ge @!p0 [sflag:s8], $0x50  }
0x41e: {  	[sflag:s8] =	ssyncset.done @!p0 $0x0  }
0x41f: {  	[sflag:s8] =	ssyncadd.s32 @!p0 $0xFFFFFFB0  }
0x420: {  	_ =	swait.ge @!p0 [sflag:s8], $0x50  }
0x421: {  	[sflag:s8] =	ssyncset.done @!p0 $0x0  }
0x422: {  	[sflag:s8] =	ssyncadd.s32 @!p0 $0xFFFFFFB0;
	s8 =	simm.s32 @!p0 $0x320  }
0x423: {  	[tilespmem:s8], [sflag:$0x5] =	stream.indirect.gather @!p0 [hbm4b:s7+s18], $0x10, s17, s18, $0xb8;
	[tilespmem:$0x1FCB0] =	vst v63  }
0x424: {  	s15 =	simm.s32 @!p0 $0xD20;
	s8 =	simm.s32 @!p0 $0x140  }
0x425: {  	[tilespmem:s15], [sflag:$0x5] =	stream.indirect.gather @!p0 [hbm4b:s9+s18], $0x10, s8, s18, $0xb8;
	[tilespmem:$0x1FCB0] =	vst v63  }
0x426: {  	s8 =	simm.s32 @!p0 $0x1720  }
0x427: {  	[tilespmem:s8], [sflag:$0x5] =	stream.indirect.gather @!p0 [hbm4b:s2+s18], $0x40, s17, s18, $0xb8;
	[tilespmem:$0x1FCB0] =	vst v63  }
0x428: {  	_ =	swait.ge [sflag:s30], $0x500  }
0x429: {  	[sflag:s30] =	ssyncset.done $0x0  }
0x42a: {  	[sflag:s30] =	ssyncadd.s32 $0xFFFFFB00  }
0x42b: {  	_ =	swait.ge [sflag:s30], $0x500  }
0x42c: {  	[sflag:s30] =	ssyncset.done $0x0  }
0x42d: {  	[sflag:s30] =	ssyncadd.s32 $0xFFFFFB00  }
0x42e: {  	_ =	swait.ge [sflag:s30], $0x1400  }
0x42f: {  	[sflag:s30] =	ssyncset.done $0x0  }
0x430: {  	[sflag:s30] =	ssyncadd.s32 $0xFFFFEC00  }
0x431: {  	_ =	swait.ge [sflag:s24], $0x500  }
0x432: {  	[sflag:s24] =	ssyncset.done $0x0  }
0x433: {  	[sflag:s24] =	ssyncadd.s32 $0xFFFFFB00  }
0x434: {  	_ =	swait.ge [sflag:s24], $0x2800  }
0x435: {  	[sflag:s24] =	ssyncset.done $0x0  }
0x436: {  	s17 =	simm.s32 $0x860;
	[sflag:s24] =	ssyncadd.s32 $0xFFFFD800  }
0x437: {  	s18 =	simm.s32 $0x1260;
	v5 =	vld [tilespmem:s17+$0x30]  }
0x438: {  	v6 =	vld [tilespmem:s18+$0x30];
	_ =	sdelay $0x4  }
0x439: {  	v7 =	vld [tilespmem:s18+$0xFFFFFFC0];
	v5 =	vadd.f32 v6, v5  }
0x43a: {  	v8 =	vld [tilespmem:s18+$0xFFFFFFD0]  }
0x43b: {  	v10 =	vld [tilespmem:s17+$0xFFFFFFE0];
	v9 =	vmul.f32 $2.000000030e-01, v5  }
0x43c: {  	v11 =	vld [tilespmem:s18+$0xFFFFFFE0];
	vm0 =	vge.f32 v5, $0.0e+00  }
0x43d: {  	v6 =	vld [tilespmem:s17+$0xFFFFFFD0];
	v5 =	vsel vm0, v5, v9  }
0x43e: {  	v12 =	vld [tilespmem:s18+$0xFFFFFFF0];
	v5 =	vsub.f32 v5, v4  }
0x43f: {  	v13 =	vld [tilespmem:s17+$0x0]  }
0x440: {  	v14 =	vld [tilespmem:s18+$0x0];
	v5 =	vmul.f32 $1.442695020e+00, v5  }
0x441: {  	v9 =	vld [tilespmem:s17+$0xFFFFFFF0]  }
0x442: {  	v6 =	vadd.f32 v8, v6;
	v8 =	vld [tilespmem:s17+$0xFFFFFFC0];
	(erf) = vpow2.f32 v5  }
0x443: {  	v10 =	vadd.f32 v11, v10;
	v11 =	vld [tilespmem:s18+$0x10]  }
0x444: {  	v15 =	vmul.f32 $2.000000030e-01, v6;
	v5 =	vld [tilespmem:s17+$0x10]  }
0x445: {  	v13 =	vadd.f32 v14, v13;
	vm15 =	vge.f32 v10, $0.0e+00;
	vm14 =	vge.f32 v6, $0.0e+00  }
0x446: {  	v9 =	vadd.f32 v12, v9;
	v12 =	vmul.f32 $2.000000030e-01, v10;
	v6 =	vsel vm14, v6, v15  }
0x447: {  	v14 =	vmul.f32 $2.000000030e-01, v13;
	v7 =	vadd.f32 v7, v8;
	v6 =	vsub.f32 v6, v4  }
0x448: {  	v16 =	vld [tilespmem:s18+$0x20];
	v15 =	vmul.f32 $2.000000030e-01, v9;
	v8 =	vsel vm15, v10, v12;
	vm4 =	vge.f32 v9, $0.0e+00  }
0x449: {  	v10 =	vld [tilespmem:s17+$0x20];
	v8 =	vsub.f32 v8, v4;
	v5 =	vadd.f32 v11, v5;
	v11 =	vmul.f32 $2.000000030e-01, v7  }
0x44a: {  	vm5 =	vge.f32 v7, $0.0e+00;
	v6 =	vmul.f32 $1.442695020e+00, v6;
	v9 =	vsel vm4, v9, v15  }
0x44b: {  	s19 =	simm.s32 $0x4460;
	v9 =	vsub.f32 v9, v4;
	v8 =	vmul.f32 $1.442695020e+00, v8;
	v7 =	vsel vm5, v7, v11;
	v12 =	vpop (erf)  }
0x44c: {  	s23 =	simm.s32 $0x2C20;
	(erf) = vpow2.f32 v6;
	v11 =	vmul.f32 $2.000000030e-01, v5;
	v7 =	vsub.f32 v7, v4;
	[tilespmem:s19+$0x30] =	vst v12  }
0x44d: {  	vm6 =	vge.f32 v13, $0.0e+00;
	v9 =	vmul.f32 $1.442695020e+00, v9;
	(erf) = vpow2.f32 v8;
	v15 =	vld [tilespmem:s23+$0xC0]  }
0x44e: {  	v8 =	vsel vm6, v13, v14;
	v6 =	vmul.f32 $1.442695020e+00, v7;
	v7 =	vadd.f32 v16, v10  }
0x44f: {  	vm1 =	vge.f32 v5, $0.0e+00;
	v8 =	vsub.f32 v8, v4;
	(erf) = vpow2.f32 v9  }
0x450: {  	v5 =	vsel vm1, v5, v11;
	(erf) = vpow2.f32 v6;
	v6 =	vmul.f32 $2.000000030e-01, v7  }
0x451: {  	v9 =	vperm.xlane v12, v0;
	v5 =	vsub.f32 v5, v4;
	vm7 =	vge.f32 v7, $0.0e+00  }
0x452: {  	v8 =	vmul.f32 $1.442695020e+00, v8;
	v6 =	vsel vm7, v7, v6;
	v10 =	vunpack.i.l.bf16.f32 v15  }
0x453: {  	v6 =	vsub.f32 v6, v4;
	v7 =	vunpack.i.u.bf16.f32 v15;
	v10 =	vmul.f32 v9, v10  }
0x454: {  	s15 =	simm.s32 $0x7320;
	(erf) = vpow2.f32 v8;
	v7 =	vmul.f32 v9, v7  }
0x455: {  	v8 =	vmul.f32 $1.442695020e+00, v5;
	[tilespmem:s15+$0x180] =	vst v10  }
0x456: {  	v5 =	vpop (erf);
	v9 =	vmul.f32 $1.442695020e+00, v6;
	[tilespmem:s15+$0x190] =	vst v7  }
0x457: {  	(erf) = vpow2.f32 v8;
	v6 =	vpop (erf);
	v10 =	vld [tilespmem:s23+$0xD0]  }
0x458: {  	(erf) = vpow2.f32 v9;
	v7 =	vpop (erf)  }
0x459: {  	v13 =	vpop (erf)  }
0x45a: {  	[tilespmem:s19+$0xFFFFFFC0] =	vst v13  }
0x45b: {  	v11 =	vperm.xlane v12, v1;
	[tilespmem:s19+$0xFFFFFFD0] =	vst v5;
	v9 =	vld [tilespmem:s23+$0xFFFFFF00]  }
0x45c: {  	[tilespmem:s19+$0xFFFFFFE0] =	vst v6;
	v14 =	vunpack.i.l.bf16.f32 v10;
	v10 =	vunpack.i.u.bf16.f32 v10  }
0x45d: {  	v15 =	vld [tilespmem:s23+$0xFFFFFF40];
	[tilespmem:s19+$0xFFFFFFF0] =	vst v7;
	v8 =	vpop (erf);
	v14 =	vmul.f32 v11, v14;
	v11 =	vmul.f32 v11, v10  }
0x45e: {  	[tilespmem:s19+$0x0] =	vst v8  }
0x45f: {  	v16 =	vld [tilespmem:s23+$0xFFFFFF80];
	v17 =	vperm.xlane v13, v0;
	[tilespmem:s15+$0x1A0] =	vst v14  }
0x460: {  	v10 =	vpop (erf);
	[tilespmem:s15+$0x1B0] =	vst v11;
	v14 =	vunpack.i.l.bf16.f32 v9  }
0x461: {  	v18 =	vperm.xlane v5, v0;
	[tilespmem:s19+$0x10] =	vst v10;
	v9 =	vunpack.i.u.bf16.f32 v9;
	v19 =	vld [tilespmem:s23+$0xE0];
	v11 =	vpop (erf);
	v14 =	vmul.f32 v17, v14  }
0x462: {  	v20 =	vunpack.i.l.bf16.f32 v15;
	v9 =	vmul.f32 v17, v9;
	[tilespmem:s19+$0x20] =	vst v11  }
0x463: {  	s22 =	simm.s32 $0x8E0;
	v15 =	vunpack.i.u.bf16.f32 v15;
	v21 =	vld [tilespmem:s23+$0xFFFFFFC0];
	v17 =	vperm.xlane v6, v0;
	[tilespmem:s15+$0xFFFFFE00] =	vst v14;
	v14 =	vmul.f32 v18, v20  }
0x464: {  	v62 =	vld [tilespmem:s22+$0x0];
	v20 =	vunpack.i.l.bf16.f32 v16;
	[tilespmem:s15+$0xFFFFFE10] =	vst v9;
	v9 =	vmul.f32 v18, v15  }
0x465: {  	s17 =	simm.s32 $0x12E0;
	v15 =	vld [tilespmem:s23+$0x0];
	v16 =	vunpack.i.u.bf16.f32 v16;
	v18 =	vmul.f32 v17, v20;
	[tilespmem:s15+$0xFFFFFE80] =	vst v14;
	v14 =	vperm.xlane v12, v2  }
0x466: {  	v63 =	vld [tilespmem:s17+$0x0];
	v16 =	vmul.f32 v17, v16;
	[tilespmem:s15+$0xFFFFFE90] =	vst v9;
	v9 =	vunpack.i.l.bf16.f32 v19  }
0x467: {  	v17 =	vperm.xlane v7, v0;
	v20 =	vld [tilespmem:s23+$0x40];
	[tilespmem:s15+$0xFFFFFF00] =	vst v18;
	v18 =	vunpack.i.u.bf16.f32 v19;
	v9 =	vmul.f32 v14, v9  }
0x468: {  	v19 =	vunpack.i.l.bf16.f32 v21;
	[tilespmem:s15+$0xFFFFFF10] =	vst v16;
	v14 =	vmul.f32 v14, v18  }
0x469: {  	v16 =	vperm.xlane v8, v0;
	v21 =	vunpack.i.u.bf16.f32 v21;
	v18 =	vld [tilespmem:s23+$0x80];
	v19 =	vmul.f32 v17, v19;
	[tilespmem:s15+$0x1C0] =	vst v9  }
0x46a: {  	v17 =	vmul.f32 v17, v21;
	v9 =	vunpack.i.l.bf16.f32 v15;
	[tilespmem:s15+$0x1D0] =	vst v14  }
0x46b: {  	v21 =	vld [tilespmem:s23+$0xFFFFFF10];
	v14 =	vperm.xlane v10, v0;
	v15 =	vunpack.i.u.bf16.f32 v15;
	[tilespmem:s15+$0xFFFFFF80] =	vst v19;
	v9 =	vmul.f32 v16, v9  }
0x46c: {  	v37 =	vadd.f32 v63, v62;
	v19 =	vunpack.i.l.bf16.f32 v20;
	[tilespmem:s15+$0xFFFFFF90] =	vst v17;
	v15 =	vmul.f32 v16, v15  }
0x46d: {  	v17 =	vunpack.i.u.bf16.f32 v20;
	v20 =	vld [tilespmem:s23+$0xFFFFFF50];
	v16 =	vperm.xlane v11, v0;
	v19 =	vmul.f32 v14, v19;
	[tilespmem:s15+$0x0] =	vst v9  }
0x46e: {  	v48 =	vld [tilespmem:s22+$0xFFFFFFC0];
	v23 =	vperm.xlane v7, v1;
	v14 =	vmul.f32 v14, v17;
	v9 =	vunpack.i.l.bf16.f32 v18;
	[tilespmem:s15+$0x10] =	vst v15  }
0x46f: {  	v52 =	vld [tilespmem:s17+$0xFFFFFFC0];
	v15 =	vperm.xlane v13, v1;
	v17 =	vunpack.i.u.bf16.f32 v18;
	v9 =	vmul.f32 v16, v9;
	[tilespmem:s15+$0x80] =	vst v19  }
0x470: {  	v12 =	vperm.xlane v12, v3;
	v18 =	vld [tilespmem:s23+$0xFFFFFF90];
	v16 =	vmul.f32 v16, v17;
	v17 =	vunpack.i.l.bf16.f32 v21;
	[tilespmem:s15+$0x90] =	vst v14  }
0x471: {  	v22 =	vld [tilespmem:s23+$0xFFFFFFD0];
	v19 =	vperm.xlane v5, v1;
	v21 =	vunpack.i.u.bf16.f32 v21;
	v17 =	vmul.f32 v15, v17;
	[tilespmem:s15+$0x100] =	vst v9  }
0x472: {  	v14 =	vperm.xlane v6, v1;
	v24 =	vunpack.i.l.bf16.f32 v20;
	v15 =	vmul.f32 v15, v21;
	[tilespmem:s15+$0x110] =	vst v16  }
0x473: {  	v20 =	vunpack.i.u.bf16.f32 v20;
	v9 =	vld [tilespmem:s23+$0xF0];
	v16 =	vperm.xlane v8, v1;
	v21 =	vmul.f32 v19, v24;
	[tilespmem:s15+$0xFFFFFE20] =	vst v17  }
0x474: {  	v32 =	vadd.f32 v52, v48;
	v24 =	vld [tilespmem:s23+$0x10];
	v19 =	vmul.f32 v19, v20;
	v17 =	vperm.xlane v10, v1;
	[tilespmem:s15+$0xFFFFFE30] =	vst v15  }
0x475: {  	v15 =	vperm.xlane v11, v1;
	v20 =	vunpack.i.l.bf16.f32 v18;
	v18 =	vunpack.i.u.bf16.f32 v18;
	[tilespmem:s15+$0xFFFFFEA0] =	vst v21  }
0x476: {  	v25 =	vld [tilespmem:s23+$0x50];
	[tilespmem:s15+$0xFFFFFEB0] =	vst v19;
	v19 =	vperm.xlane v13, v2;
	v21 =	vunpack.i.u.bf16.f32 v22;
	v20 =	vmul.f32 v14, v20  }
0x477: {  	v13 =	vperm.xlane v13, v3;
	v14 =	vmul.f32 v14, v18;
	v18 =	vunpack.i.l.bf16.f32 v22  }
0x478: {  	vm12 =	vge.f32 v37, $0.0e+00;
	v22 =	vld [tilespmem:s23+$0x90];
	v21 =	vmul.f32 v23, v21;
	v18 =	vmul.f32 v23, v18;
	[tilespmem:s15+$0xFFFFFF20] =	vst v20  }
0x479: {  	v20 =	vunpack.i.u.bf16.f32 v9;
	v23 =	vunpack.i.l.bf16.f32 v24;
	[tilespmem:s15+$0xFFFFFF30] =	vst v14;
	v14 =	vperm.xlane v5, v2  }
0x47a: {  	v26 =	vld [tilespmem:s23+$0xFFFFFF20];
	v24 =	vunpack.i.u.bf16.f32 v24;
	[tilespmem:s15+$0xFFFFFFB0] =	vst v21;
	v21 =	vperm.xlane v6, v2;
	v23 =	vmul.f32 v16, v23  }
0x47b: {  	[tilespmem:s15+$0xFFFFFFA0] =	vst v18;
	v18 =	vmul.f32 v12, v20;
	v16 =	vmul.f32 v16, v24;
	v20 =	vunpack.i.l.bf16.f32 v25  }
0x47c: {  	v5 =	vperm.xlane v5, v3;
	v24 =	vld [tilespmem:s23+$0xFFFFFF60];
	v25 =	vunpack.i.u.bf16.f32 v25;
	v20 =	vmul.f32 v17, v20;
	[tilespmem:s15+$0x20] =	vst v23  }
0x47d: {  	v6 =	vperm.xlane v6, v3;
	v27 =	vld [tilespmem:s23+$0xFFFFFFA0];
	v17 =	vmul.f32 v17, v25;
	v25 =	vunpack.i.l.bf16.f32 v22;
	[tilespmem:s15+$0x30] =	vst v16  }
0x47e: {  	v28 =	vld [tilespmem:s23+$0xFFFFFFE0];
	v23 =	vperm.xlane v7, v2;
	v22 =	vunpack.i.u.bf16.f32 v22;
	v25 =	vmul.f32 v15, v25;
	[tilespmem:s15+$0xA0] =	vst v20  }
0x47f: {  	v30 =	vunpack.i.u.bf16.f32 v26;
	v16 =	vperm.xlane v8, v2;
	v15 =	vmul.f32 v15, v22;
	[tilespmem:s15+$0xB0] =	vst v17;
	v17 =	vld [tilespmem:s22+$0x30]  }
0x480: {  	v26 =	vunpack.i.l.bf16.f32 v26;
	v8 =	vperm.xlane v8, v3;
	v20 =	vperm.xlane v10, v2;
	[tilespmem:s15+$0x120] =	vst v25;
	v25 =	vld [tilespmem:s17+$0x30]  }
0x481: {  	vm14 =	vge.f32 v32, $0.0e+00;
	v29 =	vld [tilespmem:s23+$0x20];
	v22 =	vperm.xlane v11, v2;
	[tilespmem:s15+$0x130] =	vst v15;
	v15 =	vmul.f32 v19, v26  }
0x482: {  	v19 =	vmul.f32 v19, v30;
	v30 =	vunpack.i.u.bf16.f32 v24;
	v24 =	vunpack.i.l.bf16.f32 v24  }
0x483: {  	v10 =	vperm.xlane v10, v3;
	v31 =	vld [tilespmem:s23+$0x60];
	v53 =	vunpack.i.u.bf16.f32 v27;
	v24 =	vmul.f32 v14, v24  }
0x484: {  	v54 =	vld [tilespmem:s17+$0xFFFFFFD0];
	v14 =	vmul.f32 v14, v30;
	v55 =	vunpack.i.u.bf16.f32 v28;
	v28 =	vunpack.i.l.bf16.f32 v28  }
0x485: {  	v30 =	vld [tilespmem:s22+$0xFFFFFFD0];
	v28 =	vmul.f32 v23, v28;
	v23 =	vmul.f32 v23, v55;
	v17 =	vadd.f32 v25, v17  }
0x486: {  	v56 =	vld [tilespmem:s17+$0xFFFFFFE0];
	[tilespmem:s15+$0xFFFFFE50] =	vst v19;
	v19 =	vmul.f32 $2.000000030e-01, v37;
	v59 =	vunpack.i.u.bf16.f32 v29;
	v29 =	vunpack.i.l.bf16.f32 v29  }
0x487: {  	v27 =	vunpack.i.l.bf16.f32 v27;
	v26 =	vld [tilespmem:s23+$0xA0];
	v29 =	vmul.f32 v16, v29;
	v57 =	vmul.f32 $2.000000030e-01, v17  }
0x488: {  	v61 =	vunpack.i.l.bf16.f32 v31;
	v25 =	vmul.f32 v21, v27;
	v27 =	vld [tilespmem:s22+$0xFFFFFFE0];
	vm8 =	vge.f32 v17, $0.0e+00  }
0x489: {  	v58 =	vld [tilespmem:s22+$0xFFFFFFF0];
	v16 =	vmul.f32 v16, v59;
	v31 =	vunpack.i.u.bf16.f32 v31;
	v17 =	vsel vm8, v17, v57  }
0x48a: {  	v60 =	vld [tilespmem:s17+$0xFFFFFFF0];
	v19 =	vsel vm12, v37, v19;
	v30 =	vadd.f32 v54, v30;
	v17 =	vsub.f32 v17, v4  }
0x48b: {  	v36 =	vmul.f32 v20, v61;
	v20 =	vmul.f32 v20, v31;
	v19 =	vsub.f32 v19, v4  }
0x48c: {  	v45 =	vld [tilespmem:s22+$0x10];
	v44 =	vunpack.i.l.bf16.f32 v26;
	v47 =	vmul.f32 $2.000000030e-01, v30;
	v17 =	vmul.f32 $1.442695020e+00, v17  }
0x48d: {  	v46 =	vld [tilespmem:s17+$0x10];
	v26 =	vunpack.i.u.bf16.f32 v26;
	vm9 =	vge.f32 v30, $0.0e+00;
	v27 =	vadd.f32 v56, v27  }
0x48e: {  	v50 =	vld [tilespmem:s17+$0x20];
	v31 =	vmul.f32 v22, v44;
	v30 =	vsel vm9, v30, v47;
	(erf) = vpow2.f32 v17  }
0x48f: {  	[tilespmem:s15+$0x1F0] =	vst v18;
	v49 =	vmul.f32 $2.000000030e-01, v27;
	v17 =	vmul.f32 v22, v26;
	v22 =	vadd.f32 v60, v58;
	v26 =	vld [tilespmem:s22+$0x20]  }
0x490: {  	[tilespmem:s15+$0xFFFFFE40] =	vst v15;
	v21 =	vmul.f32 v21, v53;
	v30 =	vsub.f32 v30, v4;
	vm10 =	vge.f32 v27, $0.0e+00  }
0x491: {  	[tilespmem:s15+$0x50] =	vst v16;
	v16 =	vmul.f32 $1.442695020e+00, v19;
	v15 =	vsel vm10, v27, v49;
	v18 =	vmul.f32 $2.000000030e-01, v22  }
0x492: {  	[tilespmem:s15+$0xFFFFFEC0] =	vst v24;
	v24 =	vmul.f32 $1.442695020e+00, v30;
	v30 =	vsub.f32 v15, v4;
	vm11 =	vge.f32 v22, $0.0e+00  }
0x493: {  	[tilespmem:s15+$0xFFFFFED0] =	vst v14;
	v27 =	vadd.f32 v46, v45;
	v15 =	vsel vm11, v22, v18;
	v18 =	vmul.f32 $2.000000030e-01, v32  }
0x494: {  	[tilespmem:s15+$0xFFFFFFC0] =	vst v28;
	(erf) = vpow2.f32 v24;
	v14 =	vadd.f32 v50, v26;
	v26 =	vmul.f32 $1.442695020e+00, v30  }
0x495: {  	[tilespmem:s15+$0xFFFFFF50] =	vst v21;
	v22 =	vmul.f32 $2.000000030e-01, v27;
	v21 =	vsub.f32 v15, v4;
	v18 =	vsel vm14, v32, v18  }
0x496: {  	[tilespmem:s15+$0xFFFFFF40] =	vst v25;
	vm13 =	vge.f32 v27, $0.0e+00;
	v18 =	vsub.f32 v18, v4;
	(erf) = vpow2.f32 v26  }
0x497: {  	[tilespmem:s15+$0xD0] =	vst v20;
	s22 =	simm.s32 $0x44E0;
	v22 =	vsel vm13, v27, v22;
	v25 =	vmul.f32 $2.000000030e-01, v14;
	v21 =	vmul.f32 $1.442695020e+00, v21;
	v15 =	vpop (erf)  }
0x498: {  	s18 =	simm.s32 $0x2E20;
	v20 =	vld [tilespmem:s23+$0xFFFFFF30];
	vm15 =	vge.f32 v14, $0.0e+00;
	v22 =	vsub.f32 v22, v4;
	v18 =	vmul.f32 $1.442695020e+00, v18;
	[tilespmem:s22+$0x30] =	vst v15  }
0x499: {  	[tilespmem:s15+$0xFFFFFFD0] =	vst v23;
	(erf) = vpow2.f32 v21;
	v21 =	vunpack.i.l.bf16.f32 v9;
	v9 =	vperm.xlane v7, v3;
	v27 =	vld [tilespmem:s18+$0xC0]  }
0x49a: {  	[tilespmem:s15+$0x40] =	vst v29;
	v14 =	vsel vm15, v14, v25;
	v7 =	vperm.xlane v11, v3;
	v19 =	vperm.xlane v15, v0  }
0x49b: {  	[tilespmem:s15+$0xC0] =	vst v36;
	v14 =	vsub.f32 v14, v4;
	(erf) = vpow2.f32 v18;
	v18 =	vmul.f32 $1.442695020e+00, v22  }
0x49c: {  	[tilespmem:s15+$0x140] =	vst v31;
	v12 =	vmul.f32 v12, v21;
	(erf) = vpow2.f32 v16  }
0x49d: {  	[tilespmem:s15+$0x150] =	vst v17;
	v14 =	vmul.f32 $1.442695020e+00, v14;
	(erf) = vpow2.f32 v18  }
0x49e: {  	v11 =	vunpack.i.u.bf16.f32 v20;
	v21 =	vpop (erf);
	[tilespmem:s15+$0x1E0] =	vst v12;
	v12 =	vunpack.i.l.bf16.f32 v20;
	v16 =	vunpack.i.l.bf16.f32 v27  }
0x49f: {  	[tilespmem:s22+$0xFFFFFFD0] =	vst v21;
	(erf) = vpow2.f32 v14;
	v18 =	vunpack.i.u.bf16.f32 v27;
	v20 =	vpop (erf);
	v16 =	vmul.f32 v19, v16  }
0x4a0: {  	s19 =	simm.s32 $0x7720;
	v25 =	vperm.xlane v21, v0;
	v14 =	vmul.f32 v19, v18;
	[tilespmem:s22+$0xFFFFFFE0] =	vst v20  }
0x4a1: {  	v28 =	vperm.xlane v21, v1;
	v29 =	vld [tilespmem:s18+$0xFFFFFF40];
	v18 =	vmul.f32 v13, v12;
	[tilespmem:s19+$0x180] =	vst v16  }
0x4a2: {  	v19 =	vmul.f32 v13, v11;
	v30 =	vperm.xlane v20, v0;
	v23 =	vpop (erf);
	v54 =	vld [tilespmem:s18+$0xFFFFFF80];
	[tilespmem:s19+$0x190] =	vst v14  }
0x4a3: {  	v31 =	vperm.xlane v20, v1;
	v12 =	vperm.xlane v15, v1;
	[tilespmem:s22+$0xFFFFFFF0] =	vst v23  }
0x4a4: {  	v51 =	vperm.xlane v23, v0;
	v34 =	vperm.xlane v23, v1;
	[tilespmem:s15+$0xFFFFFE60] =	vst v18;
	v17 =	vld [tilespmem:s18+$0xD0];
	v24 =	vpop (erf)  }
0x4a5: {  	v16 =	vld [tilespmem:s23+$0xFFFFFF70];
	v47 =	vperm.xlane v23, v2;
	[tilespmem:s22+$0xFFFFFFC0] =	vst v24;
	v26 =	vpop (erf);
	v53 =	vperm.xlane v24, v0  }
0x4a6: {  	v61 =	vunpack.i.u.bf16.f32 v29;
	[tilespmem:s15+$0xFFFFFE70] =	vst v19;
	v37 =	vperm.xlane v24, v1;
	v52 =	vld [tilespmem:s18+$0xFFFFFF00];
	v27 =	vpop (erf);
	v56 =	vperm.xlane v26, v0  }
0x4a7: {  	[tilespmem:s22+$0x0] =	vst v26;
	v41 =	vperm.xlane v26, v1;
	v58 =	vperm.xlane v27, v0;
	v36 =	vunpack.i.l.bf16.f32 v54  }
0x4a8: {  	v22 =	vld [tilespmem:s23+$0xFFFFFFB0];
	[tilespmem:s22+$0x10] =	vst v27;
	v14 =	vpop (erf);
	v63 =	vunpack.i.u.bf16.f32 v54;
	v39 =	vperm.xlane v27, v1;
	v36 =	vmul.f32 v30, v36  }
0x4a9: {  	v57 =	vld [tilespmem:s18+$0x0];
	[tilespmem:s22+$0x20] =	vst v14;
	v30 =	vmul.f32 v30, v63;
	v13 =	vunpack.i.l.bf16.f32 v17;
	v17 =	vunpack.i.u.bf16.f32 v17  }
0x4aa: {  	v11 =	vunpack.i.u.bf16.f32 v16;
	v60 =	vperm.xlane v14, v0;
	v17 =	vmul.f32 v12, v17;
	[tilespmem:s19+$0xFFFFFF00] =	vst v36  }
0x4ab: {  	v59 =	vld [tilespmem:s18+$0x40];
	v55 =	vmul.f32 v12, v13;
	v13 =	vunpack.i.l.bf16.f32 v16;
	[tilespmem:s19+$0xFFFFFF10] =	vst v30;
	v45 =	vunpack.i.l.bf16.f32 v52  }
0x4ac: {  	v16 =	vld [tilespmem:s18+$0xFFFFFFC0];
	v18 =	vunpack.i.u.bf16.f32 v52;
	[tilespmem:s19+$0x1B0] =	vst v17;
	v17 =	vunpack.i.l.bf16.f32 v29;
	v29 =	vmul.f32 v53, v45  }
0x4ad: {  	v42 =	vperm.xlane v14, v1;
	[tilespmem:s19+$0x1A0] =	vst v55;
	v18 =	vmul.f32 v53, v18  }
0x4ae: {  	v12 =	vunpack.i.u.bf16.f32 v22;
	v40 =	vunpack.i.l.bf16.f32 v57;
	v62 =	vld [tilespmem:s18+$0xE0];
	v17 =	vmul.f32 v25, v17;
	[tilespmem:s19+$0xFFFFFE00] =	vst v29  }
0x4af: {  	v48 =	vunpack.i.u.bf16.f32 v57;
	v45 =	vperm.xlane v20, v2;
	v53 =	vmul.f32 v56, v40;
	[tilespmem:s19+$0xFFFFFE10] =	vst v18  }
0x4b0: {  	v54 =	vmul.f32 v56, v48;
	v29 =	vld [tilespmem:s18+$0x80];
	v18 =	vmul.f32 v25, v61;
	v25 =	vunpack.i.u.bf16.f32 v59;
	[tilespmem:s19+$0xFFFFFE80] =	vst v17  }
0x4b1: {  	v19 =	vunpack.i.u.bf16.f32 v16;
	v16 =	vunpack.i.l.bf16.f32 v16;
	v17 =	vperm.xlane v15, v2;
	v49 =	vld [tilespmem:s18+$0xFFFFFF10];
	[tilespmem:s19+$0x0] =	vst v53  }
0x4b2: {  	[tilespmem:s19+$0x10] =	vst v54;
	v16 =	vmul.f32 v51, v16;
	v19 =	vmul.f32 v51, v19;
	v51 =	vunpack.i.l.bf16.f32 v59  }
0x4b3: {  	v55 =	vld [tilespmem:s18+$0xFFFFFF90];
	v61 =	vperm.xlane v24, v2;
	[tilespmem:s19+$0xFFFFFE90] =	vst v18;
	v33 =	vmul.f32 v58, v51;
	v18 =	vunpack.i.l.bf16.f32 v62  }
0x4b4: {  	v24 =	vperm.xlane v24, v3;
	v52 =	vld [tilespmem:s18+$0xFFFFFF50];
	v50 =	vunpack.i.u.bf16.f32 v62;
	[tilespmem:s19+$0xFFFFFF80] =	vst v16;
	v18 =	vmul.f32 v17, v18  }
0x4b5: {  	v17 =	vmul.f32 v17, v50;
	v30 =	vunpack.i.l.bf16.f32 v29;
	[tilespmem:s19+$0x80] =	vst v33;
	v33 =	vperm.xlane v27, v2  }
0x4b6: {  	[tilespmem:s19+$0xFFFFFF90] =	vst v19;
	v27 =	vperm.xlane v27, v3;
	v30 =	vmul.f32 v60, v30;
	v16 =	vunpack.i.u.bf16.f32 v49  }
0x4b7: {  	v32 =	vld [tilespmem:s18+$0x10];
	[tilespmem:s19+$0x1C0] =	vst v18;
	v18 =	vunpack.i.u.bf16.f32 v29;
	v29 =	vmul.f32 v58, v25;
	v56 =	vmul.f32 v37, v16  }
0x4b8: {  	v57 =	vld [tilespmem:s18+$0xFFFFFFD0];
	[tilespmem:s19+$0x1D0] =	vst v17;
	v16 =	vunpack.i.l.bf16.f32 v55;
	v17 =	vmul.f32 v60, v18;
	v18 =	vunpack.i.l.bf16.f32 v49  }
0x4b9: {  	v40 =	vld [tilespmem:s18+$0xF0];
	v19 =	vunpack.i.u.bf16.f32 v52;
	v25 =	vunpack.i.l.bf16.f32 v52;
	v60 =	vmul.f32 v31, v16;
	[tilespmem:s19+$0x100] =	vst v30  }
0x4ba: {  	v58 =	vld [tilespmem:s23+$0xFFFFFFF0];
	v16 =	vunpack.i.l.bf16.f32 v22;
	v18 =	vmul.f32 v37, v18;
	v59 =	vmul.f32 v28, v25;
	[tilespmem:s19+$0x90] =	vst v29  }
0x4bb: {  	v19 =	vmul.f32 v28, v19;
	v28 =	vunpack.i.u.bf16.f32 v55;
	v25 =	vperm.xlane v15, v3;
	[tilespmem:s19+$0xFFFFFE30] =	vst v56;
	v22 =	vld [tilespmem:s18+$0x50]  }
0x4bc: {  	v29 =	vperm.xlane v21, v2;
	v28 =	vmul.f32 v31, v28;
	v31 =	vld [tilespmem:s23+$0x30];
	[tilespmem:s19+$0x110] =	vst v17  }
0x4bd: {  	v62 =	vunpack.i.u.bf16.f32 v57;
	v37 =	vunpack.i.l.bf16.f32 v57;
	v17 =	vunpack.i.u.bf16.f32 v32;
	[tilespmem:s19+$0xFFFFFF20] =	vst v60;
	v63 =	vld [tilespmem:s18+$0x90]  }
0x4be: {  	v37 =	vmul.f32 v34, v37;
	v46 =	vmul.f32 v34, v62;
	[tilespmem:s19+$0xFFFFFE20] =	vst v18;
	v15 =	vunpack.i.u.bf16.f32 v40  }
0x4bf: {  	v48 =	vld [tilespmem:s23+$0x70];
	v52 =	vmul.f32 v41, v17;
	[tilespmem:s19+$0xFFFFFEA0] =	vst v59;
	v18 =	vunpack.i.l.bf16.f32 v58;
	v30 =	vmul.f32 v25, v15  }
0x4c0: {  	[tilespmem:s19+$0xFFFFFEB0] =	vst v19;
	v53 =	vld [tilespmem:s18+$0xFFFFFF20];
	v15 =	vunpack.i.u.bf16.f32 v58;
	v54 =	vunpack.i.u.bf16.f32 v22;
	v22 =	vunpack.i.l.bf16.f32 v22  }
0x4c1: {  	v43 =	vld [tilespmem:s18+$0xFFFFFF60];
	v17 =	vunpack.i.u.bf16.f32 v31;
	[tilespmem:s19+$0x1F0] =	vst v30;
	v30 =	vunpack.i.l.bf16.f32 v32;
	v32 =	vperm.xlane v26, v2  }
0x4c2: {  	[tilespmem:s19+$0xFFFFFF30] =	vst v28;
	v55 =	vmul.f32 v39, v22;
	v39 =	vmul.f32 v39, v54;
	v19 =	vunpack.i.u.bf16.f32 v63  }
0x4c3: {  	v28 =	vld [tilespmem:s18+$0xFFFFFFA0];
	v34 =	vunpack.i.l.bf16.f32 v63;
	v22 =	vunpack.i.l.bf16.f32 v31;
	v31 =	vperm.xlane v21, v3  }
0x4c4: {  	v49 =	vld [tilespmem:s23+$0xB0];
	[tilespmem:s19+$0xFFFFFFA0] =	vst v37;
	v21 =	vunpack.i.l.bf16.f32 v48;
	v30 =	vmul.f32 v41, v30;
	v50 =	vmul.f32 v42, v34  }
0x4c5: {  	[tilespmem:s19+$0xFFFFFFB0] =	vst v46;
	v42 =	vmul.f32 v42, v19;
	v19 =	vunpack.i.u.bf16.f32 v48;
	v34 =	vperm.xlane v14, v2  }
0x4c6: {  	[tilespmem:s19+$0x30] =	vst v52;
	v46 =	vld [tilespmem:s18+$0xFFFFFFE0];
	v56 =	vunpack.i.u.bf16.f32 v53;
	v57 =	vunpack.i.l.bf16.f32 v53;
	v58 =	vunpack.i.u.bf16.f32 v43  }
0x4c7: {  	v59 =	vunpack.i.l.bf16.f32 v43;
	v38 =	vmul.f32 v61, v57;
	v44 =	vmul.f32 v61, v56;
	[tilespmem:s19+$0x20] =	vst v30  }
0x4c8: {  	v36 =	vmul.f32 v29, v59;
	v35 =	vmul.f32 v29, v58;
	[tilespmem:s19+$0xA0] =	vst v55;
	v29 =	vunpack.i.u.bf16.f32 v28;
	v60 =	vld [tilespmem:s18+$0x20]  }
0x4c9: {  	v61 =	vunpack.i.l.bf16.f32 v28;
	v28 =	vperm.xlane v23, v3;
	[tilespmem:s19+$0xB0] =	vst v39;
	v23 =	vunpack.i.l.bf16.f32 v49  }
0x4ca: {  	v30 =	vperm.xlane v20, v3;
	v20 =	vunpack.i.u.bf16.f32 v49;
	v39 =	vmul.f32 v45, v61;
	[tilespmem:s19+$0x130] =	vst v42;
	v42 =	vld [tilespmem:s18+$0x60]  }
0x4cb: {  	v37 =	vmul.f32 v45, v29;
	[tilespmem:s19+$0x120] =	vst v50;
	v62 =	vunpack.i.u.bf16.f32 v46;
	v63 =	vunpack.i.l.bf16.f32 v46  }
0x4cc: {  	v29 =	vperm.xlane v26, v3;
	v26 =	vunpack.i.l.bf16.f32 v40;
	[tilespmem:s19+$0xFFFFFE40] =	vst v38;
	v41 =	vmul.f32 v47, v63;
	v40 =	vld [tilespmem:s18+$0xA0]  }
0x4cd: {  	s8 =	simm.s32 $0x960;
	s23 =	simm.s32 $0x8;
	v38 =	vmul.f32 v47, v62;
	[tilespmem:s19+$0xFFFFFE50] =	vst v44;
	v43 =	vunpack.i.u.bf16.f32 v60;
	v44 =	vunpack.i.l.bf16.f32 v60  }
.LBB2_9:
0x4ce: {  	v45 =	vld [tilespmem:s8+$0x30];
	[tilespmem:s19+$0xFFFFFEC0] =	vst v36;
	v36 =	vmul.f32 v32, v44;
	v32 =	vmul.f32 v32, v43;
	s17 =	sadd.s32 $0x80, s17  }
0x4cf: {  	v14 =	vperm.xlane v14, v3;
	v43 =	vld [tilespmem:s17+$0x30];
	[tilespmem:s19+$0xFFFFFED0] =	vst v35;
	v35 =	vunpack.i.u.bf16.f32 v42;
	v42 =	vunpack.i.l.bf16.f32 v42  }
0x4d0: {  	v44 =	vld [tilespmem:s17+$0xFFFFFFC0];
	[tilespmem:s19+$0xFFFFFF40] =	vst v39;
	v39 =	vmul.f32 v33, v42;
	v33 =	vmul.f32 v33, v35  }
0x4d1: {  	v13 =	vmul.f32 v5, v13;
	v35 =	vld [tilespmem:s8+$0xFFFFFFD0];
	[tilespmem:s19+$0xFFFFFF50] =	vst v37;
	v37 =	vunpack.i.u.bf16.f32 v40;
	v40 =	vunpack.i.l.bf16.f32 v40  }
0x4d2: {  	s23 =	sadd.s32 $0x8, s23;
	v42 =	vld [tilespmem:s17+$0xFFFFFFD0];
	[tilespmem:s19+$0xFFFFFFC0] =	vst v41;
	v40 =	vmul.f32 v34, v40;
	v34 =	vmul.f32 v34, v37  }
0x4d3: {  	v11 =	vmul.f32 v5, v11;
	v16 =	vmul.f32 v6, v16;
	v5 =	vmov v31;
	p1 =	slt.u32 s23, $0x48;
	v37 =	vld [tilespmem:s8+$0xFFFFFFE0];
	[tilespmem:s19+$0xFFFFFFD0] =	vst v38  }
0x4d4: {  	v12 =	vmul.f32 v6, v12;
	v18 =	vmul.f32 v9, v18;
	v31 =	vld [tilespmem:s17+$0xFFFFFFE0];
	v38 =	vadd.f32 v43, v45;
	[tilespmem:s19+$0x40] =	vst v36  }
0x4d5: {  	v15 =	vmul.f32 v9, v15;
	v22 =	vmul.f32 v8, v22;
	v6 =	vmovc v30;
	v9 =	vmov v28;
	v36 =	vld [tilespmem:s8+$0xFFFFFFF0];
	[tilespmem:s19+$0x50] =	vst v32  }
0x4d6: {  	v17 =	vmul.f32 v8, v17;
	v8 =	vmov v29;
	v28 =	vld [tilespmem:s17+$0xFFFFFFF0];
	v30 =	vmul.f32 $2.000000030e-01, v38;
	[tilespmem:s19+$0xC0] =	vst v39  }
0x4d7: {  	v21 =	vmul.f32 v10, v21;
	vm0 =	vge.f32 v38, $0.0e+00;
	v29 =	vadd.f32 v42, v35;
	v32 =	vld [tilespmem:s8+$0x0];
	[tilespmem:s19+$0xD0] =	vst v33  }
0x4d8: {  	v19 =	vmul.f32 v10, v19;
	v23 =	vmul.f32 v7, v23;
	v33 =	vld [tilespmem:s17+$0x0];
	v30 =	vsel vm0, v38, v30;
	[tilespmem:s19+$0x140] =	vst v40  }
0x4d9: {  	v10 =	vmovc v27;
	v35 =	vmul.f32 $2.000000030e-01, v29;
	v31 =	vadd.f32 v31, v37;
	v37 =	vld [tilespmem:s8+$0x10];
	v30 =	vsub.f32 v30, v4;
	[tilespmem:s19+$0x150] =	vst v34  }
0x4da: {  	v26 =	vmul.f32 v25, v26;
	vm0 =	vge.f32 v29, $0.0e+00;
	v27 =	vld [tilespmem:s17+$0x10];
	[tilespmem:s15+$0xFFFFFEE0] =	vst v13;
	v13 =	vmul.f32 v7, v20;
	v7 =	vmovc v14  }
0x4db: {  	v14 =	vmul.f32 $2.000000030e-01, v31;
	v20 =	vadd.f32 v28, v36;
	v25 =	vld [tilespmem:s8+$0x20];
	v28 =	vmul.f32 $1.442695020e+00, v30;
	[tilespmem:s15+$0xFFFFFEF0] =	vst v11  }
0x4dc: {  	v11 =	vsel vm0, v29, v35;
	vm0 =	vge.f32 v31, $0.0e+00;
	v29 =	vld [tilespmem:s17+$0x20];
	[tilespmem:s15+$0xFFFFFF60] =	vst v16  }
0x4dd: {  	v16 =	vld [tilespmem:s8+$0xFFFFFFC0];
	v30 =	vmul.f32 $2.000000030e-01, v20;
	v32 =	vadd.f32 v33, v32;
	(erf) = vpow2.f32 v28;
	[tilespmem:s15+$0xFFFFFF70] =	vst v12  }
0x4de: {  	v11 =	vsub.f32 v11, v4;
	v12 =	vsel vm0, v31, v14;
	vm0 =	vge.f32 v20, $0.0e+00;
	v14 =	vld [tilespmem:s18+$0xFFFFFF30];
	[tilespmem:s15+$0xFFFFFFE0] =	vst v18  }
0x4df: {  	vm1 =	vge.f32 v32, $0.0e+00;
	v18 =	vmul.f32 $2.000000030e-01, v32;
	v27 =	vadd.f32 v27, v37;
	v28 =	vld [tilespmem:s18+$0xFFFFFF70];
	[tilespmem:s15+$0xFFFFFFF0] =	vst v15  }
0x4e0: {  	v11 =	vmul.f32 $1.442695020e+00, v11;
	v12 =	vsub.f32 v12, v4;
	v15 =	vsel vm0, v20, v30;
	v20 =	vld [tilespmem:s18+$0xFFFFFFB0];
	[tilespmem:s15+$0x60] =	vst v22  }
0x4e1: {  	vm0 =	vge.f32 v27, $0.0e+00;
	v22 =	vmul.f32 $2.000000030e-01, v27;
	v25 =	vadd.f32 v29, v25;
	v29 =	vld [tilespmem:s18+$0xFFFFFFF0];
	[tilespmem:s15+$0x70] =	vst v17  }
0x4e2: {  	v15 =	vsub.f32 v15, v4;
	v17 =	vsel vm1, v32, v18;
	v16 =	vadd.f32 v44, v16;
	v30 =	vld [tilespmem:s18+$0x30];
	[tilespmem:s15+$0xE0] =	vst v21  }
0x4e3: {  	v18 =	vsel vm0, v27, v22;
	vm0 =	vge.f32 v25, $0.0e+00;
	v21 =	vmul.f32 $2.000000030e-01, v25;
	v27 =	vld [tilespmem:s18+$0x70];
	[tilespmem:s15+$0xF0] =	vst v19  }
0x4e4: {  	v17 =	vsub.f32 v17, v4;
	vm1 =	vge.f32 v16, $0.0e+00;
	v19 =	vmul.f32 $2.000000030e-01, v16;
	v32 =	vld [tilespmem:s18+$0xB0];
	[tilespmem:s15+$0x160] =	vst v23  }
0x4e5: {  	v12 =	vmul.f32 $1.442695020e+00, v12;
	v18 =	vsub.f32 v18, v4;
	v21 =	vsel vm0, v25, v21;
	[tilespmem:s15+$0x170] =	vst v13;
	s15 =	smov.u32 s19  }
0x4e6: {  	s22 =	sadd.s32 $0x80, s22;
	v15 =	vmul.f32 $1.442695020e+00, v15;
	v13 =	vsel vm1, v16, v19;
	v16 =	vsub.f32 v21, v4;
	v25 =	vpop (erf);
	[tilespmem:s19+$0x1E0] =	vst v26  }
0x4e7: {  	v17 =	vmul.f32 $1.442695020e+00, v17;
	s18 =	sadd.s32 $0x200, s18;
	v18 =	vmul.f32 $1.442695020e+00, v18;
	v13 =	vsub.f32 v13, v4;
	[tilespmem:s22+$0x30] =	vst v25  }
0x4e8: {  	v23 =	vunpack.i.u.bf16.f32 v14;
	v19 =	vmul.f32 $1.442695020e+00, v16;
	v21 =	vld [tilespmem:s18+$0xC0];
	(erf) = vpow2.f32 v11  }
0x4e9: {  	v14 =	vunpack.i.l.bf16.f32 v14;
	v16 =	vmul.f32 $1.442695020e+00, v13;
	(erf) = vpow2.f32 v12  }
0x4ea: {  	v11 =	vunpack.i.u.bf16.f32 v28;
	v13 =	vunpack.i.l.bf16.f32 v28;
	(erf) = vpow2.f32 v15  }
0x4eb: {  	v12 =	vunpack.i.u.bf16.f32 v20;
	(erf) = vpow2.f32 v16;
	v16 =	vunpack.i.l.bf16.f32 v20  }
0x4ec: {  	v15 =	vunpack.i.u.bf16.f32 v29;
	v20 =	vperm.xlane v25, v0;
	(erf) = vpow2.f32 v17  }
0x4ed: {  	v17 =	vunpack.i.l.bf16.f32 v21;
	(erf) = vpow2.f32 v18;
	v18 =	vunpack.i.l.bf16.f32 v29  }
0x4ee: {  	v21 =	vunpack.i.u.bf16.f32 v21;
	v26 =	vmul.f32 v20, v17;
	(erf) = vpow2.f32 v19  }
0x4ef: {  	s19 =	sadd.s32 $0x400, s19;
	v22 =	vunpack.i.l.bf16.f32 v30;
	v28 =	vmul.f32 v20, v21;
	v17 =	vunpack.i.u.bf16.f32 v30  }
0x4f0: {  	v19 =	vunpack.i.u.bf16.f32 v27;
	v21 =	vunpack.i.l.bf16.f32 v27;
	v20 =	vunpack.i.u.bf16.f32 v32;
	[tilespmem:s19+$0x180] =	vst v26  }
0x4f1: {  	v34 =	vmul.f32 v24, v23;
	v23 =	vunpack.i.l.bf16.f32 v32;
	v26 =	vmul.f32 v24, v14;
	[tilespmem:s19+$0x190] =	vst v28;
	v31 =	vpop (erf)  }
0x4f2: {  	[tilespmem:s22+$0xFFFFFFD0] =	vst v31;
	v35 =	vperm.xlane v31, v0;
	v36 =	vperm.xlane v31, v1;
	v37 =	vld [tilespmem:s18+$0xD0];
	v30 =	vpop (erf)  }
0x4f3: {  	v38 =	vld [tilespmem:s18+$0xFFFFFF40];
	[tilespmem:s22+$0xFFFFFFE0] =	vst v30;
	v39 =	vperm.xlane v30, v0;
	v40 =	vperm.xlane v30, v1;
	v28 =	vpop (erf)  }
0x4f4: {  	v41 =	vld [tilespmem:s18+$0xFFFFFF80];
	[tilespmem:s22+$0xFFFFFFF0] =	vst v28;
	v42 =	vperm.xlane v28, v0;
	v32 =	vperm.xlane v28, v1;
	v24 =	vpop (erf)  }
0x4f5: {  	[tilespmem:s22+$0xFFFFFFC0] =	vst v24;
	v43 =	vperm.xlane v24, v0;
	v44 =	vperm.xlane v24, v1;
	v45 =	vld [tilespmem:s18+$0xFFFFFFC0];
	v29 =	vpop (erf)  }
0x4f6: {  	v48 =	vperm.xlane v25, v1;
	v46 =	vld [tilespmem:s18+$0xFFFFFF00];
	[tilespmem:s22+$0x0] =	vst v29;
	v47 =	vperm.xlane v29, v0;
	v27 =	vpop (erf)  }
0x4f7: {  	v33 =	vperm.xlane v29, v1;
	v49 =	vld [tilespmem:s18+$0x0];
	[tilespmem:s22+$0x10] =	vst v27;
	v50 =	vperm.xlane v27, v0;
	v51 =	vunpack.i.l.bf16.f32 v37;
	v14 =	vpop (erf)  }
0x4f8: {  	v37 =	vunpack.i.u.bf16.f32 v37;
	v52 =	vld [tilespmem:s18+$0x40];
	[tilespmem:s22+$0x20] =	vst v14;
	v53 =	vperm.xlane v14, v0;
	v51 =	vmul.f32 v48, v51  }
0x4f9: {  	v54 =	vunpack.i.u.bf16.f32 v38;
	v38 =	vunpack.i.l.bf16.f32 v38;
	v37 =	vmul.f32 v48, v37;
	v55 =	vld [tilespmem:s18+$0x80];
	[tilespmem:s15+$0xFFFFFE60] =	vst v26  }
0x4fa: {  	v26 =	vunpack.i.u.bf16.f32 v41;
	v41 =	vunpack.i.l.bf16.f32 v41;
	v48 =	vunpack.i.u.bf16.f32 v45;
	[tilespmem:s19+$0x1A0] =	vst v51  }
0x4fb: {  	v45 =	vunpack.i.l.bf16.f32 v45;
	v51 =	vunpack.i.u.bf16.f32 v46;
	v46 =	vunpack.i.l.bf16.f32 v46;
	[tilespmem:s19+$0x1B0] =	vst v37  }
0x4fc: {  	v37 =	vmul.f32 v43, v46;
	v46 =	vunpack.i.u.bf16.f32 v49;
	v49 =	vunpack.i.l.bf16.f32 v49;
	v56 =	vld [tilespmem:s18+$0xE0];
	[tilespmem:s15+$0xFFFFFE70] =	vst v34  }
0x4fd: {  	v34 =	vmul.f32 v43, v51;
	v43 =	vunpack.i.u.bf16.f32 v52;
	v51 =	vunpack.i.l.bf16.f32 v52  }
0x4fe: {  	[tilespmem:s19+$0xFFFFFE00] =	vst v37;
	v37 =	vmul.f32 v35, v38;
	v38 =	vunpack.i.u.bf16.f32 v55;
	v52 =	vunpack.i.l.bf16.f32 v55  }
0x4ff: {  	[tilespmem:s19+$0xFFFFFE10] =	vst v34;
	v34 =	vmul.f32 v35, v54;
	v35 =	vmul.f32 v39, v41  }
0x500: {  	v26 =	vmul.f32 v39, v26;
	v41 =	vld [tilespmem:s18+$0xFFFFFF10];
	[tilespmem:s19+$0xFFFFFE80] =	vst v37;
	v37 =	vperm.xlane v25, v2  }
0x501: {  	v39 =	vmul.f32 v42, v48;
	[tilespmem:s19+$0xFFFFFE90] =	vst v34;
	v34 =	vmul.f32 v42, v45;
	v42 =	vunpack.i.l.bf16.f32 v56  }
0x502: {  	v48 =	vunpack.i.u.bf16.f32 v56;
	v45 =	vld [tilespmem:s18+$0xFFFFFF50];
	[tilespmem:s19+$0xFFFFFF00] =	vst v35;
	v35 =	vmul.f32 v47, v49;
	v42 =	vmul.f32 v37, v42  }
0x503: {  	v37 =	vmul.f32 v37, v48;
	[tilespmem:s19+$0xFFFFFF10] =	vst v26;
	v26 =	vmul.f32 v47, v46  }
0x504: {  	v43 =	vmul.f32 v50, v43;
	v47 =	vmul.f32 v50, v51;
	v46 =	vld [tilespmem:s18+$0xFFFFFF90];
	[tilespmem:s19+$0x1C0] =	vst v42  }
0x505: {  	v38 =	vmul.f32 v53, v38;
	v48 =	vmul.f32 v53, v52;
	v42 =	vunpack.i.u.bf16.f32 v41;
	[tilespmem:s19+$0x1D0] =	vst v37  }
0x506: {  	v37 =	vunpack.i.l.bf16.f32 v41;
	v41 =	vperm.xlane v14, v1;
	[tilespmem:s19+$0xFFFFFF80] =	vst v34;
	v34 =	vperm.xlane v27, v1;
	v49 =	vld [tilespmem:s18+$0xF0]  }
0x507: {  	v37 =	vmul.f32 v44, v37;
	v50 =	vunpack.i.u.bf16.f32 v45;
	v45 =	vunpack.i.l.bf16.f32 v45;
	[tilespmem:s19+$0xFFFFFF90] =	vst v39  }
0x508: {  	v39 =	vmul.f32 v44, v42;
	v42 =	vmul.f32 v36, v45;
	v44 =	vld [tilespmem:s18+$0xFFFFFFD0];
	[tilespmem:s19+$0x0] =	vst v35  }
0x509: {  	v35 =	vmul.f32 v36, v50;
	v36 =	vunpack.i.u.bf16.f32 v46;
	v45 =	vunpack.i.l.bf16.f32 v46;
	[tilespmem:s19+$0x10] =	vst v26  }
0x50a: {  	v25 =	vperm.xlane v25, v3;
	v45 =	vmul.f32 v40, v45;
	v46 =	vld [tilespmem:s18+$0x10];
	[tilespmem:s19+$0x80] =	vst v47  }
0x50b: {  	v47 =	vperm.xlane v24, v2;
	v36 =	vmul.f32 v40, v36;
	[tilespmem:s19+$0x90] =	vst v43;
	v40 =	vunpack.i.u.bf16.f32 v49  }
0x50c: {  	v43 =	vperm.xlane v31, v2;
	v26 =	vunpack.i.l.bf16.f32 v49;
	v50 =	vld [tilespmem:s18+$0x50];
	[tilespmem:s19+$0x100] =	vst v48;
	v40 =	vmul.f32 v25, v40  }
0x50d: {  	v48 =	vperm.xlane v30, v2;
	v49 =	vunpack.i.u.bf16.f32 v44;
	v44 =	vunpack.i.l.bf16.f32 v44;
	[tilespmem:s19+$0x110] =	vst v38  }
0x50e: {  	v38 =	vmul.f32 v32, v44;
	v44 =	vmul.f32 v32, v49;
	v49 =	vld [tilespmem:s18+$0x90];
	[tilespmem:s19+$0x1F0] =	vst v40  }
0x50f: {  	v40 =	vperm.xlane v28, v2;
	[tilespmem:s19+$0xFFFFFE20] =	vst v37;
	v32 =	vunpack.i.u.bf16.f32 v46;
	v37 =	vunpack.i.l.bf16.f32 v46  }
0x510: {  	[tilespmem:s19+$0xFFFFFE30] =	vst v39;
	v37 =	vmul.f32 v33, v37;
	v39 =	vmul.f32 v33, v32  }
0x511: {  	v32 =	vperm.xlane v29, v2;
	v46 =	vld [tilespmem:s18+$0xFFFFFF20];
	[tilespmem:s19+$0xFFFFFEA0] =	vst v42;
	v33 =	vunpack.i.u.bf16.f32 v50;
	v42 =	vunpack.i.l.bf16.f32 v50  }
0x512: {  	[tilespmem:s19+$0xFFFFFEB0] =	vst v35;
	v42 =	vmul.f32 v34, v42;
	v50 =	vmul.f32 v34, v33  }
0x513: {  	v33 =	vperm.xlane v27, v2;
	v35 =	vld [tilespmem:s18+$0xFFFFFF60];
	[tilespmem:s19+$0xFFFFFF20] =	vst v45;
	v34 =	vunpack.i.u.bf16.f32 v49;
	v45 =	vunpack.i.l.bf16.f32 v49  }
0x514: {  	[tilespmem:s19+$0xFFFFFF30] =	vst v36;
	v45 =	vmul.f32 v41, v45;
	v41 =	vmul.f32 v41, v34  }
0x515: {  	v24 =	vperm.xlane v24, v3;
	v34 =	vperm.xlane v14, v2;
	v49 =	vld [tilespmem:s18+$0xFFFFFFA0];
	[tilespmem:s19+$0xFFFFFFA0] =	vst v38  }
0x516: {  	v31 =	vperm.xlane v31, v3;
	v36 =	vunpack.i.u.bf16.f32 v46;
	v38 =	vunpack.i.l.bf16.f32 v46;
	[tilespmem:s19+$0xFFFFFFB0] =	vst v44  }
0x517: {  	v38 =	vmul.f32 v47, v38;
	v44 =	vmul.f32 v47, v36;
	v46 =	vld [tilespmem:s18+$0xFFFFFFE0];
	[tilespmem:s19+$0x20] =	vst v37  }
0x518: {  	v30 =	vperm.xlane v30, v3;
	v37 =	vunpack.i.u.bf16.f32 v35;
	v35 =	vunpack.i.l.bf16.f32 v35;
	[tilespmem:s19+$0x30] =	vst v39  }
0x519: {  	v36 =	vmul.f32 v43, v35;
	v35 =	vmul.f32 v43, v37;
	v47 =	vld [tilespmem:s18+$0x20];
	[tilespmem:s19+$0xA0] =	vst v42  }
.Ltmp5:
0x51a: {  	v28 =	vperm.xlane v28, v3;
	v37 =	vunpack.i.u.bf16.f32 v49;
	v39 =	vunpack.i.l.bf16.f32 v49;
	[tilespmem:s19+$0xB0] =	vst v50;
	(pc) =	sbr.rel @p1 .LBB2_9-.Ltmp5, $4  }
0x51b: {  	v39 =	vmul.f32 v48, v39;
	v37 =	vmul.f32 v48, v37;
	v42 =	vld [tilespmem:s18+$0x60];
	[tilespmem:s19+$0x120] =	vst v45  }
0x51c: {  	v29 =	vperm.xlane v29, v3;
	v43 =	vunpack.i.u.bf16.f32 v46;
	v45 =	vunpack.i.l.bf16.f32 v46;
	[tilespmem:s19+$0x130] =	vst v41  }
0x51d: {  	[tilespmem:s19+$0xFFFFFE40] =	vst v38;
	v41 =	vmul.f32 v40, v45;
	v38 =	vmul.f32 v40, v43;
	v40 =	vld [tilespmem:s18+$0xA0]  }
0x51e: {  	s8 =	sadd.s32 $0x80, s8;
	v27 =	vperm.xlane v27, v3;
	[tilespmem:s19+$0xFFFFFE50] =	vst v44;
	v43 =	vunpack.i.u.bf16.f32 v47;
	v44 =	vunpack.i.l.bf16.f32 v47  }
0x51f: {  	[tilespmem:s19+$0xFFFFFEC0] =	vst v36  }
0x520: {  	[tilespmem:s19+$0xFFFFFED0] =	vst v35  }
0x521: {  	[tilespmem:s19+$0xFFFFFF40] =	vst v39  }
0x522: {  	[tilespmem:s19+$0xFFFFFF50] =	vst v37  }
0x523: {  	v46 =	vmul.f32 v32, v44;
	[tilespmem:s19+$0xFFFFFFC0] =	vst v41  }
0x524: {  	v47 =	vmul.f32 v32, v43;
	[tilespmem:s19+$0xFFFFFFD0] =	vst v38  }
0x525: {  	v13 =	vmul.f32 v5, v13;
	[tilespmem:s19+$0x40] =	vst v46  }
0x526: {  	v5 =	vmul.f32 v5, v11;
	[tilespmem:s19+$0x50] =	vst v47  }
0x527: {  	v53 =	vmul.f32 v6, v16;
	[tilespmem:s15+$0xFFFFFEE0] =	vst v13  }
0x528: {  	v6 =	vmul.f32 v6, v12;
	[tilespmem:s15+$0xFFFFFEF0] =	vst v5  }
0x529: {  	v54 =	vmul.f32 v9, v15;
	[tilespmem:s15+$0xFFFFFF60] =	vst v53  }
0x52a: {  	v56 =	vmul.f32 v10, v21;
	v48 =	vunpack.i.l.bf16.f32 v42;
	[tilespmem:s15+$0xFFFFFF70] =	vst v6  }
0x52b: {  	v49 =	vunpack.i.u.bf16.f32 v42;
	v36 =	vmul.f32 v33, v48;
	[tilespmem:s15+$0xFFFFFFF0] =	vst v54  }
0x52c: {  	v50 =	vmul.f32 v33, v49;
	[tilespmem:s15+$0xE0] =	vst v56  }
0x52d: {  	v5 =	vmul.f32 v9, v18;
	[tilespmem:s19+$0xC0] =	vst v36  }
0x52e: {  	v6 =	vmul.f32 v8, v22;
	v51 =	vunpack.i.l.bf16.f32 v40;
	[tilespmem:s19+$0xD0] =	vst v50  }
0x52f: {  	v52 =	vunpack.i.u.bf16.f32 v40;
	v35 =	vmul.f32 v34, v51;
	[tilespmem:s15+$0xFFFFFFE0] =	vst v5  }
0x530: {  	v58 =	vld [tilespmem:s18+$0xFFFFFFB0];
	v32 =	vmul.f32 v34, v52;
	[tilespmem:s15+$0x60] =	vst v6  }
0x531: {  	v59 =	vld [tilespmem:s18+$0xFFFFFFF0];
	v5 =	vmul.f32 v8, v17;
	[tilespmem:s19+$0x140] =	vst v35  }
0x532: {  	v55 =	vld [tilespmem:s18+$0xFFFFFF30];
	v6 =	vmul.f32 v10, v19;
	[tilespmem:s19+$0x150] =	vst v32  }
0x533: {  	[tilespmem:s15+$0x70] =	vst v5;
	v5 =	vmul.f32 v7, v23  }
0x534: {  	v57 =	vld [tilespmem:s18+$0xFFFFFF70];
	v7 =	vmul.f32 v7, v20;
	[tilespmem:s15+$0xF0] =	vst v6  }
0x535: {  	v6 =	vmul.f32 v25, v26;
	v9 =	vunpack.i.u.bf16.f32 v58;
	[tilespmem:s15+$0x160] =	vst v5  }
0x536: {  	v11 =	vunpack.i.u.bf16.f32 v59;
	v9 =	vmul.f32 v30, v9;
	[tilespmem:s15+$0x170] =	vst v7  }
0x537: {  	v60 =	vld [tilespmem:s18+$0x30];
	v11 =	vmul.f32 v28, v11;
	v7 =	vunpack.i.u.bf16.f32 v55;
	[tilespmem:s19+$0x1E0] =	vst v6  }
0x538: {  	v5 =	vunpack.i.l.bf16.f32 v55;
	v7 =	vmul.f32 v24, v7;
	[tilespmem:s19+$0xFFFFFF70] =	vst v9  }
0x539: {  	v10 =	vunpack.i.u.bf16.f32 v57;
	v5 =	vmul.f32 v24, v5;
	[tilespmem:s19+$0xFFFFFFF0] =	vst v11  }
0x53a: {  	v61 =	vld [tilespmem:s18+$0x70];
	v6 =	vunpack.i.l.bf16.f32 v57;
	[tilespmem:s19+$0xFFFFFE70] =	vst v7;
	v7 =	vmul.f32 v31, v10  }
0x53b: {  	[tilespmem:s19+$0xFFFFFE60] =	vst v5;
	v5 =	vmul.f32 v31, v6;
	v6 =	vunpack.i.l.bf16.f32 v58  }
0x53c: {  	v8 =	vunpack.i.u.bf16.f32 v60;
	v6 =	vmul.f32 v30, v6;
	[tilespmem:s19+$0xFFFFFEF0] =	vst v7;
	v7 =	vld [tilespmem:s18+$0xB0]  }
0x53d: {  	v8 =	vmul.f32 v29, v8;
	[tilespmem:s19+$0xFFFFFEE0] =	vst v5;
	v5 =	vunpack.i.l.bf16.f32 v59  }
0x53e: {  	v5 =	vmul.f32 v28, v5;
	[tilespmem:s19+$0xFFFFFF60] =	vst v6;
	v6 =	vunpack.i.l.bf16.f32 v60  }
0x53f: {  	v10 =	vunpack.i.u.bf16.f32 v61;
	[tilespmem:s19+$0x70] =	vst v8;
	v6 =	vmul.f32 v29, v6  }
0x540: {  	v62 =	vperm.xlane v14, v3;
	v10 =	vmul.f32 v27, v10;
	[tilespmem:s19+$0xFFFFFFE0] =	vst v5;
	v5 =	vunpack.i.l.bf16.f32 v61  }
0x541: {  	v5 =	vmul.f32 v27, v5;
	[tilespmem:s19+$0x60] =	vst v6;
	v6 =	vunpack.i.l.bf16.f32 v7  }
0x542: {  	[tilespmem:s19+$0xF0] =	vst v10;
	v7 =	vunpack.i.u.bf16.f32 v7;
	v6 =	vmul.f32 v62, v6  }
0x543: {  	[tilespmem:s19+$0xE0] =	vst v5;
	v5 =	vmul.f32 v62, v7  }
0x544: {  	[tilespmem:s19+$0x160] =	vst v6  }
0x545: {  	[tilespmem:s19+$0x170] =	vst v5  }
0x546: {  	v5 =	vld [tilespmem:$0x230]  }
0x547: {  	v6 =	vld [tilespmem:$0x240]  }
0x548: {  	v7 =	vld [tilespmem:$0x250]  }
0x549: {  	v8 =	vld [tilespmem:$0x260]  }
0x54a: {  	v63 =	vld [tilespmem:$0x270]  }
0x54b: {  	[tilespmem:$0x2D0] =	vst v5  }
0x54c: {  	[tilespmem:$0x2E0] =	vst v6  }
0x54d: {  	[tilespmem:$0x2F0] =	vst v7  }
.Ltmp6:
0x54e: {  	[tilespmem:$0x300] =	vst v8;
	(pc) =	sbr.rel @p0 .LBB2_12-.Ltmp6, $4  }
0x54f: {  	[tilespmem:$0x310] =	vst v63  }
0x550: {  	[spmem:s4] =	stream.indirect.scatter.add.f32 [tilespmem:s10], [sflag:$0x8], $0x10, s0, s31, $0xb8;
	[tilespmem:$0x1FCB0] =	vst v63  }
0x551: {  	_ = 	snop  }
0x552: {  	[spmem:s3] =	stream.indirect.scatter.add.f32 [tilespmem:s11], [sflag:$0x8], $0x80, s0, s31, $0xb8;
	[tilespmem:$0x1FCB0] =	vst v63  }
0x553: {  	s8 =	rddreg [dreg:$0x17]  }
0x554: {  	s8 =	sadd.s32 s26, s8  }
.Ltmp7:
0x555: {  	s8 =	sshrl.u32 s8, $0x3;
	(pc) =	sbr.rel .LBB2_2-.Ltmp7, $4  }
0x556: {  	s15 =	sadd.s32 s1, s8  }
0x557: {  	[tilespmem:s13], [sflag:$0x3] =	stream.linear.gather [hbm4b:s15+s5], $0x50, $0x38;
	[tilespmem:$0x1FCB0] =	vst v63  }
0x558: {  	s25 =	sadd.s32 $0x1, s25;
	s26 =	simm.s32 $0x1E0;
	s8 =	sadd.s32 s6, s8  }
0x559: {  	[tilespmem:s26], [sflag:$0x3] =	stream.linear.gather [hbm4b:s8+s5], $0x50, $0x38;
	[tilespmem:$0x1FCB0] =	vst v63  }
.LBB2_13:
0x55a: {  	_ =	sfence.sel $0x180000  }
0x55b: {  	[bflag:$0x0] =	sbarrier.arrive $0xFFFF  }
0x55c: {  	_ =	strace $0x90000047  }
0x55d: {  	s0 =	stileid.u32;
	[bflag:$0x2] =	sbarrier.arrive $0xFFFF  }
0x55e: {  	p0 =	sne.s32 s0, $0x0;
	s0 =	rddreg [dreg:$0x5]  }
0x55f: {  	s0 =	sadd.s32 @!p0 $0x100000, s0  }
0x560: {  	[sflag:s0] =	ssyncadd.tile.s32 @!p0 $0x1;
	_ =	shalt  }
.Lfunc_end2:
_tile_overlayer_lowered:
.L_overlay_start_2:
0x561: {  	(tag) =	ssettag $0x2  }
0x562: {  	s0 =	rddreg [dreg:$0x0];
	s2 =	stileid.u32  }
0x563: {  	s1 =	rddreg [dreg:$0x1];
	p0 =	sne.s32 s2, $0x0  }
0x564: {  	s3 =	rddreg [dreg:$0x2];
	[bflag:$0x3] =	sbarrier.arrive $0xFFFF;
	s2 =	simm.s32 @!p0 $0x1C09  }
0x565: {  	[timem:s3], [sflag:s2] =	dma.local @!p0 [hbm:s0], s1  }
0x566: {  	s0 =	simm.s32 @!p0 $0x9  }
0x567: {  	_ =	swait.ge @!p0 [sflag:s0], s1  }
0x568: {  	s1 =	ssub.s32 @!p0 $0x0, s1;
	[sflag:s0] =	ssyncset.done @!p0 $0x0  }
0x569: {  	[sflag:s0] =	ssyncadd.s32 @!p0 s1  }
0x56a: {  	[bflag:$0x3] =	sbarrier.arrive $0xFFFF  }
0x56b: {  	_ =	shalt  }

</sc_bundles>
